<compile_context>
chip_gen: v7x
topology: tpu7x:2x2x1
jax: 0.10.2.dev20260603
libtpu: 0.0.44.dev20260713+nightly
codegen_flags: <defaults>
</compile_context>

<pallas_src>
import functools

import jax
import jax.numpy as jnp
from jax import lax
from jax.experimental import pallas as pl
from jax.experimental.pallas import tpu as pltpu
from jax.experimental.pallas import tpu_sc as plsc

_C = 1000
_RATIO = 3
_G_COEF = (0.9999999208709724, -0.4999925589798402, 0.333160106694737,
           -0.24825648584296323, 0.1905595564947489, -0.13583941890268855,
           0.07754038118242754, -0.029210267904388937, 0.00518600370045478)
_NW = 32
_SC_CH = 16


def _sc_contrib(xv, yv):
    u = jnp.exp(-jnp.abs(xv))
    g = jnp.float32(_G_COEF[8])
    for k in range(7, -1, -1):
        g = g * u + jnp.float32(_G_COEF[k])
    s = jnp.maximum(xv, 0.0) + u * g
    return s - yv * xv


def _make_sc_call(n_rows, base_offset):
    rpw = n_rows // _NW
    nchunks = rpw // _SC_CH
    mesh = plsc.VectorSubcoreMesh(core_axis_name="c", subcore_axis_name="s")

    @functools.partial(
        pl.kernel,
        mesh=mesh,
        out_type=[
            jax.ShapeDtypeStruct((_NW, 16), jnp.float32),
            jax.ShapeDtypeStruct((_NW, 16), jnp.float32),
            jax.ShapeDtypeStruct((_NW, 16), jnp.float32),
        ],
        scratch_types=[
            pltpu.VMEM((2, _SC_CH, _C), jnp.float32),
            pltpu.VMEM((2, _SC_CH, _C), jnp.float32),
            pltpu.VMEM((16,), jnp.float32),
            pltpu.SemaphoreType.DMA((2,)),
            pltpu.SemaphoreType.DMA((2,)),
        ],
        compiler_params=pltpu.CompilerParams(needs_layout_passes=False),
    )
    def sc_kernel(pred_hbm, target_hbm, onum, oden, ominp,
                  bufx, bufy, vout, semx, semy):
        wid = lax.axis_index("s") * 2 + lax.axis_index("c")
        base = base_offset + wid * rpw
        tailmask = lax.iota(jnp.int32, 16) < 8

        def issue(chunk, slot):
            row0 = base + chunk * _SC_CH
            pltpu.make_async_copy(
                pred_hbm.at[pl.ds(row0, _SC_CH), :], bufx.at[slot], semx.at[slot]
            ).start()
            pltpu.make_async_copy(
                target_hbm.at[pl.ds(row0, _SC_CH), :], bufy.at[slot], semy.at[slot]
            ).start()

        issue(0, 0)

        def chunk_body(ci, carry):
            accnum, den_v, minp_v = carry
            slot = lax.rem(ci, 2)

            @pl.when(ci + 1 < nchunks)
            def _issue_next():
                issue(ci + 1, 1 - slot)

            row0 = base + ci * _SC_CH
            pltpu.make_async_copy(
                pred_hbm.at[pl.ds(row0, _SC_CH), :], bufx.at[slot], semx.at[slot]
            ).wait()
            pltpu.make_async_copy(
                target_hbm.at[pl.ds(row0, _SC_CH), :], bufy.at[slot], semy.at[slot]
            ).wait()

            def row_body(r, carry2):
                accs, dv, mv = carry2
                accs = list(accs)
                poss = [jnp.zeros((16,), jnp.int32) for _ in range(4)]
                for k in range(62):
                    xv = bufx[slot, r, pl.ds(k * 16, 16)]
                    yv = bufy[slot, r, pl.ds(k * 16, 16)]
                    accs[k % 8] = accs[k % 8] + _sc_contrib(xv, yv)
                    poss[k % 4] = poss[k % 4] + plsc.all_reduce_population_count(yv > 0.5)
                xv = bufx[slot, r, pl.ds(984, 16)]
                yv = bufy[slot, r, pl.ds(984, 16)]
                xv = jnp.where(tailmask, jnp.float32(-1e30), xv)
                yv = jnp.where(tailmask, jnp.float32(0.0), yv)
                accs[6] = accs[6] + _sc_contrib(xv, yv)
                poss[2] = poss[2] + plsc.all_reduce_population_count(yv > 0.5)
                pos = (poss[0] + poss[1]) + (poss[2] + poss[3])
                posf = pos.astype(jnp.float32)
                return (tuple(accs), dv + posf, jnp.minimum(mv, posf))

            return lax.fori_loop(0, _SC_CH, row_body, (accnum, den_v, minp_v))

        acc0 = tuple(jnp.zeros((16,), jnp.float32) for _ in range(8))
        accs, den_v, minp_v = lax.fori_loop(
            0, nchunks, chunk_body,
            (acc0, jnp.zeros((16,), jnp.float32), jnp.full((16,), 1e9, jnp.float32)),
        )
        a01 = (accs[0] + accs[1]) + (accs[2] + accs[3])
        a23 = (accs[4] + accs[5]) + (accs[6] + accs[7])
        vout[...] = a01 + a23
        pltpu.sync_copy(vout, onum.at[wid])
        vout[...] = den_v
        pltpu.sync_copy(vout, oden.at[wid])
        vout[...] = minp_v
        pltpu.sync_copy(vout, ominp.at[wid])

    return sc_kernel


def _softplus(x):
    u = jax.lax.exp2(jnp.abs(x) * jnp.float32(-1.4426950408889634))
    return jnp.maximum(x, 0.0) + jnp.log1p(u)


def _fixup_block(pred_ref, target_ref, out_ref):
    x = pred_ref[...]
    y = target_ref[...]
    s = _softplus(x)
    pos = jnp.sum(y, axis=1)
    d_f = jnp.maximum(_C - (_RATIO + 1.0) * pos, 0.0)

    @pl.when(pl.program_id(0) == 0)
    def _init():
        out_ref[...] = jnp.zeros((1, 1), jnp.float32)

    b = jax.lax.bitcast_convert_type(x, jnp.int32)
    ikey = b ^ ((b >> 31) & jnp.int32(0x7FFFFFFF))
    ikey = jnp.where(y > 0.5, jnp.int32(0x7FFFFFFF), ikey)
    d = d_f.astype(jnp.int32)
    cnt_neg = jnp.sum((ikey < 0).astype(jnp.int32), axis=1)
    t0 = jnp.where(cnt_neg >= d, jnp.int32(-2147483648), jnp.int32(0))

    def body(j, t):
        cand = t + (jnp.int32(1) << (30 - j))
        cnt = jnp.sum((ikey < cand[:, None]).astype(jnp.int32), axis=1)
        return jnp.where(cnt < d, cand, t)

    t = jax.lax.fori_loop(0, 31, body, t0)
    below = ikey < t[:, None]
    cnt_lt = jnp.sum(below.astype(jnp.int32), axis=1)
    sum_below = jnp.sum(jnp.where(below, s, 0.0), axis=1)
    bv = t ^ ((t >> 31) & jnp.int32(0x7FFFFFFF))
    sv = _softplus(jax.lax.bitcast_convert_type(bv, jnp.float32))
    corr = sum_below + (d - cnt_lt).astype(jnp.float32) * sv
    corr = jnp.where(d > 0, corr, 0.0)
    out_ref[...] += jnp.sum(corr).reshape(1, 1)


def _fixup_call(pred, target):
    n, c = pred.shape
    r = 512
    out = pl.pallas_call(
        _fixup_block,
        grid=(n // r,),
        in_specs=[
            pl.BlockSpec((r, c), lambda i: (i, 0)),
            pl.BlockSpec((r, c), lambda i: (i, 0)),
        ],
        out_specs=pl.BlockSpec((1, 1), lambda i: (0, 0)),
        out_shape=jax.ShapeDtypeStruct((1, 1), jnp.float32),
    )(pred, target)
    return out[0, 0]



def _block_kernel(pred_ref, target_ref, num_ref, den_ref, acc_ref):
    x = pred_ref[...]
    y = target_ref[...]
    s = _softplus(x)
    contrib = s - y * x
    i = pl.program_id(0)

    @pl.when(i == 0)
    def _init():
        num_ref[...] = jnp.zeros((1, 1), jnp.float32)
        den_ref[...] = jnp.zeros((1, 1), jnp.float32)
        acc_ref[...] = jnp.zeros_like(acc_ref)

    acc_ref[...] += contrib
    pos = jnp.sum(y, axis=1)
    den_ref[...] += jnp.sum(pos).reshape(1, 1)
    d_f = jnp.maximum(_C - (_RATIO + 1.0) * pos, 0.0)

    @pl.when(jnp.any(d_f > 0.0))
    def _rare_correction():
        b = jax.lax.bitcast_convert_type(x, jnp.int32)
        ikey = b ^ ((b >> 31) & jnp.int32(0x7FFFFFFF))
        ikey = jnp.where(y > 0.5, jnp.int32(0x7FFFFFFF), ikey)
        d = d_f.astype(jnp.int32)
        cnt_neg = jnp.sum((ikey < 0).astype(jnp.int32), axis=1)
        t0 = jnp.where(cnt_neg >= d, jnp.int32(-2147483648), jnp.int32(0))

        def body(j, t):
            cand = t + (jnp.int32(1) << (30 - j))
            cnt = jnp.sum((ikey < cand[:, None]).astype(jnp.int32), axis=1)
            return jnp.where(cnt < d, cand, t)

        t = jax.lax.fori_loop(0, 31, body, t0)
        below = ikey < t[:, None]
        cnt_lt = jnp.sum(below.astype(jnp.int32), axis=1)
        sum_below = jnp.sum(jnp.where(below, s, 0.0), axis=1)
        bv = t ^ ((t >> 31) & jnp.int32(0x7FFFFFFF))
        sv = _softplus(jax.lax.bitcast_convert_type(bv, jnp.float32))
        corr = sum_below + (d - cnt_lt).astype(jnp.float32) * sv
        corr = jnp.where(d > 0, corr, 0.0)
        num_ref[...] += -jnp.sum(corr).reshape(1, 1)

    @pl.when(i == pl.num_programs(0) - 1)
    def _finalize():
        num_ref[...] += jnp.sum(acc_ref[...]).reshape(1, 1)



_TC_ROWS = 11776
_R = 512


def kernel(pred, target):
    n, c = pred.shape
    sc = _make_sc_call(n - _TC_ROWS, _TC_ROWS)
    onum, oden, ominp = sc(pred, target)

    num_tc, den_tc = pl.pallas_call(
        _block_kernel,
        grid=(_TC_ROWS // _R,),
        in_specs=[
            pl.BlockSpec((_R, c), lambda i: (i, 0)),
            pl.BlockSpec((_R, c), lambda i: (i, 0)),
        ],
        out_specs=[
            pl.BlockSpec((1, 1), lambda i: (0, 0)),
            pl.BlockSpec((1, 1), lambda i: (0, 0)),
        ],
        out_shape=[
            jax.ShapeDtypeStruct((1, 1), jnp.float32),
            jax.ShapeDtypeStruct((1, 1), jnp.float32),
        ],
        scratch_shapes=[pltpu.VMEM((_R, c), jnp.float32)],
    )(pred, target)

    num_sc = jnp.sum(onum)
    den_sc = jnp.sum(oden[:, 0])
    minp = jnp.min(ominp)
    corr = jax.lax.cond(
        minp * (_RATIO + 1.0) < _C,
        lambda: _fixup_call(pred[_TC_ROWS:], target[_TC_ROWS:]),
        lambda: jnp.float32(0.0),
    )
    num = num_tc[0, 0] + num_sc - corr
    den = den_tc[0, 0] + den_sc
    return (num / c) / den

# --- scband reference (transcript-rebuilt; emitter-appended) ---
"""Pipeline reference for scband-hard-neg-loss-15857019257550 (READ-ONLY COPY).

The authoritative reference and input builder live on the scoring server;
editing this copy changes nothing except your own understanding.
"""

import jax, jax.numpy as jnp
import numpy as np

RATIO = 3
NUM = 16384
C = 1000

def setup_inputs(seed: int = 0) -> dict:
    key = jax.random.key(seed)
    k1, k2 = jax.random.split(key)
    pred = jax.random.normal(k1, (NUM, C), dtype=jnp.float32)
    target = jax.random.randint(k2, (NUM, C), 0, 2).astype(jnp.float32)
    return {"pred": pred, "target": target}

def reference(pred, target):
    num, classes = pred.shape
    # per-row positive counts and hard-negative budget neg = min(pos*ratio, C - pos)
    pos = jnp.sum(target, axis=1)
    neg = jnp.minimum(pos * RATIO, classes - pos).astype(jnp.int32)
    # softmax over classes (torch: softmax(pred[idx].unsqueeze(0)).squeeze())
    prob = jax.nn.softmax(pred, axis=1)
    score = prob - target
    # variable-k top-k per row implemented via rank mask:
    # rank[i, c] = position of class c in descending order of score[i]
    order = jnp.argsort(-score, axis=1)
    ranks = jnp.argsort(order, axis=1)
    topmask = (ranks < neg[:, None]).astype(pred.dtype)
    # mask = target.clone(); mask[topk_indices] = 1
    mask = jnp.maximum(target, topmask)
    # multilabel_soft_margin_loss(pred_i, target_i, weight=mask_i, size_average=False)
    # = sum_c mask * -(y*logsig(x) + (1-y)*logsig(-x)) / C
    bce = -(target * jax.nn.log_sigmoid(pred) + (1.0 - target) * jax.nn.log_sigmoid(-pred))
    per_sample = jnp.sum(mask * bce, axis=1) / classes
    loss = jnp.sum(per_sample) / jnp.sum(target)
    return loss

if __name__ == "__main__":
    import jax
    _d = setup_inputs()
    print(jax.jit(kernel)(*tuple(_d.values())))

</pallas_src>

<mosaic_0001>
#map = affine_map<(d0, d1) -> (0, 0)>
module attributes {stable_mosaic.version = 14 : i64} {
  func.func @sc_kernel(%arg0: i32, %arg1: i32, %arg2: memref<16384x1000xf32, #tpu.memory_space<hbm>>, %arg3: memref<16384x1000xf32, #tpu.memory_space<hbm>>, %arg4: memref<32x16xf32, #tpu.memory_space<hbm>>, %arg5: memref<32x16xf32, #tpu.memory_space<hbm>>, %arg6: memref<32x16xf32, #tpu.memory_space<hbm>>, %arg7: memref<2x16x1000xf32, #tpu.memory_space<vmem>>, %arg8: memref<2x16x1000xf32, #tpu.memory_space<vmem>>, %arg9: memref<16xf32, #tpu.memory_space<vmem>>, %arg10: memref<2x!tpu.dma_semaphore, #tpu.memory_space<semaphore_mem>>, %arg11: memref<2x!tpu.dma_semaphore, #tpu.memory_space<semaphore_mem>>) attributes {dimension_semantics = [#tpu.dimension_semantics<core_parallel>, #tpu.dimension_semantics<subcore_parallel>], iteration_bounds = array<i64: 2, 16>, scalar_prefetch = 0 : i64, scratch_operands = 5 : i64, tpu.core_type = #tpu.core_type<sc_vector_subcore>, window_params = [{transform_indices = #map}, {transform_indices = #map}, {transform_indices = #map}, {transform_indices = #map}, {transform_indices = #map}]} {
    %mul3A = arith.constant 2 : i32
    %mul3A_0 = arith.muli %arg1, %mul3A : i32
    %add3A = arith.addi %mul3A_0, %arg0 : i32
    %mul3A_1 = arith.constant 144 : i32
    %mul3A_2 = arith.muli %add3A, %mul3A_1 : i32
    %add3A_3 = arith.constant 11776 : i32
    %add3A_4 = arith.addi %add3A_3, %mul3A_2 : i32
    %iota3A = tpu.iota {dimensions = array<i32: 0>} : vector<16xi32>
    %lt3A = arith.constant 8 : i32
    %lt3A_5 = vector.broadcast %lt3A : i32 to vector<16xi32>
    %lt3A_6 = arith.cmpi slt, %iota3A, %lt3A_5 : vector<16xi32>
    %add3A_7 = arith.constant 0 : i32
    %add3A_8 = arith.addi %add3A_4, %add3A_7 : i32
    %dma_start3A = arith.constant 0 : i32
    %dma_start3A_9 = arith.constant 0 : i32
    %dma_start3A_10 = arith.constant 0 : i32
    %dma_start3A_11 = arith.constant 0 : i32
    %dma_start3A_12 = tpu.memref_slice %arg7[%dma_start3A, %dma_start3A_10, %dma_start3A_11] : memref<2x16x1000xf32, #tpu.memory_space<vmem>> -> memref<1x16x1000xf32, #tpu.memory_space<vmem>>
    %dma_start3A_13 = tpu.memref_squeeze %dma_start3A_12 : memref<1x16x1000xf32, #tpu.memory_space<vmem>> -> memref<16x1000xf32, #tpu.memory_space<vmem>>
    %dma_start3A_14 = arith.constant 0 : i32
    %dma_start3A_15 = tpu.memref_slice %arg2[%add3A_8, %dma_start3A_14] : memref<16384x1000xf32, #tpu.memory_space<hbm>> -> memref<16x1000xf32, #tpu.memory_space<hbm>>
    %dma_start3A_16 = tpu.memref_slice %arg10[%dma_start3A_9] : memref<2x!tpu.dma_semaphore, #tpu.memory_space<semaphore_mem>> -> memref<1x!tpu.dma_semaphore, #tpu.memory_space<semaphore_mem>>
    %dma_start3A_17 = tpu.memref_squeeze %dma_start3A_16 : memref<1x!tpu.dma_semaphore, #tpu.memory_space<semaphore_mem>> -> memref<!tpu.dma_semaphore, #tpu.memory_space<semaphore_mem>>
    %dma_start3A_18 = arith.constant 0 : i32
    %dma_start3A_19 = arith.constant 0 : i32
    %dma_start3A_20 = tpu.memref_slice %arg7[%dma_start3A, %dma_start3A_18, %dma_start3A_19] : memref<2x16x1000xf32, #tpu.memory_space<vmem>> -> memref<1x16x1000xf32, #tpu.memory_space<vmem>>
    %dma_start3A_21 = tpu.memref_squeeze %dma_start3A_20 : memref<1x16x1000xf32, #tpu.memory_space<vmem>> -> memref<16x1000xf32, #tpu.memory_space<vmem>>
    %dma_start3A_22 = arith.constant 0 : i32
    %dma_start3A_23 = tpu.memref_slice %arg2[%add3A_8, %dma_start3A_22] : memref<16384x1000xf32, #tpu.memory_space<hbm>> -> memref<16x1000xf32, #tpu.memory_space<hbm>>
    tpu.enqueue_dma source(%dma_start3A_23 : memref<16x1000xf32, #tpu.memory_space<hbm>>) target(%dma_start3A_21 : memref<16x1000xf32, #tpu.memory_space<vmem>>) target_semaphore(%dma_start3A_17 : memref<!tpu.dma_semaphore, #tpu.memory_space<semaphore_mem>>)
    %dma_start3A_24 = arith.constant 0 : i32
    %dma_start3A_25 = arith.constant 0 : i32
    %dma_start3A_26 = arith.constant 0 : i32
    %dma_start3A_27 = arith.constant 0 : i32
    %dma_start3A_28 = tpu.memref_slice %arg8[%dma_start3A_24, %dma_start3A_26, %dma_start3A_27] : memref<2x16x1000xf32, #tpu.memory_space<vmem>> -> memref<1x16x1000xf32, #tpu.memory_space<vmem>>
    %dma_start3A_29 = tpu.memref_squeeze %dma_start3A_28 : memref<1x16x1000xf32, #tpu.memory_space<vmem>> -> memref<16x1000xf32, #tpu.memory_space<vmem>>
    %dma_start3A_30 = arith.constant 0 : i32
    %dma_start3A_31 = tpu.memref_slice %arg3[%add3A_8, %dma_start3A_30] : memref<16384x1000xf32, #tpu.memory_space<hbm>> -> memref<16x1000xf32, #tpu.memory_space<hbm>>
    %dma_start3A_32 = tpu.memref_slice %arg11[%dma_start3A_25] : memref<2x!tpu.dma_semaphore, #tpu.memory_space<semaphore_mem>> -> memref<1x!tpu.dma_semaphore, #tpu.memory_space<semaphore_mem>>
    %dma_start3A_33 = tpu.memref_squeeze %dma_start3A_32 : memref<1x!tpu.dma_semaphore, #tpu.memory_space<semaphore_mem>> -> memref<!tpu.dma_semaphore, #tpu.memory_space<semaphore_mem>>
    %dma_start3A_34 = arith.constant 0 : i32
    %dma_start3A_35 = arith.constant 0 : i32
    %dma_start3A_36 = tpu.memref_slice %arg8[%dma_start3A_24, %dma_start3A_34, %dma_start3A_35] : memref<2x16x1000xf32, #tpu.memory_space<vmem>> -> memref<1x16x1000xf32, #tpu.memory_space<vmem>>
    %dma_start3A_37 = tpu.memref_squeeze %dma_start3A_36 : memref<1x16x1000xf32, #tpu.memory_space<vmem>> -> memref<16x1000xf32, #tpu.memory_space<vmem>>
    %dma_start3A_38 = arith.constant 0 : i32
    %dma_start3A_39 = tpu.memref_slice %arg3[%add3A_8, %dma_start3A_38] : memref<16384x1000xf32, #tpu.memory_space<hbm>> -> memref<16x1000xf32, #tpu.memory_space<hbm>>
    tpu.enqueue_dma source(%dma_start3A_39 : memref<16x1000xf32, #tpu.memory_space<hbm>>) target(%dma_start3A_37 : memref<16x1000xf32, #tpu.memory_space<vmem>>) target_semaphore(%dma_start3A_33 : memref<!tpu.dma_semaphore, #tpu.memory_space<semaphore_mem>>)
    %broadcast_in_dim3A = arith.constant 0.000000e+00 : f32
    %broadcast_in_dim3A_40 = vector.broadcast %broadcast_in_dim3A : f32 to vector<16xf32>
    %broadcast_in_dim3A_41 = arith.constant 0.000000e+00 : f32
    %broadcast_in_dim3A_42 = vector.broadcast %broadcast_in_dim3A_41 : f32 to vector<16xf32>
    %broadcast_in_dim3A_43 = arith.constant 0.000000e+00 : f32
    %broadcast_in_dim3A_44 = vector.broadcast %broadcast_in_dim3A_43 : f32 to vector<16xf32>
    %broadcast_in_dim3A_45 = arith.constant 0.000000e+00 : f32
    %broadcast_in_dim3A_46 = vector.broadcast %broadcast_in_dim3A_45 : f32 to vector<16xf32>
    %broadcast_in_dim3A_47 = arith.constant 0.000000e+00 : f32
    %broadcast_in_dim3A_48 = vector.broadcast %broadcast_in_dim3A_47 : f32 to vector<16xf32>
    %broadcast_in_dim3A_49 = arith.constant 0.000000e+00 : f32
    %broadcast_in_dim3A_50 = vector.broadcast %broadcast_in_dim3A_49 : f32 to vector<16xf32>
    %broadcast_in_dim3A_51 = arith.constant 0.000000e+00 : f32
    %broadcast_in_dim3A_52 = vector.broadcast %broadcast_in_dim3A_51 : f32 to vector<16xf32>
    %broadcast_in_dim3A_53 = arith.constant 0.000000e+00 : f32
    %broadcast_in_dim3A_54 = vector.broadcast %broadcast_in_dim3A_53 : f32 to vector<16xf32>
    %broadcast_in_dim3A_55 = arith.constant 0.000000e+00 : f32
    %broadcast_in_dim3A_56 = vector.broadcast %broadcast_in_dim3A_55 : f32 to vector<16xf32>
    %broadcast_in_dim3A_57 = arith.constant 1.000000e+09 : f32
    %broadcast_in_dim3A_58 = vector.broadcast %broadcast_in_dim3A_57 : f32 to vector<16xf32>
    %scan3A = arith.constant 0 : i32
    %scan3A_59 = arith.constant 9 : i32
    %scan3A_60 = arith.addi %scan3A, %scan3A_59 : i32
    %scan3A_61 = arith.constant 1 : i32
    %scan3A_62:10 = scf.for %scan3A_76 = %scan3A to %scan3A_60 step %scan3A_61 iter_args(%scan3A_77 = %broadcast_in_dim3A_40, %scan3A_78 = %broadcast_in_dim3A_42, %scan3A_79 = %broadcast_in_dim3A_44, %scan3A_80 = %broadcast_in_dim3A_46, %scan3A_81 = %broadcast_in_dim3A_48, %scan3A_82 = %broadcast_in_dim3A_50, %scan3A_83 = %broadcast_in_dim3A_52, %scan3A_84 = %broadcast_in_dim3A_54, %scan3A_85 = %broadcast_in_dim3A_56, %scan3A_86 = %broadcast_in_dim3A_58) -> (vector<16xf32>, vector<16xf32>, vector<16xf32>, vector<16xf32>, vector<16xf32>, vector<16xf32>, vector<16xf32>, vector<16xf32>, vector<16xf32>, vector<16xf32>)  : i32 {
      %rem3A = arith.constant 2 : i32
      %rem3A_87 = arith.remsi %scan3A_76, %rem3A : i32
      %add3A_88 = arith.constant 1 : i32
      %add3A_89 = arith.addi %scan3A_76, %add3A_88 : i32
      %lt3A_90 = arith.constant 9 : i32
      %lt3A_91 = arith.cmpi slt, %add3A_89, %lt3A_90 : i32
      %convert_element_type3A = arith.extui %lt3A_91 : i1 to i32
      %cond3A = arith.constant 0 : i32
      %cond3A_92 = arith.cmpi ne, %convert_element_type3A, %cond3A : i32
      scf.if %cond3A_92 {
        %add3A_129 = arith.constant 1 : i32
        %add3A_130 = arith.addi %scan3A_76, %add3A_129 : i32
        %sub3A = arith.constant 1 : i32
        %sub3A_131 = arith.subi %sub3A, %rem3A_87 : i32
        %mul3A_132 = arith.constant 16 : i32
        %mul3A_133 = arith.muli %add3A_130, %mul3A_132 : i32
        %add3A_134 = arith.addi %add3A_4, %mul3A_133 : i32
        %dma_start3A_135 = arith.constant 0 : i32
        %dma_start3A_136 = arith.constant 0 : i32
        %dma_start3A_137 = tpu.memref_slice %arg7[%sub3A_131, %dma_start3A_135, %dma_start3A_136] : memref<2x16x1000xf32, #tpu.memory_space<vmem>> -> memref<1x16x1000xf32, #tpu.memory_space<vmem>>
        %dma_start3A_138 = tpu.memref_squeeze %dma_start3A_137 : memref<1x16x1000xf32, #tpu.memory_space<vmem>> -> memref<16x1000xf32, #tpu.memory_space<vmem>>
        %dma_start3A_139 = arith.constant 0 : i32
        %dma_start3A_140 = tpu.memref_slice %arg2[%add3A_134, %dma_start3A_139] : memref<16384x1000xf32, #tpu.memory_space<hbm>> -> memref<16x1000xf32, #tpu.memory_space<hbm>>
        %dma_start3A_141 = tpu.memref_slice %arg10[%sub3A_131] : memref<2x!tpu.dma_semaphore, #tpu.memory_space<semaphore_mem>> -> memref<1x!tpu.dma_semaphore, #tpu.memory_space<semaphore_mem>>
        %dma_start3A_142 = tpu.memref_squeeze %dma_start3A_141 : memref<1x!tpu.dma_semaphore, #tpu.memory_space<semaphore_mem>> -> memref<!tpu.dma_semaphore, #tpu.memory_space<semaphore_mem>>
        %dma_start3A_143 = arith.constant 0 : i32
        %dma_start3A_144 = arith.constant 0 : i32
        %dma_start3A_145 = tpu.memref_slice %arg7[%sub3A_131, %dma_start3A_143, %dma_start3A_144] : memref<2x16x1000xf32, #tpu.memory_space<vmem>> -> memref<1x16x1000xf32, #tpu.memory_space<vmem>>
        %dma_start3A_146 = tpu.memref_squeeze %dma_start3A_145 : memref<1x16x1000xf32, #tpu.memory_space<vmem>> -> memref<16x1000xf32, #tpu.memory_space<vmem>>
        %dma_start3A_147 = arith.constant 0 : i32
        %dma_start3A_148 = tpu.memref_slice %arg2[%add3A_134, %dma_start3A_147] : memref<16384x1000xf32, #tpu.memory_space<hbm>> -> memref<16x1000xf32, #tpu.memory_space<hbm>>
        tpu.enqueue_dma source(%dma_start3A_148 : memref<16x1000xf32, #tpu.memory_space<hbm>>) target(%dma_start3A_146 : memref<16x1000xf32, #tpu.memory_space<vmem>>) target_semaphore(%dma_start3A_142 : memref<!tpu.dma_semaphore, #tpu.memory_space<semaphore_mem>>)
        %dma_start3A_149 = arith.constant 0 : i32
        %dma_start3A_150 = arith.constant 0 : i32
        %dma_start3A_151 = tpu.memref_slice %arg8[%sub3A_131, %dma_start3A_149, %dma_start3A_150] : memref<2x16x1000xf32, #tpu.memory_space<vmem>> -> memref<1x16x1000xf32, #tpu.memory_space<vmem>>
        %dma_start3A_152 = tpu.memref_squeeze %dma_start3A_151 : memref<1x16x1000xf32, #tpu.memory_space<vmem>> -> memref<16x1000xf32, #tpu.memory_space<vmem>>
        %dma_start3A_153 = arith.constant 0 : i32
        %dma_start3A_154 = tpu.memref_slice %arg3[%add3A_134, %dma_start3A_153] : memref<16384x1000xf32, #tpu.memory_space<hbm>> -> memref<16x1000xf32, #tpu.memory_space<hbm>>
        %dma_start3A_155 = tpu.memref_slice %arg11[%sub3A_131] : memref<2x!tpu.dma_semaphore, #tpu.memory_space<semaphore_mem>> -> memref<1x!tpu.dma_semaphore, #tpu.memory_space<semaphore_mem>>
        %dma_start3A_156 = tpu.memref_squeeze %dma_start3A_155 : memref<1x!tpu.dma_semaphore, #tpu.memory_space<semaphore_mem>> -> memref<!tpu.dma_semaphore, #tpu.memory_space<semaphore_mem>>
        %dma_start3A_157 = arith.constant 0 : i32
        %dma_start3A_158 = arith.constant 0 : i32
        %dma_start3A_159 = tpu.memref_slice %arg8[%sub3A_131, %dma_start3A_157, %dma_start3A_158] : memref<2x16x1000xf32, #tpu.memory_space<vmem>> -> memref<1x16x1000xf32, #tpu.memory_space<vmem>>
        %dma_start3A_160 = tpu.memref_squeeze %dma_start3A_159 : memref<1x16x1000xf32, #tpu.memory_space<vmem>> -> memref<16x1000xf32, #tpu.memory_space<vmem>>
        %dma_start3A_161 = arith.constant 0 : i32
        %dma_start3A_162 = tpu.memref_slice %arg3[%add3A_134, %dma_start3A_161] : memref<16384x1000xf32, #tpu.memory_space<hbm>> -> memref<16x1000xf32, #tpu.memory_space<hbm>>
        tpu.enqueue_dma source(%dma_start3A_162 : memref<16x1000xf32, #tpu.memory_space<hbm>>) target(%dma_start3A_160 : memref<16x1000xf32, #tpu.memory_space<vmem>>) target_semaphore(%dma_start3A_156 : memref<!tpu.dma_semaphore, #tpu.memory_space<semaphore_mem>>)
      } else {
      }
      %mul3A_93 = arith.constant 16 : i32
      %mul3A_94 = arith.muli %scan3A_76, %mul3A_93 : i32
      %add3A_95 = arith.addi %add3A_4, %mul3A_94 : i32
      %dma_wait3A = arith.constant 0 : i32
      %dma_wait3A_96 = arith.constant 0 : i32
      %dma_wait3A_97 = tpu.memref_slice %arg7[%rem3A_87, %dma_wait3A, %dma_wait3A_96] : memref<2x16x1000xf32, #tpu.memory_space<vmem>> -> memref<1x16x1000xf32, #tpu.memory_space<vmem>>
      %dma_wait3A_98 = tpu.memref_squeeze %dma_wait3A_97 : memref<1x16x1000xf32, #tpu.memory_space<vmem>> -> memref<16x1000xf32, #tpu.memory_space<vmem>>
      %dma_wait3A_99 = arith.constant 0 : i32
      %dma_wait3A_100 = tpu.memref_slice %arg2[%add3A_95, %dma_wait3A_99] : memref<16384x1000xf32, #tpu.memory_space<hbm>> -> memref<16x1000xf32, #tpu.memory_space<hbm>>
      %dma_wait3A_101 = tpu.memref_slice %arg10[%rem3A_87] : memref<2x!tpu.dma_semaphore, #tpu.memory_space<semaphore_mem>> -> memref<1x!tpu.dma_semaphore, #tpu.memory_space<semaphore_mem>>
      %dma_wait3A_102 = tpu.memref_squeeze %dma_wait3A_101 : memref<1x!tpu.dma_semaphore, #tpu.memory_space<semaphore_mem>> -> memref<!tpu.dma_semaphore, #tpu.memory_space<semaphore_mem>>
      %dma_wait3A_103 = arith.constant 0 : i32
      %dma_wait3A_104 = arith.constant 0 : i32
      %dma_wait3A_105 = tpu.memref_slice %arg7[%rem3A_87, %dma_wait3A_103, %dma_wait3A_104] : memref<2x16x1000xf32, #tpu.memory_space<vmem>> -> memref<1x16x1000xf32, #tpu.memory_space<vmem>>
      %dma_wait3A_106 = tpu.memref_squeeze %dma_wait3A_105 : memref<1x16x1000xf32, #tpu.memory_space<vmem>> -> memref<16x1000xf32, #tpu.memory_space<vmem>>
      %dma_wait3A_107 = arith.constant 0 : i32
      %dma_wait3A_108 = tpu.memref_slice %arg2[%add3A_95, %dma_wait3A_107] : memref<16384x1000xf32, #tpu.memory_space<hbm>> -> memref<16x1000xf32, #tpu.memory_space<hbm>>
      tpu.wait_dma2 semaphore(%dma_wait3A_102 : memref<!tpu.dma_semaphore, #tpu.memory_space<semaphore_mem>>) src(%dma_wait3A_108 : memref<16x1000xf32, #tpu.memory_space<hbm>>) dst(%dma_wait3A_106 : memref<16x1000xf32, #tpu.memory_space<vmem>>)
      %dma_wait3A_109 = arith.constant 0 : i32
      %dma_wait3A_110 = arith.constant 0 : i32
      %dma_wait3A_111 = tpu.memref_slice %arg8[%rem3A_87, %dma_wait3A_109, %dma_wait3A_110] : memref<2x16x1000xf32, #tpu.memory_space<vmem>> -> memref<1x16x1000xf32, #tpu.memory_space<vmem>>
      %dma_wait3A_112 = tpu.memref_squeeze %dma_wait3A_111 : memref<1x16x1000xf32, #tpu.memory_space<vmem>> -> memref<16x1000xf32, #tpu.memory_space<vmem>>
      %dma_wait3A_113 = arith.constant 0 : i32
      %dma_wait3A_114 = tpu.memref_slice %arg3[%add3A_95, %dma_wait3A_113] : memref<16384x1000xf32, #tpu.memory_space<hbm>> -> memref<16x1000xf32, #tpu.memory_space<hbm>>
      %dma_wait3A_115 = tpu.memref_slice %arg11[%rem3A_87] : memref<2x!tpu.dma_semaphore, #tpu.memory_space<semaphore_mem>> -> memref<1x!tpu.dma_semaphore, #tpu.memory_space<semaphore_mem>>
      %dma_wait3A_116 = tpu.memref_squeeze %dma_wait3A_115 : memref<1x!tpu.dma_semaphore, #tpu.memory_space<semaphore_mem>> -> memref<!tpu.dma_semaphore, #tpu.memory_space<semaphore_mem>>
      %dma_wait3A_117 = arith.constant 0 : i32
      %dma_wait3A_118 = arith.constant 0 : i32
      %dma_wait3A_119 = tpu.memref_slice %arg8[%rem3A_87, %dma_wait3A_117, %dma_wait3A_118] : memref<2x16x1000xf32, #tpu.memory_space<vmem>> -> memref<1x16x1000xf32, #tpu.memory_space<vmem>>
      %dma_wait3A_120 = tpu.memref_squeeze %dma_wait3A_119 : memref<1x16x1000xf32, #tpu.memory_space<vmem>> -> memref<16x1000xf32, #tpu.memory_space<vmem>>
      %dma_wait3A_121 = arith.constant 0 : i32
      %dma_wait3A_122 = tpu.memref_slice %arg3[%add3A_95, %dma_wait3A_121] : memref<16384x1000xf32, #tpu.memory_space<hbm>> -> memref<16x1000xf32, #tpu.memory_space<hbm>>
      tpu.wait_dma2 semaphore(%dma_wait3A_116 : memref<!tpu.dma_semaphore, #tpu.memory_space<semaphore_mem>>) src(%dma_wait3A_122 : memref<16x1000xf32, #tpu.memory_space<hbm>>) dst(%dma_wait3A_120 : memref<16x1000xf32, #tpu.memory_space<vmem>>)
      %scan3A_123 = arith.constant 0 : i32
      %scan3A_124 = arith.constant 16 : i32
      %scan3A_125 = arith.addi %scan3A_123, %scan3A_124 : i32
      %scan3A_126 = arith.constant 1 : i32
      %scan3A_127:10 = scf.for %scan3A_129 = %scan3A_123 to %scan3A_125 step %scan3A_126 iter_args(%scan3A_130 = %scan3A_77, %scan3A_131 = %scan3A_78, %scan3A_132 = %scan3A_79, %scan3A_133 = %scan3A_80, %scan3A_134 = %scan3A_81, %scan3A_135 = %scan3A_82, %scan3A_136 = %scan3A_83, %scan3A_137 = %scan3A_84, %scan3A_138 = %scan3A_85, %scan3A_139 = %scan3A_86) -> (vector<16xf32>, vector<16xf32>, vector<16xf32>, vector<16xf32>, vector<16xf32>, vector<16xf32>, vector<16xf32>, vector<16xf32>, vector<16xf32>, vector<16xf32>)  : i32 {
        %broadcast_in_dim3A_140 = arith.constant 0 : i32
        %broadcast_in_dim3A_141 = vector.broadcast %broadcast_in_dim3A_140 : i32 to vector<16xi32>
        %broadcast_in_dim3A_142 = arith.constant 0 : i32
        %broadcast_in_dim3A_143 = vector.broadcast %broadcast_in_dim3A_142 : i32 to vector<16xi32>
        %broadcast_in_dim3A_144 = arith.constant 0 : i32
        %broadcast_in_dim3A_145 = vector.broadcast %broadcast_in_dim3A_144 : i32 to vector<16xi32>
        %broadcast_in_dim3A_146 = arith.constant 0 : i32
        %broadcast_in_dim3A_147 = vector.broadcast %broadcast_in_dim3A_146 : i32 to vector<16xi32>
        %get3A = arith.index_cast %rem3A_87 : i32 to index
        %get3A_148 = arith.index_cast %scan3A_129 : i32 to index
        %get3A_149 = arith.constant 0 : index
        %get3A_150 = tpu.vector_load %arg7[%get3A, %get3A_148, %get3A_149] {strides = array<i32>} : memref<2x16x1000xf32, #tpu.memory_space<vmem>>, vector<16xf32>,
        %get3A_151 = arith.index_cast %rem3A_87 : i32 to index
        %get3A_152 = arith.index_cast %scan3A_129 : i32 to index
        %get3A_153 = arith.constant 0 : index
        %get3A_154 = tpu.vector_load %arg8[%get3A_151, %get3A_152, %get3A_153] {strides = array<i32>} : memref<2x16x1000xf32, #tpu.memory_space<vmem>>, vector<16xf32>,
        %abs3A = math.absf %get3A_150 : vector<16xf32>
        %neg3A = arith.constant 0.000000e+00 : f32
        %neg3A_155 = vector.broadcast %neg3A : f32 to vector<16xf32>
        %neg3A_156 = arith.subf %neg3A_155, %abs3A : vector<16xf32>
        %exp3A = math.exp %neg3A_156 : vector<16xf32>
        %mul3A_157 = arith.constant 0.00518600363 : f32
        %mul3A_158 = vector.broadcast %mul3A_157 : f32 to vector<16xf32>
        %mul3A_159 = arith.mulf %mul3A_158, %exp3A : vector<16xf32>
        %add3A_160 = arith.constant -0.0292102676 : f32
        %add3A_161 = vector.broadcast %add3A_160 : f32 to vector<16xf32>
        %add3A_162 = arith.addf %mul3A_159, %add3A_161 : vector<16xf32>
        %mul3A_163 = arith.mulf %add3A_162, %exp3A : vector<16xf32>
        %add3A_164 = arith.constant 0.0775403827 : f32
        %add3A_165 = vector.broadcast %add3A_164 : f32 to vector<16xf32>
        %add3A_166 = arith.addf %mul3A_163, %add3A_165 : vector<16xf32>
        %mul3A_167 = arith.mulf %add3A_166, %exp3A : vector<16xf32>
        %add3A_168 = arith.constant -0.135839418 : f32
        %add3A_169 = vector.broadcast %add3A_168 : f32 to vector<16xf32>
        %add3A_170 = arith.addf %mul3A_167, %add3A_169 : vector<16xf32>
        %mul3A_171 = arith.mulf %add3A_170, %exp3A : vector<16xf32>
        %add3A_172 = arith.constant 0.190559551 : f32
        %add3A_173 = vector.broadcast %add3A_172 : f32 to vector<16xf32>
        %add3A_174 = arith.addf %mul3A_171, %add3A_173 : vector<16xf32>
        %mul3A_175 = arith.mulf %add3A_174, %exp3A : vector<16xf32>
        %add3A_176 = arith.constant -0.24825649 : f32
        %add3A_177 = vector.broadcast %add3A_176 : f32 to vector<16xf32>
        %add3A_178 = arith.addf %mul3A_175, %add3A_177 : vector<16xf32>
        %mul3A_179 = arith.mulf %add3A_178, %exp3A : vector<16xf32>
        %add3A_180 = arith.constant 0.333160102 : f32
        %add3A_181 = vector.broadcast %add3A_180 : f32 to vector<16xf32>
        %add3A_182 = arith.addf %mul3A_179, %add3A_181 : vector<16xf32>
        %mul3A_183 = arith.mulf %add3A_182, %exp3A : vector<16xf32>
        %add3A_184 = arith.constant -0.499992549 : f32
        %add3A_185 = vector.broadcast %add3A_184 : f32 to vector<16xf32>
        %add3A_186 = arith.addf %mul3A_183, %add3A_185 : vector<16xf32>
        %mul3A_187 = arith.mulf %add3A_186, %exp3A : vector<16xf32>
        %add3A_188 = arith.constant 0.99999994 : f32
        %add3A_189 = vector.broadcast %add3A_188 : f32 to vector<16xf32>
        %add3A_190 = arith.addf %mul3A_187, %add3A_189 : vector<16xf32>
        %max3A = arith.constant 0.000000e+00 : f32
        %max3A_191 = vector.broadcast %max3A : f32 to vector<16xf32>
        %max3A_192 = arith.maximumf %get3A_150, %max3A_191 : vector<16xf32>
        %mul3A_193 = arith.mulf %exp3A, %add3A_190 : vector<16xf32>
        %add3A_194 = arith.addf %max3A_192, %mul3A_193 : vector<16xf32>
        %mul3A_195 = arith.mulf %get3A_154, %get3A_150 : vector<16xf32>
        %sub3A = arith.subf %add3A_194, %mul3A_195 : vector<16xf32>
        %add3A_196 = arith.addf %scan3A_130, %sub3A : vector<16xf32>
        %gt3A = arith.constant 5.000000e-01 : f32
        %gt3A_197 = vector.broadcast %gt3A : f32 to vector<16xf32>
        %gt3A_198 = arith.cmpf ogt, %get3A_154, %gt3A_197 : vector<16xf32>
        %all_reduce_population_count3A = tpu.all_reduce %gt3A_198 {dim = 0 : i64, kind = #tpu.reduction_kind<sum>} : vector<16xi1> -> vector<16xi32>
        %add3A_199 = arith.addi %broadcast_in_dim3A_141, %all_reduce_population_count3A : vector<16xi32>
        %get3A_200 = arith.index_cast %rem3A_87 : i32 to index
        %get3A_201 = arith.index_cast %scan3A_129 : i32 to index
        %get3A_202 = arith.constant 16 : index
        %get3A_203 = tpu.vector_load %arg7[%get3A_200, %get3A_201, %get3A_202] {strides = array<i32>} : memref<2x16x1000xf32, #tpu.memory_space<vmem>>, vector<16xf32>,
        %get3A_204 = arith.index_cast %rem3A_87 : i32 to index
        %get3A_205 = arith.index_cast %scan3A_129 : i32 to index
        %get3A_206 = arith.constant 16 : index
        %get3A_207 = tpu.vector_load %arg8[%get3A_204, %get3A_205, %get3A_206] {strides = array<i32>} : memref<2x16x1000xf32, #tpu.memory_space<vmem>>, vector<16xf32>,
        %abs3A_208 = math.absf %get3A_203 : vector<16xf32>
        %neg3A_209 = arith.constant 0.000000e+00 : f32
        %neg3A_210 = vector.broadcast %neg3A_209 : f32 to vector<16xf32>
        %neg3A_211 = arith.subf %neg3A_210, %abs3A_208 : vector<16xf32>
        %exp3A_212 = math.exp %neg3A_211 : vector<16xf32>
        %mul3A_213 = arith.constant 0.00518600363 : f32
        %mul3A_214 = vector.broadcast %mul3A_213 : f32 to vector<16xf32>
        %mul3A_215 = arith.mulf %mul3A_214, %exp3A_212 : vector<16xf32>
        %add3A_216 = arith.constant -0.0292102676 : f32
        %add3A_217 = vector.broadcast %add3A_216 : f32 to vector<16xf32>
        %add3A_218 = arith.addf %mul3A_215, %add3A_217 : vector<16xf32>
        %mul3A_219 = arith.mulf %add3A_218, %exp3A_212 : vector<16xf32>
        %add3A_220 = arith.constant 0.0775403827 : f32
        %add3A_221 = vector.broadcast %add3A_220 : f32 to vector<16xf32>
        %add3A_222 = arith.addf %mul3A_219, %add3A_221 : vector<16xf32>
        %mul3A_223 = arith.mulf %add3A_222, %exp3A_212 : vector<16xf32>
        %add3A_224 = arith.constant -0.135839418 : f32
        %add3A_225 = vector.broadcast %add3A_224 : f32 to vector<16xf32>
        %add3A_226 = arith.addf %mul3A_223, %add3A_225 : vector<16xf32>
        %mul3A_227 = arith.mulf %add3A_226, %exp3A_212 : vector<16xf32>
        %add3A_228 = arith.constant 0.190559551 : f32
        %add3A_229 = vector.broadcast %add3A_228 : f32 to vector<16xf32>
        %add3A_230 = arith.addf %mul3A_227, %add3A_229 : vector<16xf32>
        %mul3A_231 = arith.mulf %add3A_230, %exp3A_212 : vector<16xf32>
        %add3A_232 = arith.constant -0.24825649 : f32
        %add3A_233 = vector.broadcast %add3A_232 : f32 to vector<16xf32>
        %add3A_234 = arith.addf %mul3A_231, %add3A_233 : vector<16xf32>
        %mul3A_235 = arith.mulf %add3A_234, %exp3A_212 : vector<16xf32>
        %add3A_236 = arith.constant 0.333160102 : f32
        %add3A_237 = vector.broadcast %add3A_236 : f32 to vector<16xf32>
        %add3A_238 = arith.addf %mul3A_235, %add3A_237 : vector<16xf32>
        %mul3A_239 = arith.mulf %add3A_238, %exp3A_212 : vector<16xf32>
        %add3A_240 = arith.constant -0.499992549 : f32
        %add3A_241 = vector.broadcast %add3A_240 : f32 to vector<16xf32>
        %add3A_242 = arith.addf %mul3A_239, %add3A_241 : vector<16xf32>
        %mul3A_243 = arith.mulf %add3A_242, %exp3A_212 : vector<16xf32>
        %add3A_244 = arith.constant 0.99999994 : f32
        %add3A_245 = vector.broadcast %add3A_244 : f32 to vector<16xf32>
        %add3A_246 = arith.addf %mul3A_243, %add3A_245 : vector<16xf32>
        %max3A_247 = arith.constant 0.000000e+00 : f32
        %max3A_248 = vector.broadcast %max3A_247 : f32 to vector<16xf32>
        %max3A_249 = arith.maximumf %get3A_203, %max3A_248 : vector<16xf32>
        %mul3A_250 = arith.mulf %exp3A_212, %add3A_246 : vector<16xf32>
        %add3A_251 = arith.addf %max3A_249, %mul3A_250 : vector<16xf32>
        %mul3A_252 = arith.mulf %get3A_207, %get3A_203 : vector<16xf32>
        %sub3A_253 = arith.subf %add3A_251, %mul3A_252 : vector<16xf32>
        %add3A_254 = arith.addf %scan3A_131, %sub3A_253 : vector<16xf32>
        %gt3A_255 = arith.constant 5.000000e-01 : f32
        %gt3A_256 = vector.broadcast %gt3A_255 : f32 to vector<16xf32>
        %gt3A_257 = arith.cmpf ogt, %get3A_207, %gt3A_256 : vector<16xf32>
        %all_reduce_population_count3A_258 = tpu.all_reduce %gt3A_257 {dim = 0 : i64, kind = #tpu.reduction_kind<sum>} : vector<16xi1> -> vector<16xi32>
        %add3A_259 = arith.addi %broadcast_in_dim3A_143, %all_reduce_population_count3A_258 : vector<16xi32>
        %get3A_260 = arith.index_cast %rem3A_87 : i32 to index
        %get3A_261 = arith.index_cast %scan3A_129 : i32 to index
        %get3A_262 = arith.constant 32 : index
        %get3A_263 = tpu.vector_load %arg7[%get3A_260, %get3A_261, %get3A_262] {strides = array<i32>} : memref<2x16x1000xf32, #tpu.memory_space<vmem>>, vector<16xf32>,
        %get3A_264 = arith.index_cast %rem3A_87 : i32 to index
        %get3A_265 = arith.index_cast %scan3A_129 : i32 to index
        %get3A_266 = arith.constant 32 : index
        %get3A_267 = tpu.vector_load %arg8[%get3A_264, %get3A_265, %get3A_266] {strides = array<i32>} : memref<2x16x1000xf32, #tpu.memory_space<vmem>>, vector<16xf32>,
        %abs3A_268 = math.absf %get3A_263 : vector<16xf32>
        %neg3A_269 = arith.constant 0.000000e+00 : f32
        %neg3A_270 = vector.broadcast %neg3A_269 : f32 to vector<16xf32>
        %neg3A_271 = arith.subf %neg3A_270, %abs3A_268 : vector<16xf32>
        %exp3A_272 = math.exp %neg3A_271 : vector<16xf32>
        %mul3A_273 = arith.constant 0.00518600363 : f32
        %mul3A_274 = vector.broadcast %mul3A_273 : f32 to vector<16xf32>
        %mul3A_275 = arith.mulf %mul3A_274, %exp3A_272 : vector<16xf32>
        %add3A_276 = arith.constant -0.0292102676 : f32
        %add3A_277 = vector.broadcast %add3A_276 : f32 to vector<16xf32>
        %add3A_278 = arith.addf %mul3A_275, %add3A_277 : vector<16xf32>
        %mul3A_279 = arith.mulf %add3A_278, %exp3A_272 : vector<16xf32>
        %add3A_280 = arith.constant 0.0775403827 : f32
        %add3A_281 = vector.broadcast %add3A_280 : f32 to vector<16xf32>
        %add3A_282 = arith.addf %mul3A_279, %add3A_281 : vector<16xf32>
        %mul3A_283 = arith.mulf %add3A_282, %exp3A_272 : vector<16xf32>
        %add3A_284 = arith.constant -0.135839418 : f32
        %add3A_285 = vector.broadcast %add3A_284 : f32 to vector<16xf32>
        %add3A_286 = arith.addf %mul3A_283, %add3A_285 : vector<16xf32>
        %mul3A_287 = arith.mulf %add3A_286, %exp3A_272 : vector<16xf32>
        %add3A_288 = arith.constant 0.190559551 : f32
        %add3A_289 = vector.broadcast %add3A_288 : f32 to vector<16xf32>
        %add3A_290 = arith.addf %mul3A_287, %add3A_289 : vector<16xf32>
        %mul3A_291 = arith.mulf %add3A_290, %exp3A_272 : vector<16xf32>
        %add3A_292 = arith.constant -0.24825649 : f32
        %add3A_293 = vector.broadcast %add3A_292 : f32 to vector<16xf32>
        %add3A_294 = arith.addf %mul3A_291, %add3A_293 : vector<16xf32>
        %mul3A_295 = arith.mulf %add3A_294, %exp3A_272 : vector<16xf32>
        %add3A_296 = arith.constant 0.333160102 : f32
        %add3A_297 = vector.broadcast %add3A_296 : f32 to vector<16xf32>
        %add3A_298 = arith.addf %mul3A_295, %add3A_297 : vector<16xf32>
        %mul3A_299 = arith.mulf %add3A_298, %exp3A_272 : vector<16xf32>
        %add3A_300 = arith.constant -0.499992549 : f32
        %add3A_301 = vector.broadcast %add3A_300 : f32 to vector<16xf32>
        %add3A_302 = arith.addf %mul3A_299, %add3A_301 : vector<16xf32>
        %mul3A_303 = arith.mulf %add3A_302, %exp3A_272 : vector<16xf32>
        %add3A_304 = arith.constant 0.99999994 : f32
        %add3A_305 = vector.broadcast %add3A_304 : f32 to vector<16xf32>
        %add3A_306 = arith.addf %mul3A_303, %add3A_305 : vector<16xf32>
        %max3A_307 = arith.constant 0.000000e+00 : f32
        %max3A_308 = vector.broadcast %max3A_307 : f32 to vector<16xf32>
        %max3A_309 = arith.maximumf %get3A_263, %max3A_308 : vector<16xf32>
        %mul3A_310 = arith.mulf %exp3A_272, %add3A_306 : vector<16xf32>
        %add3A_311 = arith.addf %max3A_309, %mul3A_310 : vector<16xf32>
        %mul3A_312 = arith.mulf %get3A_267, %get3A_263 : vector<16xf32>
        %sub3A_313 = arith.subf %add3A_311, %mul3A_312 : vector<16xf32>
        %add3A_314 = arith.addf %scan3A_132, %sub3A_313 : vector<16xf32>
        %gt3A_315 = arith.constant 5.000000e-01 : f32
        %gt3A_316 = vector.broadcast %gt3A_315 : f32 to vector<16xf32>
        %gt3A_317 = arith.cmpf ogt, %get3A_267, %gt3A_316 : vector<16xf32>
        %all_reduce_population_count3A_318 = tpu.all_reduce %gt3A_317 {dim = 0 : i64, kind = #tpu.reduction_kind<sum>} : vector<16xi1> -> vector<16xi32>
        %add3A_319 = arith.addi %broadcast_in_dim3A_145, %all_reduce_population_count3A_318 : vector<16xi32>
        %get3A_320 = arith.index_cast %rem3A_87 : i32 to index
        %get3A_321 = arith.index_cast %scan3A_129 : i32 to index
        %get3A_322 = arith.constant 48 : index
        %get3A_323 = tpu.vector_load %arg7[%get3A_320, %get3A_321, %get3A_322] {strides = array<i32>} : memref<2x16x1000xf32, #tpu.memory_space<vmem>>, vector<16xf32>,
        %get3A_324 = arith.index_cast %rem3A_87 : i32 to index
        %get3A_325 = arith.index_cast %scan3A_129 : i32 to index
        %get3A_326 = arith.constant 48 : index
        %get3A_327 = tpu.vector_load %arg8[%get3A_324, %get3A_325, %get3A_326] {strides = array<i32>} : memref<2x16x1000xf32, #tpu.memory_space<vmem>>, vector<16xf32>,
        %abs3A_328 = math.absf %get3A_323 : vector<16xf32>
        %neg3A_329 = arith.constant 0.000000e+00 : f32
        %neg3A_330 = vector.broadcast %neg3A_329 : f32 to vector<16xf32>
        %neg3A_331 = arith.subf %neg3A_330, %abs3A_328 : vector<16xf32>
        %exp3A_332 = math.exp %neg3A_331 : vector<16xf32>
        %mul3A_333 = arith.constant 0.00518600363 : f32
        %mul3A_334 = vector.broadcast %mul3A_333 : f32 to vector<16xf32>
        %mul3A_335 = arith.mulf %mul3A_334, %exp3A_332 : vector<16xf32>
        %add3A_336 = arith.constant -0.0292102676 : f32
        %add3A_337 = vector.broadcast %add3A_336 : f32 to vector<16xf32>
        %add3A_338 = arith.addf %mul3A_335, %add3A_337 : vector<16xf32>
        %mul3A_339 = arith.mulf %add3A_338, %exp3A_332 : vector<16xf32>
        %add3A_340 = arith.constant 0.0775403827 : f32
        %add3A_341 = vector.broadcast %add3A_340 : f32 to vector<16xf32>
        %add3A_342 = arith.addf %mul3A_339, %add3A_341 : vector<16xf32>
        %mul3A_343 = arith.mulf %add3A_342, %exp3A_332 : vector<16xf32>
        %add3A_344 = arith.constant -0.135839418 : f32
        %add3A_345 = vector.broadcast %add3A_344 : f32 to vector<16xf32>
        %add3A_346 = arith.addf %mul3A_343, %add3A_345 : vector<16xf32>
        %mul3A_347 = arith.mulf %add3A_346, %exp3A_332 : vector<16xf32>
        %add3A_348 = arith.constant 0.190559551 : f32
        %add3A_349 = vector.broadcast %add3A_348 : f32 to vector<16xf32>
        %add3A_350 = arith.addf %mul3A_347, %add3A_349 : vector<16xf32>
        %mul3A_351 = arith.mulf %add3A_350, %exp3A_332 : vector<16xf32>
        %add3A_352 = arith.constant -0.24825649 : f32
        %add3A_353 = vector.broadcast %add3A_352 : f32 to vector<16xf32>
        %add3A_354 = arith.addf %mul3A_351, %add3A_353 : vector<16xf32>
        %mul3A_355 = arith.mulf %add3A_354, %exp3A_332 : vector<16xf32>
        %add3A_356 = arith.constant 0.333160102 : f32
        %add3A_357 = vector.broadcast %add3A_356 : f32 to vector<16xf32>
        %add3A_358 = arith.addf %mul3A_355, %add3A_357 : vector<16xf32>
        %mul3A_359 = arith.mulf %add3A_358, %exp3A_332 : vector<16xf32>
        %add3A_360 = arith.constant -0.499992549 : f32
        %add3A_361 = vector.broadcast %add3A_360 : f32 to vector<16xf32>
        %add3A_362 = arith.addf %mul3A_359, %add3A_361 : vector<16xf32>
        %mul3A_363 = arith.mulf %add3A_362, %exp3A_332 : vector<16xf32>
        %add3A_364 = arith.constant 0.99999994 : f32
        %add3A_365 = vector.broadcast %add3A_364 : f32 to vector<16xf32>
        %add3A_366 = arith.addf %mul3A_363, %add3A_365 : vector<16xf32>
        %max3A_367 = arith.constant 0.000000e+00 : f32
        %max3A_368 = vector.broadcast %max3A_367 : f32 to vector<16xf32>
        %max3A_369 = arith.maximumf %get3A_323, %max3A_368 : vector<16xf32>
        %mul3A_370 = arith.mulf %exp3A_332, %add3A_366 : vector<16xf32>
        %add3A_371 = arith.addf %max3A_369, %mul3A_370 : vector<16xf32>
        %mul3A_372 = arith.mulf %get3A_327, %get3A_323 : vector<16xf32>
        %sub3A_373 = arith.subf %add3A_371, %mul3A_372 : vector<16xf32>
        %add3A_374 = arith.addf %scan3A_133, %sub3A_373 : vector<16xf32>
        %gt3A_375 = arith.constant 5.000000e-01 : f32
        %gt3A_376 = vector.broadcast %gt3A_375 : f32 to vector<16xf32>
        %gt3A_377 = arith.cmpf ogt, %get3A_327, %gt3A_376 : vector<16xf32>
        %all_reduce_population_count3A_378 = tpu.all_reduce %gt3A_377 {dim = 0 : i64, kind = #tpu.reduction_kind<sum>} : vector<16xi1> -> vector<16xi32>
        %add3A_379 = arith.addi %broadcast_in_dim3A_147, %all_reduce_population_count3A_378 : vector<16xi32>
        %get3A_380 = arith.index_cast %rem3A_87 : i32 to index
        %get3A_381 = arith.index_cast %scan3A_129 : i32 to index
        %get3A_382 = arith.constant 64 : index
        %get3A_383 = tpu.vector_load %arg7[%get3A_380, %get3A_381, %get3A_382] {strides = array<i32>} : memref<2x16x1000xf32, #tpu.memory_space<vmem>>, vector<16xf32>,
        %get3A_384 = arith.index_cast %rem3A_87 : i32 to index
        %get3A_385 = arith.index_cast %scan3A_129 : i32 to index
        %get3A_386 = arith.constant 64 : index
        %get3A_387 = tpu.vector_load %arg8[%get3A_384, %get3A_385, %get3A_386] {strides = array<i32>} : memref<2x16x1000xf32, #tpu.memory_space<vmem>>, vector<16xf32>,
        %abs3A_388 = math.absf %get3A_383 : vector<16xf32>
        %neg3A_389 = arith.constant 0.000000e+00 : f32
        %neg3A_390 = vector.broadcast %neg3A_389 : f32 to vector<16xf32>
        %neg3A_391 = arith.subf %neg3A_390, %abs3A_388 : vector<16xf32>
        %exp3A_392 = math.exp %neg3A_391 : vector<16xf32>
        %mul3A_393 = arith.constant 0.00518600363 : f32
        %mul3A_394 = vector.broadcast %mul3A_393 : f32 to vector<16xf32>
        %mul3A_395 = arith.mulf %mul3A_394, %exp3A_392 : vector<16xf32>
        %add3A_396 = arith.constant -0.0292102676 : f32
        %add3A_397 = vector.broadcast %add3A_396 : f32 to vector<16xf32>
        %add3A_398 = arith.addf %mul3A_395, %add3A_397 : vector<16xf32>
        %mul3A_399 = arith.mulf %add3A_398, %exp3A_392 : vector<16xf32>
        %add3A_400 = arith.constant 0.0775403827 : f32
        %add3A_401 = vector.broadcast %add3A_400 : f32 to vector<16xf32>
        %add3A_402 = arith.addf %mul3A_399, %add3A_401 : vector<16xf32>
        %mul3A_403 = arith.mulf %add3A_402, %exp3A_392 : vector<16xf32>
        %add3A_404 = arith.constant -0.135839418 : f32
        %add3A_405 = vector.broadcast %add3A_404 : f32 to vector<16xf32>
        %add3A_406 = arith.addf %mul3A_403, %add3A_405 : vector<16xf32>
        %mul3A_407 = arith.mulf %add3A_406, %exp3A_392 : vector<16xf32>
        %add3A_408 = arith.constant 0.190559551 : f32
        %add3A_409 = vector.broadcast %add3A_408 : f32 to vector<16xf32>
        %add3A_410 = arith.addf %mul3A_407, %add3A_409 : vector<16xf32>
        %mul3A_411 = arith.mulf %add3A_410, %exp3A_392 : vector<16xf32>
        %add3A_412 = arith.constant -0.24825649 : f32
        %add3A_413 = vector.broadcast %add3A_412 : f32 to vector<16xf32>
        %add3A_414 = arith.addf %mul3A_411, %add3A_413 : vector<16xf32>
        %mul3A_415 = arith.mulf %add3A_414, %exp3A_392 : vector<16xf32>
        %add3A_416 = arith.constant 0.333160102 : f32
        %add3A_417 = vector.broadcast %add3A_416 : f32 to vector<16xf32>
        %add3A_418 = arith.addf %mul3A_415, %add3A_417 : vector<16xf32>
        %mul3A_419 = arith.mulf %add3A_418, %exp3A_392 : vector<16xf32>
        %add3A_420 = arith.constant -0.499992549 : f32
        %add3A_421 = vector.broadcast %add3A_420 : f32 to vector<16xf32>
        %add3A_422 = arith.addf %mul3A_419, %add3A_421 : vector<16xf32>
        %mul3A_423 = arith.mulf %add3A_422, %exp3A_392 : vector<16xf32>
        %add3A_424 = arith.constant 0.99999994 : f32
        %add3A_425 = vector.broadcast %add3A_424 : f32 to vector<16xf32>
        %add3A_426 = arith.addf %mul3A_423, %add3A_425 : vector<16xf32>
        %max3A_427 = arith.constant 0.000000e+00 : f32
        %max3A_428 = vector.broadcast %max3A_427 : f32 to vector<16xf32>
        %max3A_429 = arith.maximumf %get3A_383, %max3A_428 : vector<16xf32>
        %mul3A_430 = arith.mulf %exp3A_392, %add3A_426 : vector<16xf32>
        %add3A_431 = arith.addf %max3A_429, %mul3A_430 : vector<16xf32>
        %mul3A_432 = arith.mulf %get3A_387, %get3A_383 : vector<16xf32>
        %sub3A_433 = arith.subf %add3A_431, %mul3A_432 : vector<16xf32>
        %add3A_434 = arith.addf %scan3A_134, %sub3A_433 : vector<16xf32>
        %gt3A_435 = arith.constant 5.000000e-01 : f32
        %gt3A_436 = vector.broadcast %gt3A_435 : f32 to vector<16xf32>
        %gt3A_437 = arith.cmpf ogt, %get3A_387, %gt3A_436 : vector<16xf32>
        %all_reduce_population_count3A_438 = tpu.all_reduce %gt3A_437 {dim = 0 : i64, kind = #tpu.reduction_kind<sum>} : vector<16xi1> -> vector<16xi32>
        %add3A_439 = arith.addi %add3A_199, %all_reduce_population_count3A_438 : vector<16xi32>
        %get3A_440 = arith.index_cast %rem3A_87 : i32 to index
        %get3A_441 = arith.index_cast %scan3A_129 : i32 to index
        %get3A_442 = arith.constant 80 : index
        %get3A_443 = tpu.vector_load %arg7[%get3A_440, %get3A_441, %get3A_442] {strides = array<i32>} : memref<2x16x1000xf32, #tpu.memory_space<vmem>>, vector<16xf32>,
        %get3A_444 = arith.index_cast %rem3A_87 : i32 to index
        %get3A_445 = arith.index_cast %scan3A_129 : i32 to index
        %get3A_446 = arith.constant 80 : index
        %get3A_447 = tpu.vector_load %arg8[%get3A_444, %get3A_445, %get3A_446] {strides = array<i32>} : memref<2x16x1000xf32, #tpu.memory_space<vmem>>, vector<16xf32>,
        %abs3A_448 = math.absf %get3A_443 : vector<16xf32>
        %neg3A_449 = arith.constant 0.000000e+00 : f32
        %neg3A_450 = vector.broadcast %neg3A_449 : f32 to vector<16xf32>
        %neg3A_451 = arith.subf %neg3A_450, %abs3A_448 : vector<16xf32>
        %exp3A_452 = math.exp %neg3A_451 : vector<16xf32>
        %mul3A_453 = arith.constant 0.00518600363 : f32
        %mul3A_454 = vector.broadcast %mul3A_453 : f32 to vector<16xf32>
        %mul3A_455 = arith.mulf %mul3A_454, %exp3A_452 : vector<16xf32>
        %add3A_456 = arith.constant -0.0292102676 : f32
        %add3A_457 = vector.broadcast %add3A_456 : f32 to vector<16xf32>
        %add3A_458 = arith.addf %mul3A_455, %add3A_457 : vector<16xf32>
        %mul3A_459 = arith.mulf %add3A_458, %exp3A_452 : vector<16xf32>
        %add3A_460 = arith.constant 0.0775403827 : f32
        %add3A_461 = vector.broadcast %add3A_460 : f32 to vector<16xf32>
        %add3A_462 = arith.addf %mul3A_459, %add3A_461 : vector<16xf32>
        %mul3A_463 = arith.mulf %add3A_462, %exp3A_452 : vector<16xf32>
        %add3A_464 = arith.constant -0.135839418 : f32
        %add3A_465 = vector.broadcast %add3A_464 : f32 to vector<16xf32>
        %add3A_466 = arith.addf %mul3A_463, %add3A_465 : vector<16xf32>
        %mul3A_467 = arith.mulf %add3A_466, %exp3A_452 : vector<16xf32>
        %add3A_468 = arith.constant 0.190559551 : f32
        %add3A_469 = vector.broadcast %add3A_468 : f32 to vector<16xf32>
        %add3A_470 = arith.addf %mul3A_467, %add3A_469 : vector<16xf32>
        %mul3A_471 = arith.mulf %add3A_470, %exp3A_452 : vector<16xf32>
        %add3A_472 = arith.constant -0.24825649 : f32
        %add3A_473 = vector.broadcast %add3A_472 : f32 to vector<16xf32>
        %add3A_474 = arith.addf %mul3A_471, %add3A_473 : vector<16xf32>
        %mul3A_475 = arith.mulf %add3A_474, %exp3A_452 : vector<16xf32>
        %add3A_476 = arith.constant 0.333160102 : f32
        %add3A_477 = vector.broadcast %add3A_476 : f32 to vector<16xf32>
        %add3A_478 = arith.addf %mul3A_475, %add3A_477 : vector<16xf32>
        %mul3A_479 = arith.mulf %add3A_478, %exp3A_452 : vector<16xf32>
        %add3A_480 = arith.constant -0.499992549 : f32
        %add3A_481 = vector.broadcast %add3A_480 : f32 to vector<16xf32>
        %add3A_482 = arith.addf %mul3A_479, %add3A_481 : vector<16xf32>
        %mul3A_483 = arith.mulf %add3A_482, %exp3A_452 : vector<16xf32>
        %add3A_484 = arith.constant 0.99999994 : f32
        %add3A_485 = vector.broadcast %add3A_484 : f32 to vector<16xf32>
        %add3A_486 = arith.addf %mul3A_483, %add3A_485 : vector<16xf32>
        %max3A_487 = arith.constant 0.000000e+00 : f32
        %max3A_488 = vector.broadcast %max3A_487 : f32 to vector<16xf32>
        %max3A_489 = arith.maximumf %get3A_443, %max3A_488 : vector<16xf32>
        %mul3A_490 = arith.mulf %exp3A_452, %add3A_486 : vector<16xf32>
        %add3A_491 = arith.addf %max3A_489, %mul3A_490 : vector<16xf32>
        %mul3A_492 = arith.mulf %get3A_447, %get3A_443 : vector<16xf32>
        %sub3A_493 = arith.subf %add3A_491, %mul3A_492 : vector<16xf32>
        %add3A_494 = arith.addf %scan3A_135, %sub3A_493 : vector<16xf32>
        %gt3A_495 = arith.constant 5.000000e-01 : f32
        %gt3A_496 = vector.broadcast %gt3A_495 : f32 to vector<16xf32>
        %gt3A_497 = arith.cmpf ogt, %get3A_447, %gt3A_496 : vector<16xf32>
        %all_reduce_population_count3A_498 = tpu.all_reduce %gt3A_497 {dim = 0 : i64, kind = #tpu.reduction_kind<sum>} : vector<16xi1> -> vector<16xi32>
        %add3A_499 = arith.addi %add3A_259, %all_reduce_population_count3A_498 : vector<16xi32>
        %get3A_500 = arith.index_cast %rem3A_87 : i32 to index
        %get3A_501 = arith.index_cast %scan3A_129 : i32 to index
        %get3A_502 = arith.constant 96 : index
        %get3A_503 = tpu.vector_load %arg7[%get3A_500, %get3A_501, %get3A_502] {strides = array<i32>} : memref<2x16x1000xf32, #tpu.memory_space<vmem>>, vector<16xf32>,
        %get3A_504 = arith.index_cast %rem3A_87 : i32 to index
        %get3A_505 = arith.index_cast %scan3A_129 : i32 to index
        %get3A_506 = arith.constant 96 : index
        %get3A_507 = tpu.vector_load %arg8[%get3A_504, %get3A_505, %get3A_506] {strides = array<i32>} : memref<2x16x1000xf32, #tpu.memory_space<vmem>>, vector<16xf32>,
        %abs3A_508 = math.absf %get3A_503 : vector<16xf32>
        %neg3A_509 = arith.constant 0.000000e+00 : f32
        %neg3A_510 = vector.broadcast %neg3A_509 : f32 to vector<16xf32>
        %neg3A_511 = arith.subf %neg3A_510, %abs3A_508 : vector<16xf32>
        %exp3A_512 = math.exp %neg3A_511 : vector<16xf32>
        %mul3A_513 = arith.constant 0.00518600363 : f32
        %mul3A_514 = vector.broadcast %mul3A_513 : f32 to vector<16xf32>
        %mul3A_515 = arith.mulf %mul3A_514, %exp3A_512 : vector<16xf32>
        %add3A_516 = arith.constant -0.0292102676 : f32
        %add3A_517 = vector.broadcast %add3A_516 : f32 to vector<16xf32>
        %add3A_518 = arith.addf %mul3A_515, %add3A_517 : vector<16xf32>
        %mul3A_519 = arith.mulf %add3A_518, %exp3A_512 : vector<16xf32>
        %add3A_520 = arith.constant 0.0775403827 : f32
        %add3A_521 = vector.broadcast %add3A_520 : f32 to vector<16xf32>
        %add3A_522 = arith.addf %mul3A_519, %add3A_521 : vector<16xf32>
        %mul3A_523 = arith.mulf %add3A_522, %exp3A_512 : vector<16xf32>
        %add3A_524 = arith.constant -0.135839418 : f32
        %add3A_525 = vector.broadcast %add3A_524 : f32 to vector<16xf32>
        %add3A_526 = arith.addf %mul3A_523, %add3A_525 : vector<16xf32>
        %mul3A_527 = arith.mulf %add3A_526, %exp3A_512 : vector<16xf32>
        %add3A_528 = arith.constant 0.190559551 : f32
        %add3A_529 = vector.broadcast %add3A_528 : f32 to vector<16xf32>
        %add3A_530 = arith.addf %mul3A_527, %add3A_529 : vector<16xf32>
        %mul3A_531 = arith.mulf %add3A_530, %exp3A_512 : vector<16xf32>
        %add3A_532 = arith.constant -0.24825649 : f32
        %add3A_533 = vector.broadcast %add3A_532 : f32 to vector<16xf32>
        %add3A_534 = arith.addf %mul3A_531, %add3A_533 : vector<16xf32>
        %mul3A_535 = arith.mulf %add3A_534, %exp3A_512 : vector<16xf32>
        %add3A_536 = arith.constant 0.333160102 : f32
        %add3A_537 = vector.broadcast %add3A_536 : f32 to vector<16xf32>
        %add3A_538 = arith.addf %mul3A_535, %add3A_537 : vector<16xf32>
        %mul3A_539 = arith.mulf %add3A_538, %exp3A_512 : vector<16xf32>
        %add3A_540 = arith.constant -0.499992549 : f32
        %add3A_541 = vector.broadcast %add3A_540 : f32 to vector<16xf32>
        %add3A_542 = arith.addf %mul3A_539, %add3A_541 : vector<16xf32>
        %mul3A_543 = arith.mulf %add3A_542, %exp3A_512 : vector<16xf32>
        %add3A_544 = arith.constant 0.99999994 : f32
        %add3A_545 = vector.broadcast %add3A_544 : f32 to vector<16xf32>
        %add3A_546 = arith.addf %mul3A_543, %add3A_545 : vector<16xf32>
        %max3A_547 = arith.constant 0.000000e+00 : f32
        %max3A_548 = vector.broadcast %max3A_547 : f32 to vector<16xf32>
        %max3A_549 = arith.maximumf %get3A_503, %max3A_548 : vector<16xf32>
        %mul3A_550 = arith.mulf %exp3A_512, %add3A_546 : vector<16xf32>
        %add3A_551 = arith.addf %max3A_549, %mul3A_550 : vector<16xf32>
        %mul3A_552 = arith.mulf %get3A_507, %get3A_503 : vector<16xf32>
        %sub3A_553 = arith.subf %add3A_551, %mul3A_552 : vector<16xf32>
        %add3A_554 = arith.addf %scan3A_136, %sub3A_553 : vector<16xf32>
        %gt3A_555 = arith.constant 5.000000e-01 : f32
        %gt3A_556 = vector.broadcast %gt3A_555 : f32 to vector<16xf32>
        %gt3A_557 = arith.cmpf ogt, %get3A_507, %gt3A_556 : vector<16xf32>
        %all_reduce_population_count3A_558 = tpu.all_reduce %gt3A_557 {dim = 0 : i64, kind = #tpu.reduction_kind<sum>} : vector<16xi1> -> vector<16xi32>
        %add3A_559 = arith.addi %add3A_319, %all_reduce_population_count3A_558 : vector<16xi32>
        %get3A_560 = arith.index_cast %rem3A_87 : i32 to index
        %get3A_561 = arith.index_cast %scan3A_129 : i32 to index
        %get3A_562 = arith.constant 112 : index
        %get3A_563 = tpu.vector_load %arg7[%get3A_560, %get3A_561, %get3A_562] {strides = array<i32>} : memref<2x16x1000xf32, #tpu.memory_space<vmem>>, vector<16xf32>,
        %get3A_564 = arith.index_cast %rem3A_87 : i32 to index
        %get3A_565 = arith.index_cast %scan3A_129 : i32 to index
        %get3A_566 = arith.constant 112 : index
        %get3A_567 = tpu.vector_load %arg8[%get3A_564, %get3A_565, %get3A_566] {strides = array<i32>} : memref<2x16x1000xf32, #tpu.memory_space<vmem>>, vector<16xf32>,
        %abs3A_568 = math.absf %get3A_563 : vector<16xf32>
        %neg3A_569 = arith.constant 0.000000e+00 : f32
        %neg3A_570 = vector.broadcast %neg3A_569 : f32 to vector<16xf32>
        %neg3A_571 = arith.subf %neg3A_570, %abs3A_568 : vector<16xf32>
        %exp3A_572 = math.exp %neg3A_571 : vector<16xf32>
        %mul3A_573 = arith.constant 0.00518600363 : f32
        %mul3A_574 = vector.broadcast %mul3A_573 : f32 to vector<16xf32>
        %mul3A_575 = arith.mulf %mul3A_574, %exp3A_572 : vector<16xf32>
        %add3A_576 = arith.constant -0.0292102676 : f32
        %add3A_577 = vector.broadcast %add3A_576 : f32 to vector<16xf32>
        %add3A_578 = arith.addf %mul3A_575, %add3A_577 : vector<16xf32>
        %mul3A_579 = arith.mulf %add3A_578, %exp3A_572 : vector<16xf32>
        %add3A_580 = arith.constant 0.0775403827 : f32
        %add3A_581 = vector.broadcast %add3A_580 : f32 to vector<16xf32>
        %add3A_582 = arith.addf %mul3A_579, %add3A_581 : vector<16xf32>
        %mul3A_583 = arith.mulf %add3A_582, %exp3A_572 : vector<16xf32>
        %add3A_584 = arith.constant -0.135839418 : f32
        %add3A_585 = vector.broadcast %add3A_584 : f32 to vector<16xf32>
        %add3A_586 = arith.addf %mul3A_583, %add3A_585 : vector<16xf32>
        %mul3A_587 = arith.mulf %add3A_586, %exp3A_572 : vector<16xf32>
        %add3A_588 = arith.constant 0.190559551 : f32
        %add3A_589 = vector.broadcast %add3A_588 : f32 to vector<16xf32>
        %add3A_590 = arith.addf %mul3A_587, %add3A_589 : vector<16xf32>
        %mul3A_591 = arith.mulf %add3A_590, %exp3A_572 : vector<16xf32>
        %add3A_592 = arith.constant -0.24825649 : f32
        %add3A_593 = vector.broadcast %add3A_592 : f32 to vector<16xf32>
        %add3A_594 = arith.addf %mul3A_591, %add3A_593 : vector<16xf32>
        %mul3A_595 = arith.mulf %add3A_594, %exp3A_572 : vector<16xf32>
        %add3A_596 = arith.constant 0.333160102 : f32
        %add3A_597 = vector.broadcast %add3A_596 : f32 to vector<16xf32>
        %add3A_598 = arith.addf %mul3A_595, %add3A_597 : vector<16xf32>
        %mul3A_599 = arith.mulf %add3A_598, %exp3A_572 : vector<16xf32>
        %add3A_600 = arith.constant -0.499992549 : f32
        %add3A_601 = vector.broadcast %add3A_600 : f32 to vector<16xf32>
        %add3A_602 = arith.addf %mul3A_599, %add3A_601 : vector<16xf32>
        %mul3A_603 = arith.mulf %add3A_602, %exp3A_572 : vector<16xf32>
        %add3A_604 = arith.constant 0.99999994 : f32
        %add3A_605 = vector.broadcast %add3A_604 : f32 to vector<16xf32>
        %add3A_606 = arith.addf %mul3A_603, %add3A_605 : vector<16xf32>
        %max3A_607 = arith.constant 0.000000e+00 : f32
        %max3A_608 = vector.broadcast %max3A_607 : f32 to vector<16xf32>
        %max3A_609 = arith.maximumf %get3A_563, %max3A_608 : vector<16xf32>
        %mul3A_610 = arith.mulf %exp3A_572, %add3A_606 : vector<16xf32>
        %add3A_611 = arith.addf %max3A_609, %mul3A_610 : vector<16xf32>
        %mul3A_612 = arith.mulf %get3A_567, %get3A_563 : vector<16xf32>
        %sub3A_613 = arith.subf %add3A_611, %mul3A_612 : vector<16xf32>
        %add3A_614 = arith.addf %scan3A_137, %sub3A_613 : vector<16xf32>
        %gt3A_615 = arith.constant 5.000000e-01 : f32
        %gt3A_616 = vector.broadcast %gt3A_615 : f32 to vector<16xf32>
        %gt3A_617 = arith.cmpf ogt, %get3A_567, %gt3A_616 : vector<16xf32>
        %all_reduce_population_count3A_618 = tpu.all_reduce %gt3A_617 {dim = 0 : i64, kind = #tpu.reduction_kind<sum>} : vector<16xi1> -> vector<16xi32>
        %add3A_619 = arith.addi %add3A_379, %all_reduce_population_count3A_618 : vector<16xi32>
        %get3A_620 = arith.index_cast %rem3A_87 : i32 to index
        %get3A_621 = arith.index_cast %scan3A_129 : i32 to index
        %get3A_622 = arith.constant 128 : index
        %get3A_623 = tpu.vector_load %arg7[%get3A_620, %get3A_621, %get3A_622] {strides = array<i32>} : memref<2x16x1000xf32, #tpu.memory_space<vmem>>, vector<16xf32>,
        %get3A_624 = arith.index_cast %rem3A_87 : i32 to index
        %get3A_625 = arith.index_cast %scan3A_129 : i32 to index
        %get3A_626 = arith.constant 128 : index
        %get3A_627 = tpu.vector_load %arg8[%get3A_624, %get3A_625, %get3A_626] {strides = array<i32>} : memref<2x16x1000xf32, #tpu.memory_space<vmem>>, vector<16xf32>,
        %abs3A_628 = math.absf %get3A_623 : vector<16xf32>
        %neg3A_629 = arith.constant 0.000000e+00 : f32
        %neg3A_630 = vector.broadcast %neg3A_629 : f32 to vector<16xf32>
        %neg3A_631 = arith.subf %neg3A_630, %abs3A_628 : vector<16xf32>
        %exp3A_632 = math.exp %neg3A_631 : vector<16xf32>
        %mul3A_633 = arith.constant 0.00518600363 : f32
        %mul3A_634 = vector.broadcast %mul3A_633 : f32 to vector<16xf32>
        %mul3A_635 = arith.mulf %mul3A_634, %exp3A_632 : vector<16xf32>
        %add3A_636 = arith.constant -0.0292102676 : f32
        %add3A_637 = vector.broadcast %add3A_636 : f32 to vector<16xf32>
        %add3A_638 = arith.addf %mul3A_635, %add3A_637 : vector<16xf32>
        %mul3A_639 = arith.mulf %add3A_638, %exp3A_632 : vector<16xf32>
        %add3A_640 = arith.constant 0.0775403827 : f32
        %add3A_641 = vector.broadcast %add3A_640 : f32 to vector<16xf32>
        %add3A_642 = arith.addf %mul3A_639, %add3A_641 : vector<16xf32>
        %mul3A_643 = arith.mulf %add3A_642, %exp3A_632 : vector<16xf32>
        %add3A_644 = arith.constant -0.135839418 : f32
        %add3A_645 = vector.broadcast %add3A_644 : f32 to vector<16xf32>
        %add3A_646 = arith.addf %mul3A_643, %add3A_645 : vector<16xf32>
        %mul3A_647 = arith.mulf %add3A_646, %exp3A_632 : vector<16xf32>
        %add3A_648 = arith.constant 0.190559551 : f32
        %add3A_649 = vector.broadcast %add3A_648 : f32 to vector<16xf32>
        %add3A_650 = arith.addf %mul3A_647, %add3A_649 : vector<16xf32>
        %mul3A_651 = arith.mulf %add3A_650, %exp3A_632 : vector<16xf32>
        %add3A_652 = arith.constant -0.24825649 : f32
        %add3A_653 = vector.broadcast %add3A_652 : f32 to vector<16xf32>
        %add3A_654 = arith.addf %mul3A_651, %add3A_653 : vector<16xf32>
        %mul3A_655 = arith.mulf %add3A_654, %exp3A_632 : vector<16xf32>
        %add3A_656 = arith.constant 0.333160102 : f32
        %add3A_657 = vector.broadcast %add3A_656 : f32 to vector<16xf32>
        %add3A_658 = arith.addf %mul3A_655, %add3A_657 : vector<16xf32>
        %mul3A_659 = arith.mulf %add3A_658, %exp3A_632 : vector<16xf32>
        %add3A_660 = arith.constant -0.499992549 : f32
        %add3A_661 = vector.broadcast %add3A_660 : f32 to vector<16xf32>
        %add3A_662 = arith.addf %mul3A_659, %add3A_661 : vector<16xf32>
        %mul3A_663 = arith.mulf %add3A_662, %exp3A_632 : vector<16xf32>
        %add3A_664 = arith.constant 0.99999994 : f32
        %add3A_665 = vector.broadcast %add3A_664 : f32 to vector<16xf32>
        %add3A_666 = arith.addf %mul3A_663, %add3A_665 : vector<16xf32>
        %max3A_667 = arith.constant 0.000000e+00 : f32
        %max3A_668 = vector.broadcast %max3A_667 : f32 to vector<16xf32>
        %max3A_669 = arith.maximumf %get3A_623, %max3A_668 : vector<16xf32>
        %mul3A_670 = arith.mulf %exp3A_632, %add3A_666 : vector<16xf32>
        %add3A_671 = arith.addf %max3A_669, %mul3A_670 : vector<16xf32>
        %mul3A_672 = arith.mulf %get3A_627, %get3A_623 : vector<16xf32>
        %sub3A_673 = arith.subf %add3A_671, %mul3A_672 : vector<16xf32>
        %add3A_674 = arith.addf %add3A_196, %sub3A_673 : vector<16xf32>
        %gt3A_675 = arith.constant 5.000000e-01 : f32
        %gt3A_676 = vector.broadcast %gt3A_675 : f32 to vector<16xf32>
        %gt3A_677 = arith.cmpf ogt, %get3A_627, %gt3A_676 : vector<16xf32>
        %all_reduce_population_count3A_678 = tpu.all_reduce %gt3A_677 {dim = 0 : i64, kind = #tpu.reduction_kind<sum>} : vector<16xi1> -> vector<16xi32>
        %add3A_679 = arith.addi %add3A_439, %all_reduce_population_count3A_678 : vector<16xi32>
        %get3A_680 = arith.index_cast %rem3A_87 : i32 to index
        %get3A_681 = arith.index_cast %scan3A_129 : i32 to index
        %get3A_682 = arith.constant 144 : index
        %get3A_683 = tpu.vector_load %arg7[%get3A_680, %get3A_681, %get3A_682] {strides = array<i32>} : memref<2x16x1000xf32, #tpu.memory_space<vmem>>, vector<16xf32>,
        %get3A_684 = arith.index_cast %rem3A_87 : i32 to index
        %get3A_685 = arith.index_cast %scan3A_129 : i32 to index
        %get3A_686 = arith.constant 144 : index
        %get3A_687 = tpu.vector_load %arg8[%get3A_684, %get3A_685, %get3A_686] {strides = array<i32>} : memref<2x16x1000xf32, #tpu.memory_space<vmem>>, vector<16xf32>,
        %abs3A_688 = math.absf %get3A_683 : vector<16xf32>
        %neg3A_689 = arith.constant 0.000000e+00 : f32
        %neg3A_690 = vector.broadcast %neg3A_689 : f32 to vector<16xf32>
        %neg3A_691 = arith.subf %neg3A_690, %abs3A_688 : vector<16xf32>
        %exp3A_692 = math.exp %neg3A_691 : vector<16xf32>
        %mul3A_693 = arith.constant 0.00518600363 : f32
        %mul3A_694 = vector.broadcast %mul3A_693 : f32 to vector<16xf32>
        %mul3A_695 = arith.mulf %mul3A_694, %exp3A_692 : vector<16xf32>
        %add3A_696 = arith.constant -0.0292102676 : f32
        %add3A_697 = vector.broadcast %add3A_696 : f32 to vector<16xf32>
        %add3A_698 = arith.addf %mul3A_695, %add3A_697 : vector<16xf32>
        %mul3A_699 = arith.mulf %add3A_698, %exp3A_692 : vector<16xf32>
        %add3A_700 = arith.constant 0.0775403827 : f32
        %add3A_701 = vector.broadcast %add3A_700 : f32 to vector<16xf32>
        %add3A_702 = arith.addf %mul3A_699, %add3A_701 : vector<16xf32>
        %mul3A_703 = arith.mulf %add3A_702, %exp3A_692 : vector<16xf32>
        %add3A_704 = arith.constant -0.135839418 : f32
        %add3A_705 = vector.broadcast %add3A_704 : f32 to vector<16xf32>
        %add3A_706 = arith.addf %mul3A_703, %add3A_705 : vector<16xf32>
        %mul3A_707 = arith.mulf %add3A_706, %exp3A_692 : vector<16xf32>
        %add3A_708 = arith.constant 0.190559551 : f32
        %add3A_709 = vector.broadcast %add3A_708 : f32 to vector<16xf32>
        %add3A_710 = arith.addf %mul3A_707, %add3A_709 : vector<16xf32>
        %mul3A_711 = arith.mulf %add3A_710, %exp3A_692 : vector<16xf32>
        %add3A_712 = arith.constant -0.24825649 : f32
        %add3A_713 = vector.broadcast %add3A_712 : f32 to vector<16xf32>
        %add3A_714 = arith.addf %mul3A_711, %add3A_713 : vector<16xf32>
        %mul3A_715 = arith.mulf %add3A_714, %exp3A_692 : vector<16xf32>
        %add3A_716 = arith.constant 0.333160102 : f32
        %add3A_717 = vector.broadcast %add3A_716 : f32 to vector<16xf32>
        %add3A_718 = arith.addf %mul3A_715, %add3A_717 : vector<16xf32>
        %mul3A_719 = arith.mulf %add3A_718, %exp3A_692 : vector<16xf32>
        %add3A_720 = arith.constant -0.499992549 : f32
        %add3A_721 = vector.broadcast %add3A_720 : f32 to vector<16xf32>
        %add3A_722 = arith.addf %mul3A_719, %add3A_721 : vector<16xf32>
        %mul3A_723 = arith.mulf %add3A_722, %exp3A_692 : vector<16xf32>
        %add3A_724 = arith.constant 0.99999994 : f32
        %add3A_725 = vector.broadcast %add3A_724 : f32 to vector<16xf32>
        %add3A_726 = arith.addf %mul3A_723, %add3A_725 : vector<16xf32>
        %max3A_727 = arith.constant 0.000000e+00 : f32
        %max3A_728 = vector.broadcast %max3A_727 : f32 to vector<16xf32>
        %max3A_729 = arith.maximumf %get3A_683, %max3A_728 : vector<16xf32>
        %mul3A_730 = arith.mulf %exp3A_692, %add3A_726 : vector<16xf32>
        %add3A_731 = arith.addf %max3A_729, %mul3A_730 : vector<16xf32>
        %mul3A_732 = arith.mulf %get3A_687, %get3A_683 : vector<16xf32>
        %sub3A_733 = arith.subf %add3A_731, %mul3A_732 : vector<16xf32>
        %add3A_734 = arith.addf %add3A_254, %sub3A_733 : vector<16xf32>
        %gt3A_735 = arith.constant 5.000000e-01 : f32
        %gt3A_736 = vector.broadcast %gt3A_735 : f32 to vector<16xf32>
        %gt3A_737 = arith.cmpf ogt, %get3A_687, %gt3A_736 : vector<16xf32>
        %all_reduce_population_count3A_738 = tpu.all_reduce %gt3A_737 {dim = 0 : i64, kind = #tpu.reduction_kind<sum>} : vector<16xi1> -> vector<16xi32>
        %add3A_739 = arith.addi %add3A_499, %all_reduce_population_count3A_738 : vector<16xi32>
        %get3A_740 = arith.index_cast %rem3A_87 : i32 to index
        %get3A_741 = arith.index_cast %scan3A_129 : i32 to index
        %get3A_742 = arith.constant 160 : index
        %get3A_743 = tpu.vector_load %arg7[%get3A_740, %get3A_741, %get3A_742] {strides = array<i32>} : memref<2x16x1000xf32, #tpu.memory_space<vmem>>, vector<16xf32>,
        %get3A_744 = arith.index_cast %rem3A_87 : i32 to index
        %get3A_745 = arith.index_cast %scan3A_129 : i32 to index
        %get3A_746 = arith.constant 160 : index
        %get3A_747 = tpu.vector_load %arg8[%get3A_744, %get3A_745, %get3A_746] {strides = array<i32>} : memref<2x16x1000xf32, #tpu.memory_space<vmem>>, vector<16xf32>,
        %abs3A_748 = math.absf %get3A_743 : vector<16xf32>
        %neg3A_749 = arith.constant 0.000000e+00 : f32
        %neg3A_750 = vector.broadcast %neg3A_749 : f32 to vector<16xf32>
        %neg3A_751 = arith.subf %neg3A_750, %abs3A_748 : vector<16xf32>
        %exp3A_752 = math.exp %neg3A_751 : vector<16xf32>
        %mul3A_753 = arith.constant 0.00518600363 : f32
        %mul3A_754 = vector.broadcast %mul3A_753 : f32 to vector<16xf32>
        %mul3A_755 = arith.mulf %mul3A_754, %exp3A_752 : vector<16xf32>
        %add3A_756 = arith.constant -0.0292102676 : f32
        %add3A_757 = vector.broadcast %add3A_756 : f32 to vector<16xf32>
        %add3A_758 = arith.addf %mul3A_755, %add3A_757 : vector<16xf32>
        %mul3A_759 = arith.mulf %add3A_758, %exp3A_752 : vector<16xf32>
        %add3A_760 = arith.constant 0.0775403827 : f32
        %add3A_761 = vector.broadcast %add3A_760 : f32 to vector<16xf32>
        %add3A_762 = arith.addf %mul3A_759, %add3A_761 : vector<16xf32>
        %mul3A_763 = arith.mulf %add3A_762, %exp3A_752 : vector<16xf32>
        %add3A_764 = arith.constant -0.135839418 : f32
        %add3A_765 = vector.broadcast %add3A_764 : f32 to vector<16xf32>
        %add3A_766 = arith.addf %mul3A_763, %add3A_765 : vector<16xf32>
        %mul3A_767 = arith.mulf %add3A_766, %exp3A_752 : vector<16xf32>
        %add3A_768 = arith.constant 0.190559551 : f32
        %add3A_769 = vector.broadcast %add3A_768 : f32 to vector<16xf32>
        %add3A_770 = arith.addf %mul3A_767, %add3A_769 : vector<16xf32>
        %mul3A_771 = arith.mulf %add3A_770, %exp3A_752 : vector<16xf32>
        %add3A_772 = arith.constant -0.24825649 : f32
        %add3A_773 = vector.broadcast %add3A_772 : f32 to vector<16xf32>
        %add3A_774 = arith.addf %mul3A_771, %add3A_773 : vector<16xf32>
        %mul3A_775 = arith.mulf %add3A_774, %exp3A_752 : vector<16xf32>
        %add3A_776 = arith.constant 0.333160102 : f32
        %add3A_777 = vector.broadcast %add3A_776 : f32 to vector<16xf32>
        %add3A_778 = arith.addf %mul3A_775, %add3A_777 : vector<16xf32>
        %mul3A_779 = arith.mulf %add3A_778, %exp3A_752 : vector<16xf32>
        %add3A_780 = arith.constant -0.499992549 : f32
        %add3A_781 = vector.broadcast %add3A_780 : f32 to vector<16xf32>
        %add3A_782 = arith.addf %mul3A_779, %add3A_781 : vector<16xf32>
        %mul3A_783 = arith.mulf %add3A_782, %exp3A_752 : vector<16xf32>
        %add3A_784 = arith.constant 0.99999994 : f32
        %add3A_785 = vector.broadcast %add3A_784 : f32 to vector<16xf32>
        %add3A_786 = arith.addf %mul3A_783, %add3A_785 : vector<16xf32>
        %max3A_787 = arith.constant 0.000000e+00 : f32
        %max3A_788 = vector.broadcast %max3A_787 : f32 to vector<16xf32>
        %max3A_789 = arith.maximumf %get3A_743, %max3A_788 : vector<16xf32>
        %mul3A_790 = arith.mulf %exp3A_752, %add3A_786 : vector<16xf32>
        %add3A_791 = arith.addf %max3A_789, %mul3A_790 : vector<16xf32>
        %mul3A_792 = arith.mulf %get3A_747, %get3A_743 : vector<16xf32>
        %sub3A_793 = arith.subf %add3A_791, %mul3A_792 : vector<16xf32>
        %add3A_794 = arith.addf %add3A_314, %sub3A_793 : vector<16xf32>
        %gt3A_795 = arith.constant 5.000000e-01 : f32
        %gt3A_796 = vector.broadcast %gt3A_795 : f32 to vector<16xf32>
        %gt3A_797 = arith.cmpf ogt, %get3A_747, %gt3A_796 : vector<16xf32>
        %all_reduce_population_count3A_798 = tpu.all_reduce %gt3A_797 {dim = 0 : i64, kind = #tpu.reduction_kind<sum>} : vector<16xi1> -> vector<16xi32>
        %add3A_799 = arith.addi %add3A_559, %all_reduce_population_count3A_798 : vector<16xi32>
        %get3A_800 = arith.index_cast %rem3A_87 : i32 to index
        %get3A_801 = arith.index_cast %scan3A_129 : i32 to index
        %get3A_802 = arith.constant 176 : index
        %get3A_803 = tpu.vector_load %arg7[%get3A_800, %get3A_801, %get3A_802] {strides = array<i32>} : memref<2x16x1000xf32, #tpu.memory_space<vmem>>, vector<16xf32>,
        %get3A_804 = arith.index_cast %rem3A_87 : i32 to index
        %get3A_805 = arith.index_cast %scan3A_129 : i32 to index
        %get3A_806 = arith.constant 176 : index
        %get3A_807 = tpu.vector_load %arg8[%get3A_804, %get3A_805, %get3A_806] {strides = array<i32>} : memref<2x16x1000xf32, #tpu.memory_space<vmem>>, vector<16xf32>,
        %abs3A_808 = math.absf %get3A_803 : vector<16xf32>
        %neg3A_809 = arith.constant 0.000000e+00 : f32
        %neg3A_810 = vector.broadcast %neg3A_809 : f32 to vector<16xf32>
        %neg3A_811 = arith.subf %neg3A_810, %abs3A_808 : vector<16xf32>
        %exp3A_812 = math.exp %neg3A_811 : vector<16xf32>
        %mul3A_813 = arith.constant 0.00518600363 : f32
        %mul3A_814 = vector.broadcast %mul3A_813 : f32 to vector<16xf32>
        %mul3A_815 = arith.mulf %mul3A_814, %exp3A_812 : vector<16xf32>
        %add3A_816 = arith.constant -0.0292102676 : f32
        %add3A_817 = vector.broadcast %add3A_816 : f32 to vector<16xf32>
        %add3A_818 = arith.addf %mul3A_815, %add3A_817 : vector<16xf32>
        %mul3A_819 = arith.mulf %add3A_818, %exp3A_812 : vector<16xf32>
        %add3A_820 = arith.constant 0.0775403827 : f32
        %add3A_821 = vector.broadcast %add3A_820 : f32 to vector<16xf32>
        %add3A_822 = arith.addf %mul3A_819, %add3A_821 : vector<16xf32>
        %mul3A_823 = arith.mulf %add3A_822, %exp3A_812 : vector<16xf32>
        %add3A_824 = arith.constant -0.135839418 : f32
        %add3A_825 = vector.broadcast %add3A_824 : f32 to vector<16xf32>
        %add3A_826 = arith.addf %mul3A_823, %add3A_825 : vector<16xf32>
        %mul3A_827 = arith.mulf %add3A_826, %exp3A_812 : vector<16xf32>
        %add3A_828 = arith.constant 0.190559551 : f32
        %add3A_829 = vector.broadcast %add3A_828 : f32 to vector<16xf32>
        %add3A_830 = arith.addf %mul3A_827, %add3A_829 : vector<16xf32>
        %mul3A_831 = arith.mulf %add3A_830, %exp3A_812 : vector<16xf32>
        %add3A_832 = arith.constant -0.24825649 : f32
        %add3A_833 = vector.broadcast %add3A_832 : f32 to vector<16xf32>
        %add3A_834 = arith.addf %mul3A_831, %add3A_833 : vector<16xf32>
        %mul3A_835 = arith.mulf %add3A_834, %exp3A_812 : vector<16xf32>
        %add3A_836 = arith.constant 0.333160102 : f32
        %add3A_837 = vector.broadcast %add3A_836 : f32 to vector<16xf32>
        %add3A_838 = arith.addf %mul3A_835, %add3A_837 : vector<16xf32>
        %mul3A_839 = arith.mulf %add3A_838, %exp3A_812 : vector<16xf32>
        %add3A_840 = arith.constant -0.499992549 : f32
        %add3A_841 = vector.broadcast %add3A_840 : f32 to vector<16xf32>
        %add3A_842 = arith.addf %mul3A_839, %add3A_841 : vector<16xf32>
        %mul3A_843 = arith.mulf %add3A_842, %exp3A_812 : vector<16xf32>
        %add3A_844 = arith.constant 0.99999994 : f32
        %add3A_845 = vector.broadcast %add3A_844 : f32 to vector<16xf32>
        %add3A_846 = arith.addf %mul3A_843, %add3A_845 : vector<16xf32>
        %max3A_847 = arith.constant 0.000000e+00 : f32
        %max3A_848 = vector.broadcast %max3A_847 : f32 to vector<16xf32>
        %max3A_849 = arith.maximumf %get3A_803, %max3A_848 : vector<16xf32>
        %mul3A_850 = arith.mulf %exp3A_812, %add3A_846 : vector<16xf32>
        %add3A_851 = arith.addf %max3A_849, %mul3A_850 : vector<16xf32>
        %mul3A_852 = arith.mulf %get3A_807, %get3A_803 : vector<16xf32>
        %sub3A_853 = arith.subf %add3A_851, %mul3A_852 : vector<16xf32>
        %add3A_854 = arith.addf %add3A_374, %sub3A_853 : vector<16xf32>
        %gt3A_855 = arith.constant 5.000000e-01 : f32
        %gt3A_856 = vector.broadcast %gt3A_855 : f32 to vector<16xf32>
        %gt3A_857 = arith.cmpf ogt, %get3A_807, %gt3A_856 : vector<16xf32>
        %all_reduce_population_count3A_858 = tpu.all_reduce %gt3A_857 {dim = 0 : i64, kind = #tpu.reduction_kind<sum>} : vector<16xi1> -> vector<16xi32>
        %add3A_859 = arith.addi %add3A_619, %all_reduce_population_count3A_858 : vector<16xi32>
        %get3A_860 = arith.index_cast %rem3A_87 : i32 to index
        %get3A_861 = arith.index_cast %scan3A_129 : i32 to index
        %get3A_862 = arith.constant 192 : index
        %get3A_863 = tpu.vector_load %arg7[%get3A_860, %get3A_861, %get3A_862] {strides = array<i32>} : memref<2x16x1000xf32, #tpu.memory_space<vmem>>, vector<16xf32>,
        %get3A_864 = arith.index_cast %rem3A_87 : i32 to index
        %get3A_865 = arith.index_cast %scan3A_129 : i32 to index
        %get3A_866 = arith.constant 192 : index
        %get3A_867 = tpu.vector_load %arg8[%get3A_864, %get3A_865, %get3A_866] {strides = array<i32>} : memref<2x16x1000xf32, #tpu.memory_space<vmem>>, vector<16xf32>,
        %abs3A_868 = math.absf %get3A_863 : vector<16xf32>
        %neg3A_869 = arith.constant 0.000000e+00 : f32
        %neg3A_870 = vector.broadcast %neg3A_869 : f32 to vector<16xf32>
        %neg3A_871 = arith.subf %neg3A_870, %abs3A_868 : vector<16xf32>
        %exp3A_872 = math.exp %neg3A_871 : vector<16xf32>
        %mul3A_873 = arith.constant 0.00518600363 : f32
        %mul3A_874 = vector.broadcast %mul3A_873 : f32 to vector<16xf32>
        %mul3A_875 = arith.mulf %mul3A_874, %exp3A_872 : vector<16xf32>
        %add3A_876 = arith.constant -0.0292102676 : f32
        %add3A_877 = vector.broadcast %add3A_876 : f32 to vector<16xf32>
        %add3A_878 = arith.addf %mul3A_875, %add3A_877 : vector<16xf32>
        %mul3A_879 = arith.mulf %add3A_878, %exp3A_872 : vector<16xf32>
        %add3A_880 = arith.constant 0.0775403827 : f32
        %add3A_881 = vector.broadcast %add3A_880 : f32 to vector<16xf32>
        %add3A_882 = arith.addf %mul3A_879, %add3A_881 : vector<16xf32>
        %mul3A_883 = arith.mulf %add3A_882, %exp3A_872 : vector<16xf32>
        %add3A_884 = arith.constant -0.135839418 : f32
        %add3A_885 = vector.broadcast %add3A_884 : f32 to vector<16xf32>
        %add3A_886 = arith.addf %mul3A_883, %add3A_885 : vector<16xf32>
        %mul3A_887 = arith.mulf %add3A_886, %exp3A_872 : vector<16xf32>
        %add3A_888 = arith.constant 0.190559551 : f32
        %add3A_889 = vector.broadcast %add3A_888 : f32 to vector<16xf32>
        %add3A_890 = arith.addf %mul3A_887, %add3A_889 : vector<16xf32>
        %mul3A_891 = arith.mulf %add3A_890, %exp3A_872 : vector<16xf32>
        %add3A_892 = arith.constant -0.24825649 : f32
        %add3A_893 = vector.broadcast %add3A_892 : f32 to vector<16xf32>
        %add3A_894 = arith.addf %mul3A_891, %add3A_893 : vector<16xf32>
        %mul3A_895 = arith.mulf %add3A_894, %exp3A_872 : vector<16xf32>
        %add3A_896 = arith.constant 0.333160102 : f32
        %add3A_897 = vector.broadcast %add3A_896 : f32 to vector<16xf32>
        %add3A_898 = arith.addf %mul3A_895, %add3A_897 : vector<16xf32>
        %mul3A_899 = arith.mulf %add3A_898, %exp3A_872 : vector<16xf32>
        %add3A_900 = arith.constant -0.499992549 : f32
        %add3A_901 = vector.broadcast %add3A_900 : f32 to vector<16xf32>
        %add3A_902 = arith.addf %mul3A_899, %add3A_901 : vector<16xf32>
        %mul3A_903 = arith.mulf %add3A_902, %exp3A_872 : vector<16xf32>
        %add3A_904 = arith.constant 0.99999994 : f32
        %add3A_905 = vector.broadcast %add3A_904 : f32 to vector<16xf32>
        %add3A_906 = arith.addf %mul3A_903, %add3A_905 : vector<16xf32>
        %max3A_907 = arith.constant 0.000000e+00 : f32
        %max3A_908 = vector.broadcast %max3A_907 : f32 to vector<16xf32>
        %max3A_909 = arith.maximumf %get3A_863, %max3A_908 : vector<16xf32>
        %mul3A_910 = arith.mulf %exp3A_872, %add3A_906 : vector<16xf32>
        %add3A_911 = arith.addf %max3A_909, %mul3A_910 : vector<16xf32>
        %mul3A_912 = arith.mulf %get3A_867, %get3A_863 : vector<16xf32>
        %sub3A_913 = arith.subf %add3A_911, %mul3A_912 : vector<16xf32>
        %add3A_914 = arith.addf %add3A_434, %sub3A_913 : vector<16xf32>
        %gt3A_915 = arith.constant 5.000000e-01 : f32
        %gt3A_916 = vector.broadcast %gt3A_915 : f32 to vector<16xf32>
        %gt3A_917 = arith.cmpf ogt, %get3A_867, %gt3A_916 : vector<16xf32>
        %all_reduce_population_count3A_918 = tpu.all_reduce %gt3A_917 {dim = 0 : i64, kind = #tpu.reduction_kind<sum>} : vector<16xi1> -> vector<16xi32>
        %add3A_919 = arith.addi %add3A_679, %all_reduce_population_count3A_918 : vector<16xi32>
        %get3A_920 = arith.index_cast %rem3A_87 : i32 to index
        %get3A_921 = arith.index_cast %scan3A_129 : i32 to index
        %get3A_922 = arith.constant 208 : index
        %get3A_923 = tpu.vector_load %arg7[%get3A_920, %get3A_921, %get3A_922] {strides = array<i32>} : memref<2x16x1000xf32, #tpu.memory_space<vmem>>, vector<16xf32>,
        %get3A_924 = arith.index_cast %rem3A_87 : i32 to index
        %get3A_925 = arith.index_cast %scan3A_129 : i32 to index
        %get3A_926 = arith.constant 208 : index
        %get3A_927 = tpu.vector_load %arg8[%get3A_924, %get3A_925, %get3A_926] {strides = array<i32>} : memref<2x16x1000xf32, #tpu.memory_space<vmem>>, vector<16xf32>,
        %abs3A_928 = math.absf %get3A_923 : vector<16xf32>
        %neg3A_929 = arith.constant 0.000000e+00 : f32
        %neg3A_930 = vector.broadcast %neg3A_929 : f32 to vector<16xf32>
        %neg3A_931 = arith.subf %neg3A_930, %abs3A_928 : vector<16xf32>
        %exp3A_932 = math.exp %neg3A_931 : vector<16xf32>
        %mul3A_933 = arith.constant 0.00518600363 : f32
        %mul3A_934 = vector.broadcast %mul3A_933 : f32 to vector<16xf32>
        %mul3A_935 = arith.mulf %mul3A_934, %exp3A_932 : vector<16xf32>
        %add3A_936 = arith.constant -0.0292102676 : f32
        %add3A_937 = vector.broadcast %add3A_936 : f32 to vector<16xf32>
        %add3A_938 = arith.addf %mul3A_935, %add3A_937 : vector<16xf32>
        %mul3A_939 = arith.mulf %add3A_938, %exp3A_932 : vector<16xf32>
        %add3A_940 = arith.constant 0.0775403827 : f32
        %add3A_941 = vector.broadcast %add3A_940 : f32 to vector<16xf32>
        %add3A_942 = arith.addf %mul3A_939, %add3A_941 : vector<16xf32>
        %mul3A_943 = arith.mulf %add3A_942, %exp3A_932 : vector<16xf32>
        %add3A_944 = arith.constant -0.135839418 : f32
        %add3A_945 = vector.broadcast %add3A_944 : f32 to vector<16xf32>
        %add3A_946 = arith.addf %mul3A_943, %add3A_945 : vector<16xf32>
        %mul3A_947 = arith.mulf %add3A_946, %exp3A_932 : vector<16xf32>
        %add3A_948 = arith.constant 0.190559551 : f32
        %add3A_949 = vector.broadcast %add3A_948 : f32 to vector<16xf32>
        %add3A_950 = arith.addf %mul3A_947, %add3A_949 : vector<16xf32>
        %mul3A_951 = arith.mulf %add3A_950, %exp3A_932 : vector<16xf32>
        %add3A_952 = arith.constant -0.24825649 : f32
        %add3A_953 = vector.broadcast %add3A_952 : f32 to vector<16xf32>
        %add3A_954 = arith.addf %mul3A_951, %add3A_953 : vector<16xf32>
        %mul3A_955 = arith.mulf %add3A_954, %exp3A_932 : vector<16xf32>
        %add3A_956 = arith.constant 0.333160102 : f32
        %add3A_957 = vector.broadcast %add3A_956 : f32 to vector<16xf32>
        %add3A_958 = arith.addf %mul3A_955, %add3A_957 : vector<16xf32>
        %mul3A_959 = arith.mulf %add3A_958, %exp3A_932 : vector<16xf32>
        %add3A_960 = arith.constant -0.499992549 : f32
        %add3A_961 = vector.broadcast %add3A_960 : f32 to vector<16xf32>
        %add3A_962 = arith.addf %mul3A_959, %add3A_961 : vector<16xf32>
        %mul3A_963 = arith.mulf %add3A_962, %exp3A_932 : vector<16xf32>
        %add3A_964 = arith.constant 0.99999994 : f32
        %add3A_965 = vector.broadcast %add3A_964 : f32 to vector<16xf32>
        %add3A_966 = arith.addf %mul3A_963, %add3A_965 : vector<16xf32>
        %max3A_967 = arith.constant 0.000000e+00 : f32
        %max3A_968 = vector.broadcast %max3A_967 : f32 to vector<16xf32>
        %max3A_969 = arith.maximumf %get3A_923, %max3A_968 : vector<16xf32>
        %mul3A_970 = arith.mulf %exp3A_932, %add3A_966 : vector<16xf32>
        %add3A_971 = arith.addf %max3A_969, %mul3A_970 : vector<16xf32>
        %mul3A_972 = arith.mulf %get3A_927, %get3A_923 : vector<16xf32>
        %sub3A_973 = arith.subf %add3A_971, %mul3A_972 : vector<16xf32>
        %add3A_974 = arith.addf %add3A_494, %sub3A_973 : vector<16xf32>
        %gt3A_975 = arith.constant 5.000000e-01 : f32
        %gt3A_976 = vector.broadcast %gt3A_975 : f32 to vector<16xf32>
        %gt3A_977 = arith.cmpf ogt, %get3A_927, %gt3A_976 : vector<16xf32>
        %all_reduce_population_count3A_978 = tpu.all_reduce %gt3A_977 {dim = 0 : i64, kind = #tpu.reduction_kind<sum>} : vector<16xi1> -> vector<16xi32>
        %add3A_979 = arith.addi %add3A_739, %all_reduce_population_count3A_978 : vector<16xi32>
        %get3A_980 = arith.index_cast %rem3A_87 : i32 to index
        %get3A_981 = arith.index_cast %scan3A_129 : i32 to index
        %get3A_982 = arith.constant 224 : index
        %get3A_983 = tpu.vector_load %arg7[%get3A_980, %get3A_981, %get3A_982] {strides = array<i32>} : memref<2x16x1000xf32, #tpu.memory_space<vmem>>, vector<16xf32>,
        %get3A_984 = arith.index_cast %rem3A_87 : i32 to index
        %get3A_985 = arith.index_cast %scan3A_129 : i32 to index
        %get3A_986 = arith.constant 224 : index
        %get3A_987 = tpu.vector_load %arg8[%get3A_984, %get3A_985, %get3A_986] {strides = array<i32>} : memref<2x16x1000xf32, #tpu.memory_space<vmem>>, vector<16xf32>,
        %abs3A_988 = math.absf %get3A_983 : vector<16xf32>
        %neg3A_989 = arith.constant 0.000000e+00 : f32
        %neg3A_990 = vector.broadcast %neg3A_989 : f32 to vector<16xf32>
        %neg3A_991 = arith.subf %neg3A_990, %abs3A_988 : vector<16xf32>
        %exp3A_992 = math.exp %neg3A_991 : vector<16xf32>
        %mul3A_993 = arith.constant 0.00518600363 : f32
        %mul3A_994 = vector.broadcast %mul3A_993 : f32 to vector<16xf32>
        %mul3A_995 = arith.mulf %mul3A_994, %exp3A_992 : vector<16xf32>
        %add3A_996 = arith.constant -0.0292102676 : f32
        %add3A_997 = vector.broadcast %add3A_996 : f32 to vector<16xf32>
        %add3A_998 = arith.addf %mul3A_995, %add3A_997 : vector<16xf32>
        %mul3A_999 = arith.mulf %add3A_998, %exp3A_992 : vector<16xf32>
        %add3A_1000 = arith.constant 0.0775403827 : f32
        %add3A_1001 = vector.broadcast %add3A_1000 : f32 to vector<16xf32>
        %add3A_1002 = arith.addf %mul3A_999, %add3A_1001 : vector<16xf32>
        %mul3A_1003 = arith.mulf %add3A_1002, %exp3A_992 : vector<16xf32>
        %add3A_1004 = arith.constant -0.135839418 : f32
        %add3A_1005 = vector.broadcast %add3A_1004 : f32 to vector<16xf32>
        %add3A_1006 = arith.addf %mul3A_1003, %add3A_1005 : vector<16xf32>
        %mul3A_1007 = arith.mulf %add3A_1006, %exp3A_992 : vector<16xf32>
        %add3A_1008 = arith.constant 0.190559551 : f32
        %add3A_1009 = vector.broadcast %add3A_1008 : f32 to vector<16xf32>
        %add3A_1010 = arith.addf %mul3A_1007, %add3A_1009 : vector<16xf32>
        %mul3A_1011 = arith.mulf %add3A_1010, %exp3A_992 : vector<16xf32>
        %add3A_1012 = arith.constant -0.24825649 : f32
        %add3A_1013 = vector.broadcast %add3A_1012 : f32 to vector<16xf32>
        %add3A_1014 = arith.addf %mul3A_1011, %add3A_1013 : vector<16xf32>
        %mul3A_1015 = arith.mulf %add3A_1014, %exp3A_992 : vector<16xf32>
        %add3A_1016 = arith.constant 0.333160102 : f32
        %add3A_1017 = vector.broadcast %add3A_1016 : f32 to vector<16xf32>
        %add3A_1018 = arith.addf %mul3A_1015, %add3A_1017 : vector<16xf32>
        %mul3A_1019 = arith.mulf %add3A_1018, %exp3A_992 : vector<16xf32>
        %add3A_1020 = arith.constant -0.499992549 : f32
        %add3A_1021 = vector.broadcast %add3A_1020 : f32 to vector<16xf32>
        %add3A_1022 = arith.addf %mul3A_1019, %add3A_1021 : vector<16xf32>
        %mul3A_1023 = arith.mulf %add3A_1022, %exp3A_992 : vector<16xf32>
        %add3A_1024 = arith.constant 0.99999994 : f32
        %add3A_1025 = vector.broadcast %add3A_1024 : f32 to vector<16xf32>
        %add3A_1026 = arith.addf %mul3A_1023, %add3A_1025 : vector<16xf32>
        %max3A_1027 = arith.constant 0.000000e+00 : f32
        %max3A_1028 = vector.broadcast %max3A_1027 : f32 to vector<16xf32>
        %max3A_1029 = arith.maximumf %get3A_983, %max3A_1028 : vector<16xf32>
        %mul3A_1030 = arith.mulf %exp3A_992, %add3A_1026 : vector<16xf32>
        %add3A_1031 = arith.addf %max3A_1029, %mul3A_1030 : vector<16xf32>
        %mul3A_1032 = arith.mulf %get3A_987, %get3A_983 : vector<16xf32>
        %sub3A_1033 = arith.subf %add3A_1031, %mul3A_1032 : vector<16xf32>
        %add3A_1034 = arith.addf %add3A_554, %sub3A_1033 : vector<16xf32>
        %gt3A_1035 = arith.constant 5.000000e-01 : f32
        %gt3A_1036 = vector.broadcast %gt3A_1035 : f32 to vector<16xf32>
        %gt3A_1037 = arith.cmpf ogt, %get3A_987, %gt3A_1036 : vector<16xf32>
        %all_reduce_population_count3A_1038 = tpu.all_reduce %gt3A_1037 {dim = 0 : i64, kind = #tpu.reduction_kind<sum>} : vector<16xi1> -> vector<16xi32>
        %add3A_1039 = arith.addi %add3A_799, %all_reduce_population_count3A_1038 : vector<16xi32>
        %get3A_1040 = arith.index_cast %rem3A_87 : i32 to index
        %get3A_1041 = arith.index_cast %scan3A_129 : i32 to index
        %get3A_1042 = arith.constant 240 : index
        %get3A_1043 = tpu.vector_load %arg7[%get3A_1040, %get3A_1041, %get3A_1042] {strides = array<i32>} : memref<2x16x1000xf32, #tpu.memory_space<vmem>>, vector<16xf32>,
        %get3A_1044 = arith.index_cast %rem3A_87 : i32 to index
        %get3A_1045 = arith.index_cast %scan3A_129 : i32 to index
        %get3A_1046 = arith.constant 240 : index
        %get3A_1047 = tpu.vector_load %arg8[%get3A_1044, %get3A_1045, %get3A_1046] {strides = array<i32>} : memref<2x16x1000xf32, #tpu.memory_space<vmem>>, vector<16xf32>,
        %abs3A_1048 = math.absf %get3A_1043 : vector<16xf32>
        %neg3A_1049 = arith.constant 0.000000e+00 : f32
        %neg3A_1050 = vector.broadcast %neg3A_1049 : f32 to vector<16xf32>
        %neg3A_1051 = arith.subf %neg3A_1050, %abs3A_1048 : vector<16xf32>
        %exp3A_1052 = math.exp %neg3A_1051 : vector<16xf32>
        %mul3A_1053 = arith.constant 0.00518600363 : f32
        %mul3A_1054 = vector.broadcast %mul3A_1053 : f32 to vector<16xf32>
        %mul3A_1055 = arith.mulf %mul3A_1054, %exp3A_1052 : vector<16xf32>
        %add3A_1056 = arith.constant -0.0292102676 : f32
        %add3A_1057 = vector.broadcast %add3A_1056 : f32 to vector<16xf32>
        %add3A_1058 = arith.addf %mul3A_1055, %add3A_1057 : vector<16xf32>
        %mul3A_1059 = arith.mulf %add3A_1058, %exp3A_1052 : vector<16xf32>
        %add3A_1060 = arith.constant 0.0775403827 : f32
        %add3A_1061 = vector.broadcast %add3A_1060 : f32 to vector<16xf32>
        %add3A_1062 = arith.addf %mul3A_1059, %add3A_1061 : vector<16xf32>
        %mul3A_1063 = arith.mulf %add3A_1062, %exp3A_1052 : vector<16xf32>
        %add3A_1064 = arith.constant -0.135839418 : f32
        %add3A_1065 = vector.broadcast %add3A_1064 : f32 to vector<16xf32>
        %add3A_1066 = arith.addf %mul3A_1063, %add3A_1065 : vector<16xf32>
        %mul3A_1067 = arith.mulf %add3A_1066, %exp3A_1052 : vector<16xf32>
        %add3A_1068 = arith.constant 0.190559551 : f32
        %add3A_1069 = vector.broadcast %add3A_1068 : f32 to vector<16xf32>
        %add3A_1070 = arith.addf %mul3A_1067, %add3A_1069 : vector<16xf32>
        %mul3A_1071 = arith.mulf %add3A_1070, %exp3A_1052 : vector<16xf32>
        %add3A_1072 = arith.constant -0.24825649 : f32
        %add3A_1073 = vector.broadcast %add3A_1072 : f32 to vector<16xf32>
        %add3A_1074 = arith.addf %mul3A_1071, %add3A_1073 : vector<16xf32>
        %mul3A_1075 = arith.mulf %add3A_1074, %exp3A_1052 : vector<16xf32>
        %add3A_1076 = arith.constant 0.333160102 : f32
        %add3A_1077 = vector.broadcast %add3A_1076 : f32 to vector<16xf32>
        %add3A_1078 = arith.addf %mul3A_1075, %add3A_1077 : vector<16xf32>
        %mul3A_1079 = arith.mulf %add3A_1078, %exp3A_1052 : vector<16xf32>
        %add3A_1080 = arith.constant -0.499992549 : f32
        %add3A_1081 = vector.broadcast %add3A_1080 : f32 to vector<16xf32>
        %add3A_1082 = arith.addf %mul3A_1079, %add3A_1081 : vector<16xf32>
        %mul3A_1083 = arith.mulf %add3A_1082, %exp3A_1052 : vector<16xf32>
        %add3A_1084 = arith.constant 0.99999994 : f32
        %add3A_1085 = vector.broadcast %add3A_1084 : f32 to vector<16xf32>
        %add3A_1086 = arith.addf %mul3A_1083, %add3A_1085 : vector<16xf32>
        %max3A_1087 = arith.constant 0.000000e+00 : f32
        %max3A_1088 = vector.broadcast %max3A_1087 : f32 to vector<16xf32>
        %max3A_1089 = arith.maximumf %get3A_1043, %max3A_1088 : vector<16xf32>
        %mul3A_1090 = arith.mulf %exp3A_1052, %add3A_1086 : vector<16xf32>
        %add3A_1091 = arith.addf %max3A_1089, %mul3A_1090 : vector<16xf32>
        %mul3A_1092 = arith.mulf %get3A_1047, %get3A_1043 : vector<16xf32>
        %sub3A_1093 = arith.subf %add3A_1091, %mul3A_1092 : vector<16xf32>
        %add3A_1094 = arith.addf %add3A_614, %sub3A_1093 : vector<16xf32>
        %gt3A_1095 = arith.constant 5.000000e-01 : f32
        %gt3A_1096 = vector.broadcast %gt3A_1095 : f32 to vector<16xf32>
        %gt3A_1097 = arith.cmpf ogt, %get3A_1047, %gt3A_1096 : vector<16xf32>
        %all_reduce_population_count3A_1098 = tpu.all_reduce %gt3A_1097 {dim = 0 : i64, kind = #tpu.reduction_kind<sum>} : vector<16xi1> -> vector<16xi32>
        %add3A_1099 = arith.addi %add3A_859, %all_reduce_population_count3A_1098 : vector<16xi32>
        %get3A_1100 = arith.index_cast %rem3A_87 : i32 to index
        %get3A_1101 = arith.index_cast %scan3A_129 : i32 to index
        %get3A_1102 = arith.constant 256 : index
        %get3A_1103 = tpu.vector_load %arg7[%get3A_1100, %get3A_1101, %get3A_1102] {strides = array<i32>} : memref<2x16x1000xf32, #tpu.memory_space<vmem>>, vector<16xf32>,
        %get3A_1104 = arith.index_cast %rem3A_87 : i32 to index
        %get3A_1105 = arith.index_cast %scan3A_129 : i32 to index
        %get3A_1106 = arith.constant 256 : index
        %get3A_1107 = tpu.vector_load %arg8[%get3A_1104, %get3A_1105, %get3A_1106] {strides = array<i32>} : memref<2x16x1000xf32, #tpu.memory_space<vmem>>, vector<16xf32>,
        %abs3A_1108 = math.absf %get3A_1103 : vector<16xf32>
        %neg3A_1109 = arith.constant 0.000000e+00 : f32
        %neg3A_1110 = vector.broadcast %neg3A_1109 : f32 to vector<16xf32>
        %neg3A_1111 = arith.subf %neg3A_1110, %abs3A_1108 : vector<16xf32>
        %exp3A_1112 = math.exp %neg3A_1111 : vector<16xf32>
        %mul3A_1113 = arith.constant 0.00518600363 : f32
        %mul3A_1114 = vector.broadcast %mul3A_1113 : f32 to vector<16xf32>
        %mul3A_1115 = arith.mulf %mul3A_1114, %exp3A_1112 : vector<16xf32>
        %add3A_1116 = arith.constant -0.0292102676 : f32
        %add3A_1117 = vector.broadcast %add3A_1116 : f32 to vector<16xf32>
        %add3A_1118 = arith.addf %mul3A_1115, %add3A_1117 : vector<16xf32>
        %mul3A_1119 = arith.mulf %add3A_1118, %exp3A_1112 : vector<16xf32>
        %add3A_1120 = arith.constant 0.0775403827 : f32
        %add3A_1121 = vector.broadcast %add3A_1120 : f32 to vector<16xf32>
        %add3A_1122 = arith.addf %mul3A_1119, %add3A_1121 : vector<16xf32>
        %mul3A_1123 = arith.mulf %add3A_1122, %exp3A_1112 : vector<16xf32>
        %add3A_1124 = arith.constant -0.135839418 : f32
        %add3A_1125 = vector.broadcast %add3A_1124 : f32 to vector<16xf32>
        %add3A_1126 = arith.addf %mul3A_1123, %add3A_1125 : vector<16xf32>
        %mul3A_1127 = arith.mulf %add3A_1126, %exp3A_1112 : vector<16xf32>
        %add3A_1128 = arith.constant 0.190559551 : f32
        %add3A_1129 = vector.broadcast %add3A_1128 : f32 to vector<16xf32>
        %add3A_1130 = arith.addf %mul3A_1127, %add3A_1129 : vector<16xf32>
        %mul3A_1131 = arith.mulf %add3A_1130, %exp3A_1112 : vector<16xf32>
        %add3A_1132 = arith.constant -0.24825649 : f32
        %add3A_1133 = vector.broadcast %add3A_1132 : f32 to vector<16xf32>
        %add3A_1134 = arith.addf %mul3A_1131, %add3A_1133 : vector<16xf32>
        %mul3A_1135 = arith.mulf %add3A_1134, %exp3A_1112 : vector<16xf32>
        %add3A_1136 = arith.constant 0.333160102 : f32
        %add3A_1137 = vector.broadcast %add3A_1136 : f32 to vector<16xf32>
        %add3A_1138 = arith.addf %mul3A_1135, %add3A_1137 : vector<16xf32>
        %mul3A_1139 = arith.mulf %add3A_1138, %exp3A_1112 : vector<16xf32>
        %add3A_1140 = arith.constant -0.499992549 : f32
        %add3A_1141 = vector.broadcast %add3A_1140 : f32 to vector<16xf32>
        %add3A_1142 = arith.addf %mul3A_1139, %add3A_1141 : vector<16xf32>
        %mul3A_1143 = arith.mulf %add3A_1142, %exp3A_1112 : vector<16xf32>
        %add3A_1144 = arith.constant 0.99999994 : f32
        %add3A_1145 = vector.broadcast %add3A_1144 : f32 to vector<16xf32>
        %add3A_1146 = arith.addf %mul3A_1143, %add3A_1145 : vector<16xf32>
        %max3A_1147 = arith.constant 0.000000e+00 : f32
        %max3A_1148 = vector.broadcast %max3A_1147 : f32 to vector<16xf32>
        %max3A_1149 = arith.maximumf %get3A_1103, %max3A_1148 : vector<16xf32>
        %mul3A_1150 = arith.mulf %exp3A_1112, %add3A_1146 : vector<16xf32>
        %add3A_1151 = arith.addf %max3A_1149, %mul3A_1150 : vector<16xf32>
        %mul3A_1152 = arith.mulf %get3A_1107, %get3A_1103 : vector<16xf32>
        %sub3A_1153 = arith.subf %add3A_1151, %mul3A_1152 : vector<16xf32>
        %add3A_1154 = arith.addf %add3A_674, %sub3A_1153 : vector<16xf32>
        %gt3A_1155 = arith.constant 5.000000e-01 : f32
        %gt3A_1156 = vector.broadcast %gt3A_1155 : f32 to vector<16xf32>
        %gt3A_1157 = arith.cmpf ogt, %get3A_1107, %gt3A_1156 : vector<16xf32>
        %all_reduce_population_count3A_1158 = tpu.all_reduce %gt3A_1157 {dim = 0 : i64, kind = #tpu.reduction_kind<sum>} : vector<16xi1> -> vector<16xi32>
        %add3A_1159 = arith.addi %add3A_919, %all_reduce_population_count3A_1158 : vector<16xi32>
        %get3A_1160 = arith.index_cast %rem3A_87 : i32 to index
        %get3A_1161 = arith.index_cast %scan3A_129 : i32 to index
        %get3A_1162 = arith.constant 272 : index
        %get3A_1163 = tpu.vector_load %arg7[%get3A_1160, %get3A_1161, %get3A_1162] {strides = array<i32>} : memref<2x16x1000xf32, #tpu.memory_space<vmem>>, vector<16xf32>,
        %get3A_1164 = arith.index_cast %rem3A_87 : i32 to index
        %get3A_1165 = arith.index_cast %scan3A_129 : i32 to index
        %get3A_1166 = arith.constant 272 : index
        %get3A_1167 = tpu.vector_load %arg8[%get3A_1164, %get3A_1165, %get3A_1166] {strides = array<i32>} : memref<2x16x1000xf32, #tpu.memory_space<vmem>>, vector<16xf32>,
        %abs3A_1168 = math.absf %get3A_1163 : vector<16xf32>
        %neg3A_1169 = arith.constant 0.000000e+00 : f32
        %neg3A_1170 = vector.broadcast %neg3A_1169 : f32 to vector<16xf32>
        %neg3A_1171 = arith.subf %neg3A_1170, %abs3A_1168 : vector<16xf32>
        %exp3A_1172 = math.exp %neg3A_1171 : vector<16xf32>
        %mul3A_1173 = arith.constant 0.00518600363 : f32
        %mul3A_1174 = vector.broadcast %mul3A_1173 : f32 to vector<16xf32>
        %mul3A_1175 = arith.mulf %mul3A_1174, %exp3A_1172 : vector<16xf32>
        %add3A_1176 = arith.constant -0.0292102676 : f32
        %add3A_1177 = vector.broadcast %add3A_1176 : f32 to vector<16xf32>
        %add3A_1178 = arith.addf %mul3A_1175, %add3A_1177 : vector<16xf32>
        %mul3A_1179 = arith.mulf %add3A_1178, %exp3A_1172 : vector<16xf32>
        %add3A_1180 = arith.constant 0.0775403827 : f32
        %add3A_1181 = vector.broadcast %add3A_1180 : f32 to vector<16xf32>
        %add3A_1182 = arith.addf %mul3A_1179, %add3A_1181 : vector<16xf32>
        %mul3A_1183 = arith.mulf %add3A_1182, %exp3A_1172 : vector<16xf32>
        %add3A_1184 = arith.constant -0.135839418 : f32
        %add3A_1185 = vector.broadcast %add3A_1184 : f32 to vector<16xf32>
        %add3A_1186 = arith.addf %mul3A_1183, %add3A_1185 : vector<16xf32>
        %mul3A_1187 = arith.mulf %add3A_1186, %exp3A_1172 : vector<16xf32>
        %add3A_1188 = arith.constant 0.190559551 : f32
        %add3A_1189 = vector.broadcast %add3A_1188 : f32 to vector<16xf32>
        %add3A_1190 = arith.addf %mul3A_1187, %add3A_1189 : vector<16xf32>
        %mul3A_1191 = arith.mulf %add3A_1190, %exp3A_1172 : vector<16xf32>
        %add3A_1192 = arith.constant -0.24825649 : f32
        %add3A_1193 = vector.broadcast %add3A_1192 : f32 to vector<16xf32>
        %add3A_1194 = arith.addf %mul3A_1191, %add3A_1193 : vector<16xf32>
        %mul3A_1195 = arith.mulf %add3A_1194, %exp3A_1172 : vector<16xf32>
        %add3A_1196 = arith.constant 0.333160102 : f32
        %add3A_1197 = vector.broadcast %add3A_1196 : f32 to vector<16xf32>
        %add3A_1198 = arith.addf %mul3A_1195, %add3A_1197 : vector<16xf32>
        %mul3A_1199 = arith.mulf %add3A_1198, %exp3A_1172 : vector<16xf32>
        %add3A_1200 = arith.constant -0.499992549 : f32
        %add3A_1201 = vector.broadcast %add3A_1200 : f32 to vector<16xf32>
        %add3A_1202 = arith.addf %mul3A_1199, %add3A_1201 : vector<16xf32>
        %mul3A_1203 = arith.mulf %add3A_1202, %exp3A_1172 : vector<16xf32>
        %add3A_1204 = arith.constant 0.99999994 : f32
        %add3A_1205 = vector.broadcast %add3A_1204 : f32 to vector<16xf32>
        %add3A_1206 = arith.addf %mul3A_1203, %add3A_1205 : vector<16xf32>
        %max3A_1207 = arith.constant 0.000000e+00 : f32
        %max3A_1208 = vector.broadcast %max3A_1207 : f32 to vector<16xf32>
        %max3A_1209 = arith.maximumf %get3A_1163, %max3A_1208 : vector<16xf32>
        %mul3A_1210 = arith.mulf %exp3A_1172, %add3A_1206 : vector<16xf32>
        %add3A_1211 = arith.addf %max3A_1209, %mul3A_1210 : vector<16xf32>
        %mul3A_1212 = arith.mulf %get3A_1167, %get3A_1163 : vector<16xf32>
        %sub3A_1213 = arith.subf %add3A_1211, %mul3A_1212 : vector<16xf32>
        %add3A_1214 = arith.addf %add3A_734, %sub3A_1213 : vector<16xf32>
        %gt3A_1215 = arith.constant 5.000000e-01 : f32
        %gt3A_1216 = vector.broadcast %gt3A_1215 : f32 to vector<16xf32>
        %gt3A_1217 = arith.cmpf ogt, %get3A_1167, %gt3A_1216 : vector<16xf32>
        %all_reduce_population_count3A_1218 = tpu.all_reduce %gt3A_1217 {dim = 0 : i64, kind = #tpu.reduction_kind<sum>} : vector<16xi1> -> vector<16xi32>
        %add3A_1219 = arith.addi %add3A_979, %all_reduce_population_count3A_1218 : vector<16xi32>
        %get3A_1220 = arith.index_cast %rem3A_87 : i32 to index
        %get3A_1221 = arith.index_cast %scan3A_129 : i32 to index
        %get3A_1222 = arith.constant 288 : index
        %get3A_1223 = tpu.vector_load %arg7[%get3A_1220, %get3A_1221, %get3A_1222] {strides = array<i32>} : memref<2x16x1000xf32, #tpu.memory_space<vmem>>, vector<16xf32>,
        %get3A_1224 = arith.index_cast %rem3A_87 : i32 to index
        %get3A_1225 = arith.index_cast %scan3A_129 : i32 to index
        %get3A_1226 = arith.constant 288 : index
        %get3A_1227 = tpu.vector_load %arg8[%get3A_1224, %get3A_1225, %get3A_1226] {strides = array<i32>} : memref<2x16x1000xf32, #tpu.memory_space<vmem>>, vector<16xf32>,
        %abs3A_1228 = math.absf %get3A_1223 : vector<16xf32>
        %neg3A_1229 = arith.constant 0.000000e+00 : f32
        %neg3A_1230 = vector.broadcast %neg3A_1229 : f32 to vector<16xf32>
        %neg3A_1231 = arith.subf %neg3A_1230, %abs3A_1228 : vector<16xf32>
        %exp3A_1232 = math.exp %neg3A_1231 : vector<16xf32>
        %mul3A_1233 = arith.constant 0.00518600363 : f32
        %mul3A_1234 = vector.broadcast %mul3A_1233 : f32 to vector<16xf32>
        %mul3A_1235 = arith.mulf %mul3A_1234, %exp3A_1232 : vector<16xf32>
        %add3A_1236 = arith.constant -0.0292102676 : f32
        %add3A_1237 = vector.broadcast %add3A_1236 : f32 to vector<16xf32>
        %add3A_1238 = arith.addf %mul3A_1235, %add3A_1237 : vector<16xf32>
        %mul3A_1239 = arith.mulf %add3A_1238, %exp3A_1232 : vector<16xf32>
        %add3A_1240 = arith.constant 0.0775403827 : f32
        %add3A_1241 = vector.broadcast %add3A_1240 : f32 to vector<16xf32>
        %add3A_1242 = arith.addf %mul3A_1239, %add3A_1241 : vector<16xf32>
        %mul3A_1243 = arith.mulf %add3A_1242, %exp3A_1232 : vector<16xf32>
        %add3A_1244 = arith.constant -0.135839418 : f32
        %add3A_1245 = vector.broadcast %add3A_1244 : f32 to vector<16xf32>
        %add3A_1246 = arith.addf %mul3A_1243, %add3A_1245 : vector<16xf32>
        %mul3A_1247 = arith.mulf %add3A_1246, %exp3A_1232 : vector<16xf32>
        %add3A_1248 = arith.constant 0.190559551 : f32
        %add3A_1249 = vector.broadcast %add3A_1248 : f32 to vector<16xf32>
        %add3A_1250 = arith.addf %mul3A_1247, %add3A_1249 : vector<16xf32>
        %mul3A_1251 = arith.mulf %add3A_1250, %exp3A_1232 : vector<16xf32>
        %add3A_1252 = arith.constant -0.24825649 : f32
        %add3A_1253 = vector.broadcast %add3A_1252 : f32 to vector<16xf32>
        %add3A_1254 = arith.addf %mul3A_1251, %add3A_1253 : vector<16xf32>
        %mul3A_1255 = arith.mulf %add3A_1254, %exp3A_1232 : vector<16xf32>
        %add3A_1256 = arith.constant 0.333160102 : f32
        %add3A_1257 = vector.broadcast %add3A_1256 : f32 to vector<16xf32>
        %add3A_1258 = arith.addf %mul3A_1255, %add3A_1257 : vector<16xf32>
        %mul3A_1259 = arith.mulf %add3A_1258, %exp3A_1232 : vector<16xf32>
        %add3A_1260 = arith.constant -0.499992549 : f32
        %add3A_1261 = vector.broadcast %add3A_1260 : f32 to vector<16xf32>
        %add3A_1262 = arith.addf %mul3A_1259, %add3A_1261 : vector<16xf32>
        %mul3A_1263 = arith.mulf %add3A_1262, %exp3A_1232 : vector<16xf32>
        %add3A_1264 = arith.constant 0.99999994 : f32
        %add3A_1265 = vector.broadcast %add3A_1264 : f32 to vector<16xf32>
        %add3A_1266 = arith.addf %mul3A_1263, %add3A_1265 : vector<16xf32>
        %max3A_1267 = arith.constant 0.000000e+00 : f32
        %max3A_1268 = vector.broadcast %max3A_1267 : f32 to vector<16xf32>
        %max3A_1269 = arith.maximumf %get3A_1223, %max3A_1268 : vector<16xf32>
        %mul3A_1270 = arith.mulf %exp3A_1232, %add3A_1266 : vector<16xf32>
        %add3A_1271 = arith.addf %max3A_1269, %mul3A_1270 : vector<16xf32>
        %mul3A_1272 = arith.mulf %get3A_1227, %get3A_1223 : vector<16xf32>
        %sub3A_1273 = arith.subf %add3A_1271, %mul3A_1272 : vector<16xf32>
        %add3A_1274 = arith.addf %add3A_794, %sub3A_1273 : vector<16xf32>
        %gt3A_1275 = arith.constant 5.000000e-01 : f32
        %gt3A_1276 = vector.broadcast %gt3A_1275 : f32 to vector<16xf32>
        %gt3A_1277 = arith.cmpf ogt, %get3A_1227, %gt3A_1276 : vector<16xf32>
        %all_reduce_population_count3A_1278 = tpu.all_reduce %gt3A_1277 {dim = 0 : i64, kind = #tpu.reduction_kind<sum>} : vector<16xi1> -> vector<16xi32>
        %add3A_1279 = arith.addi %add3A_1039, %all_reduce_population_count3A_1278 : vector<16xi32>
        %get3A_1280 = arith.index_cast %rem3A_87 : i32 to index
        %get3A_1281 = arith.index_cast %scan3A_129 : i32 to index
        %get3A_1282 = arith.constant 304 : index
        %get3A_1283 = tpu.vector_load %arg7[%get3A_1280, %get3A_1281, %get3A_1282] {strides = array<i32>} : memref<2x16x1000xf32, #tpu.memory_space<vmem>>, vector<16xf32>,
        %get3A_1284 = arith.index_cast %rem3A_87 : i32 to index
        %get3A_1285 = arith.index_cast %scan3A_129 : i32 to index
        %get3A_1286 = arith.constant 304 : index
        %get3A_1287 = tpu.vector_load %arg8[%get3A_1284, %get3A_1285, %get3A_1286] {strides = array<i32>} : memref<2x16x1000xf32, #tpu.memory_space<vmem>>, vector<16xf32>,
        %abs3A_1288 = math.absf %get3A_1283 : vector<16xf32>
        %neg3A_1289 = arith.constant 0.000000e+00 : f32
        %neg3A_1290 = vector.broadcast %neg3A_1289 : f32 to vector<16xf32>
        %neg3A_1291 = arith.subf %neg3A_1290, %abs3A_1288 : vector<16xf32>
        %exp3A_1292 = math.exp %neg3A_1291 : vector<16xf32>
        %mul3A_1293 = arith.constant 0.00518600363 : f32
        %mul3A_1294 = vector.broadcast %mul3A_1293 : f32 to vector<16xf32>
        %mul3A_1295 = arith.mulf %mul3A_1294, %exp3A_1292 : vector<16xf32>
        %add3A_1296 = arith.constant -0.0292102676 : f32
        %add3A_1297 = vector.broadcast %add3A_1296 : f32 to vector<16xf32>
        %add3A_1298 = arith.addf %mul3A_1295, %add3A_1297 : vector<16xf32>
        %mul3A_1299 = arith.mulf %add3A_1298, %exp3A_1292 : vector<16xf32>
        %add3A_1300 = arith.constant 0.0775403827 : f32
        %add3A_1301 = vector.broadcast %add3A_1300 : f32 to vector<16xf32>
        %add3A_1302 = arith.addf %mul3A_1299, %add3A_1301 : vector<16xf32>
        %mul3A_1303 = arith.mulf %add3A_1302, %exp3A_1292 : vector<16xf32>
        %add3A_1304 = arith.constant -0.135839418 : f32
        %add3A_1305 = vector.broadcast %add3A_1304 : f32 to vector<16xf32>
        %add3A_1306 = arith.addf %mul3A_1303, %add3A_1305 : vector<16xf32>
        %mul3A_1307 = arith.mulf %add3A_1306, %exp3A_1292 : vector<16xf32>
        %add3A_1308 = arith.constant 0.190559551 : f32
        %add3A_1309 = vector.broadcast %add3A_1308 : f32 to vector<16xf32>
        %add3A_1310 = arith.addf %mul3A_1307, %add3A_1309 : vector<16xf32>
        %mul3A_1311 = arith.mulf %add3A_1310, %exp3A_1292 : vector<16xf32>
        %add3A_1312 = arith.constant -0.24825649 : f32
        %add3A_1313 = vector.broadcast %add3A_1312 : f32 to vector<16xf32>
        %add3A_1314 = arith.addf %mul3A_1311, %add3A_1313 : vector<16xf32>
        %mul3A_1315 = arith.mulf %add3A_1314, %exp3A_1292 : vector<16xf32>
        %add3A_1316 = arith.constant 0.333160102 : f32
        %add3A_1317 = vector.broadcast %add3A_1316 : f32 to vector<16xf32>
        %add3A_1318 = arith.addf %mul3A_1315, %add3A_1317 : vector<16xf32>
        %mul3A_1319 = arith.mulf %add3A_1318, %exp3A_1292 : vector<16xf32>
        %add3A_1320 = arith.constant -0.499992549 : f32
        %add3A_1321 = vector.broadcast %add3A_1320 : f32 to vector<16xf32>
        %add3A_1322 = arith.addf %mul3A_1319, %add3A_1321 : vector<16xf32>
        %mul3A_1323 = arith.mulf %add3A_1322, %exp3A_1292 : vector<16xf32>
        %add3A_1324 = arith.constant 0.99999994 : f32
        %add3A_1325 = vector.broadcast %add3A_1324 : f32 to vector<16xf32>
        %add3A_1326 = arith.addf %mul3A_1323, %add3A_1325 : vector<16xf32>
        %max3A_1327 = arith.constant 0.000000e+00 : f32
        %max3A_1328 = vector.broadcast %max3A_1327 : f32 to vector<16xf32>
        %max3A_1329 = arith.maximumf %get3A_1283, %max3A_1328 : vector<16xf32>
        %mul3A_1330 = arith.mulf %exp3A_1292, %add3A_1326 : vector<16xf32>
        %add3A_1331 = arith.addf %max3A_1329, %mul3A_1330 : vector<16xf32>
        %mul3A_1332 = arith.mulf %get3A_1287, %get3A_1283 : vector<16xf32>
        %sub3A_1333 = arith.subf %add3A_1331, %mul3A_1332 : vector<16xf32>
        %add3A_1334 = arith.addf %add3A_854, %sub3A_1333 : vector<16xf32>
        %gt3A_1335 = arith.constant 5.000000e-01 : f32
        %gt3A_1336 = vector.broadcast %gt3A_1335 : f32 to vector<16xf32>
        %gt3A_1337 = arith.cmpf ogt, %get3A_1287, %gt3A_1336 : vector<16xf32>
        %all_reduce_population_count3A_1338 = tpu.all_reduce %gt3A_1337 {dim = 0 : i64, kind = #tpu.reduction_kind<sum>} : vector<16xi1> -> vector<16xi32>
        %add3A_1339 = arith.addi %add3A_1099, %all_reduce_population_count3A_1338 : vector<16xi32>
        %get3A_1340 = arith.index_cast %rem3A_87 : i32 to index
        %get3A_1341 = arith.index_cast %scan3A_129 : i32 to index
        %get3A_1342 = arith.constant 320 : index
        %get3A_1343 = tpu.vector_load %arg7[%get3A_1340, %get3A_1341, %get3A_1342] {strides = array<i32>} : memref<2x16x1000xf32, #tpu.memory_space<vmem>>, vector<16xf32>,
        %get3A_1344 = arith.index_cast %rem3A_87 : i32 to index
        %get3A_1345 = arith.index_cast %scan3A_129 : i32 to index
        %get3A_1346 = arith.constant 320 : index
        %get3A_1347 = tpu.vector_load %arg8[%get3A_1344, %get3A_1345, %get3A_1346] {strides = array<i32>} : memref<2x16x1000xf32, #tpu.memory_space<vmem>>, vector<16xf32>,
        %abs3A_1348 = math.absf %get3A_1343 : vector<16xf32>
        %neg3A_1349 = arith.constant 0.000000e+00 : f32
        %neg3A_1350 = vector.broadcast %neg3A_1349 : f32 to vector<16xf32>
        %neg3A_1351 = arith.subf %neg3A_1350, %abs3A_1348 : vector<16xf32>
        %exp3A_1352 = math.exp %neg3A_1351 : vector<16xf32>
        %mul3A_1353 = arith.constant 0.00518600363 : f32
        %mul3A_1354 = vector.broadcast %mul3A_1353 : f32 to vector<16xf32>
        %mul3A_1355 = arith.mulf %mul3A_1354, %exp3A_1352 : vector<16xf32>
        %add3A_1356 = arith.constant -0.0292102676 : f32
        %add3A_1357 = vector.broadcast %add3A_1356 : f32 to vector<16xf32>
        %add3A_1358 = arith.addf %mul3A_1355, %add3A_1357 : vector<16xf32>
        %mul3A_1359 = arith.mulf %add3A_1358, %exp3A_1352 : vector<16xf32>
        %add3A_1360 = arith.constant 0.0775403827 : f32
        %add3A_1361 = vector.broadcast %add3A_1360 : f32 to vector<16xf32>
        %add3A_1362 = arith.addf %mul3A_1359, %add3A_1361 : vector<16xf32>
        %mul3A_1363 = arith.mulf %add3A_1362, %exp3A_1352 : vector<16xf32>
        %add3A_1364 = arith.constant -0.135839418 : f32
        %add3A_1365 = vector.broadcast %add3A_1364 : f32 to vector<16xf32>
        %add3A_1366 = arith.addf %mul3A_1363, %add3A_1365 : vector<16xf32>
        %mul3A_1367 = arith.mulf %add3A_1366, %exp3A_1352 : vector<16xf32>
        %add3A_1368 = arith.constant 0.190559551 : f32
        %add3A_1369 = vector.broadcast %add3A_1368 : f32 to vector<16xf32>
        %add3A_1370 = arith.addf %mul3A_1367, %add3A_1369 : vector<16xf32>
        %mul3A_1371 = arith.mulf %add3A_1370, %exp3A_1352 : vector<16xf32>
        %add3A_1372 = arith.constant -0.24825649 : f32
        %add3A_1373 = vector.broadcast %add3A_1372 : f32 to vector<16xf32>
        %add3A_1374 = arith.addf %mul3A_1371, %add3A_1373 : vector<16xf32>
        %mul3A_1375 = arith.mulf %add3A_1374, %exp3A_1352 : vector<16xf32>
        %add3A_1376 = arith.constant 0.333160102 : f32
        %add3A_1377 = vector.broadcast %add3A_1376 : f32 to vector<16xf32>
        %add3A_1378 = arith.addf %mul3A_1375, %add3A_1377 : vector<16xf32>
        %mul3A_1379 = arith.mulf %add3A_1378, %exp3A_1352 : vector<16xf32>
        %add3A_1380 = arith.constant -0.499992549 : f32
        %add3A_1381 = vector.broadcast %add3A_1380 : f32 to vector<16xf32>
        %add3A_1382 = arith.addf %mul3A_1379, %add3A_1381 : vector<16xf32>
        %mul3A_1383 = arith.mulf %add3A_1382, %exp3A_1352 : vector<16xf32>
        %add3A_1384 = arith.constant 0.99999994 : f32
        %add3A_1385 = vector.broadcast %add3A_1384 : f32 to vector<16xf32>
        %add3A_1386 = arith.addf %mul3A_1383, %add3A_1385 : vector<16xf32>
        %max3A_1387 = arith.constant 0.000000e+00 : f32
        %max3A_1388 = vector.broadcast %max3A_1387 : f32 to vector<16xf32>
        %max3A_1389 = arith.maximumf %get3A_1343, %max3A_1388 : vector<16xf32>
        %mul3A_1390 = arith.mulf %exp3A_1352, %add3A_1386 : vector<16xf32>
        %add3A_1391 = arith.addf %max3A_1389, %mul3A_1390 : vector<16xf32>
        %mul3A_1392 = arith.mulf %get3A_1347, %get3A_1343 : vector<16xf32>
        %sub3A_1393 = arith.subf %add3A_1391, %mul3A_1392 : vector<16xf32>
        %add3A_1394 = arith.addf %add3A_914, %sub3A_1393 : vector<16xf32>
        %gt3A_1395 = arith.constant 5.000000e-01 : f32
        %gt3A_1396 = vector.broadcast %gt3A_1395 : f32 to vector<16xf32>
        %gt3A_1397 = arith.cmpf ogt, %get3A_1347, %gt3A_1396 : vector<16xf32>
        %all_reduce_population_count3A_1398 = tpu.all_reduce %gt3A_1397 {dim = 0 : i64, kind = #tpu.reduction_kind<sum>} : vector<16xi1> -> vector<16xi32>
        %add3A_1399 = arith.addi %add3A_1159, %all_reduce_population_count3A_1398 : vector<16xi32>
        %get3A_1400 = arith.index_cast %rem3A_87 : i32 to index
        %get3A_1401 = arith.index_cast %scan3A_129 : i32 to index
        %get3A_1402 = arith.constant 336 : index
        %get3A_1403 = tpu.vector_load %arg7[%get3A_1400, %get3A_1401, %get3A_1402] {strides = array<i32>} : memref<2x16x1000xf32, #tpu.memory_space<vmem>>, vector<16xf32>,
        %get3A_1404 = arith.index_cast %rem3A_87 : i32 to index
        %get3A_1405 = arith.index_cast %scan3A_129 : i32 to index
        %get3A_1406 = arith.constant 336 : index
        %get3A_1407 = tpu.vector_load %arg8[%get3A_1404, %get3A_1405, %get3A_1406] {strides = array<i32>} : memref<2x16x1000xf32, #tpu.memory_space<vmem>>, vector<16xf32>,
        %abs3A_1408 = math.absf %get3A_1403 : vector<16xf32>
        %neg3A_1409 = arith.constant 0.000000e+00 : f32
        %neg3A_1410 = vector.broadcast %neg3A_1409 : f32 to vector<16xf32>
        %neg3A_1411 = arith.subf %neg3A_1410, %abs3A_1408 : vector<16xf32>
        %exp3A_1412 = math.exp %neg3A_1411 : vector<16xf32>
        %mul3A_1413 = arith.constant 0.00518600363 : f32
        %mul3A_1414 = vector.broadcast %mul3A_1413 : f32 to vector<16xf32>
        %mul3A_1415 = arith.mulf %mul3A_1414, %exp3A_1412 : vector<16xf32>
        %add3A_1416 = arith.constant -0.0292102676 : f32
        %add3A_1417 = vector.broadcast %add3A_1416 : f32 to vector<16xf32>
        %add3A_1418 = arith.addf %mul3A_1415, %add3A_1417 : vector<16xf32>
        %mul3A_1419 = arith.mulf %add3A_1418, %exp3A_1412 : vector<16xf32>
        %add3A_1420 = arith.constant 0.0775403827 : f32
        %add3A_1421 = vector.broadcast %add3A_1420 : f32 to vector<16xf32>
        %add3A_1422 = arith.addf %mul3A_1419, %add3A_1421 : vector<16xf32>
        %mul3A_1423 = arith.mulf %add3A_1422, %exp3A_1412 : vector<16xf32>
        %add3A_1424 = arith.constant -0.135839418 : f32
        %add3A_1425 = vector.broadcast %add3A_1424 : f32 to vector<16xf32>
        %add3A_1426 = arith.addf %mul3A_1423, %add3A_1425 : vector<16xf32>
        %mul3A_1427 = arith.mulf %add3A_1426, %exp3A_1412 : vector<16xf32>
        %add3A_1428 = arith.constant 0.190559551 : f32
        %add3A_1429 = vector.broadcast %add3A_1428 : f32 to vector<16xf32>
        %add3A_1430 = arith.addf %mul3A_1427, %add3A_1429 : vector<16xf32>
        %mul3A_1431 = arith.mulf %add3A_1430, %exp3A_1412 : vector<16xf32>
        %add3A_1432 = arith.constant -0.24825649 : f32
        %add3A_1433 = vector.broadcast %add3A_1432 : f32 to vector<16xf32>
        %add3A_1434 = arith.addf %mul3A_1431, %add3A_1433 : vector<16xf32>
        %mul3A_1435 = arith.mulf %add3A_1434, %exp3A_1412 : vector<16xf32>
        %add3A_1436 = arith.constant 0.333160102 : f32
        %add3A_1437 = vector.broadcast %add3A_1436 : f32 to vector<16xf32>
        %add3A_1438 = arith.addf %mul3A_1435, %add3A_1437 : vector<16xf32>
        %mul3A_1439 = arith.mulf %add3A_1438, %exp3A_1412 : vector<16xf32>
        %add3A_1440 = arith.constant -0.499992549 : f32
        %add3A_1441 = vector.broadcast %add3A_1440 : f32 to vector<16xf32>
        %add3A_1442 = arith.addf %mul3A_1439, %add3A_1441 : vector<16xf32>
        %mul3A_1443 = arith.mulf %add3A_1442, %exp3A_1412 : vector<16xf32>
        %add3A_1444 = arith.constant 0.99999994 : f32
        %add3A_1445 = vector.broadcast %add3A_1444 : f32 to vector<16xf32>
        %add3A_1446 = arith.addf %mul3A_1443, %add3A_1445 : vector<16xf32>
        %max3A_1447 = arith.constant 0.000000e+00 : f32
        %max3A_1448 = vector.broadcast %max3A_1447 : f32 to vector<16xf32>
        %max3A_1449 = arith.maximumf %get3A_1403, %max3A_1448 : vector<16xf32>
        %mul3A_1450 = arith.mulf %exp3A_1412, %add3A_1446 : vector<16xf32>
        %add3A_1451 = arith.addf %max3A_1449, %mul3A_1450 : vector<16xf32>
        %mul3A_1452 = arith.mulf %get3A_1407, %get3A_1403 : vector<16xf32>
        %sub3A_1453 = arith.subf %add3A_1451, %mul3A_1452 : vector<16xf32>
        %add3A_1454 = arith.addf %add3A_974, %sub3A_1453 : vector<16xf32>
        %gt3A_1455 = arith.constant 5.000000e-01 : f32
        %gt3A_1456 = vector.broadcast %gt3A_1455 : f32 to vector<16xf32>
        %gt3A_1457 = arith.cmpf ogt, %get3A_1407, %gt3A_1456 : vector<16xf32>
        %all_reduce_population_count3A_1458 = tpu.all_reduce %gt3A_1457 {dim = 0 : i64, kind = #tpu.reduction_kind<sum>} : vector<16xi1> -> vector<16xi32>
        %add3A_1459 = arith.addi %add3A_1219, %all_reduce_population_count3A_1458 : vector<16xi32>
        %get3A_1460 = arith.index_cast %rem3A_87 : i32 to index
        %get3A_1461 = arith.index_cast %scan3A_129 : i32 to index
        %get3A_1462 = arith.constant 352 : index
        %get3A_1463 = tpu.vector_load %arg7[%get3A_1460, %get3A_1461, %get3A_1462] {strides = array<i32>} : memref<2x16x1000xf32, #tpu.memory_space<vmem>>, vector<16xf32>,
        %get3A_1464 = arith.index_cast %rem3A_87 : i32 to index
        %get3A_1465 = arith.index_cast %scan3A_129 : i32 to index
        %get3A_1466 = arith.constant 352 : index
        %get3A_1467 = tpu.vector_load %arg8[%get3A_1464, %get3A_1465, %get3A_1466] {strides = array<i32>} : memref<2x16x1000xf32, #tpu.memory_space<vmem>>, vector<16xf32>,
        %abs3A_1468 = math.absf %get3A_1463 : vector<16xf32>
        %neg3A_1469 = arith.constant 0.000000e+00 : f32
        %neg3A_1470 = vector.broadcast %neg3A_1469 : f32 to vector<16xf32>
        %neg3A_1471 = arith.subf %neg3A_1470, %abs3A_1468 : vector<16xf32>
        %exp3A_1472 = math.exp %neg3A_1471 : vector<16xf32>
        %mul3A_1473 = arith.constant 0.00518600363 : f32
        %mul3A_1474 = vector.broadcast %mul3A_1473 : f32 to vector<16xf32>
        %mul3A_1475 = arith.mulf %mul3A_1474, %exp3A_1472 : vector<16xf32>
        %add3A_1476 = arith.constant -0.0292102676 : f32
        %add3A_1477 = vector.broadcast %add3A_1476 : f32 to vector<16xf32>
        %add3A_1478 = arith.addf %mul3A_1475, %add3A_1477 : vector<16xf32>
        %mul3A_1479 = arith.mulf %add3A_1478, %exp3A_1472 : vector<16xf32>
        %add3A_1480 = arith.constant 0.0775403827 : f32
        %add3A_1481 = vector.broadcast %add3A_1480 : f32 to vector<16xf32>
        %add3A_1482 = arith.addf %mul3A_1479, %add3A_1481 : vector<16xf32>
        %mul3A_1483 = arith.mulf %add3A_1482, %exp3A_1472 : vector<16xf32>
        %add3A_1484 = arith.constant -0.135839418 : f32
        %add3A_1485 = vector.broadcast %add3A_1484 : f32 to vector<16xf32>
        %add3A_1486 = arith.addf %mul3A_1483, %add3A_1485 : vector<16xf32>
        %mul3A_1487 = arith.mulf %add3A_1486, %exp3A_1472 : vector<16xf32>
        %add3A_1488 = arith.constant 0.190559551 : f32
        %add3A_1489 = vector.broadcast %add3A_1488 : f32 to vector<16xf32>
        %add3A_1490 = arith.addf %mul3A_1487, %add3A_1489 : vector<16xf32>
        %mul3A_1491 = arith.mulf %add3A_1490, %exp3A_1472 : vector<16xf32>
        %add3A_1492 = arith.constant -0.24825649 : f32
        %add3A_1493 = vector.broadcast %add3A_1492 : f32 to vector<16xf32>
        %add3A_1494 = arith.addf %mul3A_1491, %add3A_1493 : vector<16xf32>
        %mul3A_1495 = arith.mulf %add3A_1494, %exp3A_1472 : vector<16xf32>
        %add3A_1496 = arith.constant 0.333160102 : f32
        %add3A_1497 = vector.broadcast %add3A_1496 : f32 to vector<16xf32>
        %add3A_1498 = arith.addf %mul3A_1495, %add3A_1497 : vector<16xf32>
        %mul3A_1499 = arith.mulf %add3A_1498, %exp3A_1472 : vector<16xf32>
        %add3A_1500 = arith.constant -0.499992549 : f32
        %add3A_1501 = vector.broadcast %add3A_1500 : f32 to vector<16xf32>
        %add3A_1502 = arith.addf %mul3A_1499, %add3A_1501 : vector<16xf32>
        %mul3A_1503 = arith.mulf %add3A_1502, %exp3A_1472 : vector<16xf32>
        %add3A_1504 = arith.constant 0.99999994 : f32
        %add3A_1505 = vector.broadcast %add3A_1504 : f32 to vector<16xf32>
        %add3A_1506 = arith.addf %mul3A_1503, %add3A_1505 : vector<16xf32>
        %max3A_1507 = arith.constant 0.000000e+00 : f32
        %max3A_1508 = vector.broadcast %max3A_1507 : f32 to vector<16xf32>
        %max3A_1509 = arith.maximumf %get3A_1463, %max3A_1508 : vector<16xf32>
        %mul3A_1510 = arith.mulf %exp3A_1472, %add3A_1506 : vector<16xf32>
        %add3A_1511 = arith.addf %max3A_1509, %mul3A_1510 : vector<16xf32>
        %mul3A_1512 = arith.mulf %get3A_1467, %get3A_1463 : vector<16xf32>
        %sub3A_1513 = arith.subf %add3A_1511, %mul3A_1512 : vector<16xf32>
        %add3A_1514 = arith.addf %add3A_1034, %sub3A_1513 : vector<16xf32>
        %gt3A_1515 = arith.constant 5.000000e-01 : f32
        %gt3A_1516 = vector.broadcast %gt3A_1515 : f32 to vector<16xf32>
        %gt3A_1517 = arith.cmpf ogt, %get3A_1467, %gt3A_1516 : vector<16xf32>
        %all_reduce_population_count3A_1518 = tpu.all_reduce %gt3A_1517 {dim = 0 : i64, kind = #tpu.reduction_kind<sum>} : vector<16xi1> -> vector<16xi32>
        %add3A_1519 = arith.addi %add3A_1279, %all_reduce_population_count3A_1518 : vector<16xi32>
        %get3A_1520 = arith.index_cast %rem3A_87 : i32 to index
        %get3A_1521 = arith.index_cast %scan3A_129 : i32 to index
        %get3A_1522 = arith.constant 368 : index
        %get3A_1523 = tpu.vector_load %arg7[%get3A_1520, %get3A_1521, %get3A_1522] {strides = array<i32>} : memref<2x16x1000xf32, #tpu.memory_space<vmem>>, vector<16xf32>,
        %get3A_1524 = arith.index_cast %rem3A_87 : i32 to index
        %get3A_1525 = arith.index_cast %scan3A_129 : i32 to index
        %get3A_1526 = arith.constant 368 : index
        %get3A_1527 = tpu.vector_load %arg8[%get3A_1524, %get3A_1525, %get3A_1526] {strides = array<i32>} : memref<2x16x1000xf32, #tpu.memory_space<vmem>>, vector<16xf32>,
        %abs3A_1528 = math.absf %get3A_1523 : vector<16xf32>
        %neg3A_1529 = arith.constant 0.000000e+00 : f32
        %neg3A_1530 = vector.broadcast %neg3A_1529 : f32 to vector<16xf32>
        %neg3A_1531 = arith.subf %neg3A_1530, %abs3A_1528 : vector<16xf32>
        %exp3A_1532 = math.exp %neg3A_1531 : vector<16xf32>
        %mul3A_1533 = arith.constant 0.00518600363 : f32
        %mul3A_1534 = vector.broadcast %mul3A_1533 : f32 to vector<16xf32>
        %mul3A_1535 = arith.mulf %mul3A_1534, %exp3A_1532 : vector<16xf32>
        %add3A_1536 = arith.constant -0.0292102676 : f32
        %add3A_1537 = vector.broadcast %add3A_1536 : f32 to vector<16xf32>
        %add3A_1538 = arith.addf %mul3A_1535, %add3A_1537 : vector<16xf32>
        %mul3A_1539 = arith.mulf %add3A_1538, %exp3A_1532 : vector<16xf32>
        %add3A_1540 = arith.constant 0.0775403827 : f32
        %add3A_1541 = vector.broadcast %add3A_1540 : f32 to vector<16xf32>
        %add3A_1542 = arith.addf %mul3A_1539, %add3A_1541 : vector<16xf32>
        %mul3A_1543 = arith.mulf %add3A_1542, %exp3A_1532 : vector<16xf32>
        %add3A_1544 = arith.constant -0.135839418 : f32
        %add3A_1545 = vector.broadcast %add3A_1544 : f32 to vector<16xf32>
        %add3A_1546 = arith.addf %mul3A_1543, %add3A_1545 : vector<16xf32>
        %mul3A_1547 = arith.mulf %add3A_1546, %exp3A_1532 : vector<16xf32>
        %add3A_1548 = arith.constant 0.190559551 : f32
        %add3A_1549 = vector.broadcast %add3A_1548 : f32 to vector<16xf32>
        %add3A_1550 = arith.addf %mul3A_1547, %add3A_1549 : vector<16xf32>
        %mul3A_1551 = arith.mulf %add3A_1550, %exp3A_1532 : vector<16xf32>
        %add3A_1552 = arith.constant -0.24825649 : f32
        %add3A_1553 = vector.broadcast %add3A_1552 : f32 to vector<16xf32>
        %add3A_1554 = arith.addf %mul3A_1551, %add3A_1553 : vector<16xf32>
        %mul3A_1555 = arith.mulf %add3A_1554, %exp3A_1532 : vector<16xf32>
        %add3A_1556 = arith.constant 0.333160102 : f32
        %add3A_1557 = vector.broadcast %add3A_1556 : f32 to vector<16xf32>
        %add3A_1558 = arith.addf %mul3A_1555, %add3A_1557 : vector<16xf32>
        %mul3A_1559 = arith.mulf %add3A_1558, %exp3A_1532 : vector<16xf32>
        %add3A_1560 = arith.constant -0.499992549 : f32
        %add3A_1561 = vector.broadcast %add3A_1560 : f32 to vector<16xf32>
        %add3A_1562 = arith.addf %mul3A_1559, %add3A_1561 : vector<16xf32>
        %mul3A_1563 = arith.mulf %add3A_1562, %exp3A_1532 : vector<16xf32>
        %add3A_1564 = arith.constant 0.99999994 : f32
        %add3A_1565 = vector.broadcast %add3A_1564 : f32 to vector<16xf32>
        %add3A_1566 = arith.addf %mul3A_1563, %add3A_1565 : vector<16xf32>
        %max3A_1567 = arith.constant 0.000000e+00 : f32
        %max3A_1568 = vector.broadcast %max3A_1567 : f32 to vector<16xf32>
        %max3A_1569 = arith.maximumf %get3A_1523, %max3A_1568 : vector<16xf32>
        %mul3A_1570 = arith.mulf %exp3A_1532, %add3A_1566 : vector<16xf32>
        %add3A_1571 = arith.addf %max3A_1569, %mul3A_1570 : vector<16xf32>
        %mul3A_1572 = arith.mulf %get3A_1527, %get3A_1523 : vector<16xf32>
        %sub3A_1573 = arith.subf %add3A_1571, %mul3A_1572 : vector<16xf32>
        %add3A_1574 = arith.addf %add3A_1094, %sub3A_1573 : vector<16xf32>
        %gt3A_1575 = arith.constant 5.000000e-01 : f32
        %gt3A_1576 = vector.broadcast %gt3A_1575 : f32 to vector<16xf32>
        %gt3A_1577 = arith.cmpf ogt, %get3A_1527, %gt3A_1576 : vector<16xf32>
        %all_reduce_population_count3A_1578 = tpu.all_reduce %gt3A_1577 {dim = 0 : i64, kind = #tpu.reduction_kind<sum>} : vector<16xi1> -> vector<16xi32>
        %add3A_1579 = arith.addi %add3A_1339, %all_reduce_population_count3A_1578 : vector<16xi32>
        %get3A_1580 = arith.index_cast %rem3A_87 : i32 to index
        %get3A_1581 = arith.index_cast %scan3A_129 : i32 to index
        %get3A_1582 = arith.constant 384 : index
        %get3A_1583 = tpu.vector_load %arg7[%get3A_1580, %get3A_1581, %get3A_1582] {strides = array<i32>} : memref<2x16x1000xf32, #tpu.memory_space<vmem>>, vector<16xf32>,
        %get3A_1584 = arith.index_cast %rem3A_87 : i32 to index
        %get3A_1585 = arith.index_cast %scan3A_129 : i32 to index
        %get3A_1586 = arith.constant 384 : index
        %get3A_1587 = tpu.vector_load %arg8[%get3A_1584, %get3A_1585, %get3A_1586] {strides = array<i32>} : memref<2x16x1000xf32, #tpu.memory_space<vmem>>, vector<16xf32>,
        %abs3A_1588 = math.absf %get3A_1583 : vector<16xf32>
        %neg3A_1589 = arith.constant 0.000000e+00 : f32
        %neg3A_1590 = vector.broadcast %neg3A_1589 : f32 to vector<16xf32>
        %neg3A_1591 = arith.subf %neg3A_1590, %abs3A_1588 : vector<16xf32>
        %exp3A_1592 = math.exp %neg3A_1591 : vector<16xf32>
        %mul3A_1593 = arith.constant 0.00518600363 : f32
        %mul3A_1594 = vector.broadcast %mul3A_1593 : f32 to vector<16xf32>
        %mul3A_1595 = arith.mulf %mul3A_1594, %exp3A_1592 : vector<16xf32>
        %add3A_1596 = arith.constant -0.0292102676 : f32
        %add3A_1597 = vector.broadcast %add3A_1596 : f32 to vector<16xf32>
        %add3A_1598 = arith.addf %mul3A_1595, %add3A_1597 : vector<16xf32>
        %mul3A_1599 = arith.mulf %add3A_1598, %exp3A_1592 : vector<16xf32>
        %add3A_1600 = arith.constant 0.0775403827 : f32
        %add3A_1601 = vector.broadcast %add3A_1600 : f32 to vector<16xf32>
        %add3A_1602 = arith.addf %mul3A_1599, %add3A_1601 : vector<16xf32>
        %mul3A_1603 = arith.mulf %add3A_1602, %exp3A_1592 : vector<16xf32>
        %add3A_1604 = arith.constant -0.135839418 : f32
        %add3A_1605 = vector.broadcast %add3A_1604 : f32 to vector<16xf32>
        %add3A_1606 = arith.addf %mul3A_1603, %add3A_1605 : vector<16xf32>
        %mul3A_1607 = arith.mulf %add3A_1606, %exp3A_1592 : vector<16xf32>
        %add3A_1608 = arith.constant 0.190559551 : f32
        %add3A_1609 = vector.broadcast %add3A_1608 : f32 to vector<16xf32>
        %add3A_1610 = arith.addf %mul3A_1607, %add3A_1609 : vector<16xf32>
        %mul3A_1611 = arith.mulf %add3A_1610, %exp3A_1592 : vector<16xf32>
        %add3A_1612 = arith.constant -0.24825649 : f32
        %add3A_1613 = vector.broadcast %add3A_1612 : f32 to vector<16xf32>
        %add3A_1614 = arith.addf %mul3A_1611, %add3A_1613 : vector<16xf32>
        %mul3A_1615 = arith.mulf %add3A_1614, %exp3A_1592 : vector<16xf32>
        %add3A_1616 = arith.constant 0.333160102 : f32
        %add3A_1617 = vector.broadcast %add3A_1616 : f32 to vector<16xf32>
        %add3A_1618 = arith.addf %mul3A_1615, %add3A_1617 : vector<16xf32>
        %mul3A_1619 = arith.mulf %add3A_1618, %exp3A_1592 : vector<16xf32>
        %add3A_1620 = arith.constant -0.499992549 : f32
        %add3A_1621 = vector.broadcast %add3A_1620 : f32 to vector<16xf32>
        %add3A_1622 = arith.addf %mul3A_1619, %add3A_1621 : vector<16xf32>
        %mul3A_1623 = arith.mulf %add3A_1622, %exp3A_1592 : vector<16xf32>
        %add3A_1624 = arith.constant 0.99999994 : f32
        %add3A_1625 = vector.broadcast %add3A_1624 : f32 to vector<16xf32>
        %add3A_1626 = arith.addf %mul3A_1623, %add3A_1625 : vector<16xf32>
        %max3A_1627 = arith.constant 0.000000e+00 : f32
        %max3A_1628 = vector.broadcast %max3A_1627 : f32 to vector<16xf32>
        %max3A_1629 = arith.maximumf %get3A_1583, %max3A_1628 : vector<16xf32>
        %mul3A_1630 = arith.mulf %exp3A_1592, %add3A_1626 : vector<16xf32>
        %add3A_1631 = arith.addf %max3A_1629, %mul3A_1630 : vector<16xf32>
        %mul3A_1632 = arith.mulf %get3A_1587, %get3A_1583 : vector<16xf32>
        %sub3A_1633 = arith.subf %add3A_1631, %mul3A_1632 : vector<16xf32>
        %add3A_1634 = arith.addf %add3A_1154, %sub3A_1633 : vector<16xf32>
        %gt3A_1635 = arith.constant 5.000000e-01 : f32
        %gt3A_1636 = vector.broadcast %gt3A_1635 : f32 to vector<16xf32>
        %gt3A_1637 = arith.cmpf ogt, %get3A_1587, %gt3A_1636 : vector<16xf32>
        %all_reduce_population_count3A_1638 = tpu.all_reduce %gt3A_1637 {dim = 0 : i64, kind = #tpu.reduction_kind<sum>} : vector<16xi1> -> vector<16xi32>
        %add3A_1639 = arith.addi %add3A_1399, %all_reduce_population_count3A_1638 : vector<16xi32>
        %get3A_1640 = arith.index_cast %rem3A_87 : i32 to index
        %get3A_1641 = arith.index_cast %scan3A_129 : i32 to index
        %get3A_1642 = arith.constant 400 : index
        %get3A_1643 = tpu.vector_load %arg7[%get3A_1640, %get3A_1641, %get3A_1642] {strides = array<i32>} : memref<2x16x1000xf32, #tpu.memory_space<vmem>>, vector<16xf32>,
        %get3A_1644 = arith.index_cast %rem3A_87 : i32 to index
        %get3A_1645 = arith.index_cast %scan3A_129 : i32 to index
        %get3A_1646 = arith.constant 400 : index
        %get3A_1647 = tpu.vector_load %arg8[%get3A_1644, %get3A_1645, %get3A_1646] {strides = array<i32>} : memref<2x16x1000xf32, #tpu.memory_space<vmem>>, vector<16xf32>,
        %abs3A_1648 = math.absf %get3A_1643 : vector<16xf32>
        %neg3A_1649 = arith.constant 0.000000e+00 : f32
        %neg3A_1650 = vector.broadcast %neg3A_1649 : f32 to vector<16xf32>
        %neg3A_1651 = arith.subf %neg3A_1650, %abs3A_1648 : vector<16xf32>
        %exp3A_1652 = math.exp %neg3A_1651 : vector<16xf32>
        %mul3A_1653 = arith.constant 0.00518600363 : f32
        %mul3A_1654 = vector.broadcast %mul3A_1653 : f32 to vector<16xf32>
        %mul3A_1655 = arith.mulf %mul3A_1654, %exp3A_1652 : vector<16xf32>
        %add3A_1656 = arith.constant -0.0292102676 : f32
        %add3A_1657 = vector.broadcast %add3A_1656 : f32 to vector<16xf32>
        %add3A_1658 = arith.addf %mul3A_1655, %add3A_1657 : vector<16xf32>
        %mul3A_1659 = arith.mulf %add3A_1658, %exp3A_1652 : vector<16xf32>
        %add3A_1660 = arith.constant 0.0775403827 : f32
        %add3A_1661 = vector.broadcast %add3A_1660 : f32 to vector<16xf32>
        %add3A_1662 = arith.addf %mul3A_1659, %add3A_1661 : vector<16xf32>
        %mul3A_1663 = arith.mulf %add3A_1662, %exp3A_1652 : vector<16xf32>
        %add3A_1664 = arith.constant -0.135839418 : f32
        %add3A_1665 = vector.broadcast %add3A_1664 : f32 to vector<16xf32>
        %add3A_1666 = arith.addf %mul3A_1663, %add3A_1665 : vector<16xf32>
        %mul3A_1667 = arith.mulf %add3A_1666, %exp3A_1652 : vector<16xf32>
        %add3A_1668 = arith.constant 0.190559551 : f32
        %add3A_1669 = vector.broadcast %add3A_1668 : f32 to vector<16xf32>
        %add3A_1670 = arith.addf %mul3A_1667, %add3A_1669 : vector<16xf32>
        %mul3A_1671 = arith.mulf %add3A_1670, %exp3A_1652 : vector<16xf32>
        %add3A_1672 = arith.constant -0.24825649 : f32
        %add3A_1673 = vector.broadcast %add3A_1672 : f32 to vector<16xf32>
        %add3A_1674 = arith.addf %mul3A_1671, %add3A_1673 : vector<16xf32>
        %mul3A_1675 = arith.mulf %add3A_1674, %exp3A_1652 : vector<16xf32>
        %add3A_1676 = arith.constant 0.333160102 : f32
        %add3A_1677 = vector.broadcast %add3A_1676 : f32 to vector<16xf32>
        %add3A_1678 = arith.addf %mul3A_1675, %add3A_1677 : vector<16xf32>
        %mul3A_1679 = arith.mulf %add3A_1678, %exp3A_1652 : vector<16xf32>
        %add3A_1680 = arith.constant -0.499992549 : f32
        %add3A_1681 = vector.broadcast %add3A_1680 : f32 to vector<16xf32>
        %add3A_1682 = arith.addf %mul3A_1679, %add3A_1681 : vector<16xf32>
        %mul3A_1683 = arith.mulf %add3A_1682, %exp3A_1652 : vector<16xf32>
        %add3A_1684 = arith.constant 0.99999994 : f32
        %add3A_1685 = vector.broadcast %add3A_1684 : f32 to vector<16xf32>
        %add3A_1686 = arith.addf %mul3A_1683, %add3A_1685 : vector<16xf32>
        %max3A_1687 = arith.constant 0.000000e+00 : f32
        %max3A_1688 = vector.broadcast %max3A_1687 : f32 to vector<16xf32>
        %max3A_1689 = arith.maximumf %get3A_1643, %max3A_1688 : vector<16xf32>
        %mul3A_1690 = arith.mulf %exp3A_1652, %add3A_1686 : vector<16xf32>
        %add3A_1691 = arith.addf %max3A_1689, %mul3A_1690 : vector<16xf32>
        %mul3A_1692 = arith.mulf %get3A_1647, %get3A_1643 : vector<16xf32>
        %sub3A_1693 = arith.subf %add3A_1691, %mul3A_1692 : vector<16xf32>
        %add3A_1694 = arith.addf %add3A_1214, %sub3A_1693 : vector<16xf32>
        %gt3A_1695 = arith.constant 5.000000e-01 : f32
        %gt3A_1696 = vector.broadcast %gt3A_1695 : f32 to vector<16xf32>
        %gt3A_1697 = arith.cmpf ogt, %get3A_1647, %gt3A_1696 : vector<16xf32>
        %all_reduce_population_count3A_1698 = tpu.all_reduce %gt3A_1697 {dim = 0 : i64, kind = #tpu.reduction_kind<sum>} : vector<16xi1> -> vector<16xi32>
        %add3A_1699 = arith.addi %add3A_1459, %all_reduce_population_count3A_1698 : vector<16xi32>
        %get3A_1700 = arith.index_cast %rem3A_87 : i32 to index
        %get3A_1701 = arith.index_cast %scan3A_129 : i32 to index
        %get3A_1702 = arith.constant 416 : index
        %get3A_1703 = tpu.vector_load %arg7[%get3A_1700, %get3A_1701, %get3A_1702] {strides = array<i32>} : memref<2x16x1000xf32, #tpu.memory_space<vmem>>, vector<16xf32>,
        %get3A_1704 = arith.index_cast %rem3A_87 : i32 to index
        %get3A_1705 = arith.index_cast %scan3A_129 : i32 to index
        %get3A_1706 = arith.constant 416 : index
        %get3A_1707 = tpu.vector_load %arg8[%get3A_1704, %get3A_1705, %get3A_1706] {strides = array<i32>} : memref<2x16x1000xf32, #tpu.memory_space<vmem>>, vector<16xf32>,
        %abs3A_1708 = math.absf %get3A_1703 : vector<16xf32>
        %neg3A_1709 = arith.constant 0.000000e+00 : f32
        %neg3A_1710 = vector.broadcast %neg3A_1709 : f32 to vector<16xf32>
        %neg3A_1711 = arith.subf %neg3A_1710, %abs3A_1708 : vector<16xf32>
        %exp3A_1712 = math.exp %neg3A_1711 : vector<16xf32>
        %mul3A_1713 = arith.constant 0.00518600363 : f32
        %mul3A_1714 = vector.broadcast %mul3A_1713 : f32 to vector<16xf32>
        %mul3A_1715 = arith.mulf %mul3A_1714, %exp3A_1712 : vector<16xf32>
        %add3A_1716 = arith.constant -0.0292102676 : f32
        %add3A_1717 = vector.broadcast %add3A_1716 : f32 to vector<16xf32>
        %add3A_1718 = arith.addf %mul3A_1715, %add3A_1717 : vector<16xf32>
        %mul3A_1719 = arith.mulf %add3A_1718, %exp3A_1712 : vector<16xf32>
        %add3A_1720 = arith.constant 0.0775403827 : f32
        %add3A_1721 = vector.broadcast %add3A_1720 : f32 to vector<16xf32>
        %add3A_1722 = arith.addf %mul3A_1719, %add3A_1721 : vector<16xf32>
        %mul3A_1723 = arith.mulf %add3A_1722, %exp3A_1712 : vector<16xf32>
        %add3A_1724 = arith.constant -0.135839418 : f32
        %add3A_1725 = vector.broadcast %add3A_1724 : f32 to vector<16xf32>
        %add3A_1726 = arith.addf %mul3A_1723, %add3A_1725 : vector<16xf32>
        %mul3A_1727 = arith.mulf %add3A_1726, %exp3A_1712 : vector<16xf32>
        %add3A_1728 = arith.constant 0.190559551 : f32
        %add3A_1729 = vector.broadcast %add3A_1728 : f32 to vector<16xf32>
        %add3A_1730 = arith.addf %mul3A_1727, %add3A_1729 : vector<16xf32>
        %mul3A_1731 = arith.mulf %add3A_1730, %exp3A_1712 : vector<16xf32>
        %add3A_1732 = arith.constant -0.24825649 : f32
        %add3A_1733 = vector.broadcast %add3A_1732 : f32 to vector<16xf32>
        %add3A_1734 = arith.addf %mul3A_1731, %add3A_1733 : vector<16xf32>
        %mul3A_1735 = arith.mulf %add3A_1734, %exp3A_1712 : vector<16xf32>
        %add3A_1736 = arith.constant 0.333160102 : f32
        %add3A_1737 = vector.broadcast %add3A_1736 : f32 to vector<16xf32>
        %add3A_1738 = arith.addf %mul3A_1735, %add3A_1737 : vector<16xf32>
        %mul3A_1739 = arith.mulf %add3A_1738, %exp3A_1712 : vector<16xf32>
        %add3A_1740 = arith.constant -0.499992549 : f32
        %add3A_1741 = vector.broadcast %add3A_1740 : f32 to vector<16xf32>
        %add3A_1742 = arith.addf %mul3A_1739, %add3A_1741 : vector<16xf32>
        %mul3A_1743 = arith.mulf %add3A_1742, %exp3A_1712 : vector<16xf32>
        %add3A_1744 = arith.constant 0.99999994 : f32
        %add3A_1745 = vector.broadcast %add3A_1744 : f32 to vector<16xf32>
        %add3A_1746 = arith.addf %mul3A_1743, %add3A_1745 : vector<16xf32>
        %max3A_1747 = arith.constant 0.000000e+00 : f32
        %max3A_1748 = vector.broadcast %max3A_1747 : f32 to vector<16xf32>
        %max3A_1749 = arith.maximumf %get3A_1703, %max3A_1748 : vector<16xf32>
        %mul3A_1750 = arith.mulf %exp3A_1712, %add3A_1746 : vector<16xf32>
        %add3A_1751 = arith.addf %max3A_1749, %mul3A_1750 : vector<16xf32>
        %mul3A_1752 = arith.mulf %get3A_1707, %get3A_1703 : vector<16xf32>
        %sub3A_1753 = arith.subf %add3A_1751, %mul3A_1752 : vector<16xf32>
        %add3A_1754 = arith.addf %add3A_1274, %sub3A_1753 : vector<16xf32>
        %gt3A_1755 = arith.constant 5.000000e-01 : f32
        %gt3A_1756 = vector.broadcast %gt3A_1755 : f32 to vector<16xf32>
        %gt3A_1757 = arith.cmpf ogt, %get3A_1707, %gt3A_1756 : vector<16xf32>
        %all_reduce_population_count3A_1758 = tpu.all_reduce %gt3A_1757 {dim = 0 : i64, kind = #tpu.reduction_kind<sum>} : vector<16xi1> -> vector<16xi32>
        %add3A_1759 = arith.addi %add3A_1519, %all_reduce_population_count3A_1758 : vector<16xi32>
        %get3A_1760 = arith.index_cast %rem3A_87 : i32 to index
        %get3A_1761 = arith.index_cast %scan3A_129 : i32 to index
        %get3A_1762 = arith.constant 432 : index
        %get3A_1763 = tpu.vector_load %arg7[%get3A_1760, %get3A_1761, %get3A_1762] {strides = array<i32>} : memref<2x16x1000xf32, #tpu.memory_space<vmem>>, vector<16xf32>,
        %get3A_1764 = arith.index_cast %rem3A_87 : i32 to index
        %get3A_1765 = arith.index_cast %scan3A_129 : i32 to index
        %get3A_1766 = arith.constant 432 : index
        %get3A_1767 = tpu.vector_load %arg8[%get3A_1764, %get3A_1765, %get3A_1766] {strides = array<i32>} : memref<2x16x1000xf32, #tpu.memory_space<vmem>>, vector<16xf32>,
        %abs3A_1768 = math.absf %get3A_1763 : vector<16xf32>
        %neg3A_1769 = arith.constant 0.000000e+00 : f32
        %neg3A_1770 = vector.broadcast %neg3A_1769 : f32 to vector<16xf32>
        %neg3A_1771 = arith.subf %neg3A_1770, %abs3A_1768 : vector<16xf32>
        %exp3A_1772 = math.exp %neg3A_1771 : vector<16xf32>
        %mul3A_1773 = arith.constant 0.00518600363 : f32
        %mul3A_1774 = vector.broadcast %mul3A_1773 : f32 to vector<16xf32>
        %mul3A_1775 = arith.mulf %mul3A_1774, %exp3A_1772 : vector<16xf32>
        %add3A_1776 = arith.constant -0.0292102676 : f32
        %add3A_1777 = vector.broadcast %add3A_1776 : f32 to vector<16xf32>
        %add3A_1778 = arith.addf %mul3A_1775, %add3A_1777 : vector<16xf32>
        %mul3A_1779 = arith.mulf %add3A_1778, %exp3A_1772 : vector<16xf32>
        %add3A_1780 = arith.constant 0.0775403827 : f32
        %add3A_1781 = vector.broadcast %add3A_1780 : f32 to vector<16xf32>
        %add3A_1782 = arith.addf %mul3A_1779, %add3A_1781 : vector<16xf32>
        %mul3A_1783 = arith.mulf %add3A_1782, %exp3A_1772 : vector<16xf32>
        %add3A_1784 = arith.constant -0.135839418 : f32
        %add3A_1785 = vector.broadcast %add3A_1784 : f32 to vector<16xf32>
        %add3A_1786 = arith.addf %mul3A_1783, %add3A_1785 : vector<16xf32>
        %mul3A_1787 = arith.mulf %add3A_1786, %exp3A_1772 : vector<16xf32>
        %add3A_1788 = arith.constant 0.190559551 : f32
        %add3A_1789 = vector.broadcast %add3A_1788 : f32 to vector<16xf32>
        %add3A_1790 = arith.addf %mul3A_1787, %add3A_1789 : vector<16xf32>
        %mul3A_1791 = arith.mulf %add3A_1790, %exp3A_1772 : vector<16xf32>
        %add3A_1792 = arith.constant -0.24825649 : f32
        %add3A_1793 = vector.broadcast %add3A_1792 : f32 to vector<16xf32>
        %add3A_1794 = arith.addf %mul3A_1791, %add3A_1793 : vector<16xf32>
        %mul3A_1795 = arith.mulf %add3A_1794, %exp3A_1772 : vector<16xf32>
        %add3A_1796 = arith.constant 0.333160102 : f32
        %add3A_1797 = vector.broadcast %add3A_1796 : f32 to vector<16xf32>
        %add3A_1798 = arith.addf %mul3A_1795, %add3A_1797 : vector<16xf32>
        %mul3A_1799 = arith.mulf %add3A_1798, %exp3A_1772 : vector<16xf32>
        %add3A_1800 = arith.constant -0.499992549 : f32
        %add3A_1801 = vector.broadcast %add3A_1800 : f32 to vector<16xf32>
        %add3A_1802 = arith.addf %mul3A_1799, %add3A_1801 : vector<16xf32>
        %mul3A_1803 = arith.mulf %add3A_1802, %exp3A_1772 : vector<16xf32>
        %add3A_1804 = arith.constant 0.99999994 : f32
        %add3A_1805 = vector.broadcast %add3A_1804 : f32 to vector<16xf32>
        %add3A_1806 = arith.addf %mul3A_1803, %add3A_1805 : vector<16xf32>
        %max3A_1807 = arith.constant 0.000000e+00 : f32
        %max3A_1808 = vector.broadcast %max3A_1807 : f32 to vector<16xf32>
        %max3A_1809 = arith.maximumf %get3A_1763, %max3A_1808 : vector<16xf32>
        %mul3A_1810 = arith.mulf %exp3A_1772, %add3A_1806 : vector<16xf32>
        %add3A_1811 = arith.addf %max3A_1809, %mul3A_1810 : vector<16xf32>
        %mul3A_1812 = arith.mulf %get3A_1767, %get3A_1763 : vector<16xf32>
        %sub3A_1813 = arith.subf %add3A_1811, %mul3A_1812 : vector<16xf32>
        %add3A_1814 = arith.addf %add3A_1334, %sub3A_1813 : vector<16xf32>
        %gt3A_1815 = arith.constant 5.000000e-01 : f32
        %gt3A_1816 = vector.broadcast %gt3A_1815 : f32 to vector<16xf32>
        %gt3A_1817 = arith.cmpf ogt, %get3A_1767, %gt3A_1816 : vector<16xf32>
        %all_reduce_population_count3A_1818 = tpu.all_reduce %gt3A_1817 {dim = 0 : i64, kind = #tpu.reduction_kind<sum>} : vector<16xi1> -> vector<16xi32>
        %add3A_1819 = arith.addi %add3A_1579, %all_reduce_population_count3A_1818 : vector<16xi32>
        %get3A_1820 = arith.index_cast %rem3A_87 : i32 to index
        %get3A_1821 = arith.index_cast %scan3A_129 : i32 to index
        %get3A_1822 = arith.constant 448 : index
        %get3A_1823 = tpu.vector_load %arg7[%get3A_1820, %get3A_1821, %get3A_1822] {strides = array<i32>} : memref<2x16x1000xf32, #tpu.memory_space<vmem>>, vector<16xf32>,
        %get3A_1824 = arith.index_cast %rem3A_87 : i32 to index
        %get3A_1825 = arith.index_cast %scan3A_129 : i32 to index
        %get3A_1826 = arith.constant 448 : index
        %get3A_1827 = tpu.vector_load %arg8[%get3A_1824, %get3A_1825, %get3A_1826] {strides = array<i32>} : memref<2x16x1000xf32, #tpu.memory_space<vmem>>, vector<16xf32>,
        %abs3A_1828 = math.absf %get3A_1823 : vector<16xf32>
        %neg3A_1829 = arith.constant 0.000000e+00 : f32
        %neg3A_1830 = vector.broadcast %neg3A_1829 : f32 to vector<16xf32>
        %neg3A_1831 = arith.subf %neg3A_1830, %abs3A_1828 : vector<16xf32>
        %exp3A_1832 = math.exp %neg3A_1831 : vector<16xf32>
        %mul3A_1833 = arith.constant 0.00518600363 : f32
        %mul3A_1834 = vector.broadcast %mul3A_1833 : f32 to vector<16xf32>
        %mul3A_1835 = arith.mulf %mul3A_1834, %exp3A_1832 : vector<16xf32>
        %add3A_1836 = arith.constant -0.0292102676 : f32
        %add3A_1837 = vector.broadcast %add3A_1836 : f32 to vector<16xf32>
        %add3A_1838 = arith.addf %mul3A_1835, %add3A_1837 : vector<16xf32>
        %mul3A_1839 = arith.mulf %add3A_1838, %exp3A_1832 : vector<16xf32>
        %add3A_1840 = arith.constant 0.0775403827 : f32
        %add3A_1841 = vector.broadcast %add3A_1840 : f32 to vector<16xf32>
        %add3A_1842 = arith.addf %mul3A_1839, %add3A_1841 : vector<16xf32>
        %mul3A_1843 = arith.mulf %add3A_1842, %exp3A_1832 : vector<16xf32>
        %add3A_1844 = arith.constant -0.135839418 : f32
        %add3A_1845 = vector.broadcast %add3A_1844 : f32 to vector<16xf32>
        %add3A_1846 = arith.addf %mul3A_1843, %add3A_1845 : vector<16xf32>
        %mul3A_1847 = arith.mulf %add3A_1846, %exp3A_1832 : vector<16xf32>
        %add3A_1848 = arith.constant 0.190559551 : f32
        %add3A_1849 = vector.broadcast %add3A_1848 : f32 to vector<16xf32>
        %add3A_1850 = arith.addf %mul3A_1847, %add3A_1849 : vector<16xf32>
        %mul3A_1851 = arith.mulf %add3A_1850, %exp3A_1832 : vector<16xf32>
        %add3A_1852 = arith.constant -0.24825649 : f32
        %add3A_1853 = vector.broadcast %add3A_1852 : f32 to vector<16xf32>
        %add3A_1854 = arith.addf %mul3A_1851, %add3A_1853 : vector<16xf32>
        %mul3A_1855 = arith.mulf %add3A_1854, %exp3A_1832 : vector<16xf32>
        %add3A_1856 = arith.constant 0.333160102 : f32
        %add3A_1857 = vector.broadcast %add3A_1856 : f32 to vector<16xf32>
        %add3A_1858 = arith.addf %mul3A_1855, %add3A_1857 : vector<16xf32>
        %mul3A_1859 = arith.mulf %add3A_1858, %exp3A_1832 : vector<16xf32>
        %add3A_1860 = arith.constant -0.499992549 : f32
        %add3A_1861 = vector.broadcast %add3A_1860 : f32 to vector<16xf32>
        %add3A_1862 = arith.addf %mul3A_1859, %add3A_1861 : vector<16xf32>
        %mul3A_1863 = arith.mulf %add3A_1862, %exp3A_1832 : vector<16xf32>
        %add3A_1864 = arith.constant 0.99999994 : f32
        %add3A_1865 = vector.broadcast %add3A_1864 : f32 to vector<16xf32>
        %add3A_1866 = arith.addf %mul3A_1863, %add3A_1865 : vector<16xf32>
        %max3A_1867 = arith.constant 0.000000e+00 : f32
        %max3A_1868 = vector.broadcast %max3A_1867 : f32 to vector<16xf32>
        %max3A_1869 = arith.maximumf %get3A_1823, %max3A_1868 : vector<16xf32>
        %mul3A_1870 = arith.mulf %exp3A_1832, %add3A_1866 : vector<16xf32>
        %add3A_1871 = arith.addf %max3A_1869, %mul3A_1870 : vector<16xf32>
        %mul3A_1872 = arith.mulf %get3A_1827, %get3A_1823 : vector<16xf32>
        %sub3A_1873 = arith.subf %add3A_1871, %mul3A_1872 : vector<16xf32>
        %add3A_1874 = arith.addf %add3A_1394, %sub3A_1873 : vector<16xf32>
        %gt3A_1875 = arith.constant 5.000000e-01 : f32
        %gt3A_1876 = vector.broadcast %gt3A_1875 : f32 to vector<16xf32>
        %gt3A_1877 = arith.cmpf ogt, %get3A_1827, %gt3A_1876 : vector<16xf32>
        %all_reduce_population_count3A_1878 = tpu.all_reduce %gt3A_1877 {dim = 0 : i64, kind = #tpu.reduction_kind<sum>} : vector<16xi1> -> vector<16xi32>
        %add3A_1879 = arith.addi %add3A_1639, %all_reduce_population_count3A_1878 : vector<16xi32>
        %get3A_1880 = arith.index_cast %rem3A_87 : i32 to index
        %get3A_1881 = arith.index_cast %scan3A_129 : i32 to index
        %get3A_1882 = arith.constant 464 : index
        %get3A_1883 = tpu.vector_load %arg7[%get3A_1880, %get3A_1881, %get3A_1882] {strides = array<i32>} : memref<2x16x1000xf32, #tpu.memory_space<vmem>>, vector<16xf32>,
        %get3A_1884 = arith.index_cast %rem3A_87 : i32 to index
        %get3A_1885 = arith.index_cast %scan3A_129 : i32 to index
        %get3A_1886 = arith.constant 464 : index
        %get3A_1887 = tpu.vector_load %arg8[%get3A_1884, %get3A_1885, %get3A_1886] {strides = array<i32>} : memref<2x16x1000xf32, #tpu.memory_space<vmem>>, vector<16xf32>,
        %abs3A_1888 = math.absf %get3A_1883 : vector<16xf32>
        %neg3A_1889 = arith.constant 0.000000e+00 : f32
        %neg3A_1890 = vector.broadcast %neg3A_1889 : f32 to vector<16xf32>
        %neg3A_1891 = arith.subf %neg3A_1890, %abs3A_1888 : vector<16xf32>
        %exp3A_1892 = math.exp %neg3A_1891 : vector<16xf32>
        %mul3A_1893 = arith.constant 0.00518600363 : f32
        %mul3A_1894 = vector.broadcast %mul3A_1893 : f32 to vector<16xf32>
        %mul3A_1895 = arith.mulf %mul3A_1894, %exp3A_1892 : vector<16xf32>
        %add3A_1896 = arith.constant -0.0292102676 : f32
        %add3A_1897 = vector.broadcast %add3A_1896 : f32 to vector<16xf32>
        %add3A_1898 = arith.addf %mul3A_1895, %add3A_1897 : vector<16xf32>
        %mul3A_1899 = arith.mulf %add3A_1898, %exp3A_1892 : vector<16xf32>
        %add3A_1900 = arith.constant 0.0775403827 : f32
        %add3A_1901 = vector.broadcast %add3A_1900 : f32 to vector<16xf32>
        %add3A_1902 = arith.addf %mul3A_1899, %add3A_1901 : vector<16xf32>
        %mul3A_1903 = arith.mulf %add3A_1902, %exp3A_1892 : vector<16xf32>
        %add3A_1904 = arith.constant -0.135839418 : f32
        %add3A_1905 = vector.broadcast %add3A_1904 : f32 to vector<16xf32>
        %add3A_1906 = arith.addf %mul3A_1903, %add3A_1905 : vector<16xf32>
        %mul3A_1907 = arith.mulf %add3A_1906, %exp3A_1892 : vector<16xf32>
        %add3A_1908 = arith.constant 0.190559551 : f32
        %add3A_1909 = vector.broadcast %add3A_1908 : f32 to vector<16xf32>
        %add3A_1910 = arith.addf %mul3A_1907, %add3A_1909 : vector<16xf32>
        %mul3A_1911 = arith.mulf %add3A_1910, %exp3A_1892 : vector<16xf32>
        %add3A_1912 = arith.constant -0.24825649 : f32
        %add3A_1913 = vector.broadcast %add3A_1912 : f32 to vector<16xf32>
        %add3A_1914 = arith.addf %mul3A_1911, %add3A_1913 : vector<16xf32>
        %mul3A_1915 = arith.mulf %add3A_1914, %exp3A_1892 : vector<16xf32>
        %add3A_1916 = arith.constant 0.333160102 : f32
        %add3A_1917 = vector.broadcast %add3A_1916 : f32 to vector<16xf32>
        %add3A_1918 = arith.addf %mul3A_1915, %add3A_1917 : vector<16xf32>
        %mul3A_1919 = arith.mulf %add3A_1918, %exp3A_1892 : vector<16xf32>
        %add3A_1920 = arith.constant -0.499992549 : f32
        %add3A_1921 = vector.broadcast %add3A_1920 : f32 to vector<16xf32>
        %add3A_1922 = arith.addf %mul3A_1919, %add3A_1921 : vector<16xf32>
        %mul3A_1923 = arith.mulf %add3A_1922, %exp3A_1892 : vector<16xf32>
        %add3A_1924 = arith.constant 0.99999994 : f32
        %add3A_1925 = vector.broadcast %add3A_1924 : f32 to vector<16xf32>
        %add3A_1926 = arith.addf %mul3A_1923, %add3A_1925 : vector<16xf32>
        %max3A_1927 = arith.constant 0.000000e+00 : f32
        %max3A_1928 = vector.broadcast %max3A_1927 : f32 to vector<16xf32>
        %max3A_1929 = arith.maximumf %get3A_1883, %max3A_1928 : vector<16xf32>
        %mul3A_1930 = arith.mulf %exp3A_1892, %add3A_1926 : vector<16xf32>
        %add3A_1931 = arith.addf %max3A_1929, %mul3A_1930 : vector<16xf32>
        %mul3A_1932 = arith.mulf %get3A_1887, %get3A_1883 : vector<16xf32>
        %sub3A_1933 = arith.subf %add3A_1931, %mul3A_1932 : vector<16xf32>
        %add3A_1934 = arith.addf %add3A_1454, %sub3A_1933 : vector<16xf32>
        %gt3A_1935 = arith.constant 5.000000e-01 : f32
        %gt3A_1936 = vector.broadcast %gt3A_1935 : f32 to vector<16xf32>
        %gt3A_1937 = arith.cmpf ogt, %get3A_1887, %gt3A_1936 : vector<16xf32>
        %all_reduce_population_count3A_1938 = tpu.all_reduce %gt3A_1937 {dim = 0 : i64, kind = #tpu.reduction_kind<sum>} : vector<16xi1> -> vector<16xi32>
        %add3A_1939 = arith.addi %add3A_1699, %all_reduce_population_count3A_1938 : vector<16xi32>
        %get3A_1940 = arith.index_cast %rem3A_87 : i32 to index
        %get3A_1941 = arith.index_cast %scan3A_129 : i32 to index
        %get3A_1942 = arith.constant 480 : index
        %get3A_1943 = tpu.vector_load %arg7[%get3A_1940, %get3A_1941, %get3A_1942] {strides = array<i32>} : memref<2x16x1000xf32, #tpu.memory_space<vmem>>, vector<16xf32>,
        %get3A_1944 = arith.index_cast %rem3A_87 : i32 to index
        %get3A_1945 = arith.index_cast %scan3A_129 : i32 to index
        %get3A_1946 = arith.constant 480 : index
        %get3A_1947 = tpu.vector_load %arg8[%get3A_1944, %get3A_1945, %get3A_1946] {strides = array<i32>} : memref<2x16x1000xf32, #tpu.memory_space<vmem>>, vector<16xf32>,
        %abs3A_1948 = math.absf %get3A_1943 : vector<16xf32>
        %neg3A_1949 = arith.constant 0.000000e+00 : f32
        %neg3A_1950 = vector.broadcast %neg3A_1949 : f32 to vector<16xf32>
        %neg3A_1951 = arith.subf %neg3A_1950, %abs3A_1948 : vector<16xf32>
        %exp3A_1952 = math.exp %neg3A_1951 : vector<16xf32>
        %mul3A_1953 = arith.constant 0.00518600363 : f32
        %mul3A_1954 = vector.broadcast %mul3A_1953 : f32 to vector<16xf32>
        %mul3A_1955 = arith.mulf %mul3A_1954, %exp3A_1952 : vector<16xf32>
        %add3A_1956 = arith.constant -0.0292102676 : f32
        %add3A_1957 = vector.broadcast %add3A_1956 : f32 to vector<16xf32>
        %add3A_1958 = arith.addf %mul3A_1955, %add3A_1957 : vector<16xf32>
        %mul3A_1959 = arith.mulf %add3A_1958, %exp3A_1952 : vector<16xf32>
        %add3A_1960 = arith.constant 0.0775403827 : f32
        %add3A_1961 = vector.broadcast %add3A_1960 : f32 to vector<16xf32>
        %add3A_1962 = arith.addf %mul3A_1959, %add3A_1961 : vector<16xf32>
        %mul3A_1963 = arith.mulf %add3A_1962, %exp3A_1952 : vector<16xf32>
        %add3A_1964 = arith.constant -0.135839418 : f32
        %add3A_1965 = vector.broadcast %add3A_1964 : f32 to vector<16xf32>
        %add3A_1966 = arith.addf %mul3A_1963, %add3A_1965 : vector<16xf32>
        %mul3A_1967 = arith.mulf %add3A_1966, %exp3A_1952 : vector<16xf32>
        %add3A_1968 = arith.constant 0.190559551 : f32
        %add3A_1969 = vector.broadcast %add3A_1968 : f32 to vector<16xf32>
        %add3A_1970 = arith.addf %mul3A_1967, %add3A_1969 : vector<16xf32>
        %mul3A_1971 = arith.mulf %add3A_1970, %exp3A_1952 : vector<16xf32>
        %add3A_1972 = arith.constant -0.24825649 : f32
        %add3A_1973 = vector.broadcast %add3A_1972 : f32 to vector<16xf32>
        %add3A_1974 = arith.addf %mul3A_1971, %add3A_1973 : vector<16xf32>
        %mul3A_1975 = arith.mulf %add3A_1974, %exp3A_1952 : vector<16xf32>
        %add3A_1976 = arith.constant 0.333160102 : f32
        %add3A_1977 = vector.broadcast %add3A_1976 : f32 to vector<16xf32>
        %add3A_1978 = arith.addf %mul3A_1975, %add3A_1977 : vector<16xf32>
        %mul3A_1979 = arith.mulf %add3A_1978, %exp3A_1952 : vector<16xf32>
        %add3A_1980 = arith.constant -0.499992549 : f32
        %add3A_1981 = vector.broadcast %add3A_1980 : f32 to vector<16xf32>
        %add3A_1982 = arith.addf %mul3A_1979, %add3A_1981 : vector<16xf32>
        %mul3A_1983 = arith.mulf %add3A_1982, %exp3A_1952 : vector<16xf32>
        %add3A_1984 = arith.constant 0.99999994 : f32
        %add3A_1985 = vector.broadcast %add3A_1984 : f32 to vector<16xf32>
        %add3A_1986 = arith.addf %mul3A_1983, %add3A_1985 : vector<16xf32>
        %max3A_1987 = arith.constant 0.000000e+00 : f32
        %max3A_1988 = vector.broadcast %max3A_1987 : f32 to vector<16xf32>
        %max3A_1989 = arith.maximumf %get3A_1943, %max3A_1988 : vector<16xf32>
        %mul3A_1990 = arith.mulf %exp3A_1952, %add3A_1986 : vector<16xf32>
        %add3A_1991 = arith.addf %max3A_1989, %mul3A_1990 : vector<16xf32>
        %mul3A_1992 = arith.mulf %get3A_1947, %get3A_1943 : vector<16xf32>
        %sub3A_1993 = arith.subf %add3A_1991, %mul3A_1992 : vector<16xf32>
        %add3A_1994 = arith.addf %add3A_1514, %sub3A_1993 : vector<16xf32>
        %gt3A_1995 = arith.constant 5.000000e-01 : f32
        %gt3A_1996 = vector.broadcast %gt3A_1995 : f32 to vector<16xf32>
        %gt3A_1997 = arith.cmpf ogt, %get3A_1947, %gt3A_1996 : vector<16xf32>
        %all_reduce_population_count3A_1998 = tpu.all_reduce %gt3A_1997 {dim = 0 : i64, kind = #tpu.reduction_kind<sum>} : vector<16xi1> -> vector<16xi32>
        %add3A_1999 = arith.addi %add3A_1759, %all_reduce_population_count3A_1998 : vector<16xi32>
        %get3A_2000 = arith.index_cast %rem3A_87 : i32 to index
        %get3A_2001 = arith.index_cast %scan3A_129 : i32 to index
        %get3A_2002 = arith.constant 496 : index
        %get3A_2003 = tpu.vector_load %arg7[%get3A_2000, %get3A_2001, %get3A_2002] {strides = array<i32>} : memref<2x16x1000xf32, #tpu.memory_space<vmem>>, vector<16xf32>,
        %get3A_2004 = arith.index_cast %rem3A_87 : i32 to index
        %get3A_2005 = arith.index_cast %scan3A_129 : i32 to index
        %get3A_2006 = arith.constant 496 : index
        %get3A_2007 = tpu.vector_load %arg8[%get3A_2004, %get3A_2005, %get3A_2006] {strides = array<i32>} : memref<2x16x1000xf32, #tpu.memory_space<vmem>>, vector<16xf32>,
        %abs3A_2008 = math.absf %get3A_2003 : vector<16xf32>
        %neg3A_2009 = arith.constant 0.000000e+00 : f32
        %neg3A_2010 = vector.broadcast %neg3A_2009 : f32 to vector<16xf32>
        %neg3A_2011 = arith.subf %neg3A_2010, %abs3A_2008 : vector<16xf32>
        %exp3A_2012 = math.exp %neg3A_2011 : vector<16xf32>
        %mul3A_2013 = arith.constant 0.00518600363 : f32
        %mul3A_2014 = vector.broadcast %mul3A_2013 : f32 to vector<16xf32>
        %mul3A_2015 = arith.mulf %mul3A_2014, %exp3A_2012 : vector<16xf32>
        %add3A_2016 = arith.constant -0.0292102676 : f32
        %add3A_2017 = vector.broadcast %add3A_2016 : f32 to vector<16xf32>
        %add3A_2018 = arith.addf %mul3A_2015, %add3A_2017 : vector<16xf32>
        %mul3A_2019 = arith.mulf %add3A_2018, %exp3A_2012 : vector<16xf32>
        %add3A_2020 = arith.constant 0.0775403827 : f32
        %add3A_2021 = vector.broadcast %add3A_2020 : f32 to vector<16xf32>
        %add3A_2022 = arith.addf %mul3A_2019, %add3A_2021 : vector<16xf32>
        %mul3A_2023 = arith.mulf %add3A_2022, %exp3A_2012 : vector<16xf32>
        %add3A_2024 = arith.constant -0.135839418 : f32
        %add3A_2025 = vector.broadcast %add3A_2024 : f32 to vector<16xf32>
        %add3A_2026 = arith.addf %mul3A_2023, %add3A_2025 : vector<16xf32>
        %mul3A_2027 = arith.mulf %add3A_2026, %exp3A_2012 : vector<16xf32>
        %add3A_2028 = arith.constant 0.190559551 : f32
        %add3A_2029 = vector.broadcast %add3A_2028 : f32 to vector<16xf32>
        %add3A_2030 = arith.addf %mul3A_2027, %add3A_2029 : vector<16xf32>
        %mul3A_2031 = arith.mulf %add3A_2030, %exp3A_2012 : vector<16xf32>
        %add3A_2032 = arith.constant -0.24825649 : f32
        %add3A_2033 = vector.broadcast %add3A_2032 : f32 to vector<16xf32>
        %add3A_2034 = arith.addf %mul3A_2031, %add3A_2033 : vector<16xf32>
        %mul3A_2035 = arith.mulf %add3A_2034, %exp3A_2012 : vector<16xf32>
        %add3A_2036 = arith.constant 0.333160102 : f32
        %add3A_2037 = vector.broadcast %add3A_2036 : f32 to vector<16xf32>
        %add3A_2038 = arith.addf %mul3A_2035, %add3A_2037 : vector<16xf32>
        %mul3A_2039 = arith.mulf %add3A_2038, %exp3A_2012 : vector<16xf32>
        %add3A_2040 = arith.constant -0.499992549 : f32
        %add3A_2041 = vector.broadcast %add3A_2040 : f32 to vector<16xf32>
        %add3A_2042 = arith.addf %mul3A_2039, %add3A_2041 : vector<16xf32>
        %mul3A_2043 = arith.mulf %add3A_2042, %exp3A_2012 : vector<16xf32>
        %add3A_2044 = arith.constant 0.99999994 : f32
        %add3A_2045 = vector.broadcast %add3A_2044 : f32 to vector<16xf32>
        %add3A_2046 = arith.addf %mul3A_2043, %add3A_2045 : vector<16xf32>
        %max3A_2047 = arith.constant 0.000000e+00 : f32
        %max3A_2048 = vector.broadcast %max3A_2047 : f32 to vector<16xf32>
        %max3A_2049 = arith.maximumf %get3A_2003, %max3A_2048 : vector<16xf32>
        %mul3A_2050 = arith.mulf %exp3A_2012, %add3A_2046 : vector<16xf32>
        %add3A_2051 = arith.addf %max3A_2049, %mul3A_2050 : vector<16xf32>
        %mul3A_2052 = arith.mulf %get3A_2007, %get3A_2003 : vector<16xf32>
        %sub3A_2053 = arith.subf %add3A_2051, %mul3A_2052 : vector<16xf32>
        %add3A_2054 = arith.addf %add3A_1574, %sub3A_2053 : vector<16xf32>
        %gt3A_2055 = arith.constant 5.000000e-01 : f32
        %gt3A_2056 = vector.broadcast %gt3A_2055 : f32 to vector<16xf32>
        %gt3A_2057 = arith.cmpf ogt, %get3A_2007, %gt3A_2056 : vector<16xf32>
        %all_reduce_population_count3A_2058 = tpu.all_reduce %gt3A_2057 {dim = 0 : i64, kind = #tpu.reduction_kind<sum>} : vector<16xi1> -> vector<16xi32>
        %add3A_2059 = arith.addi %add3A_1819, %all_reduce_population_count3A_2058 : vector<16xi32>
        %get3A_2060 = arith.index_cast %rem3A_87 : i32 to index
        %get3A_2061 = arith.index_cast %scan3A_129 : i32 to index
        %get3A_2062 = arith.constant 512 : index
        %get3A_2063 = tpu.vector_load %arg7[%get3A_2060, %get3A_2061, %get3A_2062] {strides = array<i32>} : memref<2x16x1000xf32, #tpu.memory_space<vmem>>, vector<16xf32>,
        %get3A_2064 = arith.index_cast %rem3A_87 : i32 to index
        %get3A_2065 = arith.index_cast %scan3A_129 : i32 to index
        %get3A_2066 = arith.constant 512 : index
        %get3A_2067 = tpu.vector_load %arg8[%get3A_2064, %get3A_2065, %get3A_2066] {strides = array<i32>} : memref<2x16x1000xf32, #tpu.memory_space<vmem>>, vector<16xf32>,
        %abs3A_2068 = math.absf %get3A_2063 : vector<16xf32>
        %neg3A_2069 = arith.constant 0.000000e+00 : f32
        %neg3A_2070 = vector.broadcast %neg3A_2069 : f32 to vector<16xf32>
        %neg3A_2071 = arith.subf %neg3A_2070, %abs3A_2068 : vector<16xf32>
        %exp3A_2072 = math.exp %neg3A_2071 : vector<16xf32>
        %mul3A_2073 = arith.constant 0.00518600363 : f32
        %mul3A_2074 = vector.broadcast %mul3A_2073 : f32 to vector<16xf32>
        %mul3A_2075 = arith.mulf %mul3A_2074, %exp3A_2072 : vector<16xf32>
        %add3A_2076 = arith.constant -0.0292102676 : f32
        %add3A_2077 = vector.broadcast %add3A_2076 : f32 to vector<16xf32>
        %add3A_2078 = arith.addf %mul3A_2075, %add3A_2077 : vector<16xf32>
        %mul3A_2079 = arith.mulf %add3A_2078, %exp3A_2072 : vector<16xf32>
        %add3A_2080 = arith.constant 0.0775403827 : f32
        %add3A_2081 = vector.broadcast %add3A_2080 : f32 to vector<16xf32>
        %add3A_2082 = arith.addf %mul3A_2079, %add3A_2081 : vector<16xf32>
        %mul3A_2083 = arith.mulf %add3A_2082, %exp3A_2072 : vector<16xf32>
        %add3A_2084 = arith.constant -0.135839418 : f32
        %add3A_2085 = vector.broadcast %add3A_2084 : f32 to vector<16xf32>
        %add3A_2086 = arith.addf %mul3A_2083, %add3A_2085 : vector<16xf32>
        %mul3A_2087 = arith.mulf %add3A_2086, %exp3A_2072 : vector<16xf32>
        %add3A_2088 = arith.constant 0.190559551 : f32
        %add3A_2089 = vector.broadcast %add3A_2088 : f32 to vector<16xf32>
        %add3A_2090 = arith.addf %mul3A_2087, %add3A_2089 : vector<16xf32>
        %mul3A_2091 = arith.mulf %add3A_2090, %exp3A_2072 : vector<16xf32>
        %add3A_2092 = arith.constant -0.24825649 : f32
        %add3A_2093 = vector.broadcast %add3A_2092 : f32 to vector<16xf32>
        %add3A_2094 = arith.addf %mul3A_2091, %add3A_2093 : vector<16xf32>
        %mul3A_2095 = arith.mulf %add3A_2094, %exp3A_2072 : vector<16xf32>
        %add3A_2096 = arith.constant 0.333160102 : f32
        %add3A_2097 = vector.broadcast %add3A_2096 : f32 to vector<16xf32>
        %add3A_2098 = arith.addf %mul3A_2095, %add3A_2097 : vector<16xf32>
        %mul3A_2099 = arith.mulf %add3A_2098, %exp3A_2072 : vector<16xf32>
        %add3A_2100 = arith.constant -0.499992549 : f32
        %add3A_2101 = vector.broadcast %add3A_2100 : f32 to vector<16xf32>
        %add3A_2102 = arith.addf %mul3A_2099, %add3A_2101 : vector<16xf32>
        %mul3A_2103 = arith.mulf %add3A_2102, %exp3A_2072 : vector<16xf32>
        %add3A_2104 = arith.constant 0.99999994 : f32
        %add3A_2105 = vector.broadcast %add3A_2104 : f32 to vector<16xf32>
        %add3A_2106 = arith.addf %mul3A_2103, %add3A_2105 : vector<16xf32>
        %max3A_2107 = arith.constant 0.000000e+00 : f32
        %max3A_2108 = vector.broadcast %max3A_2107 : f32 to vector<16xf32>
        %max3A_2109 = arith.maximumf %get3A_2063, %max3A_2108 : vector<16xf32>
        %mul3A_2110 = arith.mulf %exp3A_2072, %add3A_2106 : vector<16xf32>
        %add3A_2111 = arith.addf %max3A_2109, %mul3A_2110 : vector<16xf32>
        %mul3A_2112 = arith.mulf %get3A_2067, %get3A_2063 : vector<16xf32>
        %sub3A_2113 = arith.subf %add3A_2111, %mul3A_2112 : vector<16xf32>
        %add3A_2114 = arith.addf %add3A_1634, %sub3A_2113 : vector<16xf32>
        %gt3A_2115 = arith.constant 5.000000e-01 : f32
        %gt3A_2116 = vector.broadcast %gt3A_2115 : f32 to vector<16xf32>
        %gt3A_2117 = arith.cmpf ogt, %get3A_2067, %gt3A_2116 : vector<16xf32>
        %all_reduce_population_count3A_2118 = tpu.all_reduce %gt3A_2117 {dim = 0 : i64, kind = #tpu.reduction_kind<sum>} : vector<16xi1> -> vector<16xi32>
        %add3A_2119 = arith.addi %add3A_1879, %all_reduce_population_count3A_2118 : vector<16xi32>
        %get3A_2120 = arith.index_cast %rem3A_87 : i32 to index
        %get3A_2121 = arith.index_cast %scan3A_129 : i32 to index
        %get3A_2122 = arith.constant 528 : index
        %get3A_2123 = tpu.vector_load %arg7[%get3A_2120, %get3A_2121, %get3A_2122] {strides = array<i32>} : memref<2x16x1000xf32, #tpu.memory_space<vmem>>, vector<16xf32>,
        %get3A_2124 = arith.index_cast %rem3A_87 : i32 to index
        %get3A_2125 = arith.index_cast %scan3A_129 : i32 to index
        %get3A_2126 = arith.constant 528 : index
        %get3A_2127 = tpu.vector_load %arg8[%get3A_2124, %get3A_2125, %get3A_2126] {strides = array<i32>} : memref<2x16x1000xf32, #tpu.memory_space<vmem>>, vector<16xf32>,
        %abs3A_2128 = math.absf %get3A_2123 : vector<16xf32>
        %neg3A_2129 = arith.constant 0.000000e+00 : f32
        %neg3A_2130 = vector.broadcast %neg3A_2129 : f32 to vector<16xf32>
        %neg3A_2131 = arith.subf %neg3A_2130, %abs3A_2128 : vector<16xf32>
        %exp3A_2132 = math.exp %neg3A_2131 : vector<16xf32>
        %mul3A_2133 = arith.constant 0.00518600363 : f32
        %mul3A_2134 = vector.broadcast %mul3A_2133 : f32 to vector<16xf32>
        %mul3A_2135 = arith.mulf %mul3A_2134, %exp3A_2132 : vector<16xf32>
        %add3A_2136 = arith.constant -0.0292102676 : f32
        %add3A_2137 = vector.broadcast %add3A_2136 : f32 to vector<16xf32>
        %add3A_2138 = arith.addf %mul3A_2135, %add3A_2137 : vector<16xf32>
        %mul3A_2139 = arith.mulf %add3A_2138, %exp3A_2132 : vector<16xf32>
        %add3A_2140 = arith.constant 0.0775403827 : f32
        %add3A_2141 = vector.broadcast %add3A_2140 : f32 to vector<16xf32>
        %add3A_2142 = arith.addf %mul3A_2139, %add3A_2141 : vector<16xf32>
        %mul3A_2143 = arith.mulf %add3A_2142, %exp3A_2132 : vector<16xf32>
        %add3A_2144 = arith.constant -0.135839418 : f32
        %add3A_2145 = vector.broadcast %add3A_2144 : f32 to vector<16xf32>
        %add3A_2146 = arith.addf %mul3A_2143, %add3A_2145 : vector<16xf32>
        %mul3A_2147 = arith.mulf %add3A_2146, %exp3A_2132 : vector<16xf32>
        %add3A_2148 = arith.constant 0.190559551 : f32
        %add3A_2149 = vector.broadcast %add3A_2148 : f32 to vector<16xf32>
        %add3A_2150 = arith.addf %mul3A_2147, %add3A_2149 : vector<16xf32>
        %mul3A_2151 = arith.mulf %add3A_2150, %exp3A_2132 : vector<16xf32>
        %add3A_2152 = arith.constant -0.24825649 : f32
        %add3A_2153 = vector.broadcast %add3A_2152 : f32 to vector<16xf32>
        %add3A_2154 = arith.addf %mul3A_2151, %add3A_2153 : vector<16xf32>
        %mul3A_2155 = arith.mulf %add3A_2154, %exp3A_2132 : vector<16xf32>
        %add3A_2156 = arith.constant 0.333160102 : f32
        %add3A_2157 = vector.broadcast %add3A_2156 : f32 to vector<16xf32>
        %add3A_2158 = arith.addf %mul3A_2155, %add3A_2157 : vector<16xf32>
        %mul3A_2159 = arith.mulf %add3A_2158, %exp3A_2132 : vector<16xf32>
        %add3A_2160 = arith.constant -0.499992549 : f32
        %add3A_2161 = vector.broadcast %add3A_2160 : f32 to vector<16xf32>
        %add3A_2162 = arith.addf %mul3A_2159, %add3A_2161 : vector<16xf32>
        %mul3A_2163 = arith.mulf %add3A_2162, %exp3A_2132 : vector<16xf32>
        %add3A_2164 = arith.constant 0.99999994 : f32
        %add3A_2165 = vector.broadcast %add3A_2164 : f32 to vector<16xf32>
        %add3A_2166 = arith.addf %mul3A_2163, %add3A_2165 : vector<16xf32>
        %max3A_2167 = arith.constant 0.000000e+00 : f32
        %max3A_2168 = vector.broadcast %max3A_2167 : f32 to vector<16xf32>
        %max3A_2169 = arith.maximumf %get3A_2123, %max3A_2168 : vector<16xf32>
        %mul3A_2170 = arith.mulf %exp3A_2132, %add3A_2166 : vector<16xf32>
        %add3A_2171 = arith.addf %max3A_2169, %mul3A_2170 : vector<16xf32>
        %mul3A_2172 = arith.mulf %get3A_2127, %get3A_2123 : vector<16xf32>
        %sub3A_2173 = arith.subf %add3A_2171, %mul3A_2172 : vector<16xf32>
        %add3A_2174 = arith.addf %add3A_1694, %sub3A_2173 : vector<16xf32>
        %gt3A_2175 = arith.constant 5.000000e-01 : f32
        %gt3A_2176 = vector.broadcast %gt3A_2175 : f32 to vector<16xf32>
        %gt3A_2177 = arith.cmpf ogt, %get3A_2127, %gt3A_2176 : vector<16xf32>
        %all_reduce_population_count3A_2178 = tpu.all_reduce %gt3A_2177 {dim = 0 : i64, kind = #tpu.reduction_kind<sum>} : vector<16xi1> -> vector<16xi32>
        %add3A_2179 = arith.addi %add3A_1939, %all_reduce_population_count3A_2178 : vector<16xi32>
        %get3A_2180 = arith.index_cast %rem3A_87 : i32 to index
        %get3A_2181 = arith.index_cast %scan3A_129 : i32 to index
        %get3A_2182 = arith.constant 544 : index
        %get3A_2183 = tpu.vector_load %arg7[%get3A_2180, %get3A_2181, %get3A_2182] {strides = array<i32>} : memref<2x16x1000xf32, #tpu.memory_space<vmem>>, vector<16xf32>,
        %get3A_2184 = arith.index_cast %rem3A_87 : i32 to index
        %get3A_2185 = arith.index_cast %scan3A_129 : i32 to index
        %get3A_2186 = arith.constant 544 : index
        %get3A_2187 = tpu.vector_load %arg8[%get3A_2184, %get3A_2185, %get3A_2186] {strides = array<i32>} : memref<2x16x1000xf32, #tpu.memory_space<vmem>>, vector<16xf32>,
        %abs3A_2188 = math.absf %get3A_2183 : vector<16xf32>
        %neg3A_2189 = arith.constant 0.000000e+00 : f32
        %neg3A_2190 = vector.broadcast %neg3A_2189 : f32 to vector<16xf32>
        %neg3A_2191 = arith.subf %neg3A_2190, %abs3A_2188 : vector<16xf32>
        %exp3A_2192 = math.exp %neg3A_2191 : vector<16xf32>
        %mul3A_2193 = arith.constant 0.00518600363 : f32
        %mul3A_2194 = vector.broadcast %mul3A_2193 : f32 to vector<16xf32>
        %mul3A_2195 = arith.mulf %mul3A_2194, %exp3A_2192 : vector<16xf32>
        %add3A_2196 = arith.constant -0.0292102676 : f32
        %add3A_2197 = vector.broadcast %add3A_2196 : f32 to vector<16xf32>
        %add3A_2198 = arith.addf %mul3A_2195, %add3A_2197 : vector<16xf32>
        %mul3A_2199 = arith.mulf %add3A_2198, %exp3A_2192 : vector<16xf32>
        %add3A_2200 = arith.constant 0.0775403827 : f32
        %add3A_2201 = vector.broadcast %add3A_2200 : f32 to vector<16xf32>
        %add3A_2202 = arith.addf %mul3A_2199, %add3A_2201 : vector<16xf32>
        %mul3A_2203 = arith.mulf %add3A_2202, %exp3A_2192 : vector<16xf32>
        %add3A_2204 = arith.constant -0.135839418 : f32
        %add3A_2205 = vector.broadcast %add3A_2204 : f32 to vector<16xf32>
        %add3A_2206 = arith.addf %mul3A_2203, %add3A_2205 : vector<16xf32>
        %mul3A_2207 = arith.mulf %add3A_2206, %exp3A_2192 : vector<16xf32>
        %add3A_2208 = arith.constant 0.190559551 : f32
        %add3A_2209 = vector.broadcast %add3A_2208 : f32 to vector<16xf32>
        %add3A_2210 = arith.addf %mul3A_2207, %add3A_2209 : vector<16xf32>
        %mul3A_2211 = arith.mulf %add3A_2210, %exp3A_2192 : vector<16xf32>
        %add3A_2212 = arith.constant -0.24825649 : f32
        %add3A_2213 = vector.broadcast %add3A_2212 : f32 to vector<16xf32>
        %add3A_2214 = arith.addf %mul3A_2211, %add3A_2213 : vector<16xf32>
        %mul3A_2215 = arith.mulf %add3A_2214, %exp3A_2192 : vector<16xf32>
        %add3A_2216 = arith.constant 0.333160102 : f32
        %add3A_2217 = vector.broadcast %add3A_2216 : f32 to vector<16xf32>
        %add3A_2218 = arith.addf %mul3A_2215, %add3A_2217 : vector<16xf32>
        %mul3A_2219 = arith.mulf %add3A_2218, %exp3A_2192 : vector<16xf32>
        %add3A_2220 = arith.constant -0.499992549 : f32
        %add3A_2221 = vector.broadcast %add3A_2220 : f32 to vector<16xf32>
        %add3A_2222 = arith.addf %mul3A_2219, %add3A_2221 : vector<16xf32>
        %mul3A_2223 = arith.mulf %add3A_2222, %exp3A_2192 : vector<16xf32>
        %add3A_2224 = arith.constant 0.99999994 : f32
        %add3A_2225 = vector.broadcast %add3A_2224 : f32 to vector<16xf32>
        %add3A_2226 = arith.addf %mul3A_2223, %add3A_2225 : vector<16xf32>
        %max3A_2227 = arith.constant 0.000000e+00 : f32
        %max3A_2228 = vector.broadcast %max3A_2227 : f32 to vector<16xf32>
        %max3A_2229 = arith.maximumf %get3A_2183, %max3A_2228 : vector<16xf32>
        %mul3A_2230 = arith.mulf %exp3A_2192, %add3A_2226 : vector<16xf32>
        %add3A_2231 = arith.addf %max3A_2229, %mul3A_2230 : vector<16xf32>
        %mul3A_2232 = arith.mulf %get3A_2187, %get3A_2183 : vector<16xf32>
        %sub3A_2233 = arith.subf %add3A_2231, %mul3A_2232 : vector<16xf32>
        %add3A_2234 = arith.addf %add3A_1754, %sub3A_2233 : vector<16xf32>
        %gt3A_2235 = arith.constant 5.000000e-01 : f32
        %gt3A_2236 = vector.broadcast %gt3A_2235 : f32 to vector<16xf32>
        %gt3A_2237 = arith.cmpf ogt, %get3A_2187, %gt3A_2236 : vector<16xf32>
        %all_reduce_population_count3A_2238 = tpu.all_reduce %gt3A_2237 {dim = 0 : i64, kind = #tpu.reduction_kind<sum>} : vector<16xi1> -> vector<16xi32>
        %add3A_2239 = arith.addi %add3A_1999, %all_reduce_population_count3A_2238 : vector<16xi32>
        %get3A_2240 = arith.index_cast %rem3A_87 : i32 to index
        %get3A_2241 = arith.index_cast %scan3A_129 : i32 to index
        %get3A_2242 = arith.constant 560 : index
        %get3A_2243 = tpu.vector_load %arg7[%get3A_2240, %get3A_2241, %get3A_2242] {strides = array<i32>} : memref<2x16x1000xf32, #tpu.memory_space<vmem>>, vector<16xf32>,
        %get3A_2244 = arith.index_cast %rem3A_87 : i32 to index
        %get3A_2245 = arith.index_cast %scan3A_129 : i32 to index
        %get3A_2246 = arith.constant 560 : index
        %get3A_2247 = tpu.vector_load %arg8[%get3A_2244, %get3A_2245, %get3A_2246] {strides = array<i32>} : memref<2x16x1000xf32, #tpu.memory_space<vmem>>, vector<16xf32>,
        %abs3A_2248 = math.absf %get3A_2243 : vector<16xf32>
        %neg3A_2249 = arith.constant 0.000000e+00 : f32
        %neg3A_2250 = vector.broadcast %neg3A_2249 : f32 to vector<16xf32>
        %neg3A_2251 = arith.subf %neg3A_2250, %abs3A_2248 : vector<16xf32>
        %exp3A_2252 = math.exp %neg3A_2251 : vector<16xf32>
        %mul3A_2253 = arith.constant 0.00518600363 : f32
        %mul3A_2254 = vector.broadcast %mul3A_2253 : f32 to vector<16xf32>
        %mul3A_2255 = arith.mulf %mul3A_2254, %exp3A_2252 : vector<16xf32>
        %add3A_2256 = arith.constant -0.0292102676 : f32
        %add3A_2257 = vector.broadcast %add3A_2256 : f32 to vector<16xf32>
        %add3A_2258 = arith.addf %mul3A_2255, %add3A_2257 : vector<16xf32>
        %mul3A_2259 = arith.mulf %add3A_2258, %exp3A_2252 : vector<16xf32>
        %add3A_2260 = arith.constant 0.0775403827 : f32
        %add3A_2261 = vector.broadcast %add3A_2260 : f32 to vector<16xf32>
        %add3A_2262 = arith.addf %mul3A_2259, %add3A_2261 : vector<16xf32>
        %mul3A_2263 = arith.mulf %add3A_2262, %exp3A_2252 : vector<16xf32>
        %add3A_2264 = arith.constant -0.135839418 : f32
        %add3A_2265 = vector.broadcast %add3A_2264 : f32 to vector<16xf32>
        %add3A_2266 = arith.addf %mul3A_2263, %add3A_2265 : vector<16xf32>
        %mul3A_2267 = arith.mulf %add3A_2266, %exp3A_2252 : vector<16xf32>
        %add3A_2268 = arith.constant 0.190559551 : f32
        %add3A_2269 = vector.broadcast %add3A_2268 : f32 to vector<16xf32>
        %add3A_2270 = arith.addf %mul3A_2267, %add3A_2269 : vector<16xf32>
        %mul3A_2271 = arith.mulf %add3A_2270, %exp3A_2252 : vector<16xf32>
        %add3A_2272 = arith.constant -0.24825649 : f32
        %add3A_2273 = vector.broadcast %add3A_2272 : f32 to vector<16xf32>
        %add3A_2274 = arith.addf %mul3A_2271, %add3A_2273 : vector<16xf32>
        %mul3A_2275 = arith.mulf %add3A_2274, %exp3A_2252 : vector<16xf32>
        %add3A_2276 = arith.constant 0.333160102 : f32
        %add3A_2277 = vector.broadcast %add3A_2276 : f32 to vector<16xf32>
        %add3A_2278 = arith.addf %mul3A_2275, %add3A_2277 : vector<16xf32>
        %mul3A_2279 = arith.mulf %add3A_2278, %exp3A_2252 : vector<16xf32>
        %add3A_2280 = arith.constant -0.499992549 : f32
        %add3A_2281 = vector.broadcast %add3A_2280 : f32 to vector<16xf32>
        %add3A_2282 = arith.addf %mul3A_2279, %add3A_2281 : vector<16xf32>
        %mul3A_2283 = arith.mulf %add3A_2282, %exp3A_2252 : vector<16xf32>
        %add3A_2284 = arith.constant 0.99999994 : f32
        %add3A_2285 = vector.broadcast %add3A_2284 : f32 to vector<16xf32>
        %add3A_2286 = arith.addf %mul3A_2283, %add3A_2285 : vector<16xf32>
        %max3A_2287 = arith.constant 0.000000e+00 : f32
        %max3A_2288 = vector.broadcast %max3A_2287 : f32 to vector<16xf32>
        %max3A_2289 = arith.maximumf %get3A_2243, %max3A_2288 : vector<16xf32>
        %mul3A_2290 = arith.mulf %exp3A_2252, %add3A_2286 : vector<16xf32>
        %add3A_2291 = arith.addf %max3A_2289, %mul3A_2290 : vector<16xf32>
        %mul3A_2292 = arith.mulf %get3A_2247, %get3A_2243 : vector<16xf32>
        %sub3A_2293 = arith.subf %add3A_2291, %mul3A_2292 : vector<16xf32>
        %add3A_2294 = arith.addf %add3A_1814, %sub3A_2293 : vector<16xf32>
        %gt3A_2295 = arith.constant 5.000000e-01 : f32
        %gt3A_2296 = vector.broadcast %gt3A_2295 : f32 to vector<16xf32>
        %gt3A_2297 = arith.cmpf ogt, %get3A_2247, %gt3A_2296 : vector<16xf32>
        %all_reduce_population_count3A_2298 = tpu.all_reduce %gt3A_2297 {dim = 0 : i64, kind = #tpu.reduction_kind<sum>} : vector<16xi1> -> vector<16xi32>
        %add3A_2299 = arith.addi %add3A_2059, %all_reduce_population_count3A_2298 : vector<16xi32>
        %get3A_2300 = arith.index_cast %rem3A_87 : i32 to index
        %get3A_2301 = arith.index_cast %scan3A_129 : i32 to index
        %get3A_2302 = arith.constant 576 : index
        %get3A_2303 = tpu.vector_load %arg7[%get3A_2300, %get3A_2301, %get3A_2302] {strides = array<i32>} : memref<2x16x1000xf32, #tpu.memory_space<vmem>>, vector<16xf32>,
        %get3A_2304 = arith.index_cast %rem3A_87 : i32 to index
        %get3A_2305 = arith.index_cast %scan3A_129 : i32 to index
        %get3A_2306 = arith.constant 576 : index
        %get3A_2307 = tpu.vector_load %arg8[%get3A_2304, %get3A_2305, %get3A_2306] {strides = array<i32>} : memref<2x16x1000xf32, #tpu.memory_space<vmem>>, vector<16xf32>,
        %abs3A_2308 = math.absf %get3A_2303 : vector<16xf32>
        %neg3A_2309 = arith.constant 0.000000e+00 : f32
        %neg3A_2310 = vector.broadcast %neg3A_2309 : f32 to vector<16xf32>
        %neg3A_2311 = arith.subf %neg3A_2310, %abs3A_2308 : vector<16xf32>
        %exp3A_2312 = math.exp %neg3A_2311 : vector<16xf32>
        %mul3A_2313 = arith.constant 0.00518600363 : f32
        %mul3A_2314 = vector.broadcast %mul3A_2313 : f32 to vector<16xf32>
        %mul3A_2315 = arith.mulf %mul3A_2314, %exp3A_2312 : vector<16xf32>
        %add3A_2316 = arith.constant -0.0292102676 : f32
        %add3A_2317 = vector.broadcast %add3A_2316 : f32 to vector<16xf32>
        %add3A_2318 = arith.addf %mul3A_2315, %add3A_2317 : vector<16xf32>
        %mul3A_2319 = arith.mulf %add3A_2318, %exp3A_2312 : vector<16xf32>
        %add3A_2320 = arith.constant 0.0775403827 : f32
        %add3A_2321 = vector.broadcast %add3A_2320 : f32 to vector<16xf32>
        %add3A_2322 = arith.addf %mul3A_2319, %add3A_2321 : vector<16xf32>
        %mul3A_2323 = arith.mulf %add3A_2322, %exp3A_2312 : vector<16xf32>
        %add3A_2324 = arith.constant -0.135839418 : f32
        %add3A_2325 = vector.broadcast %add3A_2324 : f32 to vector<16xf32>
        %add3A_2326 = arith.addf %mul3A_2323, %add3A_2325 : vector<16xf32>
        %mul3A_2327 = arith.mulf %add3A_2326, %exp3A_2312 : vector<16xf32>
        %add3A_2328 = arith.constant 0.190559551 : f32
        %add3A_2329 = vector.broadcast %add3A_2328 : f32 to vector<16xf32>
        %add3A_2330 = arith.addf %mul3A_2327, %add3A_2329 : vector<16xf32>
        %mul3A_2331 = arith.mulf %add3A_2330, %exp3A_2312 : vector<16xf32>
        %add3A_2332 = arith.constant -0.24825649 : f32
        %add3A_2333 = vector.broadcast %add3A_2332 : f32 to vector<16xf32>
        %add3A_2334 = arith.addf %mul3A_2331, %add3A_2333 : vector<16xf32>
        %mul3A_2335 = arith.mulf %add3A_2334, %exp3A_2312 : vector<16xf32>
        %add3A_2336 = arith.constant 0.333160102 : f32
        %add3A_2337 = vector.broadcast %add3A_2336 : f32 to vector<16xf32>
        %add3A_2338 = arith.addf %mul3A_2335, %add3A_2337 : vector<16xf32>
        %mul3A_2339 = arith.mulf %add3A_2338, %exp3A_2312 : vector<16xf32>
        %add3A_2340 = arith.constant -0.499992549 : f32
        %add3A_2341 = vector.broadcast %add3A_2340 : f32 to vector<16xf32>
        %add3A_2342 = arith.addf %mul3A_2339, %add3A_2341 : vector<16xf32>
        %mul3A_2343 = arith.mulf %add3A_2342, %exp3A_2312 : vector<16xf32>
        %add3A_2344 = arith.constant 0.99999994 : f32
        %add3A_2345 = vector.broadcast %add3A_2344 : f32 to vector<16xf32>
        %add3A_2346 = arith.addf %mul3A_2343, %add3A_2345 : vector<16xf32>
        %max3A_2347 = arith.constant 0.000000e+00 : f32
        %max3A_2348 = vector.broadcast %max3A_2347 : f32 to vector<16xf32>
        %max3A_2349 = arith.maximumf %get3A_2303, %max3A_2348 : vector<16xf32>
        %mul3A_2350 = arith.mulf %exp3A_2312, %add3A_2346 : vector<16xf32>
        %add3A_2351 = arith.addf %max3A_2349, %mul3A_2350 : vector<16xf32>
        %mul3A_2352 = arith.mulf %get3A_2307, %get3A_2303 : vector<16xf32>
        %sub3A_2353 = arith.subf %add3A_2351, %mul3A_2352 : vector<16xf32>
        %add3A_2354 = arith.addf %add3A_1874, %sub3A_2353 : vector<16xf32>
        %gt3A_2355 = arith.constant 5.000000e-01 : f32
        %gt3A_2356 = vector.broadcast %gt3A_2355 : f32 to vector<16xf32>
        %gt3A_2357 = arith.cmpf ogt, %get3A_2307, %gt3A_2356 : vector<16xf32>
        %all_reduce_population_count3A_2358 = tpu.all_reduce %gt3A_2357 {dim = 0 : i64, kind = #tpu.reduction_kind<sum>} : vector<16xi1> -> vector<16xi32>
        %add3A_2359 = arith.addi %add3A_2119, %all_reduce_population_count3A_2358 : vector<16xi32>
        %get3A_2360 = arith.index_cast %rem3A_87 : i32 to index
        %get3A_2361 = arith.index_cast %scan3A_129 : i32 to index
        %get3A_2362 = arith.constant 592 : index
        %get3A_2363 = tpu.vector_load %arg7[%get3A_2360, %get3A_2361, %get3A_2362] {strides = array<i32>} : memref<2x16x1000xf32, #tpu.memory_space<vmem>>, vector<16xf32>,
        %get3A_2364 = arith.index_cast %rem3A_87 : i32 to index
        %get3A_2365 = arith.index_cast %scan3A_129 : i32 to index
        %get3A_2366 = arith.constant 592 : index
        %get3A_2367 = tpu.vector_load %arg8[%get3A_2364, %get3A_2365, %get3A_2366] {strides = array<i32>} : memref<2x16x1000xf32, #tpu.memory_space<vmem>>, vector<16xf32>,
        %abs3A_2368 = math.absf %get3A_2363 : vector<16xf32>
        %neg3A_2369 = arith.constant 0.000000e+00 : f32
        %neg3A_2370 = vector.broadcast %neg3A_2369 : f32 to vector<16xf32>
        %neg3A_2371 = arith.subf %neg3A_2370, %abs3A_2368 : vector<16xf32>
        %exp3A_2372 = math.exp %neg3A_2371 : vector<16xf32>
        %mul3A_2373 = arith.constant 0.00518600363 : f32
        %mul3A_2374 = vector.broadcast %mul3A_2373 : f32 to vector<16xf32>
        %mul3A_2375 = arith.mulf %mul3A_2374, %exp3A_2372 : vector<16xf32>
        %add3A_2376 = arith.constant -0.0292102676 : f32
        %add3A_2377 = vector.broadcast %add3A_2376 : f32 to vector<16xf32>
        %add3A_2378 = arith.addf %mul3A_2375, %add3A_2377 : vector<16xf32>
        %mul3A_2379 = arith.mulf %add3A_2378, %exp3A_2372 : vector<16xf32>
        %add3A_2380 = arith.constant 0.0775403827 : f32
        %add3A_2381 = vector.broadcast %add3A_2380 : f32 to vector<16xf32>
        %add3A_2382 = arith.addf %mul3A_2379, %add3A_2381 : vector<16xf32>
        %mul3A_2383 = arith.mulf %add3A_2382, %exp3A_2372 : vector<16xf32>
        %add3A_2384 = arith.constant -0.135839418 : f32
        %add3A_2385 = vector.broadcast %add3A_2384 : f32 to vector<16xf32>
        %add3A_2386 = arith.addf %mul3A_2383, %add3A_2385 : vector<16xf32>
        %mul3A_2387 = arith.mulf %add3A_2386, %exp3A_2372 : vector<16xf32>
        %add3A_2388 = arith.constant 0.190559551 : f32
        %add3A_2389 = vector.broadcast %add3A_2388 : f32 to vector<16xf32>
        %add3A_2390 = arith.addf %mul3A_2387, %add3A_2389 : vector<16xf32>
        %mul3A_2391 = arith.mulf %add3A_2390, %exp3A_2372 : vector<16xf32>
        %add3A_2392 = arith.constant -0.24825649 : f32
        %add3A_2393 = vector.broadcast %add3A_2392 : f32 to vector<16xf32>
        %add3A_2394 = arith.addf %mul3A_2391, %add3A_2393 : vector<16xf32>
        %mul3A_2395 = arith.mulf %add3A_2394, %exp3A_2372 : vector<16xf32>
        %add3A_2396 = arith.constant 0.333160102 : f32
        %add3A_2397 = vector.broadcast %add3A_2396 : f32 to vector<16xf32>
        %add3A_2398 = arith.addf %mul3A_2395, %add3A_2397 : vector<16xf32>
        %mul3A_2399 = arith.mulf %add3A_2398, %exp3A_2372 : vector<16xf32>
        %add3A_2400 = arith.constant -0.499992549 : f32
        %add3A_2401 = vector.broadcast %add3A_2400 : f32 to vector<16xf32>
        %add3A_2402 = arith.addf %mul3A_2399, %add3A_2401 : vector<16xf32>
        %mul3A_2403 = arith.mulf %add3A_2402, %exp3A_2372 : vector<16xf32>
        %add3A_2404 = arith.constant 0.99999994 : f32
        %add3A_2405 = vector.broadcast %add3A_2404 : f32 to vector<16xf32>
        %add3A_2406 = arith.addf %mul3A_2403, %add3A_2405 : vector<16xf32>
        %max3A_2407 = arith.constant 0.000000e+00 : f32
        %max3A_2408 = vector.broadcast %max3A_2407 : f32 to vector<16xf32>
        %max3A_2409 = arith.maximumf %get3A_2363, %max3A_2408 : vector<16xf32>
        %mul3A_2410 = arith.mulf %exp3A_2372, %add3A_2406 : vector<16xf32>
        %add3A_2411 = arith.addf %max3A_2409, %mul3A_2410 : vector<16xf32>
        %mul3A_2412 = arith.mulf %get3A_2367, %get3A_2363 : vector<16xf32>
        %sub3A_2413 = arith.subf %add3A_2411, %mul3A_2412 : vector<16xf32>
        %add3A_2414 = arith.addf %add3A_1934, %sub3A_2413 : vector<16xf32>
        %gt3A_2415 = arith.constant 5.000000e-01 : f32
        %gt3A_2416 = vector.broadcast %gt3A_2415 : f32 to vector<16xf32>
        %gt3A_2417 = arith.cmpf ogt, %get3A_2367, %gt3A_2416 : vector<16xf32>
        %all_reduce_population_count3A_2418 = tpu.all_reduce %gt3A_2417 {dim = 0 : i64, kind = #tpu.reduction_kind<sum>} : vector<16xi1> -> vector<16xi32>
        %add3A_2419 = arith.addi %add3A_2179, %all_reduce_population_count3A_2418 : vector<16xi32>
        %get3A_2420 = arith.index_cast %rem3A_87 : i32 to index
        %get3A_2421 = arith.index_cast %scan3A_129 : i32 to index
        %get3A_2422 = arith.constant 608 : index
        %get3A_2423 = tpu.vector_load %arg7[%get3A_2420, %get3A_2421, %get3A_2422] {strides = array<i32>} : memref<2x16x1000xf32, #tpu.memory_space<vmem>>, vector<16xf32>,
        %get3A_2424 = arith.index_cast %rem3A_87 : i32 to index
        %get3A_2425 = arith.index_cast %scan3A_129 : i32 to index
        %get3A_2426 = arith.constant 608 : index
        %get3A_2427 = tpu.vector_load %arg8[%get3A_2424, %get3A_2425, %get3A_2426] {strides = array<i32>} : memref<2x16x1000xf32, #tpu.memory_space<vmem>>, vector<16xf32>,
        %abs3A_2428 = math.absf %get3A_2423 : vector<16xf32>
        %neg3A_2429 = arith.constant 0.000000e+00 : f32
        %neg3A_2430 = vector.broadcast %neg3A_2429 : f32 to vector<16xf32>
        %neg3A_2431 = arith.subf %neg3A_2430, %abs3A_2428 : vector<16xf32>
        %exp3A_2432 = math.exp %neg3A_2431 : vector<16xf32>
        %mul3A_2433 = arith.constant 0.00518600363 : f32
        %mul3A_2434 = vector.broadcast %mul3A_2433 : f32 to vector<16xf32>
        %mul3A_2435 = arith.mulf %mul3A_2434, %exp3A_2432 : vector<16xf32>
        %add3A_2436 = arith.constant -0.0292102676 : f32
        %add3A_2437 = vector.broadcast %add3A_2436 : f32 to vector<16xf32>
        %add3A_2438 = arith.addf %mul3A_2435, %add3A_2437 : vector<16xf32>
        %mul3A_2439 = arith.mulf %add3A_2438, %exp3A_2432 : vector<16xf32>
        %add3A_2440 = arith.constant 0.0775403827 : f32
        %add3A_2441 = vector.broadcast %add3A_2440 : f32 to vector<16xf32>
        %add3A_2442 = arith.addf %mul3A_2439, %add3A_2441 : vector<16xf32>
        %mul3A_2443 = arith.mulf %add3A_2442, %exp3A_2432 : vector<16xf32>
        %add3A_2444 = arith.constant -0.135839418 : f32
        %add3A_2445 = vector.broadcast %add3A_2444 : f32 to vector<16xf32>
        %add3A_2446 = arith.addf %mul3A_2443, %add3A_2445 : vector<16xf32>
        %mul3A_2447 = arith.mulf %add3A_2446, %exp3A_2432 : vector<16xf32>
        %add3A_2448 = arith.constant 0.190559551 : f32
        %add3A_2449 = vector.broadcast %add3A_2448 : f32 to vector<16xf32>
        %add3A_2450 = arith.addf %mul3A_2447, %add3A_2449 : vector<16xf32>
        %mul3A_2451 = arith.mulf %add3A_2450, %exp3A_2432 : vector<16xf32>
        %add3A_2452 = arith.constant -0.24825649 : f32
        %add3A_2453 = vector.broadcast %add3A_2452 : f32 to vector<16xf32>
        %add3A_2454 = arith.addf %mul3A_2451, %add3A_2453 : vector<16xf32>
        %mul3A_2455 = arith.mulf %add3A_2454, %exp3A_2432 : vector<16xf32>
        %add3A_2456 = arith.constant 0.333160102 : f32
        %add3A_2457 = vector.broadcast %add3A_2456 : f32 to vector<16xf32>
        %add3A_2458 = arith.addf %mul3A_2455, %add3A_2457 : vector<16xf32>
        %mul3A_2459 = arith.mulf %add3A_2458, %exp3A_2432 : vector<16xf32>
        %add3A_2460 = arith.constant -0.499992549 : f32
        %add3A_2461 = vector.broadcast %add3A_2460 : f32 to vector<16xf32>
        %add3A_2462 = arith.addf %mul3A_2459, %add3A_2461 : vector<16xf32>
        %mul3A_2463 = arith.mulf %add3A_2462, %exp3A_2432 : vector<16xf32>
        %add3A_2464 = arith.constant 0.99999994 : f32
        %add3A_2465 = vector.broadcast %add3A_2464 : f32 to vector<16xf32>
        %add3A_2466 = arith.addf %mul3A_2463, %add3A_2465 : vector<16xf32>
        %max3A_2467 = arith.constant 0.000000e+00 : f32
        %max3A_2468 = vector.broadcast %max3A_2467 : f32 to vector<16xf32>
        %max3A_2469 = arith.maximumf %get3A_2423, %max3A_2468 : vector<16xf32>
        %mul3A_2470 = arith.mulf %exp3A_2432, %add3A_2466 : vector<16xf32>
        %add3A_2471 = arith.addf %max3A_2469, %mul3A_2470 : vector<16xf32>
        %mul3A_2472 = arith.mulf %get3A_2427, %get3A_2423 : vector<16xf32>
        %sub3A_2473 = arith.subf %add3A_2471, %mul3A_2472 : vector<16xf32>
        %add3A_2474 = arith.addf %add3A_1994, %sub3A_2473 : vector<16xf32>
        %gt3A_2475 = arith.constant 5.000000e-01 : f32
        %gt3A_2476 = vector.broadcast %gt3A_2475 : f32 to vector<16xf32>
        %gt3A_2477 = arith.cmpf ogt, %get3A_2427, %gt3A_2476 : vector<16xf32>
        %all_reduce_population_count3A_2478 = tpu.all_reduce %gt3A_2477 {dim = 0 : i64, kind = #tpu.reduction_kind<sum>} : vector<16xi1> -> vector<16xi32>
        %add3A_2479 = arith.addi %add3A_2239, %all_reduce_population_count3A_2478 : vector<16xi32>
        %get3A_2480 = arith.index_cast %rem3A_87 : i32 to index
        %get3A_2481 = arith.index_cast %scan3A_129 : i32 to index
        %get3A_2482 = arith.constant 624 : index
        %get3A_2483 = tpu.vector_load %arg7[%get3A_2480, %get3A_2481, %get3A_2482] {strides = array<i32>} : memref<2x16x1000xf32, #tpu.memory_space<vmem>>, vector<16xf32>,
        %get3A_2484 = arith.index_cast %rem3A_87 : i32 to index
        %get3A_2485 = arith.index_cast %scan3A_129 : i32 to index
        %get3A_2486 = arith.constant 624 : index
        %get3A_2487 = tpu.vector_load %arg8[%get3A_2484, %get3A_2485, %get3A_2486] {strides = array<i32>} : memref<2x16x1000xf32, #tpu.memory_space<vmem>>, vector<16xf32>,
        %abs3A_2488 = math.absf %get3A_2483 : vector<16xf32>
        %neg3A_2489 = arith.constant 0.000000e+00 : f32
        %neg3A_2490 = vector.broadcast %neg3A_2489 : f32 to vector<16xf32>
        %neg3A_2491 = arith.subf %neg3A_2490, %abs3A_2488 : vector<16xf32>
        %exp3A_2492 = math.exp %neg3A_2491 : vector<16xf32>
        %mul3A_2493 = arith.constant 0.00518600363 : f32
        %mul3A_2494 = vector.broadcast %mul3A_2493 : f32 to vector<16xf32>
        %mul3A_2495 = arith.mulf %mul3A_2494, %exp3A_2492 : vector<16xf32>
        %add3A_2496 = arith.constant -0.0292102676 : f32
        %add3A_2497 = vector.broadcast %add3A_2496 : f32 to vector<16xf32>
        %add3A_2498 = arith.addf %mul3A_2495, %add3A_2497 : vector<16xf32>
        %mul3A_2499 = arith.mulf %add3A_2498, %exp3A_2492 : vector<16xf32>
        %add3A_2500 = arith.constant 0.0775403827 : f32
        %add3A_2501 = vector.broadcast %add3A_2500 : f32 to vector<16xf32>
        %add3A_2502 = arith.addf %mul3A_2499, %add3A_2501 : vector<16xf32>
        %mul3A_2503 = arith.mulf %add3A_2502, %exp3A_2492 : vector<16xf32>
        %add3A_2504 = arith.constant -0.135839418 : f32
        %add3A_2505 = vector.broadcast %add3A_2504 : f32 to vector<16xf32>
        %add3A_2506 = arith.addf %mul3A_2503, %add3A_2505 : vector<16xf32>
        %mul3A_2507 = arith.mulf %add3A_2506, %exp3A_2492 : vector<16xf32>
        %add3A_2508 = arith.constant 0.190559551 : f32
        %add3A_2509 = vector.broadcast %add3A_2508 : f32 to vector<16xf32>
        %add3A_2510 = arith.addf %mul3A_2507, %add3A_2509 : vector<16xf32>
        %mul3A_2511 = arith.mulf %add3A_2510, %exp3A_2492 : vector<16xf32>
        %add3A_2512 = arith.constant -0.24825649 : f32
        %add3A_2513 = vector.broadcast %add3A_2512 : f32 to vector<16xf32>
        %add3A_2514 = arith.addf %mul3A_2511, %add3A_2513 : vector<16xf32>
        %mul3A_2515 = arith.mulf %add3A_2514, %exp3A_2492 : vector<16xf32>
        %add3A_2516 = arith.constant 0.333160102 : f32
        %add3A_2517 = vector.broadcast %add3A_2516 : f32 to vector<16xf32>
        %add3A_2518 = arith.addf %mul3A_2515, %add3A_2517 : vector<16xf32>
        %mul3A_2519 = arith.mulf %add3A_2518, %exp3A_2492 : vector<16xf32>
        %add3A_2520 = arith.constant -0.499992549 : f32
        %add3A_2521 = vector.broadcast %add3A_2520 : f32 to vector<16xf32>
        %add3A_2522 = arith.addf %mul3A_2519, %add3A_2521 : vector<16xf32>
        %mul3A_2523 = arith.mulf %add3A_2522, %exp3A_2492 : vector<16xf32>
        %add3A_2524 = arith.constant 0.99999994 : f32
        %add3A_2525 = vector.broadcast %add3A_2524 : f32 to vector<16xf32>
        %add3A_2526 = arith.addf %mul3A_2523, %add3A_2525 : vector<16xf32>
        %max3A_2527 = arith.constant 0.000000e+00 : f32
        %max3A_2528 = vector.broadcast %max3A_2527 : f32 to vector<16xf32>
        %max3A_2529 = arith.maximumf %get3A_2483, %max3A_2528 : vector<16xf32>
        %mul3A_2530 = arith.mulf %exp3A_2492, %add3A_2526 : vector<16xf32>
        %add3A_2531 = arith.addf %max3A_2529, %mul3A_2530 : vector<16xf32>
        %mul3A_2532 = arith.mulf %get3A_2487, %get3A_2483 : vector<16xf32>
        %sub3A_2533 = arith.subf %add3A_2531, %mul3A_2532 : vector<16xf32>
        %add3A_2534 = arith.addf %add3A_2054, %sub3A_2533 : vector<16xf32>
        %gt3A_2535 = arith.constant 5.000000e-01 : f32
        %gt3A_2536 = vector.broadcast %gt3A_2535 : f32 to vector<16xf32>
        %gt3A_2537 = arith.cmpf ogt, %get3A_2487, %gt3A_2536 : vector<16xf32>
        %all_reduce_population_count3A_2538 = tpu.all_reduce %gt3A_2537 {dim = 0 : i64, kind = #tpu.reduction_kind<sum>} : vector<16xi1> -> vector<16xi32>
        %add3A_2539 = arith.addi %add3A_2299, %all_reduce_population_count3A_2538 : vector<16xi32>
        %get3A_2540 = arith.index_cast %rem3A_87 : i32 to index
        %get3A_2541 = arith.index_cast %scan3A_129 : i32 to index
        %get3A_2542 = arith.constant 640 : index
        %get3A_2543 = tpu.vector_load %arg7[%get3A_2540, %get3A_2541, %get3A_2542] {strides = array<i32>} : memref<2x16x1000xf32, #tpu.memory_space<vmem>>, vector<16xf32>,
        %get3A_2544 = arith.index_cast %rem3A_87 : i32 to index
        %get3A_2545 = arith.index_cast %scan3A_129 : i32 to index
        %get3A_2546 = arith.constant 640 : index
        %get3A_2547 = tpu.vector_load %arg8[%get3A_2544, %get3A_2545, %get3A_2546] {strides = array<i32>} : memref<2x16x1000xf32, #tpu.memory_space<vmem>>, vector<16xf32>,
        %abs3A_2548 = math.absf %get3A_2543 : vector<16xf32>
        %neg3A_2549 = arith.constant 0.000000e+00 : f32
        %neg3A_2550 = vector.broadcast %neg3A_2549 : f32 to vector<16xf32>
        %neg3A_2551 = arith.subf %neg3A_2550, %abs3A_2548 : vector<16xf32>
        %exp3A_2552 = math.exp %neg3A_2551 : vector<16xf32>
        %mul3A_2553 = arith.constant 0.00518600363 : f32
        %mul3A_2554 = vector.broadcast %mul3A_2553 : f32 to vector<16xf32>
        %mul3A_2555 = arith.mulf %mul3A_2554, %exp3A_2552 : vector<16xf32>
        %add3A_2556 = arith.constant -0.0292102676 : f32
        %add3A_2557 = vector.broadcast %add3A_2556 : f32 to vector<16xf32>
        %add3A_2558 = arith.addf %mul3A_2555, %add3A_2557 : vector<16xf32>
        %mul3A_2559 = arith.mulf %add3A_2558, %exp3A_2552 : vector<16xf32>
        %add3A_2560 = arith.constant 0.0775403827 : f32
        %add3A_2561 = vector.broadcast %add3A_2560 : f32 to vector<16xf32>
        %add3A_2562 = arith.addf %mul3A_2559, %add3A_2561 : vector<16xf32>
        %mul3A_2563 = arith.mulf %add3A_2562, %exp3A_2552 : vector<16xf32>
        %add3A_2564 = arith.constant -0.135839418 : f32
        %add3A_2565 = vector.broadcast %add3A_2564 : f32 to vector<16xf32>
        %add3A_2566 = arith.addf %mul3A_2563, %add3A_2565 : vector<16xf32>
        %mul3A_2567 = arith.mulf %add3A_2566, %exp3A_2552 : vector<16xf32>
        %add3A_2568 = arith.constant 0.190559551 : f32
        %add3A_2569 = vector.broadcast %add3A_2568 : f32 to vector<16xf32>
        %add3A_2570 = arith.addf %mul3A_2567, %add3A_2569 : vector<16xf32>
        %mul3A_2571 = arith.mulf %add3A_2570, %exp3A_2552 : vector<16xf32>
        %add3A_2572 = arith.constant -0.24825649 : f32
        %add3A_2573 = vector.broadcast %add3A_2572 : f32 to vector<16xf32>
        %add3A_2574 = arith.addf %mul3A_2571, %add3A_2573 : vector<16xf32>
        %mul3A_2575 = arith.mulf %add3A_2574, %exp3A_2552 : vector<16xf32>
        %add3A_2576 = arith.constant 0.333160102 : f32
        %add3A_2577 = vector.broadcast %add3A_2576 : f32 to vector<16xf32>
        %add3A_2578 = arith.addf %mul3A_2575, %add3A_2577 : vector<16xf32>
        %mul3A_2579 = arith.mulf %add3A_2578, %exp3A_2552 : vector<16xf32>
        %add3A_2580 = arith.constant -0.499992549 : f32
        %add3A_2581 = vector.broadcast %add3A_2580 : f32 to vector<16xf32>
        %add3A_2582 = arith.addf %mul3A_2579, %add3A_2581 : vector<16xf32>
        %mul3A_2583 = arith.mulf %add3A_2582, %exp3A_2552 : vector<16xf32>
        %add3A_2584 = arith.constant 0.99999994 : f32
        %add3A_2585 = vector.broadcast %add3A_2584 : f32 to vector<16xf32>
        %add3A_2586 = arith.addf %mul3A_2583, %add3A_2585 : vector<16xf32>
        %max3A_2587 = arith.constant 0.000000e+00 : f32
        %max3A_2588 = vector.broadcast %max3A_2587 : f32 to vector<16xf32>
        %max3A_2589 = arith.maximumf %get3A_2543, %max3A_2588 : vector<16xf32>
        %mul3A_2590 = arith.mulf %exp3A_2552, %add3A_2586 : vector<16xf32>
        %add3A_2591 = arith.addf %max3A_2589, %mul3A_2590 : vector<16xf32>
        %mul3A_2592 = arith.mulf %get3A_2547, %get3A_2543 : vector<16xf32>
        %sub3A_2593 = arith.subf %add3A_2591, %mul3A_2592 : vector<16xf32>
        %add3A_2594 = arith.addf %add3A_2114, %sub3A_2593 : vector<16xf32>
        %gt3A_2595 = arith.constant 5.000000e-01 : f32
        %gt3A_2596 = vector.broadcast %gt3A_2595 : f32 to vector<16xf32>
        %gt3A_2597 = arith.cmpf ogt, %get3A_2547, %gt3A_2596 : vector<16xf32>
        %all_reduce_population_count3A_2598 = tpu.all_reduce %gt3A_2597 {dim = 0 : i64, kind = #tpu.reduction_kind<sum>} : vector<16xi1> -> vector<16xi32>
        %add3A_2599 = arith.addi %add3A_2359, %all_reduce_population_count3A_2598 : vector<16xi32>
        %get3A_2600 = arith.index_cast %rem3A_87 : i32 to index
        %get3A_2601 = arith.index_cast %scan3A_129 : i32 to index
        %get3A_2602 = arith.constant 656 : index
        %get3A_2603 = tpu.vector_load %arg7[%get3A_2600, %get3A_2601, %get3A_2602] {strides = array<i32>} : memref<2x16x1000xf32, #tpu.memory_space<vmem>>, vector<16xf32>,
        %get3A_2604 = arith.index_cast %rem3A_87 : i32 to index
        %get3A_2605 = arith.index_cast %scan3A_129 : i32 to index
        %get3A_2606 = arith.constant 656 : index
        %get3A_2607 = tpu.vector_load %arg8[%get3A_2604, %get3A_2605, %get3A_2606] {strides = array<i32>} : memref<2x16x1000xf32, #tpu.memory_space<vmem>>, vector<16xf32>,
        %abs3A_2608 = math.absf %get3A_2603 : vector<16xf32>
        %neg3A_2609 = arith.constant 0.000000e+00 : f32
        %neg3A_2610 = vector.broadcast %neg3A_2609 : f32 to vector<16xf32>
        %neg3A_2611 = arith.subf %neg3A_2610, %abs3A_2608 : vector<16xf32>
        %exp3A_2612 = math.exp %neg3A_2611 : vector<16xf32>
        %mul3A_2613 = arith.constant 0.00518600363 : f32
        %mul3A_2614 = vector.broadcast %mul3A_2613 : f32 to vector<16xf32>
        %mul3A_2615 = arith.mulf %mul3A_2614, %exp3A_2612 : vector<16xf32>
        %add3A_2616 = arith.constant -0.0292102676 : f32
        %add3A_2617 = vector.broadcast %add3A_2616 : f32 to vector<16xf32>
        %add3A_2618 = arith.addf %mul3A_2615, %add3A_2617 : vector<16xf32>
        %mul3A_2619 = arith.mulf %add3A_2618, %exp3A_2612 : vector<16xf32>
        %add3A_2620 = arith.constant 0.0775403827 : f32
        %add3A_2621 = vector.broadcast %add3A_2620 : f32 to vector<16xf32>
        %add3A_2622 = arith.addf %mul3A_2619, %add3A_2621 : vector<16xf32>
        %mul3A_2623 = arith.mulf %add3A_2622, %exp3A_2612 : vector<16xf32>
        %add3A_2624 = arith.constant -0.135839418 : f32
        %add3A_2625 = vector.broadcast %add3A_2624 : f32 to vector<16xf32>
        %add3A_2626 = arith.addf %mul3A_2623, %add3A_2625 : vector<16xf32>
        %mul3A_2627 = arith.mulf %add3A_2626, %exp3A_2612 : vector<16xf32>
        %add3A_2628 = arith.constant 0.190559551 : f32
        %add3A_2629 = vector.broadcast %add3A_2628 : f32 to vector<16xf32>
        %add3A_2630 = arith.addf %mul3A_2627, %add3A_2629 : vector<16xf32>
        %mul3A_2631 = arith.mulf %add3A_2630, %exp3A_2612 : vector<16xf32>
        %add3A_2632 = arith.constant -0.24825649 : f32
        %add3A_2633 = vector.broadcast %add3A_2632 : f32 to vector<16xf32>
        %add3A_2634 = arith.addf %mul3A_2631, %add3A_2633 : vector<16xf32>
        %mul3A_2635 = arith.mulf %add3A_2634, %exp3A_2612 : vector<16xf32>
        %add3A_2636 = arith.constant 0.333160102 : f32
        %add3A_2637 = vector.broadcast %add3A_2636 : f32 to vector<16xf32>
        %add3A_2638 = arith.addf %mul3A_2635, %add3A_2637 : vector<16xf32>
        %mul3A_2639 = arith.mulf %add3A_2638, %exp3A_2612 : vector<16xf32>
        %add3A_2640 = arith.constant -0.499992549 : f32
        %add3A_2641 = vector.broadcast %add3A_2640 : f32 to vector<16xf32>
        %add3A_2642 = arith.addf %mul3A_2639, %add3A_2641 : vector<16xf32>
        %mul3A_2643 = arith.mulf %add3A_2642, %exp3A_2612 : vector<16xf32>
        %add3A_2644 = arith.constant 0.99999994 : f32
        %add3A_2645 = vector.broadcast %add3A_2644 : f32 to vector<16xf32>
        %add3A_2646 = arith.addf %mul3A_2643, %add3A_2645 : vector<16xf32>
        %max3A_2647 = arith.constant 0.000000e+00 : f32
        %max3A_2648 = vector.broadcast %max3A_2647 : f32 to vector<16xf32>
        %max3A_2649 = arith.maximumf %get3A_2603, %max3A_2648 : vector<16xf32>
        %mul3A_2650 = arith.mulf %exp3A_2612, %add3A_2646 : vector<16xf32>
        %add3A_2651 = arith.addf %max3A_2649, %mul3A_2650 : vector<16xf32>
        %mul3A_2652 = arith.mulf %get3A_2607, %get3A_2603 : vector<16xf32>
        %sub3A_2653 = arith.subf %add3A_2651, %mul3A_2652 : vector<16xf32>
        %add3A_2654 = arith.addf %add3A_2174, %sub3A_2653 : vector<16xf32>
        %gt3A_2655 = arith.constant 5.000000e-01 : f32
        %gt3A_2656 = vector.broadcast %gt3A_2655 : f32 to vector<16xf32>
        %gt3A_2657 = arith.cmpf ogt, %get3A_2607, %gt3A_2656 : vector<16xf32>
        %all_reduce_population_count3A_2658 = tpu.all_reduce %gt3A_2657 {dim = 0 : i64, kind = #tpu.reduction_kind<sum>} : vector<16xi1> -> vector<16xi32>
        %add3A_2659 = arith.addi %add3A_2419, %all_reduce_population_count3A_2658 : vector<16xi32>
        %get3A_2660 = arith.index_cast %rem3A_87 : i32 to index
        %get3A_2661 = arith.index_cast %scan3A_129 : i32 to index
        %get3A_2662 = arith.constant 672 : index
        %get3A_2663 = tpu.vector_load %arg7[%get3A_2660, %get3A_2661, %get3A_2662] {strides = array<i32>} : memref<2x16x1000xf32, #tpu.memory_space<vmem>>, vector<16xf32>,
        %get3A_2664 = arith.index_cast %rem3A_87 : i32 to index
        %get3A_2665 = arith.index_cast %scan3A_129 : i32 to index
        %get3A_2666 = arith.constant 672 : index
        %get3A_2667 = tpu.vector_load %arg8[%get3A_2664, %get3A_2665, %get3A_2666] {strides = array<i32>} : memref<2x16x1000xf32, #tpu.memory_space<vmem>>, vector<16xf32>,
        %abs3A_2668 = math.absf %get3A_2663 : vector<16xf32>
        %neg3A_2669 = arith.constant 0.000000e+00 : f32
        %neg3A_2670 = vector.broadcast %neg3A_2669 : f32 to vector<16xf32>
        %neg3A_2671 = arith.subf %neg3A_2670, %abs3A_2668 : vector<16xf32>
        %exp3A_2672 = math.exp %neg3A_2671 : vector<16xf32>
        %mul3A_2673 = arith.constant 0.00518600363 : f32
        %mul3A_2674 = vector.broadcast %mul3A_2673 : f32 to vector<16xf32>
        %mul3A_2675 = arith.mulf %mul3A_2674, %exp3A_2672 : vector<16xf32>
        %add3A_2676 = arith.constant -0.0292102676 : f32
        %add3A_2677 = vector.broadcast %add3A_2676 : f32 to vector<16xf32>
        %add3A_2678 = arith.addf %mul3A_2675, %add3A_2677 : vector<16xf32>
        %mul3A_2679 = arith.mulf %add3A_2678, %exp3A_2672 : vector<16xf32>
        %add3A_2680 = arith.constant 0.0775403827 : f32
        %add3A_2681 = vector.broadcast %add3A_2680 : f32 to vector<16xf32>
        %add3A_2682 = arith.addf %mul3A_2679, %add3A_2681 : vector<16xf32>
        %mul3A_2683 = arith.mulf %add3A_2682, %exp3A_2672 : vector<16xf32>
        %add3A_2684 = arith.constant -0.135839418 : f32
        %add3A_2685 = vector.broadcast %add3A_2684 : f32 to vector<16xf32>
        %add3A_2686 = arith.addf %mul3A_2683, %add3A_2685 : vector<16xf32>
        %mul3A_2687 = arith.mulf %add3A_2686, %exp3A_2672 : vector<16xf32>
        %add3A_2688 = arith.constant 0.190559551 : f32
        %add3A_2689 = vector.broadcast %add3A_2688 : f32 to vector<16xf32>
        %add3A_2690 = arith.addf %mul3A_2687, %add3A_2689 : vector<16xf32>
        %mul3A_2691 = arith.mulf %add3A_2690, %exp3A_2672 : vector<16xf32>
        %add3A_2692 = arith.constant -0.24825649 : f32
        %add3A_2693 = vector.broadcast %add3A_2692 : f32 to vector<16xf32>
        %add3A_2694 = arith.addf %mul3A_2691, %add3A_2693 : vector<16xf32>
        %mul3A_2695 = arith.mulf %add3A_2694, %exp3A_2672 : vector<16xf32>
        %add3A_2696 = arith.constant 0.333160102 : f32
        %add3A_2697 = vector.broadcast %add3A_2696 : f32 to vector<16xf32>
        %add3A_2698 = arith.addf %mul3A_2695, %add3A_2697 : vector<16xf32>
        %mul3A_2699 = arith.mulf %add3A_2698, %exp3A_2672 : vector<16xf32>
        %add3A_2700 = arith.constant -0.499992549 : f32
        %add3A_2701 = vector.broadcast %add3A_2700 : f32 to vector<16xf32>
        %add3A_2702 = arith.addf %mul3A_2699, %add3A_2701 : vector<16xf32>
        %mul3A_2703 = arith.mulf %add3A_2702, %exp3A_2672 : vector<16xf32>
        %add3A_2704 = arith.constant 0.99999994 : f32
        %add3A_2705 = vector.broadcast %add3A_2704 : f32 to vector<16xf32>
        %add3A_2706 = arith.addf %mul3A_2703, %add3A_2705 : vector<16xf32>
        %max3A_2707 = arith.constant 0.000000e+00 : f32
        %max3A_2708 = vector.broadcast %max3A_2707 : f32 to vector<16xf32>
        %max3A_2709 = arith.maximumf %get3A_2663, %max3A_2708 : vector<16xf32>
        %mul3A_2710 = arith.mulf %exp3A_2672, %add3A_2706 : vector<16xf32>
        %add3A_2711 = arith.addf %max3A_2709, %mul3A_2710 : vector<16xf32>
        %mul3A_2712 = arith.mulf %get3A_2667, %get3A_2663 : vector<16xf32>
        %sub3A_2713 = arith.subf %add3A_2711, %mul3A_2712 : vector<16xf32>
        %add3A_2714 = arith.addf %add3A_2234, %sub3A_2713 : vector<16xf32>
        %gt3A_2715 = arith.constant 5.000000e-01 : f32
        %gt3A_2716 = vector.broadcast %gt3A_2715 : f32 to vector<16xf32>
        %gt3A_2717 = arith.cmpf ogt, %get3A_2667, %gt3A_2716 : vector<16xf32>
        %all_reduce_population_count3A_2718 = tpu.all_reduce %gt3A_2717 {dim = 0 : i64, kind = #tpu.reduction_kind<sum>} : vector<16xi1> -> vector<16xi32>
        %add3A_2719 = arith.addi %add3A_2479, %all_reduce_population_count3A_2718 : vector<16xi32>
        %get3A_2720 = arith.index_cast %rem3A_87 : i32 to index
        %get3A_2721 = arith.index_cast %scan3A_129 : i32 to index
        %get3A_2722 = arith.constant 688 : index
        %get3A_2723 = tpu.vector_load %arg7[%get3A_2720, %get3A_2721, %get3A_2722] {strides = array<i32>} : memref<2x16x1000xf32, #tpu.memory_space<vmem>>, vector<16xf32>,
        %get3A_2724 = arith.index_cast %rem3A_87 : i32 to index
        %get3A_2725 = arith.index_cast %scan3A_129 : i32 to index
        %get3A_2726 = arith.constant 688 : index
        %get3A_2727 = tpu.vector_load %arg8[%get3A_2724, %get3A_2725, %get3A_2726] {strides = array<i32>} : memref<2x16x1000xf32, #tpu.memory_space<vmem>>, vector<16xf32>,
        %abs3A_2728 = math.absf %get3A_2723 : vector<16xf32>
        %neg3A_2729 = arith.constant 0.000000e+00 : f32
        %neg3A_2730 = vector.broadcast %neg3A_2729 : f32 to vector<16xf32>
        %neg3A_2731 = arith.subf %neg3A_2730, %abs3A_2728 : vector<16xf32>
        %exp3A_2732 = math.exp %neg3A_2731 : vector<16xf32>
        %mul3A_2733 = arith.constant 0.00518600363 : f32
        %mul3A_2734 = vector.broadcast %mul3A_2733 : f32 to vector<16xf32>
        %mul3A_2735 = arith.mulf %mul3A_2734, %exp3A_2732 : vector<16xf32>
        %add3A_2736 = arith.constant -0.0292102676 : f32
        %add3A_2737 = vector.broadcast %add3A_2736 : f32 to vector<16xf32>
        %add3A_2738 = arith.addf %mul3A_2735, %add3A_2737 : vector<16xf32>
        %mul3A_2739 = arith.mulf %add3A_2738, %exp3A_2732 : vector<16xf32>
        %add3A_2740 = arith.constant 0.0775403827 : f32
        %add3A_2741 = vector.broadcast %add3A_2740 : f32 to vector<16xf32>
        %add3A_2742 = arith.addf %mul3A_2739, %add3A_2741 : vector<16xf32>
        %mul3A_2743 = arith.mulf %add3A_2742, %exp3A_2732 : vector<16xf32>
        %add3A_2744 = arith.constant -0.135839418 : f32
        %add3A_2745 = vector.broadcast %add3A_2744 : f32 to vector<16xf32>
        %add3A_2746 = arith.addf %mul3A_2743, %add3A_2745 : vector<16xf32>
        %mul3A_2747 = arith.mulf %add3A_2746, %exp3A_2732 : vector<16xf32>
        %add3A_2748 = arith.constant 0.190559551 : f32
        %add3A_2749 = vector.broadcast %add3A_2748 : f32 to vector<16xf32>
        %add3A_2750 = arith.addf %mul3A_2747, %add3A_2749 : vector<16xf32>
        %mul3A_2751 = arith.mulf %add3A_2750, %exp3A_2732 : vector<16xf32>
        %add3A_2752 = arith.constant -0.24825649 : f32
        %add3A_2753 = vector.broadcast %add3A_2752 : f32 to vector<16xf32>
        %add3A_2754 = arith.addf %mul3A_2751, %add3A_2753 : vector<16xf32>
        %mul3A_2755 = arith.mulf %add3A_2754, %exp3A_2732 : vector<16xf32>
        %add3A_2756 = arith.constant 0.333160102 : f32
        %add3A_2757 = vector.broadcast %add3A_2756 : f32 to vector<16xf32>
        %add3A_2758 = arith.addf %mul3A_2755, %add3A_2757 : vector<16xf32>
        %mul3A_2759 = arith.mulf %add3A_2758, %exp3A_2732 : vector<16xf32>
        %add3A_2760 = arith.constant -0.499992549 : f32
        %add3A_2761 = vector.broadcast %add3A_2760 : f32 to vector<16xf32>
        %add3A_2762 = arith.addf %mul3A_2759, %add3A_2761 : vector<16xf32>
        %mul3A_2763 = arith.mulf %add3A_2762, %exp3A_2732 : vector<16xf32>
        %add3A_2764 = arith.constant 0.99999994 : f32
        %add3A_2765 = vector.broadcast %add3A_2764 : f32 to vector<16xf32>
        %add3A_2766 = arith.addf %mul3A_2763, %add3A_2765 : vector<16xf32>
        %max3A_2767 = arith.constant 0.000000e+00 : f32
        %max3A_2768 = vector.broadcast %max3A_2767 : f32 to vector<16xf32>
        %max3A_2769 = arith.maximumf %get3A_2723, %max3A_2768 : vector<16xf32>
        %mul3A_2770 = arith.mulf %exp3A_2732, %add3A_2766 : vector<16xf32>
        %add3A_2771 = arith.addf %max3A_2769, %mul3A_2770 : vector<16xf32>
        %mul3A_2772 = arith.mulf %get3A_2727, %get3A_2723 : vector<16xf32>
        %sub3A_2773 = arith.subf %add3A_2771, %mul3A_2772 : vector<16xf32>
        %add3A_2774 = arith.addf %add3A_2294, %sub3A_2773 : vector<16xf32>
        %gt3A_2775 = arith.constant 5.000000e-01 : f32
        %gt3A_2776 = vector.broadcast %gt3A_2775 : f32 to vector<16xf32>
        %gt3A_2777 = arith.cmpf ogt, %get3A_2727, %gt3A_2776 : vector<16xf32>
        %all_reduce_population_count3A_2778 = tpu.all_reduce %gt3A_2777 {dim = 0 : i64, kind = #tpu.reduction_kind<sum>} : vector<16xi1> -> vector<16xi32>
        %add3A_2779 = arith.addi %add3A_2539, %all_reduce_population_count3A_2778 : vector<16xi32>
        %get3A_2780 = arith.index_cast %rem3A_87 : i32 to index
        %get3A_2781 = arith.index_cast %scan3A_129 : i32 to index
        %get3A_2782 = arith.constant 704 : index
        %get3A_2783 = tpu.vector_load %arg7[%get3A_2780, %get3A_2781, %get3A_2782] {strides = array<i32>} : memref<2x16x1000xf32, #tpu.memory_space<vmem>>, vector<16xf32>,
        %get3A_2784 = arith.index_cast %rem3A_87 : i32 to index
        %get3A_2785 = arith.index_cast %scan3A_129 : i32 to index
        %get3A_2786 = arith.constant 704 : index
        %get3A_2787 = tpu.vector_load %arg8[%get3A_2784, %get3A_2785, %get3A_2786] {strides = array<i32>} : memref<2x16x1000xf32, #tpu.memory_space<vmem>>, vector<16xf32>,
        %abs3A_2788 = math.absf %get3A_2783 : vector<16xf32>
        %neg3A_2789 = arith.constant 0.000000e+00 : f32
        %neg3A_2790 = vector.broadcast %neg3A_2789 : f32 to vector<16xf32>
        %neg3A_2791 = arith.subf %neg3A_2790, %abs3A_2788 : vector<16xf32>
        %exp3A_2792 = math.exp %neg3A_2791 : vector<16xf32>
        %mul3A_2793 = arith.constant 0.00518600363 : f32
        %mul3A_2794 = vector.broadcast %mul3A_2793 : f32 to vector<16xf32>
        %mul3A_2795 = arith.mulf %mul3A_2794, %exp3A_2792 : vector<16xf32>
        %add3A_2796 = arith.constant -0.0292102676 : f32
        %add3A_2797 = vector.broadcast %add3A_2796 : f32 to vector<16xf32>
        %add3A_2798 = arith.addf %mul3A_2795, %add3A_2797 : vector<16xf32>
        %mul3A_2799 = arith.mulf %add3A_2798, %exp3A_2792 : vector<16xf32>
        %add3A_2800 = arith.constant 0.0775403827 : f32
        %add3A_2801 = vector.broadcast %add3A_2800 : f32 to vector<16xf32>
        %add3A_2802 = arith.addf %mul3A_2799, %add3A_2801 : vector<16xf32>
        %mul3A_2803 = arith.mulf %add3A_2802, %exp3A_2792 : vector<16xf32>
        %add3A_2804 = arith.constant -0.135839418 : f32
        %add3A_2805 = vector.broadcast %add3A_2804 : f32 to vector<16xf32>
        %add3A_2806 = arith.addf %mul3A_2803, %add3A_2805 : vector<16xf32>
        %mul3A_2807 = arith.mulf %add3A_2806, %exp3A_2792 : vector<16xf32>
        %add3A_2808 = arith.constant 0.190559551 : f32
        %add3A_2809 = vector.broadcast %add3A_2808 : f32 to vector<16xf32>
        %add3A_2810 = arith.addf %mul3A_2807, %add3A_2809 : vector<16xf32>
        %mul3A_2811 = arith.mulf %add3A_2810, %exp3A_2792 : vector<16xf32>
        %add3A_2812 = arith.constant -0.24825649 : f32
        %add3A_2813 = vector.broadcast %add3A_2812 : f32 to vector<16xf32>
        %add3A_2814 = arith.addf %mul3A_2811, %add3A_2813 : vector<16xf32>
        %mul3A_2815 = arith.mulf %add3A_2814, %exp3A_2792 : vector<16xf32>
        %add3A_2816 = arith.constant 0.333160102 : f32
        %add3A_2817 = vector.broadcast %add3A_2816 : f32 to vector<16xf32>
        %add3A_2818 = arith.addf %mul3A_2815, %add3A_2817 : vector<16xf32>
        %mul3A_2819 = arith.mulf %add3A_2818, %exp3A_2792 : vector<16xf32>
        %add3A_2820 = arith.constant -0.499992549 : f32
        %add3A_2821 = vector.broadcast %add3A_2820 : f32 to vector<16xf32>
        %add3A_2822 = arith.addf %mul3A_2819, %add3A_2821 : vector<16xf32>
        %mul3A_2823 = arith.mulf %add3A_2822, %exp3A_2792 : vector<16xf32>
        %add3A_2824 = arith.constant 0.99999994 : f32
        %add3A_2825 = vector.broadcast %add3A_2824 : f32 to vector<16xf32>
        %add3A_2826 = arith.addf %mul3A_2823, %add3A_2825 : vector<16xf32>
        %max3A_2827 = arith.constant 0.000000e+00 : f32
        %max3A_2828 = vector.broadcast %max3A_2827 : f32 to vector<16xf32>
        %max3A_2829 = arith.maximumf %get3A_2783, %max3A_2828 : vector<16xf32>
        %mul3A_2830 = arith.mulf %exp3A_2792, %add3A_2826 : vector<16xf32>
        %add3A_2831 = arith.addf %max3A_2829, %mul3A_2830 : vector<16xf32>
        %mul3A_2832 = arith.mulf %get3A_2787, %get3A_2783 : vector<16xf32>
        %sub3A_2833 = arith.subf %add3A_2831, %mul3A_2832 : vector<16xf32>
        %add3A_2834 = arith.addf %add3A_2354, %sub3A_2833 : vector<16xf32>
        %gt3A_2835 = arith.constant 5.000000e-01 : f32
        %gt3A_2836 = vector.broadcast %gt3A_2835 : f32 to vector<16xf32>
        %gt3A_2837 = arith.cmpf ogt, %get3A_2787, %gt3A_2836 : vector<16xf32>
        %all_reduce_population_count3A_2838 = tpu.all_reduce %gt3A_2837 {dim = 0 : i64, kind = #tpu.reduction_kind<sum>} : vector<16xi1> -> vector<16xi32>
        %add3A_2839 = arith.addi %add3A_2599, %all_reduce_population_count3A_2838 : vector<16xi32>
        %get3A_2840 = arith.index_cast %rem3A_87 : i32 to index
        %get3A_2841 = arith.index_cast %scan3A_129 : i32 to index
        %get3A_2842 = arith.constant 720 : index
        %get3A_2843 = tpu.vector_load %arg7[%get3A_2840, %get3A_2841, %get3A_2842] {strides = array<i32>} : memref<2x16x1000xf32, #tpu.memory_space<vmem>>, vector<16xf32>,
        %get3A_2844 = arith.index_cast %rem3A_87 : i32 to index
        %get3A_2845 = arith.index_cast %scan3A_129 : i32 to index
        %get3A_2846 = arith.constant 720 : index
        %get3A_2847 = tpu.vector_load %arg8[%get3A_2844, %get3A_2845, %get3A_2846] {strides = array<i32>} : memref<2x16x1000xf32, #tpu.memory_space<vmem>>, vector<16xf32>,
        %abs3A_2848 = math.absf %get3A_2843 : vector<16xf32>
        %neg3A_2849 = arith.constant 0.000000e+00 : f32
        %neg3A_2850 = vector.broadcast %neg3A_2849 : f32 to vector<16xf32>
        %neg3A_2851 = arith.subf %neg3A_2850, %abs3A_2848 : vector<16xf32>
        %exp3A_2852 = math.exp %neg3A_2851 : vector<16xf32>
        %mul3A_2853 = arith.constant 0.00518600363 : f32
        %mul3A_2854 = vector.broadcast %mul3A_2853 : f32 to vector<16xf32>
        %mul3A_2855 = arith.mulf %mul3A_2854, %exp3A_2852 : vector<16xf32>
        %add3A_2856 = arith.constant -0.0292102676 : f32
        %add3A_2857 = vector.broadcast %add3A_2856 : f32 to vector<16xf32>
        %add3A_2858 = arith.addf %mul3A_2855, %add3A_2857 : vector<16xf32>
        %mul3A_2859 = arith.mulf %add3A_2858, %exp3A_2852 : vector<16xf32>
        %add3A_2860 = arith.constant 0.0775403827 : f32
        %add3A_2861 = vector.broadcast %add3A_2860 : f32 to vector<16xf32>
        %add3A_2862 = arith.addf %mul3A_2859, %add3A_2861 : vector<16xf32>
        %mul3A_2863 = arith.mulf %add3A_2862, %exp3A_2852 : vector<16xf32>
        %add3A_2864 = arith.constant -0.135839418 : f32
        %add3A_2865 = vector.broadcast %add3A_2864 : f32 to vector<16xf32>
        %add3A_2866 = arith.addf %mul3A_2863, %add3A_2865 : vector<16xf32>
        %mul3A_2867 = arith.mulf %add3A_2866, %exp3A_2852 : vector<16xf32>
        %add3A_2868 = arith.constant 0.190559551 : f32
        %add3A_2869 = vector.broadcast %add3A_2868 : f32 to vector<16xf32>
        %add3A_2870 = arith.addf %mul3A_2867, %add3A_2869 : vector<16xf32>
        %mul3A_2871 = arith.mulf %add3A_2870, %exp3A_2852 : vector<16xf32>
        %add3A_2872 = arith.constant -0.24825649 : f32
        %add3A_2873 = vector.broadcast %add3A_2872 : f32 to vector<16xf32>
        %add3A_2874 = arith.addf %mul3A_2871, %add3A_2873 : vector<16xf32>
        %mul3A_2875 = arith.mulf %add3A_2874, %exp3A_2852 : vector<16xf32>
        %add3A_2876 = arith.constant 0.333160102 : f32
        %add3A_2877 = vector.broadcast %add3A_2876 : f32 to vector<16xf32>
        %add3A_2878 = arith.addf %mul3A_2875, %add3A_2877 : vector<16xf32>
        %mul3A_2879 = arith.mulf %add3A_2878, %exp3A_2852 : vector<16xf32>
        %add3A_2880 = arith.constant -0.499992549 : f32
        %add3A_2881 = vector.broadcast %add3A_2880 : f32 to vector<16xf32>
        %add3A_2882 = arith.addf %mul3A_2879, %add3A_2881 : vector<16xf32>
        %mul3A_2883 = arith.mulf %add3A_2882, %exp3A_2852 : vector<16xf32>
        %add3A_2884 = arith.constant 0.99999994 : f32
        %add3A_2885 = vector.broadcast %add3A_2884 : f32 to vector<16xf32>
        %add3A_2886 = arith.addf %mul3A_2883, %add3A_2885 : vector<16xf32>
        %max3A_2887 = arith.constant 0.000000e+00 : f32
        %max3A_2888 = vector.broadcast %max3A_2887 : f32 to vector<16xf32>
        %max3A_2889 = arith.maximumf %get3A_2843, %max3A_2888 : vector<16xf32>
        %mul3A_2890 = arith.mulf %exp3A_2852, %add3A_2886 : vector<16xf32>
        %add3A_2891 = arith.addf %max3A_2889, %mul3A_2890 : vector<16xf32>
        %mul3A_2892 = arith.mulf %get3A_2847, %get3A_2843 : vector<16xf32>
        %sub3A_2893 = arith.subf %add3A_2891, %mul3A_2892 : vector<16xf32>
        %add3A_2894 = arith.addf %add3A_2414, %sub3A_2893 : vector<16xf32>
        %gt3A_2895 = arith.constant 5.000000e-01 : f32
        %gt3A_2896 = vector.broadcast %gt3A_2895 : f32 to vector<16xf32>
        %gt3A_2897 = arith.cmpf ogt, %get3A_2847, %gt3A_2896 : vector<16xf32>
        %all_reduce_population_count3A_2898 = tpu.all_reduce %gt3A_2897 {dim = 0 : i64, kind = #tpu.reduction_kind<sum>} : vector<16xi1> -> vector<16xi32>
        %add3A_2899 = arith.addi %add3A_2659, %all_reduce_population_count3A_2898 : vector<16xi32>
        %get3A_2900 = arith.index_cast %rem3A_87 : i32 to index
        %get3A_2901 = arith.index_cast %scan3A_129 : i32 to index
        %get3A_2902 = arith.constant 736 : index
        %get3A_2903 = tpu.vector_load %arg7[%get3A_2900, %get3A_2901, %get3A_2902] {strides = array<i32>} : memref<2x16x1000xf32, #tpu.memory_space<vmem>>, vector<16xf32>,
        %get3A_2904 = arith.index_cast %rem3A_87 : i32 to index
        %get3A_2905 = arith.index_cast %scan3A_129 : i32 to index
        %get3A_2906 = arith.constant 736 : index
        %get3A_2907 = tpu.vector_load %arg8[%get3A_2904, %get3A_2905, %get3A_2906] {strides = array<i32>} : memref<2x16x1000xf32, #tpu.memory_space<vmem>>, vector<16xf32>,
        %abs3A_2908 = math.absf %get3A_2903 : vector<16xf32>
        %neg3A_2909 = arith.constant 0.000000e+00 : f32
        %neg3A_2910 = vector.broadcast %neg3A_2909 : f32 to vector<16xf32>
        %neg3A_2911 = arith.subf %neg3A_2910, %abs3A_2908 : vector<16xf32>
        %exp3A_2912 = math.exp %neg3A_2911 : vector<16xf32>
        %mul3A_2913 = arith.constant 0.00518600363 : f32
        %mul3A_2914 = vector.broadcast %mul3A_2913 : f32 to vector<16xf32>
        %mul3A_2915 = arith.mulf %mul3A_2914, %exp3A_2912 : vector<16xf32>
        %add3A_2916 = arith.constant -0.0292102676 : f32
        %add3A_2917 = vector.broadcast %add3A_2916 : f32 to vector<16xf32>
        %add3A_2918 = arith.addf %mul3A_2915, %add3A_2917 : vector<16xf32>
        %mul3A_2919 = arith.mulf %add3A_2918, %exp3A_2912 : vector<16xf32>
        %add3A_2920 = arith.constant 0.0775403827 : f32
        %add3A_2921 = vector.broadcast %add3A_2920 : f32 to vector<16xf32>
        %add3A_2922 = arith.addf %mul3A_2919, %add3A_2921 : vector<16xf32>
        %mul3A_2923 = arith.mulf %add3A_2922, %exp3A_2912 : vector<16xf32>
        %add3A_2924 = arith.constant -0.135839418 : f32
        %add3A_2925 = vector.broadcast %add3A_2924 : f32 to vector<16xf32>
        %add3A_2926 = arith.addf %mul3A_2923, %add3A_2925 : vector<16xf32>
        %mul3A_2927 = arith.mulf %add3A_2926, %exp3A_2912 : vector<16xf32>
        %add3A_2928 = arith.constant 0.190559551 : f32
        %add3A_2929 = vector.broadcast %add3A_2928 : f32 to vector<16xf32>
        %add3A_2930 = arith.addf %mul3A_2927, %add3A_2929 : vector<16xf32>
        %mul3A_2931 = arith.mulf %add3A_2930, %exp3A_2912 : vector<16xf32>
        %add3A_2932 = arith.constant -0.24825649 : f32
        %add3A_2933 = vector.broadcast %add3A_2932 : f32 to vector<16xf32>
        %add3A_2934 = arith.addf %mul3A_2931, %add3A_2933 : vector<16xf32>
        %mul3A_2935 = arith.mulf %add3A_2934, %exp3A_2912 : vector<16xf32>
        %add3A_2936 = arith.constant 0.333160102 : f32
        %add3A_2937 = vector.broadcast %add3A_2936 : f32 to vector<16xf32>
        %add3A_2938 = arith.addf %mul3A_2935, %add3A_2937 : vector<16xf32>
        %mul3A_2939 = arith.mulf %add3A_2938, %exp3A_2912 : vector<16xf32>
        %add3A_2940 = arith.constant -0.499992549 : f32
        %add3A_2941 = vector.broadcast %add3A_2940 : f32 to vector<16xf32>
        %add3A_2942 = arith.addf %mul3A_2939, %add3A_2941 : vector<16xf32>
        %mul3A_2943 = arith.mulf %add3A_2942, %exp3A_2912 : vector<16xf32>
        %add3A_2944 = arith.constant 0.99999994 : f32
        %add3A_2945 = vector.broadcast %add3A_2944 : f32 to vector<16xf32>
        %add3A_2946 = arith.addf %mul3A_2943, %add3A_2945 : vector<16xf32>
        %max3A_2947 = arith.constant 0.000000e+00 : f32
        %max3A_2948 = vector.broadcast %max3A_2947 : f32 to vector<16xf32>
        %max3A_2949 = arith.maximumf %get3A_2903, %max3A_2948 : vector<16xf32>
        %mul3A_2950 = arith.mulf %exp3A_2912, %add3A_2946 : vector<16xf32>
        %add3A_2951 = arith.addf %max3A_2949, %mul3A_2950 : vector<16xf32>
        %mul3A_2952 = arith.mulf %get3A_2907, %get3A_2903 : vector<16xf32>
        %sub3A_2953 = arith.subf %add3A_2951, %mul3A_2952 : vector<16xf32>
        %add3A_2954 = arith.addf %add3A_2474, %sub3A_2953 : vector<16xf32>
        %gt3A_2955 = arith.constant 5.000000e-01 : f32
        %gt3A_2956 = vector.broadcast %gt3A_2955 : f32 to vector<16xf32>
        %gt3A_2957 = arith.cmpf ogt, %get3A_2907, %gt3A_2956 : vector<16xf32>
        %all_reduce_population_count3A_2958 = tpu.all_reduce %gt3A_2957 {dim = 0 : i64, kind = #tpu.reduction_kind<sum>} : vector<16xi1> -> vector<16xi32>
        %add3A_2959 = arith.addi %add3A_2719, %all_reduce_population_count3A_2958 : vector<16xi32>
        %get3A_2960 = arith.index_cast %rem3A_87 : i32 to index
        %get3A_2961 = arith.index_cast %scan3A_129 : i32 to index
        %get3A_2962 = arith.constant 752 : index
        %get3A_2963 = tpu.vector_load %arg7[%get3A_2960, %get3A_2961, %get3A_2962] {strides = array<i32>} : memref<2x16x1000xf32, #tpu.memory_space<vmem>>, vector<16xf32>,
        %get3A_2964 = arith.index_cast %rem3A_87 : i32 to index
        %get3A_2965 = arith.index_cast %scan3A_129 : i32 to index
        %get3A_2966 = arith.constant 752 : index
        %get3A_2967 = tpu.vector_load %arg8[%get3A_2964, %get3A_2965, %get3A_2966] {strides = array<i32>} : memref<2x16x1000xf32, #tpu.memory_space<vmem>>, vector<16xf32>,
        %abs3A_2968 = math.absf %get3A_2963 : vector<16xf32>
        %neg3A_2969 = arith.constant 0.000000e+00 : f32
        %neg3A_2970 = vector.broadcast %neg3A_2969 : f32 to vector<16xf32>
        %neg3A_2971 = arith.subf %neg3A_2970, %abs3A_2968 : vector<16xf32>
        %exp3A_2972 = math.exp %neg3A_2971 : vector<16xf32>
        %mul3A_2973 = arith.constant 0.00518600363 : f32
        %mul3A_2974 = vector.broadcast %mul3A_2973 : f32 to vector<16xf32>
        %mul3A_2975 = arith.mulf %mul3A_2974, %exp3A_2972 : vector<16xf32>
        %add3A_2976 = arith.constant -0.0292102676 : f32
        %add3A_2977 = vector.broadcast %add3A_2976 : f32 to vector<16xf32>
        %add3A_2978 = arith.addf %mul3A_2975, %add3A_2977 : vector<16xf32>
        %mul3A_2979 = arith.mulf %add3A_2978, %exp3A_2972 : vector<16xf32>
        %add3A_2980 = arith.constant 0.0775403827 : f32
        %add3A_2981 = vector.broadcast %add3A_2980 : f32 to vector<16xf32>
        %add3A_2982 = arith.addf %mul3A_2979, %add3A_2981 : vector<16xf32>
        %mul3A_2983 = arith.mulf %add3A_2982, %exp3A_2972 : vector<16xf32>
        %add3A_2984 = arith.constant -0.135839418 : f32
        %add3A_2985 = vector.broadcast %add3A_2984 : f32 to vector<16xf32>
        %add3A_2986 = arith.addf %mul3A_2983, %add3A_2985 : vector<16xf32>
        %mul3A_2987 = arith.mulf %add3A_2986, %exp3A_2972 : vector<16xf32>
        %add3A_2988 = arith.constant 0.190559551 : f32
        %add3A_2989 = vector.broadcast %add3A_2988 : f32 to vector<16xf32>
        %add3A_2990 = arith.addf %mul3A_2987, %add3A_2989 : vector<16xf32>
        %mul3A_2991 = arith.mulf %add3A_2990, %exp3A_2972 : vector<16xf32>
        %add3A_2992 = arith.constant -0.24825649 : f32
        %add3A_2993 = vector.broadcast %add3A_2992 : f32 to vector<16xf32>
        %add3A_2994 = arith.addf %mul3A_2991, %add3A_2993 : vector<16xf32>
        %mul3A_2995 = arith.mulf %add3A_2994, %exp3A_2972 : vector<16xf32>
        %add3A_2996 = arith.constant 0.333160102 : f32
        %add3A_2997 = vector.broadcast %add3A_2996 : f32 to vector<16xf32>
        %add3A_2998 = arith.addf %mul3A_2995, %add3A_2997 : vector<16xf32>
        %mul3A_2999 = arith.mulf %add3A_2998, %exp3A_2972 : vector<16xf32>
        %add3A_3000 = arith.constant -0.499992549 : f32
        %add3A_3001 = vector.broadcast %add3A_3000 : f32 to vector<16xf32>
        %add3A_3002 = arith.addf %mul3A_2999, %add3A_3001 : vector<16xf32>
        %mul3A_3003 = arith.mulf %add3A_3002, %exp3A_2972 : vector<16xf32>
        %add3A_3004 = arith.constant 0.99999994 : f32
        %add3A_3005 = vector.broadcast %add3A_3004 : f32 to vector<16xf32>
        %add3A_3006 = arith.addf %mul3A_3003, %add3A_3005 : vector<16xf32>
        %max3A_3007 = arith.constant 0.000000e+00 : f32
        %max3A_3008 = vector.broadcast %max3A_3007 : f32 to vector<16xf32>
        %max3A_3009 = arith.maximumf %get3A_2963, %max3A_3008 : vector<16xf32>
        %mul3A_3010 = arith.mulf %exp3A_2972, %add3A_3006 : vector<16xf32>
        %add3A_3011 = arith.addf %max3A_3009, %mul3A_3010 : vector<16xf32>
        %mul3A_3012 = arith.mulf %get3A_2967, %get3A_2963 : vector<16xf32>
        %sub3A_3013 = arith.subf %add3A_3011, %mul3A_3012 : vector<16xf32>
        %add3A_3014 = arith.addf %add3A_2534, %sub3A_3013 : vector<16xf32>
        %gt3A_3015 = arith.constant 5.000000e-01 : f32
        %gt3A_3016 = vector.broadcast %gt3A_3015 : f32 to vector<16xf32>
        %gt3A_3017 = arith.cmpf ogt, %get3A_2967, %gt3A_3016 : vector<16xf32>
        %all_reduce_population_count3A_3018 = tpu.all_reduce %gt3A_3017 {dim = 0 : i64, kind = #tpu.reduction_kind<sum>} : vector<16xi1> -> vector<16xi32>
        %add3A_3019 = arith.addi %add3A_2779, %all_reduce_population_count3A_3018 : vector<16xi32>
        %get3A_3020 = arith.index_cast %rem3A_87 : i32 to index
        %get3A_3021 = arith.index_cast %scan3A_129 : i32 to index
        %get3A_3022 = arith.constant 768 : index
        %get3A_3023 = tpu.vector_load %arg7[%get3A_3020, %get3A_3021, %get3A_3022] {strides = array<i32>} : memref<2x16x1000xf32, #tpu.memory_space<vmem>>, vector<16xf32>,
        %get3A_3024 = arith.index_cast %rem3A_87 : i32 to index
        %get3A_3025 = arith.index_cast %scan3A_129 : i32 to index
        %get3A_3026 = arith.constant 768 : index
        %get3A_3027 = tpu.vector_load %arg8[%get3A_3024, %get3A_3025, %get3A_3026] {strides = array<i32>} : memref<2x16x1000xf32, #tpu.memory_space<vmem>>, vector<16xf32>,
        %abs3A_3028 = math.absf %get3A_3023 : vector<16xf32>
        %neg3A_3029 = arith.constant 0.000000e+00 : f32
        %neg3A_3030 = vector.broadcast %neg3A_3029 : f32 to vector<16xf32>
        %neg3A_3031 = arith.subf %neg3A_3030, %abs3A_3028 : vector<16xf32>
        %exp3A_3032 = math.exp %neg3A_3031 : vector<16xf32>
        %mul3A_3033 = arith.constant 0.00518600363 : f32
        %mul3A_3034 = vector.broadcast %mul3A_3033 : f32 to vector<16xf32>
        %mul3A_3035 = arith.mulf %mul3A_3034, %exp3A_3032 : vector<16xf32>
        %add3A_3036 = arith.constant -0.0292102676 : f32
        %add3A_3037 = vector.broadcast %add3A_3036 : f32 to vector<16xf32>
        %add3A_3038 = arith.addf %mul3A_3035, %add3A_3037 : vector<16xf32>
        %mul3A_3039 = arith.mulf %add3A_3038, %exp3A_3032 : vector<16xf32>
        %add3A_3040 = arith.constant 0.0775403827 : f32
        %add3A_3041 = vector.broadcast %add3A_3040 : f32 to vector<16xf32>
        %add3A_3042 = arith.addf %mul3A_3039, %add3A_3041 : vector<16xf32>
        %mul3A_3043 = arith.mulf %add3A_3042, %exp3A_3032 : vector<16xf32>
        %add3A_3044 = arith.constant -0.135839418 : f32
        %add3A_3045 = vector.broadcast %add3A_3044 : f32 to vector<16xf32>
        %add3A_3046 = arith.addf %mul3A_3043, %add3A_3045 : vector<16xf32>
        %mul3A_3047 = arith.mulf %add3A_3046, %exp3A_3032 : vector<16xf32>
        %add3A_3048 = arith.constant 0.190559551 : f32
        %add3A_3049 = vector.broadcast %add3A_3048 : f32 to vector<16xf32>
        %add3A_3050 = arith.addf %mul3A_3047, %add3A_3049 : vector<16xf32>
        %mul3A_3051 = arith.mulf %add3A_3050, %exp3A_3032 : vector<16xf32>
        %add3A_3052 = arith.constant -0.24825649 : f32
        %add3A_3053 = vector.broadcast %add3A_3052 : f32 to vector<16xf32>
        %add3A_3054 = arith.addf %mul3A_3051, %add3A_3053 : vector<16xf32>
        %mul3A_3055 = arith.mulf %add3A_3054, %exp3A_3032 : vector<16xf32>
        %add3A_3056 = arith.constant 0.333160102 : f32
        %add3A_3057 = vector.broadcast %add3A_3056 : f32 to vector<16xf32>
        %add3A_3058 = arith.addf %mul3A_3055, %add3A_3057 : vector<16xf32>
        %mul3A_3059 = arith.mulf %add3A_3058, %exp3A_3032 : vector<16xf32>
        %add3A_3060 = arith.constant -0.499992549 : f32
        %add3A_3061 = vector.broadcast %add3A_3060 : f32 to vector<16xf32>
        %add3A_3062 = arith.addf %mul3A_3059, %add3A_3061 : vector<16xf32>
        %mul3A_3063 = arith.mulf %add3A_3062, %exp3A_3032 : vector<16xf32>
        %add3A_3064 = arith.constant 0.99999994 : f32
        %add3A_3065 = vector.broadcast %add3A_3064 : f32 to vector<16xf32>
        %add3A_3066 = arith.addf %mul3A_3063, %add3A_3065 : vector<16xf32>
        %max3A_3067 = arith.constant 0.000000e+00 : f32
        %max3A_3068 = vector.broadcast %max3A_3067 : f32 to vector<16xf32>
        %max3A_3069 = arith.maximumf %get3A_3023, %max3A_3068 : vector<16xf32>
        %mul3A_3070 = arith.mulf %exp3A_3032, %add3A_3066 : vector<16xf32>
        %add3A_3071 = arith.addf %max3A_3069, %mul3A_3070 : vector<16xf32>
        %mul3A_3072 = arith.mulf %get3A_3027, %get3A_3023 : vector<16xf32>
        %sub3A_3073 = arith.subf %add3A_3071, %mul3A_3072 : vector<16xf32>
        %add3A_3074 = arith.addf %add3A_2594, %sub3A_3073 : vector<16xf32>
        %gt3A_3075 = arith.constant 5.000000e-01 : f32
        %gt3A_3076 = vector.broadcast %gt3A_3075 : f32 to vector<16xf32>
        %gt3A_3077 = arith.cmpf ogt, %get3A_3027, %gt3A_3076 : vector<16xf32>
        %all_reduce_population_count3A_3078 = tpu.all_reduce %gt3A_3077 {dim = 0 : i64, kind = #tpu.reduction_kind<sum>} : vector<16xi1> -> vector<16xi32>
        %add3A_3079 = arith.addi %add3A_2839, %all_reduce_population_count3A_3078 : vector<16xi32>
        %get3A_3080 = arith.index_cast %rem3A_87 : i32 to index
        %get3A_3081 = arith.index_cast %scan3A_129 : i32 to index
        %get3A_3082 = arith.constant 784 : index
        %get3A_3083 = tpu.vector_load %arg7[%get3A_3080, %get3A_3081, %get3A_3082] {strides = array<i32>} : memref<2x16x1000xf32, #tpu.memory_space<vmem>>, vector<16xf32>,
        %get3A_3084 = arith.index_cast %rem3A_87 : i32 to index
        %get3A_3085 = arith.index_cast %scan3A_129 : i32 to index
        %get3A_3086 = arith.constant 784 : index
        %get3A_3087 = tpu.vector_load %arg8[%get3A_3084, %get3A_3085, %get3A_3086] {strides = array<i32>} : memref<2x16x1000xf32, #tpu.memory_space<vmem>>, vector<16xf32>,
        %abs3A_3088 = math.absf %get3A_3083 : vector<16xf32>
        %neg3A_3089 = arith.constant 0.000000e+00 : f32
        %neg3A_3090 = vector.broadcast %neg3A_3089 : f32 to vector<16xf32>
        %neg3A_3091 = arith.subf %neg3A_3090, %abs3A_3088 : vector<16xf32>
        %exp3A_3092 = math.exp %neg3A_3091 : vector<16xf32>
        %mul3A_3093 = arith.constant 0.00518600363 : f32
        %mul3A_3094 = vector.broadcast %mul3A_3093 : f32 to vector<16xf32>
        %mul3A_3095 = arith.mulf %mul3A_3094, %exp3A_3092 : vector<16xf32>
        %add3A_3096 = arith.constant -0.0292102676 : f32
        %add3A_3097 = vector.broadcast %add3A_3096 : f32 to vector<16xf32>
        %add3A_3098 = arith.addf %mul3A_3095, %add3A_3097 : vector<16xf32>
        %mul3A_3099 = arith.mulf %add3A_3098, %exp3A_3092 : vector<16xf32>
        %add3A_3100 = arith.constant 0.0775403827 : f32
        %add3A_3101 = vector.broadcast %add3A_3100 : f32 to vector<16xf32>
        %add3A_3102 = arith.addf %mul3A_3099, %add3A_3101 : vector<16xf32>
        %mul3A_3103 = arith.mulf %add3A_3102, %exp3A_3092 : vector<16xf32>
        %add3A_3104 = arith.constant -0.135839418 : f32
        %add3A_3105 = vector.broadcast %add3A_3104 : f32 to vector<16xf32>
        %add3A_3106 = arith.addf %mul3A_3103, %add3A_3105 : vector<16xf32>
        %mul3A_3107 = arith.mulf %add3A_3106, %exp3A_3092 : vector<16xf32>
        %add3A_3108 = arith.constant 0.190559551 : f32
        %add3A_3109 = vector.broadcast %add3A_3108 : f32 to vector<16xf32>
        %add3A_3110 = arith.addf %mul3A_3107, %add3A_3109 : vector<16xf32>
        %mul3A_3111 = arith.mulf %add3A_3110, %exp3A_3092 : vector<16xf32>
        %add3A_3112 = arith.constant -0.24825649 : f32
        %add3A_3113 = vector.broadcast %add3A_3112 : f32 to vector<16xf32>
        %add3A_3114 = arith.addf %mul3A_3111, %add3A_3113 : vector<16xf32>
        %mul3A_3115 = arith.mulf %add3A_3114, %exp3A_3092 : vector<16xf32>
        %add3A_3116 = arith.constant 0.333160102 : f32
        %add3A_3117 = vector.broadcast %add3A_3116 : f32 to vector<16xf32>
        %add3A_3118 = arith.addf %mul3A_3115, %add3A_3117 : vector<16xf32>
        %mul3A_3119 = arith.mulf %add3A_3118, %exp3A_3092 : vector<16xf32>
        %add3A_3120 = arith.constant -0.499992549 : f32
        %add3A_3121 = vector.broadcast %add3A_3120 : f32 to vector<16xf32>
        %add3A_3122 = arith.addf %mul3A_3119, %add3A_3121 : vector<16xf32>
        %mul3A_3123 = arith.mulf %add3A_3122, %exp3A_3092 : vector<16xf32>
        %add3A_3124 = arith.constant 0.99999994 : f32
        %add3A_3125 = vector.broadcast %add3A_3124 : f32 to vector<16xf32>
        %add3A_3126 = arith.addf %mul3A_3123, %add3A_3125 : vector<16xf32>
        %max3A_3127 = arith.constant 0.000000e+00 : f32
        %max3A_3128 = vector.broadcast %max3A_3127 : f32 to vector<16xf32>
        %max3A_3129 = arith.maximumf %get3A_3083, %max3A_3128 : vector<16xf32>
        %mul3A_3130 = arith.mulf %exp3A_3092, %add3A_3126 : vector<16xf32>
        %add3A_3131 = arith.addf %max3A_3129, %mul3A_3130 : vector<16xf32>
        %mul3A_3132 = arith.mulf %get3A_3087, %get3A_3083 : vector<16xf32>
        %sub3A_3133 = arith.subf %add3A_3131, %mul3A_3132 : vector<16xf32>
        %add3A_3134 = arith.addf %add3A_2654, %sub3A_3133 : vector<16xf32>
        %gt3A_3135 = arith.constant 5.000000e-01 : f32
        %gt3A_3136 = vector.broadcast %gt3A_3135 : f32 to vector<16xf32>
        %gt3A_3137 = arith.cmpf ogt, %get3A_3087, %gt3A_3136 : vector<16xf32>
        %all_reduce_population_count3A_3138 = tpu.all_reduce %gt3A_3137 {dim = 0 : i64, kind = #tpu.reduction_kind<sum>} : vector<16xi1> -> vector<16xi32>
        %add3A_3139 = arith.addi %add3A_2899, %all_reduce_population_count3A_3138 : vector<16xi32>
        %get3A_3140 = arith.index_cast %rem3A_87 : i32 to index
        %get3A_3141 = arith.index_cast %scan3A_129 : i32 to index
        %get3A_3142 = arith.constant 800 : index
        %get3A_3143 = tpu.vector_load %arg7[%get3A_3140, %get3A_3141, %get3A_3142] {strides = array<i32>} : memref<2x16x1000xf32, #tpu.memory_space<vmem>>, vector<16xf32>,
        %get3A_3144 = arith.index_cast %rem3A_87 : i32 to index
        %get3A_3145 = arith.index_cast %scan3A_129 : i32 to index
        %get3A_3146 = arith.constant 800 : index
        %get3A_3147 = tpu.vector_load %arg8[%get3A_3144, %get3A_3145, %get3A_3146] {strides = array<i32>} : memref<2x16x1000xf32, #tpu.memory_space<vmem>>, vector<16xf32>,
        %abs3A_3148 = math.absf %get3A_3143 : vector<16xf32>
        %neg3A_3149 = arith.constant 0.000000e+00 : f32
        %neg3A_3150 = vector.broadcast %neg3A_3149 : f32 to vector<16xf32>
        %neg3A_3151 = arith.subf %neg3A_3150, %abs3A_3148 : vector<16xf32>
        %exp3A_3152 = math.exp %neg3A_3151 : vector<16xf32>
        %mul3A_3153 = arith.constant 0.00518600363 : f32
        %mul3A_3154 = vector.broadcast %mul3A_3153 : f32 to vector<16xf32>
        %mul3A_3155 = arith.mulf %mul3A_3154, %exp3A_3152 : vector<16xf32>
        %add3A_3156 = arith.constant -0.0292102676 : f32
        %add3A_3157 = vector.broadcast %add3A_3156 : f32 to vector<16xf32>
        %add3A_3158 = arith.addf %mul3A_3155, %add3A_3157 : vector<16xf32>
        %mul3A_3159 = arith.mulf %add3A_3158, %exp3A_3152 : vector<16xf32>
        %add3A_3160 = arith.constant 0.0775403827 : f32
        %add3A_3161 = vector.broadcast %add3A_3160 : f32 to vector<16xf32>
        %add3A_3162 = arith.addf %mul3A_3159, %add3A_3161 : vector<16xf32>
        %mul3A_3163 = arith.mulf %add3A_3162, %exp3A_3152 : vector<16xf32>
        %add3A_3164 = arith.constant -0.135839418 : f32
        %add3A_3165 = vector.broadcast %add3A_3164 : f32 to vector<16xf32>
        %add3A_3166 = arith.addf %mul3A_3163, %add3A_3165 : vector<16xf32>
        %mul3A_3167 = arith.mulf %add3A_3166, %exp3A_3152 : vector<16xf32>
        %add3A_3168 = arith.constant 0.190559551 : f32
        %add3A_3169 = vector.broadcast %add3A_3168 : f32 to vector<16xf32>
        %add3A_3170 = arith.addf %mul3A_3167, %add3A_3169 : vector<16xf32>
        %mul3A_3171 = arith.mulf %add3A_3170, %exp3A_3152 : vector<16xf32>
        %add3A_3172 = arith.constant -0.24825649 : f32
        %add3A_3173 = vector.broadcast %add3A_3172 : f32 to vector<16xf32>
        %add3A_3174 = arith.addf %mul3A_3171, %add3A_3173 : vector<16xf32>
        %mul3A_3175 = arith.mulf %add3A_3174, %exp3A_3152 : vector<16xf32>
        %add3A_3176 = arith.constant 0.333160102 : f32
        %add3A_3177 = vector.broadcast %add3A_3176 : f32 to vector<16xf32>
        %add3A_3178 = arith.addf %mul3A_3175, %add3A_3177 : vector<16xf32>
        %mul3A_3179 = arith.mulf %add3A_3178, %exp3A_3152 : vector<16xf32>
        %add3A_3180 = arith.constant -0.499992549 : f32
        %add3A_3181 = vector.broadcast %add3A_3180 : f32 to vector<16xf32>
        %add3A_3182 = arith.addf %mul3A_3179, %add3A_3181 : vector<16xf32>
        %mul3A_3183 = arith.mulf %add3A_3182, %exp3A_3152 : vector<16xf32>
        %add3A_3184 = arith.constant 0.99999994 : f32
        %add3A_3185 = vector.broadcast %add3A_3184 : f32 to vector<16xf32>
        %add3A_3186 = arith.addf %mul3A_3183, %add3A_3185 : vector<16xf32>
        %max3A_3187 = arith.constant 0.000000e+00 : f32
        %max3A_3188 = vector.broadcast %max3A_3187 : f32 to vector<16xf32>
        %max3A_3189 = arith.maximumf %get3A_3143, %max3A_3188 : vector<16xf32>
        %mul3A_3190 = arith.mulf %exp3A_3152, %add3A_3186 : vector<16xf32>
        %add3A_3191 = arith.addf %max3A_3189, %mul3A_3190 : vector<16xf32>
        %mul3A_3192 = arith.mulf %get3A_3147, %get3A_3143 : vector<16xf32>
        %sub3A_3193 = arith.subf %add3A_3191, %mul3A_3192 : vector<16xf32>
        %add3A_3194 = arith.addf %add3A_2714, %sub3A_3193 : vector<16xf32>
        %gt3A_3195 = arith.constant 5.000000e-01 : f32
        %gt3A_3196 = vector.broadcast %gt3A_3195 : f32 to vector<16xf32>
        %gt3A_3197 = arith.cmpf ogt, %get3A_3147, %gt3A_3196 : vector<16xf32>
        %all_reduce_population_count3A_3198 = tpu.all_reduce %gt3A_3197 {dim = 0 : i64, kind = #tpu.reduction_kind<sum>} : vector<16xi1> -> vector<16xi32>
        %add3A_3199 = arith.addi %add3A_2959, %all_reduce_population_count3A_3198 : vector<16xi32>
        %get3A_3200 = arith.index_cast %rem3A_87 : i32 to index
        %get3A_3201 = arith.index_cast %scan3A_129 : i32 to index
        %get3A_3202 = arith.constant 816 : index
        %get3A_3203 = tpu.vector_load %arg7[%get3A_3200, %get3A_3201, %get3A_3202] {strides = array<i32>} : memref<2x16x1000xf32, #tpu.memory_space<vmem>>, vector<16xf32>,
        %get3A_3204 = arith.index_cast %rem3A_87 : i32 to index
        %get3A_3205 = arith.index_cast %scan3A_129 : i32 to index
        %get3A_3206 = arith.constant 816 : index
        %get3A_3207 = tpu.vector_load %arg8[%get3A_3204, %get3A_3205, %get3A_3206] {strides = array<i32>} : memref<2x16x1000xf32, #tpu.memory_space<vmem>>, vector<16xf32>,
        %abs3A_3208 = math.absf %get3A_3203 : vector<16xf32>
        %neg3A_3209 = arith.constant 0.000000e+00 : f32
        %neg3A_3210 = vector.broadcast %neg3A_3209 : f32 to vector<16xf32>
        %neg3A_3211 = arith.subf %neg3A_3210, %abs3A_3208 : vector<16xf32>
        %exp3A_3212 = math.exp %neg3A_3211 : vector<16xf32>
        %mul3A_3213 = arith.constant 0.00518600363 : f32
        %mul3A_3214 = vector.broadcast %mul3A_3213 : f32 to vector<16xf32>
        %mul3A_3215 = arith.mulf %mul3A_3214, %exp3A_3212 : vector<16xf32>
        %add3A_3216 = arith.constant -0.0292102676 : f32
        %add3A_3217 = vector.broadcast %add3A_3216 : f32 to vector<16xf32>
        %add3A_3218 = arith.addf %mul3A_3215, %add3A_3217 : vector<16xf32>
        %mul3A_3219 = arith.mulf %add3A_3218, %exp3A_3212 : vector<16xf32>
        %add3A_3220 = arith.constant 0.0775403827 : f32
        %add3A_3221 = vector.broadcast %add3A_3220 : f32 to vector<16xf32>
        %add3A_3222 = arith.addf %mul3A_3219, %add3A_3221 : vector<16xf32>
        %mul3A_3223 = arith.mulf %add3A_3222, %exp3A_3212 : vector<16xf32>
        %add3A_3224 = arith.constant -0.135839418 : f32
        %add3A_3225 = vector.broadcast %add3A_3224 : f32 to vector<16xf32>
        %add3A_3226 = arith.addf %mul3A_3223, %add3A_3225 : vector<16xf32>
        %mul3A_3227 = arith.mulf %add3A_3226, %exp3A_3212 : vector<16xf32>
        %add3A_3228 = arith.constant 0.190559551 : f32
        %add3A_3229 = vector.broadcast %add3A_3228 : f32 to vector<16xf32>
        %add3A_3230 = arith.addf %mul3A_3227, %add3A_3229 : vector<16xf32>
        %mul3A_3231 = arith.mulf %add3A_3230, %exp3A_3212 : vector<16xf32>
        %add3A_3232 = arith.constant -0.24825649 : f32
        %add3A_3233 = vector.broadcast %add3A_3232 : f32 to vector<16xf32>
        %add3A_3234 = arith.addf %mul3A_3231, %add3A_3233 : vector<16xf32>
        %mul3A_3235 = arith.mulf %add3A_3234, %exp3A_3212 : vector<16xf32>
        %add3A_3236 = arith.constant 0.333160102 : f32
        %add3A_3237 = vector.broadcast %add3A_3236 : f32 to vector<16xf32>
        %add3A_3238 = arith.addf %mul3A_3235, %add3A_3237 : vector<16xf32>
        %mul3A_3239 = arith.mulf %add3A_3238, %exp3A_3212 : vector<16xf32>
        %add3A_3240 = arith.constant -0.499992549 : f32
        %add3A_3241 = vector.broadcast %add3A_3240 : f32 to vector<16xf32>
        %add3A_3242 = arith.addf %mul3A_3239, %add3A_3241 : vector<16xf32>
        %mul3A_3243 = arith.mulf %add3A_3242, %exp3A_3212 : vector<16xf32>
        %add3A_3244 = arith.constant 0.99999994 : f32
        %add3A_3245 = vector.broadcast %add3A_3244 : f32 to vector<16xf32>
        %add3A_3246 = arith.addf %mul3A_3243, %add3A_3245 : vector<16xf32>
        %max3A_3247 = arith.constant 0.000000e+00 : f32
        %max3A_3248 = vector.broadcast %max3A_3247 : f32 to vector<16xf32>
        %max3A_3249 = arith.maximumf %get3A_3203, %max3A_3248 : vector<16xf32>
        %mul3A_3250 = arith.mulf %exp3A_3212, %add3A_3246 : vector<16xf32>
        %add3A_3251 = arith.addf %max3A_3249, %mul3A_3250 : vector<16xf32>
        %mul3A_3252 = arith.mulf %get3A_3207, %get3A_3203 : vector<16xf32>
        %sub3A_3253 = arith.subf %add3A_3251, %mul3A_3252 : vector<16xf32>
        %add3A_3254 = arith.addf %add3A_2774, %sub3A_3253 : vector<16xf32>
        %gt3A_3255 = arith.constant 5.000000e-01 : f32
        %gt3A_3256 = vector.broadcast %gt3A_3255 : f32 to vector<16xf32>
        %gt3A_3257 = arith.cmpf ogt, %get3A_3207, %gt3A_3256 : vector<16xf32>
        %all_reduce_population_count3A_3258 = tpu.all_reduce %gt3A_3257 {dim = 0 : i64, kind = #tpu.reduction_kind<sum>} : vector<16xi1> -> vector<16xi32>
        %add3A_3259 = arith.addi %add3A_3019, %all_reduce_population_count3A_3258 : vector<16xi32>
        %get3A_3260 = arith.index_cast %rem3A_87 : i32 to index
        %get3A_3261 = arith.index_cast %scan3A_129 : i32 to index
        %get3A_3262 = arith.constant 832 : index
        %get3A_3263 = tpu.vector_load %arg7[%get3A_3260, %get3A_3261, %get3A_3262] {strides = array<i32>} : memref<2x16x1000xf32, #tpu.memory_space<vmem>>, vector<16xf32>,
        %get3A_3264 = arith.index_cast %rem3A_87 : i32 to index
        %get3A_3265 = arith.index_cast %scan3A_129 : i32 to index
        %get3A_3266 = arith.constant 832 : index
        %get3A_3267 = tpu.vector_load %arg8[%get3A_3264, %get3A_3265, %get3A_3266] {strides = array<i32>} : memref<2x16x1000xf32, #tpu.memory_space<vmem>>, vector<16xf32>,
        %abs3A_3268 = math.absf %get3A_3263 : vector<16xf32>
        %neg3A_3269 = arith.constant 0.000000e+00 : f32
        %neg3A_3270 = vector.broadcast %neg3A_3269 : f32 to vector<16xf32>
        %neg3A_3271 = arith.subf %neg3A_3270, %abs3A_3268 : vector<16xf32>
        %exp3A_3272 = math.exp %neg3A_3271 : vector<16xf32>
        %mul3A_3273 = arith.constant 0.00518600363 : f32
        %mul3A_3274 = vector.broadcast %mul3A_3273 : f32 to vector<16xf32>
        %mul3A_3275 = arith.mulf %mul3A_3274, %exp3A_3272 : vector<16xf32>
        %add3A_3276 = arith.constant -0.0292102676 : f32
        %add3A_3277 = vector.broadcast %add3A_3276 : f32 to vector<16xf32>
        %add3A_3278 = arith.addf %mul3A_3275, %add3A_3277 : vector<16xf32>
        %mul3A_3279 = arith.mulf %add3A_3278, %exp3A_3272 : vector<16xf32>
        %add3A_3280 = arith.constant 0.0775403827 : f32
        %add3A_3281 = vector.broadcast %add3A_3280 : f32 to vector<16xf32>
        %add3A_3282 = arith.addf %mul3A_3279, %add3A_3281 : vector<16xf32>
        %mul3A_3283 = arith.mulf %add3A_3282, %exp3A_3272 : vector<16xf32>
        %add3A_3284 = arith.constant -0.135839418 : f32
        %add3A_3285 = vector.broadcast %add3A_3284 : f32 to vector<16xf32>
        %add3A_3286 = arith.addf %mul3A_3283, %add3A_3285 : vector<16xf32>
        %mul3A_3287 = arith.mulf %add3A_3286, %exp3A_3272 : vector<16xf32>
        %add3A_3288 = arith.constant 0.190559551 : f32
        %add3A_3289 = vector.broadcast %add3A_3288 : f32 to vector<16xf32>
        %add3A_3290 = arith.addf %mul3A_3287, %add3A_3289 : vector<16xf32>
        %mul3A_3291 = arith.mulf %add3A_3290, %exp3A_3272 : vector<16xf32>
        %add3A_3292 = arith.constant -0.24825649 : f32
        %add3A_3293 = vector.broadcast %add3A_3292 : f32 to vector<16xf32>
        %add3A_3294 = arith.addf %mul3A_3291, %add3A_3293 : vector<16xf32>
        %mul3A_3295 = arith.mulf %add3A_3294, %exp3A_3272 : vector<16xf32>
        %add3A_3296 = arith.constant 0.333160102 : f32
        %add3A_3297 = vector.broadcast %add3A_3296 : f32 to vector<16xf32>
        %add3A_3298 = arith.addf %mul3A_3295, %add3A_3297 : vector<16xf32>
        %mul3A_3299 = arith.mulf %add3A_3298, %exp3A_3272 : vector<16xf32>
        %add3A_3300 = arith.constant -0.499992549 : f32
        %add3A_3301 = vector.broadcast %add3A_3300 : f32 to vector<16xf32>
        %add3A_3302 = arith.addf %mul3A_3299, %add3A_3301 : vector<16xf32>
        %mul3A_3303 = arith.mulf %add3A_3302, %exp3A_3272 : vector<16xf32>
        %add3A_3304 = arith.constant 0.99999994 : f32
        %add3A_3305 = vector.broadcast %add3A_3304 : f32 to vector<16xf32>
        %add3A_3306 = arith.addf %mul3A_3303, %add3A_3305 : vector<16xf32>
        %max3A_3307 = arith.constant 0.000000e+00 : f32
        %max3A_3308 = vector.broadcast %max3A_3307 : f32 to vector<16xf32>
        %max3A_3309 = arith.maximumf %get3A_3263, %max3A_3308 : vector<16xf32>
        %mul3A_3310 = arith.mulf %exp3A_3272, %add3A_3306 : vector<16xf32>
        %add3A_3311 = arith.addf %max3A_3309, %mul3A_3310 : vector<16xf32>
        %mul3A_3312 = arith.mulf %get3A_3267, %get3A_3263 : vector<16xf32>
        %sub3A_3313 = arith.subf %add3A_3311, %mul3A_3312 : vector<16xf32>
        %add3A_3314 = arith.addf %add3A_2834, %sub3A_3313 : vector<16xf32>
        %gt3A_3315 = arith.constant 5.000000e-01 : f32
        %gt3A_3316 = vector.broadcast %gt3A_3315 : f32 to vector<16xf32>
        %gt3A_3317 = arith.cmpf ogt, %get3A_3267, %gt3A_3316 : vector<16xf32>
        %all_reduce_population_count3A_3318 = tpu.all_reduce %gt3A_3317 {dim = 0 : i64, kind = #tpu.reduction_kind<sum>} : vector<16xi1> -> vector<16xi32>
        %add3A_3319 = arith.addi %add3A_3079, %all_reduce_population_count3A_3318 : vector<16xi32>
        %get3A_3320 = arith.index_cast %rem3A_87 : i32 to index
        %get3A_3321 = arith.index_cast %scan3A_129 : i32 to index
        %get3A_3322 = arith.constant 848 : index
        %get3A_3323 = tpu.vector_load %arg7[%get3A_3320, %get3A_3321, %get3A_3322] {strides = array<i32>} : memref<2x16x1000xf32, #tpu.memory_space<vmem>>, vector<16xf32>,
        %get3A_3324 = arith.index_cast %rem3A_87 : i32 to index
        %get3A_3325 = arith.index_cast %scan3A_129 : i32 to index
        %get3A_3326 = arith.constant 848 : index
        %get3A_3327 = tpu.vector_load %arg8[%get3A_3324, %get3A_3325, %get3A_3326] {strides = array<i32>} : memref<2x16x1000xf32, #tpu.memory_space<vmem>>, vector<16xf32>,
        %abs3A_3328 = math.absf %get3A_3323 : vector<16xf32>
        %neg3A_3329 = arith.constant 0.000000e+00 : f32
        %neg3A_3330 = vector.broadcast %neg3A_3329 : f32 to vector<16xf32>
        %neg3A_3331 = arith.subf %neg3A_3330, %abs3A_3328 : vector<16xf32>
        %exp3A_3332 = math.exp %neg3A_3331 : vector<16xf32>
        %mul3A_3333 = arith.constant 0.00518600363 : f32
        %mul3A_3334 = vector.broadcast %mul3A_3333 : f32 to vector<16xf32>
        %mul3A_3335 = arith.mulf %mul3A_3334, %exp3A_3332 : vector<16xf32>
        %add3A_3336 = arith.constant -0.0292102676 : f32
        %add3A_3337 = vector.broadcast %add3A_3336 : f32 to vector<16xf32>
        %add3A_3338 = arith.addf %mul3A_3335, %add3A_3337 : vector<16xf32>
        %mul3A_3339 = arith.mulf %add3A_3338, %exp3A_3332 : vector<16xf32>
        %add3A_3340 = arith.constant 0.0775403827 : f32
        %add3A_3341 = vector.broadcast %add3A_3340 : f32 to vector<16xf32>
        %add3A_3342 = arith.addf %mul3A_3339, %add3A_3341 : vector<16xf32>
        %mul3A_3343 = arith.mulf %add3A_3342, %exp3A_3332 : vector<16xf32>
        %add3A_3344 = arith.constant -0.135839418 : f32
        %add3A_3345 = vector.broadcast %add3A_3344 : f32 to vector<16xf32>
        %add3A_3346 = arith.addf %mul3A_3343, %add3A_3345 : vector<16xf32>
        %mul3A_3347 = arith.mulf %add3A_3346, %exp3A_3332 : vector<16xf32>
        %add3A_3348 = arith.constant 0.190559551 : f32
        %add3A_3349 = vector.broadcast %add3A_3348 : f32 to vector<16xf32>
        %add3A_3350 = arith.addf %mul3A_3347, %add3A_3349 : vector<16xf32>
        %mul3A_3351 = arith.mulf %add3A_3350, %exp3A_3332 : vector<16xf32>
        %add3A_3352 = arith.constant -0.24825649 : f32
        %add3A_3353 = vector.broadcast %add3A_3352 : f32 to vector<16xf32>
        %add3A_3354 = arith.addf %mul3A_3351, %add3A_3353 : vector<16xf32>
        %mul3A_3355 = arith.mulf %add3A_3354, %exp3A_3332 : vector<16xf32>
        %add3A_3356 = arith.constant 0.333160102 : f32
        %add3A_3357 = vector.broadcast %add3A_3356 : f32 to vector<16xf32>
        %add3A_3358 = arith.addf %mul3A_3355, %add3A_3357 : vector<16xf32>
        %mul3A_3359 = arith.mulf %add3A_3358, %exp3A_3332 : vector<16xf32>
        %add3A_3360 = arith.constant -0.499992549 : f32
        %add3A_3361 = vector.broadcast %add3A_3360 : f32 to vector<16xf32>
        %add3A_3362 = arith.addf %mul3A_3359, %add3A_3361 : vector<16xf32>
        %mul3A_3363 = arith.mulf %add3A_3362, %exp3A_3332 : vector<16xf32>
        %add3A_3364 = arith.constant 0.99999994 : f32
        %add3A_3365 = vector.broadcast %add3A_3364 : f32 to vector<16xf32>
        %add3A_3366 = arith.addf %mul3A_3363, %add3A_3365 : vector<16xf32>
        %max3A_3367 = arith.constant 0.000000e+00 : f32
        %max3A_3368 = vector.broadcast %max3A_3367 : f32 to vector<16xf32>
        %max3A_3369 = arith.maximumf %get3A_3323, %max3A_3368 : vector<16xf32>
        %mul3A_3370 = arith.mulf %exp3A_3332, %add3A_3366 : vector<16xf32>
        %add3A_3371 = arith.addf %max3A_3369, %mul3A_3370 : vector<16xf32>
        %mul3A_3372 = arith.mulf %get3A_3327, %get3A_3323 : vector<16xf32>
        %sub3A_3373 = arith.subf %add3A_3371, %mul3A_3372 : vector<16xf32>
        %add3A_3374 = arith.addf %add3A_2894, %sub3A_3373 : vector<16xf32>
        %gt3A_3375 = arith.constant 5.000000e-01 : f32
        %gt3A_3376 = vector.broadcast %gt3A_3375 : f32 to vector<16xf32>
        %gt3A_3377 = arith.cmpf ogt, %get3A_3327, %gt3A_3376 : vector<16xf32>
        %all_reduce_population_count3A_3378 = tpu.all_reduce %gt3A_3377 {dim = 0 : i64, kind = #tpu.reduction_kind<sum>} : vector<16xi1> -> vector<16xi32>
        %add3A_3379 = arith.addi %add3A_3139, %all_reduce_population_count3A_3378 : vector<16xi32>
        %get3A_3380 = arith.index_cast %rem3A_87 : i32 to index
        %get3A_3381 = arith.index_cast %scan3A_129 : i32 to index
        %get3A_3382 = arith.constant 864 : index
        %get3A_3383 = tpu.vector_load %arg7[%get3A_3380, %get3A_3381, %get3A_3382] {strides = array<i32>} : memref<2x16x1000xf32, #tpu.memory_space<vmem>>, vector<16xf32>,
        %get3A_3384 = arith.index_cast %rem3A_87 : i32 to index
        %get3A_3385 = arith.index_cast %scan3A_129 : i32 to index
        %get3A_3386 = arith.constant 864 : index
        %get3A_3387 = tpu.vector_load %arg8[%get3A_3384, %get3A_3385, %get3A_3386] {strides = array<i32>} : memref<2x16x1000xf32, #tpu.memory_space<vmem>>, vector<16xf32>,
        %abs3A_3388 = math.absf %get3A_3383 : vector<16xf32>
        %neg3A_3389 = arith.constant 0.000000e+00 : f32
        %neg3A_3390 = vector.broadcast %neg3A_3389 : f32 to vector<16xf32>
        %neg3A_3391 = arith.subf %neg3A_3390, %abs3A_3388 : vector<16xf32>
        %exp3A_3392 = math.exp %neg3A_3391 : vector<16xf32>
        %mul3A_3393 = arith.constant 0.00518600363 : f32
        %mul3A_3394 = vector.broadcast %mul3A_3393 : f32 to vector<16xf32>
        %mul3A_3395 = arith.mulf %mul3A_3394, %exp3A_3392 : vector<16xf32>
        %add3A_3396 = arith.constant -0.0292102676 : f32
        %add3A_3397 = vector.broadcast %add3A_3396 : f32 to vector<16xf32>
        %add3A_3398 = arith.addf %mul3A_3395, %add3A_3397 : vector<16xf32>
        %mul3A_3399 = arith.mulf %add3A_3398, %exp3A_3392 : vector<16xf32>
        %add3A_3400 = arith.constant 0.0775403827 : f32
        %add3A_3401 = vector.broadcast %add3A_3400 : f32 to vector<16xf32>
        %add3A_3402 = arith.addf %mul3A_3399, %add3A_3401 : vector<16xf32>
        %mul3A_3403 = arith.mulf %add3A_3402, %exp3A_3392 : vector<16xf32>
        %add3A_3404 = arith.constant -0.135839418 : f32
        %add3A_3405 = vector.broadcast %add3A_3404 : f32 to vector<16xf32>
        %add3A_3406 = arith.addf %mul3A_3403, %add3A_3405 : vector<16xf32>
        %mul3A_3407 = arith.mulf %add3A_3406, %exp3A_3392 : vector<16xf32>
        %add3A_3408 = arith.constant 0.190559551 : f32
        %add3A_3409 = vector.broadcast %add3A_3408 : f32 to vector<16xf32>
        %add3A_3410 = arith.addf %mul3A_3407, %add3A_3409 : vector<16xf32>
        %mul3A_3411 = arith.mulf %add3A_3410, %exp3A_3392 : vector<16xf32>
        %add3A_3412 = arith.constant -0.24825649 : f32
        %add3A_3413 = vector.broadcast %add3A_3412 : f32 to vector<16xf32>
        %add3A_3414 = arith.addf %mul3A_3411, %add3A_3413 : vector<16xf32>
        %mul3A_3415 = arith.mulf %add3A_3414, %exp3A_3392 : vector<16xf32>
        %add3A_3416 = arith.constant 0.333160102 : f32
        %add3A_3417 = vector.broadcast %add3A_3416 : f32 to vector<16xf32>
        %add3A_3418 = arith.addf %mul3A_3415, %add3A_3417 : vector<16xf32>
        %mul3A_3419 = arith.mulf %add3A_3418, %exp3A_3392 : vector<16xf32>
        %add3A_3420 = arith.constant -0.499992549 : f32
        %add3A_3421 = vector.broadcast %add3A_3420 : f32 to vector<16xf32>
        %add3A_3422 = arith.addf %mul3A_3419, %add3A_3421 : vector<16xf32>
        %mul3A_3423 = arith.mulf %add3A_3422, %exp3A_3392 : vector<16xf32>
        %add3A_3424 = arith.constant 0.99999994 : f32
        %add3A_3425 = vector.broadcast %add3A_3424 : f32 to vector<16xf32>
        %add3A_3426 = arith.addf %mul3A_3423, %add3A_3425 : vector<16xf32>
        %max3A_3427 = arith.constant 0.000000e+00 : f32
        %max3A_3428 = vector.broadcast %max3A_3427 : f32 to vector<16xf32>
        %max3A_3429 = arith.maximumf %get3A_3383, %max3A_3428 : vector<16xf32>
        %mul3A_3430 = arith.mulf %exp3A_3392, %add3A_3426 : vector<16xf32>
        %add3A_3431 = arith.addf %max3A_3429, %mul3A_3430 : vector<16xf32>
        %mul3A_3432 = arith.mulf %get3A_3387, %get3A_3383 : vector<16xf32>
        %sub3A_3433 = arith.subf %add3A_3431, %mul3A_3432 : vector<16xf32>
        %add3A_3434 = arith.addf %add3A_2954, %sub3A_3433 : vector<16xf32>
        %gt3A_3435 = arith.constant 5.000000e-01 : f32
        %gt3A_3436 = vector.broadcast %gt3A_3435 : f32 to vector<16xf32>
        %gt3A_3437 = arith.cmpf ogt, %get3A_3387, %gt3A_3436 : vector<16xf32>
        %all_reduce_population_count3A_3438 = tpu.all_reduce %gt3A_3437 {dim = 0 : i64, kind = #tpu.reduction_kind<sum>} : vector<16xi1> -> vector<16xi32>
        %add3A_3439 = arith.addi %add3A_3199, %all_reduce_population_count3A_3438 : vector<16xi32>
        %get3A_3440 = arith.index_cast %rem3A_87 : i32 to index
        %get3A_3441 = arith.index_cast %scan3A_129 : i32 to index
        %get3A_3442 = arith.constant 880 : index
        %get3A_3443 = tpu.vector_load %arg7[%get3A_3440, %get3A_3441, %get3A_3442] {strides = array<i32>} : memref<2x16x1000xf32, #tpu.memory_space<vmem>>, vector<16xf32>,
        %get3A_3444 = arith.index_cast %rem3A_87 : i32 to index
        %get3A_3445 = arith.index_cast %scan3A_129 : i32 to index
        %get3A_3446 = arith.constant 880 : index
        %get3A_3447 = tpu.vector_load %arg8[%get3A_3444, %get3A_3445, %get3A_3446] {strides = array<i32>} : memref<2x16x1000xf32, #tpu.memory_space<vmem>>, vector<16xf32>,
        %abs3A_3448 = math.absf %get3A_3443 : vector<16xf32>
        %neg3A_3449 = arith.constant 0.000000e+00 : f32
        %neg3A_3450 = vector.broadcast %neg3A_3449 : f32 to vector<16xf32>
        %neg3A_3451 = arith.subf %neg3A_3450, %abs3A_3448 : vector<16xf32>
        %exp3A_3452 = math.exp %neg3A_3451 : vector<16xf32>
        %mul3A_3453 = arith.constant 0.00518600363 : f32
        %mul3A_3454 = vector.broadcast %mul3A_3453 : f32 to vector<16xf32>
        %mul3A_3455 = arith.mulf %mul3A_3454, %exp3A_3452 : vector<16xf32>
        %add3A_3456 = arith.constant -0.0292102676 : f32
        %add3A_3457 = vector.broadcast %add3A_3456 : f32 to vector<16xf32>
        %add3A_3458 = arith.addf %mul3A_3455, %add3A_3457 : vector<16xf32>
        %mul3A_3459 = arith.mulf %add3A_3458, %exp3A_3452 : vector<16xf32>
        %add3A_3460 = arith.constant 0.0775403827 : f32
        %add3A_3461 = vector.broadcast %add3A_3460 : f32 to vector<16xf32>
        %add3A_3462 = arith.addf %mul3A_3459, %add3A_3461 : vector<16xf32>
        %mul3A_3463 = arith.mulf %add3A_3462, %exp3A_3452 : vector<16xf32>
        %add3A_3464 = arith.constant -0.135839418 : f32
        %add3A_3465 = vector.broadcast %add3A_3464 : f32 to vector<16xf32>
        %add3A_3466 = arith.addf %mul3A_3463, %add3A_3465 : vector<16xf32>
        %mul3A_3467 = arith.mulf %add3A_3466, %exp3A_3452 : vector<16xf32>
        %add3A_3468 = arith.constant 0.190559551 : f32
        %add3A_3469 = vector.broadcast %add3A_3468 : f32 to vector<16xf32>
        %add3A_3470 = arith.addf %mul3A_3467, %add3A_3469 : vector<16xf32>
        %mul3A_3471 = arith.mulf %add3A_3470, %exp3A_3452 : vector<16xf32>
        %add3A_3472 = arith.constant -0.24825649 : f32
        %add3A_3473 = vector.broadcast %add3A_3472 : f32 to vector<16xf32>
        %add3A_3474 = arith.addf %mul3A_3471, %add3A_3473 : vector<16xf32>
        %mul3A_3475 = arith.mulf %add3A_3474, %exp3A_3452 : vector<16xf32>
        %add3A_3476 = arith.constant 0.333160102 : f32
        %add3A_3477 = vector.broadcast %add3A_3476 : f32 to vector<16xf32>
        %add3A_3478 = arith.addf %mul3A_3475, %add3A_3477 : vector<16xf32>
        %mul3A_3479 = arith.mulf %add3A_3478, %exp3A_3452 : vector<16xf32>
        %add3A_3480 = arith.constant -0.499992549 : f32
        %add3A_3481 = vector.broadcast %add3A_3480 : f32 to vector<16xf32>
        %add3A_3482 = arith.addf %mul3A_3479, %add3A_3481 : vector<16xf32>
        %mul3A_3483 = arith.mulf %add3A_3482, %exp3A_3452 : vector<16xf32>
        %add3A_3484 = arith.constant 0.99999994 : f32
        %add3A_3485 = vector.broadcast %add3A_3484 : f32 to vector<16xf32>
        %add3A_3486 = arith.addf %mul3A_3483, %add3A_3485 : vector<16xf32>
        %max3A_3487 = arith.constant 0.000000e+00 : f32
        %max3A_3488 = vector.broadcast %max3A_3487 : f32 to vector<16xf32>
        %max3A_3489 = arith.maximumf %get3A_3443, %max3A_3488 : vector<16xf32>
        %mul3A_3490 = arith.mulf %exp3A_3452, %add3A_3486 : vector<16xf32>
        %add3A_3491 = arith.addf %max3A_3489, %mul3A_3490 : vector<16xf32>
        %mul3A_3492 = arith.mulf %get3A_3447, %get3A_3443 : vector<16xf32>
        %sub3A_3493 = arith.subf %add3A_3491, %mul3A_3492 : vector<16xf32>
        %add3A_3494 = arith.addf %add3A_3014, %sub3A_3493 : vector<16xf32>
        %gt3A_3495 = arith.constant 5.000000e-01 : f32
        %gt3A_3496 = vector.broadcast %gt3A_3495 : f32 to vector<16xf32>
        %gt3A_3497 = arith.cmpf ogt, %get3A_3447, %gt3A_3496 : vector<16xf32>
        %all_reduce_population_count3A_3498 = tpu.all_reduce %gt3A_3497 {dim = 0 : i64, kind = #tpu.reduction_kind<sum>} : vector<16xi1> -> vector<16xi32>
        %add3A_3499 = arith.addi %add3A_3259, %all_reduce_population_count3A_3498 : vector<16xi32>
        %get3A_3500 = arith.index_cast %rem3A_87 : i32 to index
        %get3A_3501 = arith.index_cast %scan3A_129 : i32 to index
        %get3A_3502 = arith.constant 896 : index
        %get3A_3503 = tpu.vector_load %arg7[%get3A_3500, %get3A_3501, %get3A_3502] {strides = array<i32>} : memref<2x16x1000xf32, #tpu.memory_space<vmem>>, vector<16xf32>,
        %get3A_3504 = arith.index_cast %rem3A_87 : i32 to index
        %get3A_3505 = arith.index_cast %scan3A_129 : i32 to index
        %get3A_3506 = arith.constant 896 : index
        %get3A_3507 = tpu.vector_load %arg8[%get3A_3504, %get3A_3505, %get3A_3506] {strides = array<i32>} : memref<2x16x1000xf32, #tpu.memory_space<vmem>>, vector<16xf32>,
        %abs3A_3508 = math.absf %get3A_3503 : vector<16xf32>
        %neg3A_3509 = arith.constant 0.000000e+00 : f32
        %neg3A_3510 = vector.broadcast %neg3A_3509 : f32 to vector<16xf32>
        %neg3A_3511 = arith.subf %neg3A_3510, %abs3A_3508 : vector<16xf32>
        %exp3A_3512 = math.exp %neg3A_3511 : vector<16xf32>
        %mul3A_3513 = arith.constant 0.00518600363 : f32
        %mul3A_3514 = vector.broadcast %mul3A_3513 : f32 to vector<16xf32>
        %mul3A_3515 = arith.mulf %mul3A_3514, %exp3A_3512 : vector<16xf32>
        %add3A_3516 = arith.constant -0.0292102676 : f32
        %add3A_3517 = vector.broadcast %add3A_3516 : f32 to vector<16xf32>
        %add3A_3518 = arith.addf %mul3A_3515, %add3A_3517 : vector<16xf32>
        %mul3A_3519 = arith.mulf %add3A_3518, %exp3A_3512 : vector<16xf32>
        %add3A_3520 = arith.constant 0.0775403827 : f32
        %add3A_3521 = vector.broadcast %add3A_3520 : f32 to vector<16xf32>
        %add3A_3522 = arith.addf %mul3A_3519, %add3A_3521 : vector<16xf32>
        %mul3A_3523 = arith.mulf %add3A_3522, %exp3A_3512 : vector<16xf32>
        %add3A_3524 = arith.constant -0.135839418 : f32
        %add3A_3525 = vector.broadcast %add3A_3524 : f32 to vector<16xf32>
        %add3A_3526 = arith.addf %mul3A_3523, %add3A_3525 : vector<16xf32>
        %mul3A_3527 = arith.mulf %add3A_3526, %exp3A_3512 : vector<16xf32>
        %add3A_3528 = arith.constant 0.190559551 : f32
        %add3A_3529 = vector.broadcast %add3A_3528 : f32 to vector<16xf32>
        %add3A_3530 = arith.addf %mul3A_3527, %add3A_3529 : vector<16xf32>
        %mul3A_3531 = arith.mulf %add3A_3530, %exp3A_3512 : vector<16xf32>
        %add3A_3532 = arith.constant -0.24825649 : f32
        %add3A_3533 = vector.broadcast %add3A_3532 : f32 to vector<16xf32>
        %add3A_3534 = arith.addf %mul3A_3531, %add3A_3533 : vector<16xf32>
        %mul3A_3535 = arith.mulf %add3A_3534, %exp3A_3512 : vector<16xf32>
        %add3A_3536 = arith.constant 0.333160102 : f32
        %add3A_3537 = vector.broadcast %add3A_3536 : f32 to vector<16xf32>
        %add3A_3538 = arith.addf %mul3A_3535, %add3A_3537 : vector<16xf32>
        %mul3A_3539 = arith.mulf %add3A_3538, %exp3A_3512 : vector<16xf32>
        %add3A_3540 = arith.constant -0.499992549 : f32
        %add3A_3541 = vector.broadcast %add3A_3540 : f32 to vector<16xf32>
        %add3A_3542 = arith.addf %mul3A_3539, %add3A_3541 : vector<16xf32>
        %mul3A_3543 = arith.mulf %add3A_3542, %exp3A_3512 : vector<16xf32>
        %add3A_3544 = arith.constant 0.99999994 : f32
        %add3A_3545 = vector.broadcast %add3A_3544 : f32 to vector<16xf32>
        %add3A_3546 = arith.addf %mul3A_3543, %add3A_3545 : vector<16xf32>
        %max3A_3547 = arith.constant 0.000000e+00 : f32
        %max3A_3548 = vector.broadcast %max3A_3547 : f32 to vector<16xf32>
        %max3A_3549 = arith.maximumf %get3A_3503, %max3A_3548 : vector<16xf32>
        %mul3A_3550 = arith.mulf %exp3A_3512, %add3A_3546 : vector<16xf32>
        %add3A_3551 = arith.addf %max3A_3549, %mul3A_3550 : vector<16xf32>
        %mul3A_3552 = arith.mulf %get3A_3507, %get3A_3503 : vector<16xf32>
        %sub3A_3553 = arith.subf %add3A_3551, %mul3A_3552 : vector<16xf32>
        %add3A_3554 = arith.addf %add3A_3074, %sub3A_3553 : vector<16xf32>
        %gt3A_3555 = arith.constant 5.000000e-01 : f32
        %gt3A_3556 = vector.broadcast %gt3A_3555 : f32 to vector<16xf32>
        %gt3A_3557 = arith.cmpf ogt, %get3A_3507, %gt3A_3556 : vector<16xf32>
        %all_reduce_population_count3A_3558 = tpu.all_reduce %gt3A_3557 {dim = 0 : i64, kind = #tpu.reduction_kind<sum>} : vector<16xi1> -> vector<16xi32>
        %add3A_3559 = arith.addi %add3A_3319, %all_reduce_population_count3A_3558 : vector<16xi32>
        %get3A_3560 = arith.index_cast %rem3A_87 : i32 to index
        %get3A_3561 = arith.index_cast %scan3A_129 : i32 to index
        %get3A_3562 = arith.constant 912 : index
        %get3A_3563 = tpu.vector_load %arg7[%get3A_3560, %get3A_3561, %get3A_3562] {strides = array<i32>} : memref<2x16x1000xf32, #tpu.memory_space<vmem>>, vector<16xf32>,
        %get3A_3564 = arith.index_cast %rem3A_87 : i32 to index
        %get3A_3565 = arith.index_cast %scan3A_129 : i32 to index
        %get3A_3566 = arith.constant 912 : index
        %get3A_3567 = tpu.vector_load %arg8[%get3A_3564, %get3A_3565, %get3A_3566] {strides = array<i32>} : memref<2x16x1000xf32, #tpu.memory_space<vmem>>, vector<16xf32>,
        %abs3A_3568 = math.absf %get3A_3563 : vector<16xf32>
        %neg3A_3569 = arith.constant 0.000000e+00 : f32
        %neg3A_3570 = vector.broadcast %neg3A_3569 : f32 to vector<16xf32>
        %neg3A_3571 = arith.subf %neg3A_3570, %abs3A_3568 : vector<16xf32>
        %exp3A_3572 = math.exp %neg3A_3571 : vector<16xf32>
        %mul3A_3573 = arith.constant 0.00518600363 : f32
        %mul3A_3574 = vector.broadcast %mul3A_3573 : f32 to vector<16xf32>
        %mul3A_3575 = arith.mulf %mul3A_3574, %exp3A_3572 : vector<16xf32>
        %add3A_3576 = arith.constant -0.0292102676 : f32
        %add3A_3577 = vector.broadcast %add3A_3576 : f32 to vector<16xf32>
        %add3A_3578 = arith.addf %mul3A_3575, %add3A_3577 : vector<16xf32>
        %mul3A_3579 = arith.mulf %add3A_3578, %exp3A_3572 : vector<16xf32>
        %add3A_3580 = arith.constant 0.0775403827 : f32
        %add3A_3581 = vector.broadcast %add3A_3580 : f32 to vector<16xf32>
        %add3A_3582 = arith.addf %mul3A_3579, %add3A_3581 : vector<16xf32>
        %mul3A_3583 = arith.mulf %add3A_3582, %exp3A_3572 : vector<16xf32>
        %add3A_3584 = arith.constant -0.135839418 : f32
        %add3A_3585 = vector.broadcast %add3A_3584 : f32 to vector<16xf32>
        %add3A_3586 = arith.addf %mul3A_3583, %add3A_3585 : vector<16xf32>
        %mul3A_3587 = arith.mulf %add3A_3586, %exp3A_3572 : vector<16xf32>
        %add3A_3588 = arith.constant 0.190559551 : f32
        %add3A_3589 = vector.broadcast %add3A_3588 : f32 to vector<16xf32>
        %add3A_3590 = arith.addf %mul3A_3587, %add3A_3589 : vector<16xf32>
        %mul3A_3591 = arith.mulf %add3A_3590, %exp3A_3572 : vector<16xf32>
        %add3A_3592 = arith.constant -0.24825649 : f32
        %add3A_3593 = vector.broadcast %add3A_3592 : f32 to vector<16xf32>
        %add3A_3594 = arith.addf %mul3A_3591, %add3A_3593 : vector<16xf32>
        %mul3A_3595 = arith.mulf %add3A_3594, %exp3A_3572 : vector<16xf32>
        %add3A_3596 = arith.constant 0.333160102 : f32
        %add3A_3597 = vector.broadcast %add3A_3596 : f32 to vector<16xf32>
        %add3A_3598 = arith.addf %mul3A_3595, %add3A_3597 : vector<16xf32>
        %mul3A_3599 = arith.mulf %add3A_3598, %exp3A_3572 : vector<16xf32>
        %add3A_3600 = arith.constant -0.499992549 : f32
        %add3A_3601 = vector.broadcast %add3A_3600 : f32 to vector<16xf32>
        %add3A_3602 = arith.addf %mul3A_3599, %add3A_3601 : vector<16xf32>
        %mul3A_3603 = arith.mulf %add3A_3602, %exp3A_3572 : vector<16xf32>
        %add3A_3604 = arith.constant 0.99999994 : f32
        %add3A_3605 = vector.broadcast %add3A_3604 : f32 to vector<16xf32>
        %add3A_3606 = arith.addf %mul3A_3603, %add3A_3605 : vector<16xf32>
        %max3A_3607 = arith.constant 0.000000e+00 : f32
        %max3A_3608 = vector.broadcast %max3A_3607 : f32 to vector<16xf32>
        %max3A_3609 = arith.maximumf %get3A_3563, %max3A_3608 : vector<16xf32>
        %mul3A_3610 = arith.mulf %exp3A_3572, %add3A_3606 : vector<16xf32>
        %add3A_3611 = arith.addf %max3A_3609, %mul3A_3610 : vector<16xf32>
        %mul3A_3612 = arith.mulf %get3A_3567, %get3A_3563 : vector<16xf32>
        %sub3A_3613 = arith.subf %add3A_3611, %mul3A_3612 : vector<16xf32>
        %add3A_3614 = arith.addf %add3A_3134, %sub3A_3613 : vector<16xf32>
        %gt3A_3615 = arith.constant 5.000000e-01 : f32
        %gt3A_3616 = vector.broadcast %gt3A_3615 : f32 to vector<16xf32>
        %gt3A_3617 = arith.cmpf ogt, %get3A_3567, %gt3A_3616 : vector<16xf32>
        %all_reduce_population_count3A_3618 = tpu.all_reduce %gt3A_3617 {dim = 0 : i64, kind = #tpu.reduction_kind<sum>} : vector<16xi1> -> vector<16xi32>
        %add3A_3619 = arith.addi %add3A_3379, %all_reduce_population_count3A_3618 : vector<16xi32>
        %get3A_3620 = arith.index_cast %rem3A_87 : i32 to index
        %get3A_3621 = arith.index_cast %scan3A_129 : i32 to index
        %get3A_3622 = arith.constant 928 : index
        %get3A_3623 = tpu.vector_load %arg7[%get3A_3620, %get3A_3621, %get3A_3622] {strides = array<i32>} : memref<2x16x1000xf32, #tpu.memory_space<vmem>>, vector<16xf32>,
        %get3A_3624 = arith.index_cast %rem3A_87 : i32 to index
        %get3A_3625 = arith.index_cast %scan3A_129 : i32 to index
        %get3A_3626 = arith.constant 928 : index
        %get3A_3627 = tpu.vector_load %arg8[%get3A_3624, %get3A_3625, %get3A_3626] {strides = array<i32>} : memref<2x16x1000xf32, #tpu.memory_space<vmem>>, vector<16xf32>,
        %abs3A_3628 = math.absf %get3A_3623 : vector<16xf32>
        %neg3A_3629 = arith.constant 0.000000e+00 : f32
        %neg3A_3630 = vector.broadcast %neg3A_3629 : f32 to vector<16xf32>
        %neg3A_3631 = arith.subf %neg3A_3630, %abs3A_3628 : vector<16xf32>
        %exp3A_3632 = math.exp %neg3A_3631 : vector<16xf32>
        %mul3A_3633 = arith.constant 0.00518600363 : f32
        %mul3A_3634 = vector.broadcast %mul3A_3633 : f32 to vector<16xf32>
        %mul3A_3635 = arith.mulf %mul3A_3634, %exp3A_3632 : vector<16xf32>
        %add3A_3636 = arith.constant -0.0292102676 : f32
        %add3A_3637 = vector.broadcast %add3A_3636 : f32 to vector<16xf32>
        %add3A_3638 = arith.addf %mul3A_3635, %add3A_3637 : vector<16xf32>
        %mul3A_3639 = arith.mulf %add3A_3638, %exp3A_3632 : vector<16xf32>
        %add3A_3640 = arith.constant 0.0775403827 : f32
        %add3A_3641 = vector.broadcast %add3A_3640 : f32 to vector<16xf32>
        %add3A_3642 = arith.addf %mul3A_3639, %add3A_3641 : vector<16xf32>
        %mul3A_3643 = arith.mulf %add3A_3642, %exp3A_3632 : vector<16xf32>
        %add3A_3644 = arith.constant -0.135839418 : f32
        %add3A_3645 = vector.broadcast %add3A_3644 : f32 to vector<16xf32>
        %add3A_3646 = arith.addf %mul3A_3643, %add3A_3645 : vector<16xf32>
        %mul3A_3647 = arith.mulf %add3A_3646, %exp3A_3632 : vector<16xf32>
        %add3A_3648 = arith.constant 0.190559551 : f32
        %add3A_3649 = vector.broadcast %add3A_3648 : f32 to vector<16xf32>
        %add3A_3650 = arith.addf %mul3A_3647, %add3A_3649 : vector<16xf32>
        %mul3A_3651 = arith.mulf %add3A_3650, %exp3A_3632 : vector<16xf32>
        %add3A_3652 = arith.constant -0.24825649 : f32
        %add3A_3653 = vector.broadcast %add3A_3652 : f32 to vector<16xf32>
        %add3A_3654 = arith.addf %mul3A_3651, %add3A_3653 : vector<16xf32>
        %mul3A_3655 = arith.mulf %add3A_3654, %exp3A_3632 : vector<16xf32>
        %add3A_3656 = arith.constant 0.333160102 : f32
        %add3A_3657 = vector.broadcast %add3A_3656 : f32 to vector<16xf32>
        %add3A_3658 = arith.addf %mul3A_3655, %add3A_3657 : vector<16xf32>
        %mul3A_3659 = arith.mulf %add3A_3658, %exp3A_3632 : vector<16xf32>
        %add3A_3660 = arith.constant -0.499992549 : f32
        %add3A_3661 = vector.broadcast %add3A_3660 : f32 to vector<16xf32>
        %add3A_3662 = arith.addf %mul3A_3659, %add3A_3661 : vector<16xf32>
        %mul3A_3663 = arith.mulf %add3A_3662, %exp3A_3632 : vector<16xf32>
        %add3A_3664 = arith.constant 0.99999994 : f32
        %add3A_3665 = vector.broadcast %add3A_3664 : f32 to vector<16xf32>
        %add3A_3666 = arith.addf %mul3A_3663, %add3A_3665 : vector<16xf32>
        %max3A_3667 = arith.constant 0.000000e+00 : f32
        %max3A_3668 = vector.broadcast %max3A_3667 : f32 to vector<16xf32>
        %max3A_3669 = arith.maximumf %get3A_3623, %max3A_3668 : vector<16xf32>
        %mul3A_3670 = arith.mulf %exp3A_3632, %add3A_3666 : vector<16xf32>
        %add3A_3671 = arith.addf %max3A_3669, %mul3A_3670 : vector<16xf32>
        %mul3A_3672 = arith.mulf %get3A_3627, %get3A_3623 : vector<16xf32>
        %sub3A_3673 = arith.subf %add3A_3671, %mul3A_3672 : vector<16xf32>
        %add3A_3674 = arith.addf %add3A_3194, %sub3A_3673 : vector<16xf32>
        %gt3A_3675 = arith.constant 5.000000e-01 : f32
        %gt3A_3676 = vector.broadcast %gt3A_3675 : f32 to vector<16xf32>
        %gt3A_3677 = arith.cmpf ogt, %get3A_3627, %gt3A_3676 : vector<16xf32>
        %all_reduce_population_count3A_3678 = tpu.all_reduce %gt3A_3677 {dim = 0 : i64, kind = #tpu.reduction_kind<sum>} : vector<16xi1> -> vector<16xi32>
        %add3A_3679 = arith.addi %add3A_3439, %all_reduce_population_count3A_3678 : vector<16xi32>
        %get3A_3680 = arith.index_cast %rem3A_87 : i32 to index
        %get3A_3681 = arith.index_cast %scan3A_129 : i32 to index
        %get3A_3682 = arith.constant 944 : index
        %get3A_3683 = tpu.vector_load %arg7[%get3A_3680, %get3A_3681, %get3A_3682] {strides = array<i32>} : memref<2x16x1000xf32, #tpu.memory_space<vmem>>, vector<16xf32>,
        %get3A_3684 = arith.index_cast %rem3A_87 : i32 to index
        %get3A_3685 = arith.index_cast %scan3A_129 : i32 to index
        %get3A_3686 = arith.constant 944 : index
        %get3A_3687 = tpu.vector_load %arg8[%get3A_3684, %get3A_3685, %get3A_3686] {strides = array<i32>} : memref<2x16x1000xf32, #tpu.memory_space<vmem>>, vector<16xf32>,
        %abs3A_3688 = math.absf %get3A_3683 : vector<16xf32>
        %neg3A_3689 = arith.constant 0.000000e+00 : f32
        %neg3A_3690 = vector.broadcast %neg3A_3689 : f32 to vector<16xf32>
        %neg3A_3691 = arith.subf %neg3A_3690, %abs3A_3688 : vector<16xf32>
        %exp3A_3692 = math.exp %neg3A_3691 : vector<16xf32>
        %mul3A_3693 = arith.constant 0.00518600363 : f32
        %mul3A_3694 = vector.broadcast %mul3A_3693 : f32 to vector<16xf32>
        %mul3A_3695 = arith.mulf %mul3A_3694, %exp3A_3692 : vector<16xf32>
        %add3A_3696 = arith.constant -0.0292102676 : f32
        %add3A_3697 = vector.broadcast %add3A_3696 : f32 to vector<16xf32>
        %add3A_3698 = arith.addf %mul3A_3695, %add3A_3697 : vector<16xf32>
        %mul3A_3699 = arith.mulf %add3A_3698, %exp3A_3692 : vector<16xf32>
        %add3A_3700 = arith.constant 0.0775403827 : f32
        %add3A_3701 = vector.broadcast %add3A_3700 : f32 to vector<16xf32>
        %add3A_3702 = arith.addf %mul3A_3699, %add3A_3701 : vector<16xf32>
        %mul3A_3703 = arith.mulf %add3A_3702, %exp3A_3692 : vector<16xf32>
        %add3A_3704 = arith.constant -0.135839418 : f32
        %add3A_3705 = vector.broadcast %add3A_3704 : f32 to vector<16xf32>
        %add3A_3706 = arith.addf %mul3A_3703, %add3A_3705 : vector<16xf32>
        %mul3A_3707 = arith.mulf %add3A_3706, %exp3A_3692 : vector<16xf32>
        %add3A_3708 = arith.constant 0.190559551 : f32
        %add3A_3709 = vector.broadcast %add3A_3708 : f32 to vector<16xf32>
        %add3A_3710 = arith.addf %mul3A_3707, %add3A_3709 : vector<16xf32>
        %mul3A_3711 = arith.mulf %add3A_3710, %exp3A_3692 : vector<16xf32>
        %add3A_3712 = arith.constant -0.24825649 : f32
        %add3A_3713 = vector.broadcast %add3A_3712 : f32 to vector<16xf32>
        %add3A_3714 = arith.addf %mul3A_3711, %add3A_3713 : vector<16xf32>
        %mul3A_3715 = arith.mulf %add3A_3714, %exp3A_3692 : vector<16xf32>
        %add3A_3716 = arith.constant 0.333160102 : f32
        %add3A_3717 = vector.broadcast %add3A_3716 : f32 to vector<16xf32>
        %add3A_3718 = arith.addf %mul3A_3715, %add3A_3717 : vector<16xf32>
        %mul3A_3719 = arith.mulf %add3A_3718, %exp3A_3692 : vector<16xf32>
        %add3A_3720 = arith.constant -0.499992549 : f32
        %add3A_3721 = vector.broadcast %add3A_3720 : f32 to vector<16xf32>
        %add3A_3722 = arith.addf %mul3A_3719, %add3A_3721 : vector<16xf32>
        %mul3A_3723 = arith.mulf %add3A_3722, %exp3A_3692 : vector<16xf32>
        %add3A_3724 = arith.constant 0.99999994 : f32
        %add3A_3725 = vector.broadcast %add3A_3724 : f32 to vector<16xf32>
        %add3A_3726 = arith.addf %mul3A_3723, %add3A_3725 : vector<16xf32>
        %max3A_3727 = arith.constant 0.000000e+00 : f32
        %max3A_3728 = vector.broadcast %max3A_3727 : f32 to vector<16xf32>
        %max3A_3729 = arith.maximumf %get3A_3683, %max3A_3728 : vector<16xf32>
        %mul3A_3730 = arith.mulf %exp3A_3692, %add3A_3726 : vector<16xf32>
        %add3A_3731 = arith.addf %max3A_3729, %mul3A_3730 : vector<16xf32>
        %mul3A_3732 = arith.mulf %get3A_3687, %get3A_3683 : vector<16xf32>
        %sub3A_3733 = arith.subf %add3A_3731, %mul3A_3732 : vector<16xf32>
        %add3A_3734 = arith.addf %add3A_3254, %sub3A_3733 : vector<16xf32>
        %gt3A_3735 = arith.constant 5.000000e-01 : f32
        %gt3A_3736 = vector.broadcast %gt3A_3735 : f32 to vector<16xf32>
        %gt3A_3737 = arith.cmpf ogt, %get3A_3687, %gt3A_3736 : vector<16xf32>
        %all_reduce_population_count3A_3738 = tpu.all_reduce %gt3A_3737 {dim = 0 : i64, kind = #tpu.reduction_kind<sum>} : vector<16xi1> -> vector<16xi32>
        %add3A_3739 = arith.addi %add3A_3499, %all_reduce_population_count3A_3738 : vector<16xi32>
        %get3A_3740 = arith.index_cast %rem3A_87 : i32 to index
        %get3A_3741 = arith.index_cast %scan3A_129 : i32 to index
        %get3A_3742 = arith.constant 960 : index
        %get3A_3743 = tpu.vector_load %arg7[%get3A_3740, %get3A_3741, %get3A_3742] {strides = array<i32>} : memref<2x16x1000xf32, #tpu.memory_space<vmem>>, vector<16xf32>,
        %get3A_3744 = arith.index_cast %rem3A_87 : i32 to index
        %get3A_3745 = arith.index_cast %scan3A_129 : i32 to index
        %get3A_3746 = arith.constant 960 : index
        %get3A_3747 = tpu.vector_load %arg8[%get3A_3744, %get3A_3745, %get3A_3746] {strides = array<i32>} : memref<2x16x1000xf32, #tpu.memory_space<vmem>>, vector<16xf32>,
        %abs3A_3748 = math.absf %get3A_3743 : vector<16xf32>
        %neg3A_3749 = arith.constant 0.000000e+00 : f32
        %neg3A_3750 = vector.broadcast %neg3A_3749 : f32 to vector<16xf32>
        %neg3A_3751 = arith.subf %neg3A_3750, %abs3A_3748 : vector<16xf32>
        %exp3A_3752 = math.exp %neg3A_3751 : vector<16xf32>
        %mul3A_3753 = arith.constant 0.00518600363 : f32
        %mul3A_3754 = vector.broadcast %mul3A_3753 : f32 to vector<16xf32>
        %mul3A_3755 = arith.mulf %mul3A_3754, %exp3A_3752 : vector<16xf32>
        %add3A_3756 = arith.constant -0.0292102676 : f32
        %add3A_3757 = vector.broadcast %add3A_3756 : f32 to vector<16xf32>
        %add3A_3758 = arith.addf %mul3A_3755, %add3A_3757 : vector<16xf32>
        %mul3A_3759 = arith.mulf %add3A_3758, %exp3A_3752 : vector<16xf32>
        %add3A_3760 = arith.constant 0.0775403827 : f32
        %add3A_3761 = vector.broadcast %add3A_3760 : f32 to vector<16xf32>
        %add3A_3762 = arith.addf %mul3A_3759, %add3A_3761 : vector<16xf32>
        %mul3A_3763 = arith.mulf %add3A_3762, %exp3A_3752 : vector<16xf32>
        %add3A_3764 = arith.constant -0.135839418 : f32
        %add3A_3765 = vector.broadcast %add3A_3764 : f32 to vector<16xf32>
        %add3A_3766 = arith.addf %mul3A_3763, %add3A_3765 : vector<16xf32>
        %mul3A_3767 = arith.mulf %add3A_3766, %exp3A_3752 : vector<16xf32>
        %add3A_3768 = arith.constant 0.190559551 : f32
        %add3A_3769 = vector.broadcast %add3A_3768 : f32 to vector<16xf32>
        %add3A_3770 = arith.addf %mul3A_3767, %add3A_3769 : vector<16xf32>
        %mul3A_3771 = arith.mulf %add3A_3770, %exp3A_3752 : vector<16xf32>
        %add3A_3772 = arith.constant -0.24825649 : f32
        %add3A_3773 = vector.broadcast %add3A_3772 : f32 to vector<16xf32>
        %add3A_3774 = arith.addf %mul3A_3771, %add3A_3773 : vector<16xf32>
        %mul3A_3775 = arith.mulf %add3A_3774, %exp3A_3752 : vector<16xf32>
        %add3A_3776 = arith.constant 0.333160102 : f32
        %add3A_3777 = vector.broadcast %add3A_3776 : f32 to vector<16xf32>
        %add3A_3778 = arith.addf %mul3A_3775, %add3A_3777 : vector<16xf32>
        %mul3A_3779 = arith.mulf %add3A_3778, %exp3A_3752 : vector<16xf32>
        %add3A_3780 = arith.constant -0.499992549 : f32
        %add3A_3781 = vector.broadcast %add3A_3780 : f32 to vector<16xf32>
        %add3A_3782 = arith.addf %mul3A_3779, %add3A_3781 : vector<16xf32>
        %mul3A_3783 = arith.mulf %add3A_3782, %exp3A_3752 : vector<16xf32>
        %add3A_3784 = arith.constant 0.99999994 : f32
        %add3A_3785 = vector.broadcast %add3A_3784 : f32 to vector<16xf32>
        %add3A_3786 = arith.addf %mul3A_3783, %add3A_3785 : vector<16xf32>
        %max3A_3787 = arith.constant 0.000000e+00 : f32
        %max3A_3788 = vector.broadcast %max3A_3787 : f32 to vector<16xf32>
        %max3A_3789 = arith.maximumf %get3A_3743, %max3A_3788 : vector<16xf32>
        %mul3A_3790 = arith.mulf %exp3A_3752, %add3A_3786 : vector<16xf32>
        %add3A_3791 = arith.addf %max3A_3789, %mul3A_3790 : vector<16xf32>
        %mul3A_3792 = arith.mulf %get3A_3747, %get3A_3743 : vector<16xf32>
        %sub3A_3793 = arith.subf %add3A_3791, %mul3A_3792 : vector<16xf32>
        %add3A_3794 = arith.addf %add3A_3314, %sub3A_3793 : vector<16xf32>
        %gt3A_3795 = arith.constant 5.000000e-01 : f32
        %gt3A_3796 = vector.broadcast %gt3A_3795 : f32 to vector<16xf32>
        %gt3A_3797 = arith.cmpf ogt, %get3A_3747, %gt3A_3796 : vector<16xf32>
        %all_reduce_population_count3A_3798 = tpu.all_reduce %gt3A_3797 {dim = 0 : i64, kind = #tpu.reduction_kind<sum>} : vector<16xi1> -> vector<16xi32>
        %add3A_3799 = arith.addi %add3A_3559, %all_reduce_population_count3A_3798 : vector<16xi32>
        %get3A_3800 = arith.index_cast %rem3A_87 : i32 to index
        %get3A_3801 = arith.index_cast %scan3A_129 : i32 to index
        %get3A_3802 = arith.constant 976 : index
        %get3A_3803 = tpu.vector_load %arg7[%get3A_3800, %get3A_3801, %get3A_3802] {strides = array<i32>} : memref<2x16x1000xf32, #tpu.memory_space<vmem>>, vector<16xf32>,
        %get3A_3804 = arith.index_cast %rem3A_87 : i32 to index
        %get3A_3805 = arith.index_cast %scan3A_129 : i32 to index
        %get3A_3806 = arith.constant 976 : index
        %get3A_3807 = tpu.vector_load %arg8[%get3A_3804, %get3A_3805, %get3A_3806] {strides = array<i32>} : memref<2x16x1000xf32, #tpu.memory_space<vmem>>, vector<16xf32>,
        %abs3A_3808 = math.absf %get3A_3803 : vector<16xf32>
        %neg3A_3809 = arith.constant 0.000000e+00 : f32
        %neg3A_3810 = vector.broadcast %neg3A_3809 : f32 to vector<16xf32>
        %neg3A_3811 = arith.subf %neg3A_3810, %abs3A_3808 : vector<16xf32>
        %exp3A_3812 = math.exp %neg3A_3811 : vector<16xf32>
        %mul3A_3813 = arith.constant 0.00518600363 : f32
        %mul3A_3814 = vector.broadcast %mul3A_3813 : f32 to vector<16xf32>
        %mul3A_3815 = arith.mulf %mul3A_3814, %exp3A_3812 : vector<16xf32>
        %add3A_3816 = arith.constant -0.0292102676 : f32
        %add3A_3817 = vector.broadcast %add3A_3816 : f32 to vector<16xf32>
        %add3A_3818 = arith.addf %mul3A_3815, %add3A_3817 : vector<16xf32>
        %mul3A_3819 = arith.mulf %add3A_3818, %exp3A_3812 : vector<16xf32>
        %add3A_3820 = arith.constant 0.0775403827 : f32
        %add3A_3821 = vector.broadcast %add3A_3820 : f32 to vector<16xf32>
        %add3A_3822 = arith.addf %mul3A_3819, %add3A_3821 : vector<16xf32>
        %mul3A_3823 = arith.mulf %add3A_3822, %exp3A_3812 : vector<16xf32>
        %add3A_3824 = arith.constant -0.135839418 : f32
        %add3A_3825 = vector.broadcast %add3A_3824 : f32 to vector<16xf32>
        %add3A_3826 = arith.addf %mul3A_3823, %add3A_3825 : vector<16xf32>
        %mul3A_3827 = arith.mulf %add3A_3826, %exp3A_3812 : vector<16xf32>
        %add3A_3828 = arith.constant 0.190559551 : f32
        %add3A_3829 = vector.broadcast %add3A_3828 : f32 to vector<16xf32>
        %add3A_3830 = arith.addf %mul3A_3827, %add3A_3829 : vector<16xf32>
        %mul3A_3831 = arith.mulf %add3A_3830, %exp3A_3812 : vector<16xf32>
        %add3A_3832 = arith.constant -0.24825649 : f32
        %add3A_3833 = vector.broadcast %add3A_3832 : f32 to vector<16xf32>
        %add3A_3834 = arith.addf %mul3A_3831, %add3A_3833 : vector<16xf32>
        %mul3A_3835 = arith.mulf %add3A_3834, %exp3A_3812 : vector<16xf32>
        %add3A_3836 = arith.constant 0.333160102 : f32
        %add3A_3837 = vector.broadcast %add3A_3836 : f32 to vector<16xf32>
        %add3A_3838 = arith.addf %mul3A_3835, %add3A_3837 : vector<16xf32>
        %mul3A_3839 = arith.mulf %add3A_3838, %exp3A_3812 : vector<16xf32>
        %add3A_3840 = arith.constant -0.499992549 : f32
        %add3A_3841 = vector.broadcast %add3A_3840 : f32 to vector<16xf32>
        %add3A_3842 = arith.addf %mul3A_3839, %add3A_3841 : vector<16xf32>
        %mul3A_3843 = arith.mulf %add3A_3842, %exp3A_3812 : vector<16xf32>
        %add3A_3844 = arith.constant 0.99999994 : f32
        %add3A_3845 = vector.broadcast %add3A_3844 : f32 to vector<16xf32>
        %add3A_3846 = arith.addf %mul3A_3843, %add3A_3845 : vector<16xf32>
        %max3A_3847 = arith.constant 0.000000e+00 : f32
        %max3A_3848 = vector.broadcast %max3A_3847 : f32 to vector<16xf32>
        %max3A_3849 = arith.maximumf %get3A_3803, %max3A_3848 : vector<16xf32>
        %mul3A_3850 = arith.mulf %exp3A_3812, %add3A_3846 : vector<16xf32>
        %add3A_3851 = arith.addf %max3A_3849, %mul3A_3850 : vector<16xf32>
        %mul3A_3852 = arith.mulf %get3A_3807, %get3A_3803 : vector<16xf32>
        %sub3A_3853 = arith.subf %add3A_3851, %mul3A_3852 : vector<16xf32>
        %add3A_3854 = arith.addf %add3A_3374, %sub3A_3853 : vector<16xf32>
        %gt3A_3855 = arith.constant 5.000000e-01 : f32
        %gt3A_3856 = vector.broadcast %gt3A_3855 : f32 to vector<16xf32>
        %gt3A_3857 = arith.cmpf ogt, %get3A_3807, %gt3A_3856 : vector<16xf32>
        %all_reduce_population_count3A_3858 = tpu.all_reduce %gt3A_3857 {dim = 0 : i64, kind = #tpu.reduction_kind<sum>} : vector<16xi1> -> vector<16xi32>
        %add3A_3859 = arith.addi %add3A_3619, %all_reduce_population_count3A_3858 : vector<16xi32>
        %get3A_3860 = arith.index_cast %rem3A_87 : i32 to index
        %get3A_3861 = arith.index_cast %scan3A_129 : i32 to index
        %get3A_3862 = arith.constant 984 : index
        %get3A_3863 = tpu.vector_load %arg7[%get3A_3860, %get3A_3861, %get3A_3862] {strides = array<i32>} : memref<2x16x1000xf32, #tpu.memory_space<vmem>>, vector<16xf32>,
        %get3A_3864 = arith.index_cast %rem3A_87 : i32 to index
        %get3A_3865 = arith.index_cast %scan3A_129 : i32 to index
        %get3A_3866 = arith.constant 984 : index
        %get3A_3867 = tpu.vector_load %arg8[%get3A_3864, %get3A_3865, %get3A_3866] {strides = array<i32>} : memref<2x16x1000xf32, #tpu.memory_space<vmem>>, vector<16xf32>,
        %jit3A = arith.constant -1.000000e+30 : f32
        %broadcast_in_dim3A_3868 = vector.broadcast %jit3A : f32 to vector<16xf32>
        %select_n3A = arith.select %lt3A_6, %broadcast_in_dim3A_3868, %get3A_3863 : vector<16xi1>, vector<16xf32>
        %jit3A_3869 = arith.constant 0.000000e+00 : f32
        %broadcast_in_dim3A_3870 = vector.broadcast %jit3A_3869 : f32 to vector<16xf32>
        %select_n3A_3871 = arith.select %lt3A_6, %broadcast_in_dim3A_3870, %get3A_3867 : vector<16xi1>, vector<16xf32>
        %abs3A_3872 = math.absf %select_n3A : vector<16xf32>
        %neg3A_3873 = arith.constant 0.000000e+00 : f32
        %neg3A_3874 = vector.broadcast %neg3A_3873 : f32 to vector<16xf32>
        %neg3A_3875 = arith.subf %neg3A_3874, %abs3A_3872 : vector<16xf32>
        %exp3A_3876 = math.exp %neg3A_3875 : vector<16xf32>
        %mul3A_3877 = arith.constant 0.00518600363 : f32
        %mul3A_3878 = vector.broadcast %mul3A_3877 : f32 to vector<16xf32>
        %mul3A_3879 = arith.mulf %mul3A_3878, %exp3A_3876 : vector<16xf32>
        %add3A_3880 = arith.constant -0.0292102676 : f32
        %add3A_3881 = vector.broadcast %add3A_3880 : f32 to vector<16xf32>
        %add3A_3882 = arith.addf %mul3A_3879, %add3A_3881 : vector<16xf32>
        %mul3A_3883 = arith.mulf %add3A_3882, %exp3A_3876 : vector<16xf32>
        %add3A_3884 = arith.constant 0.0775403827 : f32
        %add3A_3885 = vector.broadcast %add3A_3884 : f32 to vector<16xf32>
        %add3A_3886 = arith.addf %mul3A_3883, %add3A_3885 : vector<16xf32>
        %mul3A_3887 = arith.mulf %add3A_3886, %exp3A_3876 : vector<16xf32>
        %add3A_3888 = arith.constant -0.135839418 : f32
        %add3A_3889 = vector.broadcast %add3A_3888 : f32 to vector<16xf32>
        %add3A_3890 = arith.addf %mul3A_3887, %add3A_3889 : vector<16xf32>
        %mul3A_3891 = arith.mulf %add3A_3890, %exp3A_3876 : vector<16xf32>
        %add3A_3892 = arith.constant 0.190559551 : f32
        %add3A_3893 = vector.broadcast %add3A_3892 : f32 to vector<16xf32>
        %add3A_3894 = arith.addf %mul3A_3891, %add3A_3893 : vector<16xf32>
        %mul3A_3895 = arith.mulf %add3A_3894, %exp3A_3876 : vector<16xf32>
        %add3A_3896 = arith.constant -0.24825649 : f32
        %add3A_3897 = vector.broadcast %add3A_3896 : f32 to vector<16xf32>
        %add3A_3898 = arith.addf %mul3A_3895, %add3A_3897 : vector<16xf32>
        %mul3A_3899 = arith.mulf %add3A_3898, %exp3A_3876 : vector<16xf32>
        %add3A_3900 = arith.constant 0.333160102 : f32
        %add3A_3901 = vector.broadcast %add3A_3900 : f32 to vector<16xf32>
        %add3A_3902 = arith.addf %mul3A_3899, %add3A_3901 : vector<16xf32>
        %mul3A_3903 = arith.mulf %add3A_3902, %exp3A_3876 : vector<16xf32>
        %add3A_3904 = arith.constant -0.499992549 : f32
        %add3A_3905 = vector.broadcast %add3A_3904 : f32 to vector<16xf32>
        %add3A_3906 = arith.addf %mul3A_3903, %add3A_3905 : vector<16xf32>
        %mul3A_3907 = arith.mulf %add3A_3906, %exp3A_3876 : vector<16xf32>
        %add3A_3908 = arith.constant 0.99999994 : f32
        %add3A_3909 = vector.broadcast %add3A_3908 : f32 to vector<16xf32>
        %add3A_3910 = arith.addf %mul3A_3907, %add3A_3909 : vector<16xf32>
        %max3A_3911 = arith.constant 0.000000e+00 : f32
        %max3A_3912 = vector.broadcast %max3A_3911 : f32 to vector<16xf32>
        %max3A_3913 = arith.maximumf %select_n3A, %max3A_3912 : vector<16xf32>
        %mul3A_3914 = arith.mulf %exp3A_3876, %add3A_3910 : vector<16xf32>
        %add3A_3915 = arith.addf %max3A_3913, %mul3A_3914 : vector<16xf32>
        %mul3A_3916 = arith.mulf %select_n3A_3871, %select_n3A : vector<16xf32>
        %sub3A_3917 = arith.subf %add3A_3915, %mul3A_3916 : vector<16xf32>
        %add3A_3918 = arith.addf %add3A_3434, %sub3A_3917 : vector<16xf32>
        %gt3A_3919 = arith.constant 5.000000e-01 : f32
        %gt3A_3920 = vector.broadcast %gt3A_3919 : f32 to vector<16xf32>
        %gt3A_3921 = arith.cmpf ogt, %select_n3A_3871, %gt3A_3920 : vector<16xf32>
        %all_reduce_population_count3A_3922 = tpu.all_reduce %gt3A_3921 {dim = 0 : i64, kind = #tpu.reduction_kind<sum>} : vector<16xi1> -> vector<16xi32>
        %add3A_3923 = arith.addi %add3A_3679, %all_reduce_population_count3A_3922 : vector<16xi32>
        %add3A_3924 = arith.addi %add3A_3799, %add3A_3859 : vector<16xi32>
        %add3A_3925 = arith.addi %add3A_3923, %add3A_3739 : vector<16xi32>
        %add3A_3926 = arith.addi %add3A_3924, %add3A_3925 : vector<16xi32>
        %convert_element_type3A_3927 = arith.sitofp %add3A_3926 : vector<16xi32> to vector<16xf32>
        %add3A_3928 = arith.addf %scan3A_138, %convert_element_type3A_3927 : vector<16xf32>
        %min3A = arith.minimumf %scan3A_139, %convert_element_type3A_3927 : vector<16xf32>
        scf.yield %add3A_3554, %add3A_3614, %add3A_3674, %add3A_3734, %add3A_3794, %add3A_3854, %add3A_3918, %add3A_3494, %add3A_3928, %min3A : vector<16xf32>, vector<16xf32>, vector<16xf32>, vector<16xf32>, vector<16xf32>, vector<16xf32>, vector<16xf32>, vector<16xf32>, vector<16xf32>, vector<16xf32>
      }
      %scan3A_128 = arith.constant 16 : i32
      scf.yield %scan3A_127#0, %scan3A_127#1, %scan3A_127#2, %scan3A_127#3, %scan3A_127#4, %scan3A_127#5, %scan3A_127#6, %scan3A_127#7, %scan3A_127#8, %scan3A_127#9 : vector<16xf32>, vector<16xf32>, vector<16xf32>, vector<16xf32>, vector<16xf32>, vector<16xf32>, vector<16xf32>, vector<16xf32>, vector<16xf32>, vector<16xf32>
    }
    %scan3A_63 = arith.constant 9 : i32
    %add3A_64 = arith.addf %scan3A_62#0, %scan3A_62#1 : vector<16xf32>
    %add3A_65 = arith.addf %scan3A_62#2, %scan3A_62#3 : vector<16xf32>
    %add3A_66 = arith.addf %add3A_64, %add3A_65 : vector<16xf32>
    %add3A_67 = arith.addf %scan3A_62#4, %scan3A_62#5 : vector<16xf32>
    %add3A_68 = arith.addf %scan3A_62#6, %scan3A_62#7 : vector<16xf32>
    %add3A_69 = arith.addf %add3A_67, %add3A_68 : vector<16xf32>
    %add3A_70 = arith.addf %add3A_66, %add3A_69 : vector<16xf32>
    %swap3A = arith.constant 0 : index
    %swap3A_71 = tpu.vector_load %arg9[%swap3A] {strides = array<i32>} : memref<16xf32, #tpu.memory_space<vmem>>, vector<16xf32>,
    tpu.vector_store %arg9[%swap3A], %add3A_70 {strides = array<i32>} : memref<16xf32, #tpu.memory_space<vmem>>, vector<16xf32>,
    "tpu.region"() ({
      %run_scoped3A = tpu.sem_alloc : memref<!tpu.dma_semaphore, #tpu.memory_space<semaphore_mem>>
      %dma_start3A_76 = arith.constant 0 : i32
      %dma_start3A_77 = tpu.memref_slice %arg4[%add3A, %dma_start3A_76] : memref<32x16xf32, #tpu.memory_space<hbm>> -> memref<1x16xf32, #tpu.memory_space<hbm>>
      %dma_start3A_78 = tpu.memref_squeeze %dma_start3A_77 : memref<1x16xf32, #tpu.memory_space<hbm>> -> memref<16xf32, #tpu.memory_space<hbm>>
      %dma_start3A_79 = arith.constant 0 : i32
      %dma_start3A_80 = tpu.memref_slice %arg4[%add3A, %dma_start3A_79] : memref<32x16xf32, #tpu.memory_space<hbm>> -> memref<1x16xf32, #tpu.memory_space<hbm>>
      %dma_start3A_81 = tpu.memref_squeeze %dma_start3A_80 : memref<1x16xf32, #tpu.memory_space<hbm>> -> memref<16xf32, #tpu.memory_space<hbm>>
      tpu.enqueue_dma source(%arg9 : memref<16xf32, #tpu.memory_space<vmem>>) target(%dma_start3A_81 : memref<16xf32, #tpu.memory_space<hbm>>) target_semaphore(%run_scoped3A : memref<!tpu.dma_semaphore, #tpu.memory_space<semaphore_mem>>)
      %dma_wait3A = arith.constant 0 : i32
      %dma_wait3A_82 = tpu.memref_slice %arg4[%add3A, %dma_wait3A] : memref<32x16xf32, #tpu.memory_space<hbm>> -> memref<1x16xf32, #tpu.memory_space<hbm>>
      %dma_wait3A_83 = tpu.memref_squeeze %dma_wait3A_82 : memref<1x16xf32, #tpu.memory_space<hbm>> -> memref<16xf32, #tpu.memory_space<hbm>>
      %dma_wait3A_84 = arith.constant 0 : i32
      %dma_wait3A_85 = tpu.memref_slice %arg4[%add3A, %dma_wait3A_84] : memref<32x16xf32, #tpu.memory_space<hbm>> -> memref<1x16xf32, #tpu.memory_space<hbm>>
      %dma_wait3A_86 = tpu.memref_squeeze %dma_wait3A_85 : memref<1x16xf32, #tpu.memory_space<hbm>> -> memref<16xf32, #tpu.memory_space<hbm>>
      tpu.wait_dma2 semaphore(%run_scoped3A : memref<!tpu.dma_semaphore, #tpu.memory_space<semaphore_mem>>) src(%arg9 : memref<16xf32, #tpu.memory_space<vmem>>) dst(%dma_wait3A_86 : memref<16xf32, #tpu.memory_space<hbm>>)
      tpu.yield
    }) : () -> ()
    %swap3A_72 = arith.constant 0 : index
    %swap3A_73 = tpu.vector_load %arg9[%swap3A_72] {strides = array<i32>} : memref<16xf32, #tpu.memory_space<vmem>>, vector<16xf32>,
    tpu.vector_store %arg9[%swap3A_72], %scan3A_62#8 {strides = array<i32>} : memref<16xf32, #tpu.memory_space<vmem>>, vector<16xf32>,
    "tpu.region"() ({
      %run_scoped3A = tpu.sem_alloc : memref<!tpu.dma_semaphore, #tpu.memory_space<semaphore_mem>>
      %dma_start3A_76 = arith.constant 0 : i32
      %dma_start3A_77 = tpu.memref_slice %arg5[%add3A, %dma_start3A_76] : memref<32x16xf32, #tpu.memory_space<hbm>> -> memref<1x16xf32, #tpu.memory_space<hbm>>
      %dma_start3A_78 = tpu.memref_squeeze %dma_start3A_77 : memref<1x16xf32, #tpu.memory_space<hbm>> -> memref<16xf32, #tpu.memory_space<hbm>>
      %dma_start3A_79 = arith.constant 0 : i32
      %dma_start3A_80 = tpu.memref_slice %arg5[%add3A, %dma_start3A_79] : memref<32x16xf32, #tpu.memory_space<hbm>> -> memref<1x16xf32, #tpu.memory_space<hbm>>
      %dma_start3A_81 = tpu.memref_squeeze %dma_start3A_80 : memref<1x16xf32, #tpu.memory_space<hbm>> -> memref<16xf32, #tpu.memory_space<hbm>>
      tpu.enqueue_dma source(%arg9 : memref<16xf32, #tpu.memory_space<vmem>>) target(%dma_start3A_81 : memref<16xf32, #tpu.memory_space<hbm>>) target_semaphore(%run_scoped3A : memref<!tpu.dma_semaphore, #tpu.memory_space<semaphore_mem>>)
      %dma_wait3A = arith.constant 0 : i32
      %dma_wait3A_82 = tpu.memref_slice %arg5[%add3A, %dma_wait3A] : memref<32x16xf32, #tpu.memory_space<hbm>> -> memref<1x16xf32, #tpu.memory_space<hbm>>
      %dma_wait3A_83 = tpu.memref_squeeze %dma_wait3A_82 : memref<1x16xf32, #tpu.memory_space<hbm>> -> memref<16xf32, #tpu.memory_space<hbm>>
      %dma_wait3A_84 = arith.constant 0 : i32
      %dma_wait3A_85 = tpu.memref_slice %arg5[%add3A, %dma_wait3A_84] : memref<32x16xf32, #tpu.memory_space<hbm>> -> memref<1x16xf32, #tpu.memory_space<hbm>>
      %dma_wait3A_86 = tpu.memref_squeeze %dma_wait3A_85 : memref<1x16xf32, #tpu.memory_space<hbm>> -> memref<16xf32, #tpu.memory_space<hbm>>
      tpu.wait_dma2 semaphore(%run_scoped3A : memref<!tpu.dma_semaphore, #tpu.memory_space<semaphore_mem>>) src(%arg9 : memref<16xf32, #tpu.memory_space<vmem>>) dst(%dma_wait3A_86 : memref<16xf32, #tpu.memory_space<hbm>>)
      tpu.yield
    }) : () -> ()
    %swap3A_74 = arith.constant 0 : index
    %swap3A_75 = tpu.vector_load %arg9[%swap3A_74] {strides = array<i32>} : memref<16xf32, #tpu.memory_space<vmem>>, vector<16xf32>,
    tpu.vector_store %arg9[%swap3A_74], %scan3A_62#9 {strides = array<i32>} : memref<16xf32, #tpu.memory_space<vmem>>, vector<16xf32>,
    "tpu.region"() ({
      %run_scoped3A = tpu.sem_alloc : memref<!tpu.dma_semaphore, #tpu.memory_space<semaphore_mem>>
      %dma_start3A_76 = arith.constant 0 : i32
      %dma_start3A_77 = tpu.memref_slice %arg6[%add3A, %dma_start3A_76] : memref<32x16xf32, #tpu.memory_space<hbm>> -> memref<1x16xf32, #tpu.memory_space<hbm>>
      %dma_start3A_78 = tpu.memref_squeeze %dma_start3A_77 : memref<1x16xf32, #tpu.memory_space<hbm>> -> memref<16xf32, #tpu.memory_space<hbm>>
      %dma_start3A_79 = arith.constant 0 : i32
      %dma_start3A_80 = tpu.memref_slice %arg6[%add3A, %dma_start3A_79] : memref<32x16xf32, #tpu.memory_space<hbm>> -> memref<1x16xf32, #tpu.memory_space<hbm>>
      %dma_start3A_81 = tpu.memref_squeeze %dma_start3A_80 : memref<1x16xf32, #tpu.memory_space<hbm>> -> memref<16xf32, #tpu.memory_space<hbm>>
      tpu.enqueue_dma source(%arg9 : memref<16xf32, #tpu.memory_space<vmem>>) target(%dma_start3A_81 : memref<16xf32, #tpu.memory_space<hbm>>) target_semaphore(%run_scoped3A : memref<!tpu.dma_semaphore, #tpu.memory_space<semaphore_mem>>)
      %dma_wait3A = arith.constant 0 : i32
      %dma_wait3A_82 = tpu.memref_slice %arg6[%add3A, %dma_wait3A] : memref<32x16xf32, #tpu.memory_space<hbm>> -> memref<1x16xf32, #tpu.memory_space<hbm>>
      %dma_wait3A_83 = tpu.memref_squeeze %dma_wait3A_82 : memref<1x16xf32, #tpu.memory_space<hbm>> -> memref<16xf32, #tpu.memory_space<hbm>>
      %dma_wait3A_84 = arith.constant 0 : i32
      %dma_wait3A_85 = tpu.memref_slice %arg6[%add3A, %dma_wait3A_84] : memref<32x16xf32, #tpu.memory_space<hbm>> -> memref<1x16xf32, #tpu.memory_space<hbm>>
      %dma_wait3A_86 = tpu.memref_squeeze %dma_wait3A_85 : memref<1x16xf32, #tpu.memory_space<hbm>> -> memref<16xf32, #tpu.memory_space<hbm>>
      tpu.wait_dma2 semaphore(%run_scoped3A : memref<!tpu.dma_semaphore, #tpu.memory_space<semaphore_mem>>) src(%arg9 : memref<16xf32, #tpu.memory_space<vmem>>) dst(%dma_wait3A_86 : memref<16xf32, #tpu.memory_space<hbm>>)
      tpu.yield
    }) : () -> ()
    return
  }
}

module attributes {stable_mosaic.version = 14 : i64} {
  func.func @_block_kernel(%arg0: i32, %arg1: memref<512x1000xf32, #tpu.memory_space<vmem>>, %arg2: memref<512x1000xf32, #tpu.memory_space<vmem>>, %arg3: memref<1x1xf32, #tpu.memory_space<vmem>>, %arg4: memref<1x1xf32, #tpu.memory_space<vmem>>, %arg5: memref<512x1000xf32, #tpu.memory_space<vmem>>) attributes {dimension_semantics = [#tpu.dimension_semantics<arbitrary>], iteration_bounds = array<i64: 23>, scalar_prefetch = 0 : i64, scratch_operands = 1 : i64, tpu.core_type = #tpu.core_type<tc>, window_params = [{transform_indices = @transform_0, window_bounds = array<i64: 512, 1000>}, {transform_indices = @transform_1, window_bounds = array<i64: 512, 1000>}, {pipeline_mode = #tpu.pipeline_mode<synchronous>, transform_indices = @transform_2, window_bounds = array<i64: 1, 1>}, {pipeline_mode = #tpu.pipeline_mode<synchronous>, transform_indices = @transform_3, window_bounds = array<i64: 1, 1>}]} {
    %get3A = arith.constant 0 : index
    %get3A_0 = arith.constant 0 : index
    %get3A_1 = vector.load %arg1[%get3A, %get3A_0] : memref<512x1000xf32, #tpu.memory_space<vmem>>, vector<512x1000xf32>
    %get3A_2 = arith.constant 0 : index
    %get3A_3 = arith.constant 0 : index
    %get3A_4 = vector.load %arg2[%get3A_2, %get3A_3] : memref<512x1000xf32, #tpu.memory_space<vmem>>, vector<512x1000xf32>
    %abs3A = math.absf %get3A_1 : vector<512x1000xf32>
    %mul3A = arith.constant -1.44269502 : f32
    %mul3A_5 = vector.broadcast %mul3A : f32 to vector<512x1000xf32>
    %mul3A_6 = arith.mulf %abs3A, %mul3A_5 : vector<512x1000xf32>
    %exp23A = math.exp2 %mul3A_6 : vector<512x1000xf32>
    %max3A = arith.constant 0.000000e+00 : f32
    %max3A_7 = vector.broadcast %max3A : f32 to vector<512x1000xf32>
    %max3A_8 = arith.maximumf %get3A_1, %max3A_7 : vector<512x1000xf32>
    %log1p3A = math.log1p %exp23A : vector<512x1000xf32>
    %add3A = arith.addf %max3A_8, %log1p3A : vector<512x1000xf32>
    %mul3A_9 = arith.mulf %get3A_4, %get3A_1 : vector<512x1000xf32>
    %sub3A = arith.subf %add3A, %mul3A_9 : vector<512x1000xf32>
    %eq3A = arith.constant 0 : i32
    %eq3A_10 = arith.cmpi eq, %arg0, %eq3A : i32
    %convert_element_type3A = arith.extui %eq3A_10 : i1 to i32
    %cond3A = arith.constant 0 : i32
    %cond3A_11 = arith.cmpi ne, %convert_element_type3A, %cond3A : i32
    scf.if %cond3A_11 {
      %broadcast_in_dim3A = arith.constant 0.000000e+00 : f32
      %broadcast_in_dim3A_61 = vector.broadcast %broadcast_in_dim3A : f32 to vector<1x1xf32>
      %swap3A_62 = arith.constant 0 : index
      %swap3A_63 = arith.constant 0 : index
      %swap3A_64 = vector.load %arg3[%swap3A_62, %swap3A_63] : memref<1x1xf32, #tpu.memory_space<vmem>>, vector<1x1xf32>
      tpu.vector_store %arg3[%swap3A_62, %swap3A_63], %broadcast_in_dim3A_61 {strides = array<i32>} : memref<1x1xf32, #tpu.memory_space<vmem>>, vector<1x1xf32>,
      %broadcast_in_dim3A_65 = arith.constant 0.000000e+00 : f32
      %broadcast_in_dim3A_66 = vector.broadcast %broadcast_in_dim3A_65 : f32 to vector<1x1xf32>
      %swap3A_67 = arith.constant 0 : index
      %swap3A_68 = arith.constant 0 : index
      %swap3A_69 = vector.load %arg4[%swap3A_67, %swap3A_68] : memref<1x1xf32, #tpu.memory_space<vmem>>, vector<1x1xf32>
      tpu.vector_store %arg4[%swap3A_67, %swap3A_68], %broadcast_in_dim3A_66 {strides = array<i32>} : memref<1x1xf32, #tpu.memory_space<vmem>>, vector<1x1xf32>,
      %broadcast_in_dim3A_70 = arith.constant 0.000000e+00 : f32
      %broadcast_in_dim3A_71 = vector.broadcast %broadcast_in_dim3A_70 : f32 to vector<512x1000xf32>
      %swap3A_72 = arith.constant 0 : index
      %swap3A_73 = arith.constant 0 : index
      %swap3A_74 = vector.load %arg5[%swap3A_72, %swap3A_73] : memref<512x1000xf32, #tpu.memory_space<vmem>>, vector<512x1000xf32>
      tpu.vector_store %arg5[%swap3A_72, %swap3A_73], %broadcast_in_dim3A_71 {strides = array<i32>} : memref<512x1000xf32, #tpu.memory_space<vmem>>, vector<512x1000xf32>,
    } else {
    }
    %get3A_12 = arith.constant 0 : index
    %get3A_13 = arith.constant 0 : index
    %get3A_14 = vector.load %arg5[%get3A_12, %get3A_13] : memref<512x1000xf32, #tpu.memory_space<vmem>>, vector<512x1000xf32>
    %add3A_15 = arith.addf %get3A_14, %sub3A : vector<512x1000xf32>
    %swap3A = arith.constant 0 : index
    %swap3A_16 = arith.constant 0 : index
    %swap3A_17 = vector.load %arg5[%swap3A, %swap3A_16] : memref<512x1000xf32, #tpu.memory_space<vmem>>, vector<512x1000xf32>
    tpu.vector_store %arg5[%swap3A, %swap3A_16], %add3A_15 {strides = array<i32>} : memref<512x1000xf32, #tpu.memory_space<vmem>>, vector<512x1000xf32>,
    %reduce_sum3A = arith.constant dense<0.000000e+00> : vector<512xf32>
    %reduce_sum3A_18 = vector.multi_reduction <add>, %get3A_4, %reduce_sum3A [1] : vector<512x1000xf32> to vector<512xf32>
    %get3A_19 = arith.constant 0 : index
    %get3A_20 = arith.constant 0 : index
    %get3A_21 = vector.load %arg4[%get3A_19, %get3A_20] : memref<1x1xf32, #tpu.memory_space<vmem>>, vector<1x1xf32>
    %reduce_sum3A_22 = vector.shape_cast %reduce_sum3A_18 : vector<512xf32> to vector<1x512xf32>
    %reduce_sum3A_23 = arith.constant dense<0.000000e+00> : vector<1xf32>
    %reduce_sum3A_24 = vector.multi_reduction <add>, %reduce_sum3A_22, %reduce_sum3A_23 [1] : vector<1x512xf32> to vector<1xf32>
    %reduce_sum3A_25 = vector.shape_cast %reduce_sum3A_24 : vector<1xf32> to vector<1x1xf32>
    %reduce_sum3A_26 = vector.extract %reduce_sum3A_25[0, 0] : f32 from vector<1x1xf32>
    %reshape3A = vector.broadcast %reduce_sum3A_26 : f32 to vector<1x1xf32>
    %add3A_27 = arith.addf %get3A_21, %reshape3A : vector<1x1xf32>
    %swap3A_28 = arith.constant 0 : index
    %swap3A_29 = arith.constant 0 : index
    %swap3A_30 = vector.load %arg4[%swap3A_28, %swap3A_29] : memref<1x1xf32, #tpu.memory_space<vmem>>, vector<1x1xf32>
    tpu.vector_store %arg4[%swap3A_28, %swap3A_29], %add3A_27 {strides = array<i32>} : memref<1x1xf32, #tpu.memory_space<vmem>>, vector<1x1xf32>,
    %mul3A_31 = arith.constant 4.000000e+00 : f32
    %mul3A_32 = vector.broadcast %mul3A_31 : f32 to vector<512xf32>
    %mul3A_33 = arith.mulf %mul3A_32, %reduce_sum3A_18 : vector<512xf32>
    %sub3A_34 = arith.constant 1.000000e+03 : f32
    %sub3A_35 = vector.broadcast %sub3A_34 : f32 to vector<512xf32>
    %sub3A_36 = arith.subf %sub3A_35, %mul3A_33 : vector<512xf32>
    %max3A_37 = arith.constant 0.000000e+00 : f32
    %max3A_38 = vector.broadcast %max3A_37 : f32 to vector<512xf32>
    %max3A_39 = arith.maximumf %sub3A_36, %max3A_38 : vector<512xf32>
    %gt3A = arith.constant 0.000000e+00 : f32
    %gt3A_40 = vector.broadcast %gt3A : f32 to vector<512xf32>
    %gt3A_41 = arith.cmpf ogt, %max3A_39, %gt3A_40 : vector<512xf32>
    %reduce_or3A = arith.constant 1.000000e+00 : f32
    %reduce_or3A_42 = arith.constant 0.000000e+00 : f32
    %reduce_or3A_43 = vector.broadcast %reduce_or3A : f32 to vector<512xf32>
    %reduce_or3A_44 = vector.broadcast %reduce_or3A_42 : f32 to vector<512xf32>
    %reduce_or3A_45 = arith.select %gt3A_41, %reduce_or3A_43, %reduce_or3A_44 : vector<512xi1>, vector<512xf32>
    %reduce_or3A_46 = vector.shape_cast %reduce_or3A_45 : vector<512xf32> to vector<1x512xf32>
    %reduce_or3A_47 = arith.constant dense<0xFF800000> : vector<1xf32>
    %reduce_or3A_48 = vector.multi_reduction <maximumf>, %reduce_or3A_46, %reduce_or3A_47 [1] : vector<1x512xf32> to vector<1xf32>
    %reduce_or3A_49 = vector.shape_cast %reduce_or3A_48 : vector<1xf32> to vector<1x1xf32>
    %reduce_or3A_50 = vector.extract %reduce_or3A_49[0, 0] : f32 from vector<1x1xf32>
    %reduce_or3A_51 = arith.constant 0.000000e+00 : f32
    %reduce_or3A_52 = arith.cmpf ogt, %reduce_or3A_50, %reduce_or3A_51 : f32
    %convert_element_type3A_53 = arith.extui %reduce_or3A_52 : i1 to i32
    %cond3A_54 = arith.constant 0 : i32
    %cond3A_55 = arith.cmpi ne, %convert_element_type3A_53, %cond3A_54 : i32
    scf.if %cond3A_55 {
      %bitcast_convert_type3A = tpu.bitcast %get3A_1 : vector<512x1000xf32> -> vector<512x1000xi32>
      %shift_right_arithmetic3A = arith.constant 31 : i32
      %shift_right_arithmetic3A_61 = vector.broadcast %shift_right_arithmetic3A : i32 to vector<512x1000xi32>
      %shift_right_arithmetic3A_62 = arith.shrsi %bitcast_convert_type3A, %shift_right_arithmetic3A_61 : vector<512x1000xi32>
      %and3A = arith.constant 2147483647 : i32
      %and3A_63 = vector.broadcast %and3A : i32 to vector<512x1000xi32>
      %and3A_64 = arith.andi %shift_right_arithmetic3A_62, %and3A_63 : vector<512x1000xi32>
      %xor3A = arith.xori %bitcast_convert_type3A, %and3A_64 : vector<512x1000xi32>
      %gt3A_65 = arith.constant 5.000000e-01 : f32
      %gt3A_66 = vector.broadcast %gt3A_65 : f32 to vector<512x1000xf32>
      %gt3A_67 = arith.cmpf ogt, %get3A_4, %gt3A_66 : vector<512x1000xf32>
      %jit3A = arith.constant 2147483647 : i32
      %broadcast_in_dim3A = vector.broadcast %jit3A : i32 to vector<512x1000xi32>
      %select_n3A = arith.select %gt3A_67, %broadcast_in_dim3A, %xor3A : vector<512x1000xi1>, vector<512x1000xi32>
      %convert_element_type3A_68 = arith.fptosi %max3A_39 : vector<512xf32> to vector<512xi32>
      %lt3A = arith.constant 0 : i32
      %lt3A_69 = vector.broadcast %lt3A : i32 to vector<512x1000xi32>
      %lt3A_70 = arith.cmpi slt, %select_n3A, %lt3A_69 : vector<512x1000xi32>
      %convert_element_type3A_71 = arith.extui %lt3A_70 : vector<512x1000xi1> to vector<512x1000xi32>
      %reduce_sum3A_72 = arith.constant dense<0> : vector<512xi32>
      %reduce_sum3A_73 = vector.multi_reduction <add>, %convert_element_type3A_71, %reduce_sum3A_72 [1] : vector<512x1000xi32> to vector<512xi32>
      %ge3A = arith.cmpi sge, %reduce_sum3A_73, %convert_element_type3A_68 : vector<512xi32>
      %jit3A_74 = arith.constant -2147483648 : i32
      %jit3A_75 = arith.constant 0 : i32
      %broadcast_in_dim3A_76 = vector.broadcast %jit3A_74 : i32 to vector<512xi32>
      %broadcast_in_dim3A_77 = vector.broadcast %jit3A_75 : i32 to vector<512xi32>
      %select_n3A_78 = arith.select %ge3A, %broadcast_in_dim3A_76, %broadcast_in_dim3A_77 : vector<512xi1>, vector<512xi32>
      %scan3A = arith.constant 0 : i32
      %scan3A_79 = arith.constant 31 : i32
      %scan3A_80 = arith.addi %scan3A, %scan3A_79 : i32
      %scan3A_81 = arith.constant 1 : i32
      %scan3A_82 = scf.for %scan3A_138 = %scan3A to %scan3A_80 step %scan3A_81 iter_args(%scan3A_139 = %select_n3A_78) -> (vector<512xi32>)  : i32 {
        %sub3A_140 = arith.constant 30 : i32
        %sub3A_141 = arith.subi %sub3A_140, %scan3A_138 : i32
        %shift_left3A = arith.constant 1 : i32
        %shift_left3A_142 = arith.shli %shift_left3A, %sub3A_141 : i32
        %add3A_143 = vector.broadcast %shift_left3A_142 : i32 to vector<512xi32>
        %add3A_144 = arith.addi %scan3A_139, %add3A_143 : vector<512xi32>
        %broadcast_in_dim3A_145 = vector.shape_cast %add3A_144 : vector<512xi32> to vector<512x1xi32>
        %lt3A_146 = vector.broadcast %broadcast_in_dim3A_145 : vector<512x1xi32> to vector<512x1000xi32>
        %lt3A_147 = arith.cmpi slt, %select_n3A, %lt3A_146 : vector<512x1000xi32>
        %convert_element_type3A_148 = arith.extui %lt3A_147 : vector<512x1000xi1> to vector<512x1000xi32>
        %reduce_sum3A_149 = arith.constant dense<0> : vector<512xi32>
        %reduce_sum3A_150 = vector.multi_reduction <add>, %convert_element_type3A_148, %reduce_sum3A_149 [1] : vector<512x1000xi32> to vector<512xi32>
        %lt3A_151 = arith.cmpi slt, %reduce_sum3A_150, %convert_element_type3A_68 : vector<512xi32>
        %select_n3A_152 = arith.select %lt3A_151, %add3A_144, %scan3A_139 : vector<512xi1>, vector<512xi32>
        scf.yield %select_n3A_152 : vector<512xi32>
      }
      %scan3A_83 = arith.constant 31 : i32
      %broadcast_in_dim3A_84 = vector.shape_cast %scan3A_82 : vector<512xi32> to vector<512x1xi32>
      %lt3A_85 = vector.broadcast %broadcast_in_dim3A_84 : vector<512x1xi32> to vector<512x1000xi32>
      %lt3A_86 = arith.cmpi slt, %select_n3A, %lt3A_85 : vector<512x1000xi32>
      %convert_element_type3A_87 = arith.extui %lt3A_86 : vector<512x1000xi1> to vector<512x1000xi32>
      %reduce_sum3A_88 = arith.constant dense<0> : vector<512xi32>
      %reduce_sum3A_89 = vector.multi_reduction <add>, %convert_element_type3A_87, %reduce_sum3A_88 [1] : vector<512x1000xi32> to vector<512xi32>
      %jit3A_90 = arith.constant 0.000000e+00 : f32
      %broadcast_in_dim3A_91 = vector.broadcast %jit3A_90 : f32 to vector<512x1000xf32>
      %select_n3A_92 = arith.select %lt3A_86, %add3A, %broadcast_in_dim3A_91 : vector<512x1000xi1>, vector<512x1000xf32>
      %reduce_sum3A_93 = arith.constant dense<0.000000e+00> : vector<512xf32>
      %reduce_sum3A_94 = vector.multi_reduction <add>, %select_n3A_92, %reduce_sum3A_93 [1] : vector<512x1000xf32> to vector<512xf32>
      %shift_right_arithmetic3A_95 = arith.constant 31 : i32
      %shift_right_arithmetic3A_96 = vector.broadcast %shift_right_arithmetic3A_95 : i32 to vector<512xi32>
      %shift_right_arithmetic3A_97 = arith.shrsi %scan3A_82, %shift_right_arithmetic3A_96 : vector<512xi32>
      %and3A_98 = arith.constant 2147483647 : i32
      %and3A_99 = vector.broadcast %and3A_98 : i32 to vector<512xi32>
      %and3A_100 = arith.andi %shift_right_arithmetic3A_97, %and3A_99 : vector<512xi32>
      %xor3A_101 = arith.xori %scan3A_82, %and3A_100 : vector<512xi32>
      %bitcast_convert_type3A_102 = tpu.bitcast %xor3A_101 : vector<512xi32> -> vector<512xf32>
      %abs3A_103 = math.absf %bitcast_convert_type3A_102 : vector<512xf32>
      %mul3A_104 = arith.constant -1.44269502 : f32
      %mul3A_105 = vector.broadcast %mul3A_104 : f32 to vector<512xf32>
      %mul3A_106 = arith.mulf %abs3A_103, %mul3A_105 : vector<512xf32>
      %exp23A_107 = math.exp2 %mul3A_106 : vector<512xf32>
      %max3A_108 = arith.constant 0.000000e+00 : f32
      %max3A_109 = vector.broadcast %max3A_108 : f32 to vector<512xf32>
      %max3A_110 = arith.maximumf %bitcast_convert_type3A_102, %max3A_109 : vector<512xf32>
      %log1p3A_111 = math.log1p %exp23A_107 : vector<512xf32>
      %add3A_112 = arith.addf %max3A_110, %log1p3A_111 : vector<512xf32>
      %sub3A_113 = arith.subi %convert_element_type3A_68, %reduce_sum3A_89 : vector<512xi32>
      %convert_element_type3A_114 = arith.sitofp %sub3A_113 : vector<512xi32> to vector<512xf32>
      %mul3A_115 = arith.mulf %convert_element_type3A_114, %add3A_112 : vector<512xf32>
      %add3A_116 = arith.addf %reduce_sum3A_94, %mul3A_115 : vector<512xf32>
      %gt3A_117 = arith.constant 0 : i32
      %gt3A_118 = vector.broadcast %gt3A_117 : i32 to vector<512xi32>
      %gt3A_119 = arith.cmpi sgt, %convert_element_type3A_68, %gt3A_118 : vector<512xi32>
      %jit3A_120 = arith.constant 0.000000e+00 : f32
      %broadcast_in_dim3A_121 = vector.broadcast %jit3A_120 : f32 to vector<512xf32>
      %select_n3A_122 = arith.select %gt3A_119, %add3A_116, %broadcast_in_dim3A_121 : vector<512xi1>, vector<512xf32>
      %get3A_123 = arith.constant 0 : index
      %get3A_124 = arith.constant 0 : index
      %get3A_125 = vector.load %arg3[%get3A_123, %get3A_124] : memref<1x1xf32, #tpu.memory_space<vmem>>, vector<1x1xf32>
      %reduce_sum3A_126 = vector.shape_cast %select_n3A_122 : vector<512xf32> to vector<1x512xf32>
      %reduce_sum3A_127 = arith.constant dense<0.000000e+00> : vector<1xf32>
      %reduce_sum3A_128 = vector.multi_reduction <add>, %reduce_sum3A_126, %reduce_sum3A_127 [1] : vector<1x512xf32> to vector<1xf32>
      %reduce_sum3A_129 = vector.shape_cast %reduce_sum3A_128 : vector<1xf32> to vector<1x1xf32>
      %reduce_sum3A_130 = vector.extract %reduce_sum3A_129[0, 0] : f32 from vector<1x1xf32>
      %reshape3A_131 = vector.broadcast %reduce_sum3A_130 : f32 to vector<1x1xf32>
      %neg3A = arith.constant 0.000000e+00 : f32
      %neg3A_132 = vector.broadcast %neg3A : f32 to vector<1x1xf32>
      %neg3A_133 = arith.subf %neg3A_132, %reshape3A_131 : vector<1x1xf32>
      %add3A_134 = arith.addf %get3A_125, %neg3A_133 : vector<1x1xf32>
      %swap3A_135 = arith.constant 0 : index
      %swap3A_136 = arith.constant 0 : index
      %swap3A_137 = vector.load %arg3[%swap3A_135, %swap3A_136] : memref<1x1xf32, #tpu.memory_space<vmem>>, vector<1x1xf32>
      tpu.vector_store %arg3[%swap3A_135, %swap3A_136], %add3A_134 {strides = array<i32>} : memref<1x1xf32, #tpu.memory_space<vmem>>, vector<1x1xf32>,
    } else {
    }
    %eq3A_56 = arith.constant 22 : i32
    %eq3A_57 = arith.cmpi eq, %arg0, %eq3A_56 : i32
    %convert_element_type3A_58 = arith.extui %eq3A_57 : i1 to i32
    %cond3A_59 = arith.constant 0 : i32
    %cond3A_60 = arith.cmpi ne, %convert_element_type3A_58, %cond3A_59 : i32
    scf.if %cond3A_60 {
      %get3A_61 = arith.constant 0 : index
      %get3A_62 = arith.constant 0 : index
      %get3A_63 = vector.load %arg3[%get3A_61, %get3A_62] : memref<1x1xf32, #tpu.memory_space<vmem>>, vector<1x1xf32>
      %get3A_64 = arith.constant 0 : index
      %get3A_65 = arith.constant 0 : index
      %get3A_66 = vector.load %arg5[%get3A_64, %get3A_65] : memref<512x1000xf32, #tpu.memory_space<vmem>>, vector<512x1000xf32>
      %reduce_sum3A_67 = vector.shape_cast %get3A_66 : vector<512x1000xf32> to vector<1x512x1000xf32>
      %reduce_sum3A_68 = arith.constant dense<0.000000e+00> : vector<1xf32>
      %reduce_sum3A_69 = vector.multi_reduction <add>, %reduce_sum3A_67, %reduce_sum3A_68 [1, 2] : vector<1x512x1000xf32> to vector<1xf32>
      %reduce_sum3A_70 = vector.shape_cast %reduce_sum3A_69 : vector<1xf32> to vector<1x1x1xf32>
      %reduce_sum3A_71 = vector.extract %reduce_sum3A_70[0, 0, 0] : f32 from vector<1x1x1xf32>
      %reshape3A_72 = vector.broadcast %reduce_sum3A_71 : f32 to vector<1x1xf32>
      %add3A_73 = arith.addf %get3A_63, %reshape3A_72 : vector<1x1xf32>
      %swap3A_74 = arith.constant 0 : index
      %swap3A_75 = arith.constant 0 : index
      %swap3A_76 = vector.load %arg3[%swap3A_74, %swap3A_75] : memref<1x1xf32, #tpu.memory_space<vmem>>, vector<1x1xf32>
      tpu.vector_store %arg3[%swap3A_74, %swap3A_75], %add3A_73 {strides = array<i32>} : memref<1x1xf32, #tpu.memory_space<vmem>>, vector<1x1xf32>,
    } else {
    }
    return
  }
  func.func @transform_0(%arg0: i32) -> (i32, i32) {
    %c0_i32 = arith.constant 0 : i32
    %c0_i32_0 = arith.constant 0 : i32
    return %arg0, %c0_i32 : i32, i32
  }
  func.func @transform_1(%arg0: i32) -> (i32, i32) {
    %c0_i32 = arith.constant 0 : i32
    %c0_i32_0 = arith.constant 0 : i32
    return %arg0, %c0_i32 : i32, i32
  }
  func.func @transform_2(%arg0: i32) -> (i32, i32) {
    %c0_i32 = arith.constant 0 : i32
    %c0_i32_0 = arith.constant 0 : i32
    %c0_i32_1 = arith.constant 0 : i32
    return %c0_i32, %c0_i32_0 : i32, i32
  }
  func.func @transform_3(%arg0: i32) -> (i32, i32) {
    %c0_i32 = arith.constant 0 : i32
    %c0_i32_0 = arith.constant 0 : i32
    %c0_i32_1 = arith.constant 0 : i32
    return %c0_i32, %c0_i32_0 : i32, i32
  }
}

module attributes {stable_mosaic.version = 14 : i64} {
  func.func @_fixup_block(%arg0: i32, %arg1: memref<512x1000xf32, #tpu.memory_space<vmem>>, %arg2: memref<512x1000xf32, #tpu.memory_space<vmem>>, %arg3: memref<1x1xf32, #tpu.memory_space<vmem>>) attributes {dimension_semantics = [#tpu.dimension_semantics<arbitrary>], iteration_bounds = array<i64: 9>, scalar_prefetch = 0 : i64, scratch_operands = 0 : i64, tpu.core_type = #tpu.core_type<tc>, window_params = [{transform_indices = @transform_0, window_bounds = array<i64: 512, 1000>}, {transform_indices = @transform_1, window_bounds = array<i64: 512, 1000>}, {pipeline_mode = #tpu.pipeline_mode<synchronous>, transform_indices = @transform_2, window_bounds = array<i64: 1, 1>}]} {
    %get3A = arith.constant 0 : index
    %get3A_0 = arith.constant 0 : index
    %get3A_1 = vector.load %arg1[%get3A, %get3A_0] : memref<512x1000xf32, #tpu.memory_space<vmem>>, vector<512x1000xf32>
    %get3A_2 = arith.constant 0 : index
    %get3A_3 = arith.constant 0 : index
    %get3A_4 = vector.load %arg2[%get3A_2, %get3A_3] : memref<512x1000xf32, #tpu.memory_space<vmem>>, vector<512x1000xf32>
    %abs3A = math.absf %get3A_1 : vector<512x1000xf32>
    %mul3A = arith.constant -1.44269502 : f32
    %mul3A_5 = vector.broadcast %mul3A : f32 to vector<512x1000xf32>
    %mul3A_6 = arith.mulf %abs3A, %mul3A_5 : vector<512x1000xf32>
    %exp23A = math.exp2 %mul3A_6 : vector<512x1000xf32>
    %max3A = arith.constant 0.000000e+00 : f32
    %max3A_7 = vector.broadcast %max3A : f32 to vector<512x1000xf32>
    %max3A_8 = arith.maximumf %get3A_1, %max3A_7 : vector<512x1000xf32>
    %log1p3A = math.log1p %exp23A : vector<512x1000xf32>
    %add3A = arith.addf %max3A_8, %log1p3A : vector<512x1000xf32>
    %reduce_sum3A = arith.constant dense<0.000000e+00> : vector<512xf32>
    %reduce_sum3A_9 = vector.multi_reduction <add>, %get3A_4, %reduce_sum3A [1] : vector<512x1000xf32> to vector<512xf32>
    %mul3A_10 = arith.constant 4.000000e+00 : f32
    %mul3A_11 = vector.broadcast %mul3A_10 : f32 to vector<512xf32>
    %mul3A_12 = arith.mulf %mul3A_11, %reduce_sum3A_9 : vector<512xf32>
    %sub3A = arith.constant 1.000000e+03 : f32
    %sub3A_13 = vector.broadcast %sub3A : f32 to vector<512xf32>
    %sub3A_14 = arith.subf %sub3A_13, %mul3A_12 : vector<512xf32>
    %max3A_15 = arith.constant 0.000000e+00 : f32
    %max3A_16 = vector.broadcast %max3A_15 : f32 to vector<512xf32>
    %max3A_17 = arith.maximumf %sub3A_14, %max3A_16 : vector<512xf32>
    %eq3A = arith.constant 0 : i32
    %eq3A_18 = arith.cmpi eq, %arg0, %eq3A : i32
    %convert_element_type3A = arith.extui %eq3A_18 : i1 to i32
    %cond3A = arith.constant 0 : i32
    %cond3A_19 = arith.cmpi ne, %convert_element_type3A, %cond3A : i32
    scf.if %cond3A_19 {
      %broadcast_in_dim3A_92 = arith.constant 0.000000e+00 : f32
      %broadcast_in_dim3A_93 = vector.broadcast %broadcast_in_dim3A_92 : f32 to vector<1x1xf32>
      %swap3A_94 = arith.constant 0 : index
      %swap3A_95 = arith.constant 0 : index
      %swap3A_96 = vector.load %arg3[%swap3A_94, %swap3A_95] : memref<1x1xf32, #tpu.memory_space<vmem>>, vector<1x1xf32>
      tpu.vector_store %arg3[%swap3A_94, %swap3A_95], %broadcast_in_dim3A_93 {strides = array<i32>} : memref<1x1xf32, #tpu.memory_space<vmem>>, vector<1x1xf32>,
    } else {
    }
    %bitcast_convert_type3A = tpu.bitcast %get3A_1 : vector<512x1000xf32> -> vector<512x1000xi32>
    %shift_right_arithmetic3A = arith.constant 31 : i32
    %shift_right_arithmetic3A_20 = vector.broadcast %shift_right_arithmetic3A : i32 to vector<512x1000xi32>
    %shift_right_arithmetic3A_21 = arith.shrsi %bitcast_convert_type3A, %shift_right_arithmetic3A_20 : vector<512x1000xi32>
    %and3A = arith.constant 2147483647 : i32
    %and3A_22 = vector.broadcast %and3A : i32 to vector<512x1000xi32>
    %and3A_23 = arith.andi %shift_right_arithmetic3A_21, %and3A_22 : vector<512x1000xi32>
    %xor3A = arith.xori %bitcast_convert_type3A, %and3A_23 : vector<512x1000xi32>
    %gt3A = arith.constant 5.000000e-01 : f32
    %gt3A_24 = vector.broadcast %gt3A : f32 to vector<512x1000xf32>
    %gt3A_25 = arith.cmpf ogt, %get3A_4, %gt3A_24 : vector<512x1000xf32>
    %jit3A = arith.constant 2147483647 : i32
    %broadcast_in_dim3A = vector.broadcast %jit3A : i32 to vector<512x1000xi32>
    %select_n3A = arith.select %gt3A_25, %broadcast_in_dim3A, %xor3A : vector<512x1000xi1>, vector<512x1000xi32>
    %convert_element_type3A_26 = arith.fptosi %max3A_17 : vector<512xf32> to vector<512xi32>
    %lt3A = arith.constant 0 : i32
    %lt3A_27 = vector.broadcast %lt3A : i32 to vector<512x1000xi32>
    %lt3A_28 = arith.cmpi slt, %select_n3A, %lt3A_27 : vector<512x1000xi32>
    %convert_element_type3A_29 = arith.extui %lt3A_28 : vector<512x1000xi1> to vector<512x1000xi32>
    %reduce_sum3A_30 = arith.constant dense<0> : vector<512xi32>
    %reduce_sum3A_31 = vector.multi_reduction <add>, %convert_element_type3A_29, %reduce_sum3A_30 [1] : vector<512x1000xi32> to vector<512xi32>
    %ge3A = arith.cmpi sge, %reduce_sum3A_31, %convert_element_type3A_26 : vector<512xi32>
    %jit3A_32 = arith.constant -2147483648 : i32
    %jit3A_33 = arith.constant 0 : i32
    %broadcast_in_dim3A_34 = vector.broadcast %jit3A_32 : i32 to vector<512xi32>
    %broadcast_in_dim3A_35 = vector.broadcast %jit3A_33 : i32 to vector<512xi32>
    %select_n3A_36 = arith.select %ge3A, %broadcast_in_dim3A_34, %broadcast_in_dim3A_35 : vector<512xi1>, vector<512xi32>
    %scan3A = arith.constant 0 : i32
    %scan3A_37 = arith.constant 31 : i32
    %scan3A_38 = arith.addi %scan3A, %scan3A_37 : i32
    %scan3A_39 = arith.constant 1 : i32
    %scan3A_40 = scf.for %scan3A_92 = %scan3A to %scan3A_38 step %scan3A_39 iter_args(%scan3A_93 = %select_n3A_36) -> (vector<512xi32>)  : i32 {
      %sub3A_94 = arith.constant 30 : i32
      %sub3A_95 = arith.subi %sub3A_94, %scan3A_92 : i32
      %shift_left3A = arith.constant 1 : i32
      %shift_left3A_96 = arith.shli %shift_left3A, %sub3A_95 : i32
      %add3A_97 = vector.broadcast %shift_left3A_96 : i32 to vector<512xi32>
      %add3A_98 = arith.addi %scan3A_93, %add3A_97 : vector<512xi32>
      %broadcast_in_dim3A_99 = vector.shape_cast %add3A_98 : vector<512xi32> to vector<512x1xi32>
      %lt3A_100 = vector.broadcast %broadcast_in_dim3A_99 : vector<512x1xi32> to vector<512x1000xi32>
      %lt3A_101 = arith.cmpi slt, %select_n3A, %lt3A_100 : vector<512x1000xi32>
      %convert_element_type3A_102 = arith.extui %lt3A_101 : vector<512x1000xi1> to vector<512x1000xi32>
      %reduce_sum3A_103 = arith.constant dense<0> : vector<512xi32>
      %reduce_sum3A_104 = vector.multi_reduction <add>, %convert_element_type3A_102, %reduce_sum3A_103 [1] : vector<512x1000xi32> to vector<512xi32>
      %lt3A_105 = arith.cmpi slt, %reduce_sum3A_104, %convert_element_type3A_26 : vector<512xi32>
      %select_n3A_106 = arith.select %lt3A_105, %add3A_98, %scan3A_93 : vector<512xi1>, vector<512xi32>
      scf.yield %select_n3A_106 : vector<512xi32>
    }
    %scan3A_41 = arith.constant 31 : i32
    %broadcast_in_dim3A_42 = vector.shape_cast %scan3A_40 : vector<512xi32> to vector<512x1xi32>
    %lt3A_43 = vector.broadcast %broadcast_in_dim3A_42 : vector<512x1xi32> to vector<512x1000xi32>
    %lt3A_44 = arith.cmpi slt, %select_n3A, %lt3A_43 : vector<512x1000xi32>
    %convert_element_type3A_45 = arith.extui %lt3A_44 : vector<512x1000xi1> to vector<512x1000xi32>
    %reduce_sum3A_46 = arith.constant dense<0> : vector<512xi32>
    %reduce_sum3A_47 = vector.multi_reduction <add>, %convert_element_type3A_45, %reduce_sum3A_46 [1] : vector<512x1000xi32> to vector<512xi32>
    %jit3A_48 = arith.constant 0.000000e+00 : f32
    %broadcast_in_dim3A_49 = vector.broadcast %jit3A_48 : f32 to vector<512x1000xf32>
    %select_n3A_50 = arith.select %lt3A_44, %add3A, %broadcast_in_dim3A_49 : vector<512x1000xi1>, vector<512x1000xf32>
    %reduce_sum3A_51 = arith.constant dense<0.000000e+00> : vector<512xf32>
    %reduce_sum3A_52 = vector.multi_reduction <add>, %select_n3A_50, %reduce_sum3A_51 [1] : vector<512x1000xf32> to vector<512xf32>
    %shift_right_arithmetic3A_53 = arith.constant 31 : i32
    %shift_right_arithmetic3A_54 = vector.broadcast %shift_right_arithmetic3A_53 : i32 to vector<512xi32>
    %shift_right_arithmetic3A_55 = arith.shrsi %scan3A_40, %shift_right_arithmetic3A_54 : vector<512xi32>
    %and3A_56 = arith.constant 2147483647 : i32
    %and3A_57 = vector.broadcast %and3A_56 : i32 to vector<512xi32>
    %and3A_58 = arith.andi %shift_right_arithmetic3A_55, %and3A_57 : vector<512xi32>
    %xor3A_59 = arith.xori %scan3A_40, %and3A_58 : vector<512xi32>
    %bitcast_convert_type3A_60 = tpu.bitcast %xor3A_59 : vector<512xi32> -> vector<512xf32>
    %abs3A_61 = math.absf %bitcast_convert_type3A_60 : vector<512xf32>
    %mul3A_62 = arith.constant -1.44269502 : f32
    %mul3A_63 = vector.broadcast %mul3A_62 : f32 to vector<512xf32>
    %mul3A_64 = arith.mulf %abs3A_61, %mul3A_63 : vector<512xf32>
    %exp23A_65 = math.exp2 %mul3A_64 : vector<512xf32>
    %max3A_66 = arith.constant 0.000000e+00 : f32
    %max3A_67 = vector.broadcast %max3A_66 : f32 to vector<512xf32>
    %max3A_68 = arith.maximumf %bitcast_convert_type3A_60, %max3A_67 : vector<512xf32>
    %log1p3A_69 = math.log1p %exp23A_65 : vector<512xf32>
    %add3A_70 = arith.addf %max3A_68, %log1p3A_69 : vector<512xf32>
    %sub3A_71 = arith.subi %convert_element_type3A_26, %reduce_sum3A_47 : vector<512xi32>
    %convert_element_type3A_72 = arith.sitofp %sub3A_71 : vector<512xi32> to vector<512xf32>
    %mul3A_73 = arith.mulf %convert_element_type3A_72, %add3A_70 : vector<512xf32>
    %add3A_74 = arith.addf %reduce_sum3A_52, %mul3A_73 : vector<512xf32>
    %gt3A_75 = arith.constant 0 : i32
    %gt3A_76 = vector.broadcast %gt3A_75 : i32 to vector<512xi32>
    %gt3A_77 = arith.cmpi sgt, %convert_element_type3A_26, %gt3A_76 : vector<512xi32>
    %jit3A_78 = arith.constant 0.000000e+00 : f32
    %broadcast_in_dim3A_79 = vector.broadcast %jit3A_78 : f32 to vector<512xf32>
    %select_n3A_80 = arith.select %gt3A_77, %add3A_74, %broadcast_in_dim3A_79 : vector<512xi1>, vector<512xf32>
    %get3A_81 = arith.constant 0 : index
    %get3A_82 = arith.constant 0 : index
    %get3A_83 = vector.load %arg3[%get3A_81, %get3A_82] : memref<1x1xf32, #tpu.memory_space<vmem>>, vector<1x1xf32>
    %reduce_sum3A_84 = vector.shape_cast %select_n3A_80 : vector<512xf32> to vector<1x512xf32>
    %reduce_sum3A_85 = arith.constant dense<0.000000e+00> : vector<1xf32>
    %reduce_sum3A_86 = vector.multi_reduction <add>, %reduce_sum3A_84, %reduce_sum3A_85 [1] : vector<1x512xf32> to vector<1xf32>
    %reduce_sum3A_87 = vector.shape_cast %reduce_sum3A_86 : vector<1xf32> to vector<1x1xf32>
    %reduce_sum3A_88 = vector.extract %reduce_sum3A_87[0, 0] : f32 from vector<1x1xf32>
    %reshape3A = vector.broadcast %reduce_sum3A_88 : f32 to vector<1x1xf32>
    %add3A_89 = arith.addf %get3A_83, %reshape3A : vector<1x1xf32>
    %swap3A = arith.constant 0 : index
    %swap3A_90 = arith.constant 0 : index
    %swap3A_91 = vector.load %arg3[%swap3A, %swap3A_90] : memref<1x1xf32, #tpu.memory_space<vmem>>, vector<1x1xf32>
    tpu.vector_store %arg3[%swap3A, %swap3A_90], %add3A_89 {strides = array<i32>} : memref<1x1xf32, #tpu.memory_space<vmem>>, vector<1x1xf32>,
    return
  }
  func.func @transform_0(%arg0: i32) -> (i32, i32) {
    %c0_i32 = arith.constant 0 : i32
    %c0_i32_0 = arith.constant 0 : i32
    return %arg0, %c0_i32 : i32, i32
  }
  func.func @transform_1(%arg0: i32) -> (i32, i32) {
    %c0_i32 = arith.constant 0 : i32
    %c0_i32_0 = arith.constant 0 : i32
    return %arg0, %c0_i32 : i32, i32
  }
  func.func @transform_2(%arg0: i32) -> (i32, i32) {
    %c0_i32 = arith.constant 0 : i32
    %c0_i32_0 = arith.constant 0 : i32
    %c0_i32_1 = arith.constant 0 : i32
    return %c0_i32, %c0_i32_0 : i32, i32
  }
}

</mosaic_0001>

<sc_bundles>
// kernel: kernel.4.cloned.1.call-start
scs
__scs_entry_jumppad:
0x0: {  	(pc) =	sbr.rel $0x88, $3  }
0x1: {  	(tag) =	ssettag $0x0;
	lr =	simm.s32 $0x1  }
0x2: {  	[smem:$0x3F9F] =	sst lr;
	_ =	strace $0xD0000000  }
0x3: {  	_ = 	snop  }
0x4: {  	_ = 	snop  }
0x5: {  	_ = 	snop  }
0x6: {  	_ = 	snop  }
0x7: {  	_ = 	snop  }
__scs_overlays_trampoline_lowered:
0x8: {  	[smem:$0x3FAE] =	sst s0  }
0x9: {  	[smem:$0x3FAF] =	sst s1  }
0xa: {  	[smem:$0x3FB0] =	sst s2  }
0xb: {  	[smem:$0x3FB1] =	sst s3  }
0xc: {  	[smem:$0x3FB2] =	sst s4  }
0xd: {  	[smem:$0x3FB3] =	sst s5  }
0xe: {  	[smem:$0x3FB4] =	sst s6  }
0xf: {  	[smem:$0x3FB5] =	sst s7  }
0x10: {  	[smem:$0x3FB6] =	sst s8  }
0x11: {  	[smem:$0x3FB7] =	sst s9;
	s0 =	simm.s32 @!p0 $0x0  }
0x12: {  	s1 =	sld [smem:$0x3F9D];
	s0 =	simm.s32 @p0 $0x1  }
0x13: {  	[smem:$0x3FB8] =	sst s0;
	s0 =	simm.s32 @!p1 $0x0  }
0x14: {  	s2 =	sld [smem:$0x3F9C];
	s0 =	simm.s32 @p1 $0x1  }
0x15: {  	[smem:$0x3FB9] =	sst s0;
	s0 =	simm.s32 @!p2 $0x0  }
0x16: {  	s3 =	sld [smem:$0x3FDB];
	s0 =	simm.s32 @p2 $0x1  }
0x17: {  	s4 =	simm.s32 $0x1BF5;
	[smem:$0x3FBB] =	sst s0  }
0x18: {  	s0 =	sld [smem:$0x3F9E];
	_ =	swait.ge [sflag:s4], $0x0  }
0x19: {  	s7 =	sld [smem:$0x3F9F]  }
0x1a: {  	s8 =	sadd.s32 $0xFFFFE003, lr  }
0x1b: {  	s9 =	sadd.s32 $0xFFFFFEF7, lr;
	s5 =	simm.s32 $0xFFFFFFFF;
	p2 =	slt.u32 s8, $0xFFFFF086  }
0x1c: {  	p1 =	slt.u32 s9, $0xF7A;
	s5 =	simm.s32 @!p2 $0x0  }
0x1d: {  	s5 =	simm.s32 @p1 $0x1;
	p0 =	seq.s32 s7, s2  }
0x1e: {  	s7 =	smul.u32 @!p0 $0xF7A, s2;
	p2 =	seq.s32 @!p0 s5, $0x0  }
0x1f: {  	s9 =	smul.u32 $0xF7A, s1;
	s8 =	simm.s32 @!p0 $0x1BF5;
	p2 =	por !p2, p0  }
0x20: {  	[sflag:s8] =	ssyncset.s32 @!p0 $0xFFFFF086;
	s6 =	sadd.s32 @!p0 s3, s7;
	s7 =	simm.s32 @!p0 $0x108  }
0x21: {  	s3 =	sadd.s32 s3, s9;
	s6 =	sadd.s32 @!p0 $0x88, s6;
	s7 =	simm.s32 @p2 $0x1082  }
0x22: {  	[simem:s7], [sflag:s8] =	dma.local @!p0 [hbm:s6], $0xF7A  }
0x23: {  	s9 =	sor.u32 $0xD0000000, s2;
	s6 =	simm.s32 $0x108;
	_ =	swait.ge @!p0 [sflag:s8], $0x0  }
0x24: {  	s3 =	sadd.s32 $0x88, s3;
	s6 =	simm.s32 @!p1 $0x1082;
	[sflag:s4] =	ssyncset.s32 $0xFFFFF086  }
0x25: {  	[simem:s6], [sflag:s4] =	dma.local [hbm:s3], $0xF7A  }
0x26: {  	[smem:$0x3F9F] =	sst s1;
	(tag) =	ssettag s2;
	_ =	strace s9  }
0x27: {  	s1 =	sld [smem:$0x3FAF]  }
0x28: {  	s2 =	sld [smem:$0x3FB0]  }
0x29: {  	s4 =	sld [smem:$0x3FB2]  }
0x2a: {  	p0 =	seq.s32 s5, $0x0;
	s5 =	sld [smem:$0x3FB3]  }
0x2b: {  	s6 =	sld [smem:$0x3FB4]  }
0x2c: {  	s7 =	sld [smem:$0x3FB5]  }
0x2d: {  	s3 =	simm.s32 $0x108;
	s8 =	sld [smem:$0x3FB6]  }
0x2e: {  	s3 =	simm.s32 @!p0 $0x1082;
	s9 =	sld [smem:$0x3FB7]  }
0x2f: {  	lr =	sadd.s32 s0, s3;
	s0 =	sld [smem:$0x3FAE]  }
0x30: {  	s3 =	sld [smem:$0x3FB1]  }
0x31: {  	[smem:$0x3FBA] =	sst s10  }
0x32: {  	s10 =	sld [smem:$0x3FB8];
	_ =	sdelay $0x3  }
0x33: {  	p0 =	seq.s32 s10, $0x1;
	s10 =	sld [smem:$0x3FBA];
	_ =	sdelay $0x3  }
0x34: {  	[smem:$0x3FBA] =	sst s10  }
0x35: {  	s10 =	sld [smem:$0x3FB9];
	_ =	sdelay $0x3  }
0x36: {  	p1 =	seq.s32 s10, $0x1;
	s10 =	sld [smem:$0x3FBA];
	_ =	sdelay $0x3  }
0x37: {  	[smem:$0x3FBA] =	sst s10  }
0x38: {  	s10 =	sld [smem:$0x3FBB]  }
0x39: {  	_ = 	snop;
	(pc) =	sbr.ind lr, $3  }
0x3a: {  	_ = 	snop  }
0x3b: {  	_ = 	snop  }
0x3c: {  	p2 =	seq.s32 s10, $0x1;
	s10 =	sld [smem:$0x3FBA]  }
0x3d: {  	_ =	shalt  }
0x3e: {  	_ =	shalt  }
0x3f: {  	_ =	shalt  }
0x40: {  	_ =	shalt  }
0x41: {  	_ =	shalt  }
0x42: {  	_ =	shalt  }
0x43: {  	_ =	shalt  }
0x44: {  	_ =	shalt  }
0x45: {  	_ =	shalt  }
0x46: {  	_ =	shalt  }
0x47: {  	_ =	shalt  }
0x48: {  	_ =	shalt  }
0x49: {  	_ =	shalt  }
0x4a: {  	_ =	shalt  }
0x4b: {  	_ =	shalt  }
0x4c: {  	_ =	shalt  }
0x4d: {  	_ =	shalt  }
0x4e: {  	_ =	shalt  }
0x4f: {  	_ =	shalt  }
0x50: {  	_ =	shalt  }
0x51: {  	_ =	shalt  }
0x52: {  	_ =	shalt  }
0x53: {  	_ =	shalt  }
0x54: {  	_ =	shalt  }
0x55: {  	_ =	shalt  }
0x56: {  	_ =	shalt  }
0x57: {  	_ =	shalt  }
0x58: {  	_ =	shalt  }
0x59: {  	_ =	shalt  }
0x5a: {  	_ =	shalt  }
0x5b: {  	_ =	shalt  }
0x5c: {  	_ =	shalt  }
0x5d: {  	_ =	shalt  }
0x5e: {  	_ =	shalt  }
0x5f: {  	_ =	shalt  }
0x60: {  	_ =	shalt  }
0x61: {  	_ =	shalt  }
0x62: {  	_ =	shalt  }
0x63: {  	_ =	shalt  }
0x64: {  	_ =	shalt  }
0x65: {  	_ =	shalt  }
0x66: {  	_ =	shalt  }
0x67: {  	_ =	shalt  }
0x68: {  	_ =	shalt  }
0x69: {  	_ =	shalt  }
0x6a: {  	_ =	shalt  }
0x6b: {  	_ =	shalt  }
0x6c: {  	_ =	shalt  }
0x6d: {  	_ =	shalt  }
0x6e: {  	_ =	shalt  }
0x6f: {  	_ =	shalt  }
0x70: {  	_ =	shalt  }
0x71: {  	_ =	shalt  }
0x72: {  	_ =	shalt  }
0x73: {  	_ =	shalt  }
0x74: {  	_ =	shalt  }
0x75: {  	_ =	shalt  }
0x76: {  	_ =	shalt  }
0x77: {  	_ =	shalt  }
0x78: {  	_ =	shalt  }
0x79: {  	_ =	shalt  }
0x7a: {  	_ =	shalt  }
0x7b: {  	_ =	shalt  }
0x7c: {  	_ =	shalt  }
0x7d: {  	_ =	shalt  }
0x7e: {  	_ =	shalt  }
0x7f: {  	_ =	shalt  }
0x80: {  	_ =	shalt  }
0x81: {  	_ =	shalt  }
0x82: {  	_ =	shalt  }
0x83: {  	_ =	shalt  }
0x84: {  	_ =	shalt  }
0x85: {  	_ =	shalt  }
0x86: {  	_ =	shalt  }
0x87: {  	_ =	shalt  }
.Lfunc_end0:
.L_simem_size_0:
called_computation_lowered:
.L_overlay_start_0:
0x88: {  	s2 =	sld [smem:$0x3FD9]  }
0x89: {  	s3 =	sld [smem:$0x3FFE];
	_ =	sdelay $0x1  }
0x8a: {  	s1 =	srdreg.scid  }
0x8b: {  	s0 =	sand.u32 $0x1, s1  }
0x8c: {  	s16 =	sshll.u32 s0, $0xA;
	s2 =	sadd.s32 s3, s2  }
0x8d: {  	s2 =	sadd.s32 s2, s16  }
0x8e: {  	[smem:$0x3FC6] =	sst s2  }
0x8f: {  	_ = 	snop  }
0x90: {  	(tm) =	ssettm $0x1  }
0x91: {  	s17 =	sld [smem:$0x3FFB];
	_ =	sdelay $0x3  }
0x92: {  	_ =	strace s17  }
0x93: {  	s2 =	sld [smem:$0x3FFC];
	_ =	sdelay $0x3  }
0x94: {  	_ =	strace s2  }
0x95: {  	s2 =	sld [smem:$0x3FFD];
	_ =	sdelay $0x3  }
0x96: {  	_ =	strace s2  }
0x97: {  	_ =	strace $0x8FFFFFFF  }
0x98: {  	s18 =	sld [smem:$0x3FDB];
	_ =	sdelay $0x1  }
0x99: {  	s19 =	simm.s32 $_scs_section_size  }
0x9a: {  	s4 =	simm.s32 $_size__tile_overlayer_lowered;
	s5 =	simm.s32 $_tile_overlayer_lowered  }
0x9b: {  	s22 =	simm.s32 $0x1BFF;
	s21 =	sshll.u32 s5, $0x1;
	s2 =	sadd.s32 s19, s18  }
0x9c: {  	s6 =	simm.s32 $0x0;
	s20 =	sshll.u32 s4, $0x1;
	s4 =	sadd.s32 s21, s2  }
0x9d: {  	[timem:s6], [sflag:s22] =	dma.local [hbm:s4], s20  }
0x9e: {  	_ =	swait.ge [sflag:s22], s20  }
0x9f: {  	s3 =	ssub.s32 $0x0, s20;
	[sflag:s22] =	ssyncset.done $0x0  }
0xa0: {  	[sflag:s22] =	ssyncadd.s32 s3;
	_ =	sdelay $0x1  }
0xa1: {  	s23 =	simm.s32 $0x1B8B  }
0xa2: {  	_ =	swait.ge [sflag:s23], $0x1  }
0xa3: {  	[sflag:s23] =	ssyncset.done $0x0  }
0xa4: {  	s25 =	simm.s32 $0x1B8E;
	s24 =	sld [smem:$0x3FFE];
	[sflag:s23] =	ssyncadd.s32 $0xFFFFFFFF  }
0xa5: {  	s26 =	simm.s32 $execute0_lowered;
	[smem:$0x3FD2] =	sst s25  }
0xa6: {  	s4 =	sshll.u32 s26, $0x1;
	_ =	strace $0x80000046;
	[dreg:$0x1] =	wrdreg $0xFFFFFFFF  }
0xa7: {  	s28 =	simm.s32 $_size_execute0_lowered;
	s2 =	sadd.s32 s2, s4;
	[dreg:$0x0] =	wrdreg $0x0  }
0xa8: {  	s4 =	sshll.u32 s28, $0x1;
	[dreg:$0x2] =	wrdreg s2  }
0xa9: {  	[dreg:$0x3] =	wrdreg s4  }
0xaa: {  	[dreg:$0x4] =	wrdreg $0xC0  }
0xab: {  	_ =	task [dreg:s6], $0x5FFFF  }
0xac: {  	[dreg:$0x1] =	wrdreg $0xFFFFFFFF  }
0xad: {  	[dreg:$0x0] =	wrdreg $0x60  }
0xae: {  	[dreg:$0x2] =	wrdreg s24  }
0xaf: {  	[dreg:$0x3] =	wrdreg $0x9  }
0xb0: {  	_ =	task.clear_ibuf [dreg:s6], $0x4FFFF;
	_ =	strace $0x90000046  }
0xb1: {  	s29 =	simm.s32 $0x9;
	_ =	strace $0x80000048  }
0xb2: {  	_ =	swait.ge [sflag:s29], $0x1  }
0xb3: {  	[sflag:s29] =	ssyncadd.s32 $0xFFFFFFFF  }
0xb4: {  	_ =	strace $0x90000048  }
0xb5: {  	_ =	sfence  }
0xb6: {  	s30 =	sld [smem:$0x0];
	_ =	sdelay $0x2  }
0xb7: {  	s31 =	sshll.u32 s1, $0xD;
	s1 =	sshrl.u32 s1, $0x2  }
0xb8: {  	s3 =	sand.u32 $0x4000, s31;
	s1 =	sadd.s32 s1, s30  }
0xb9: {  	s0 =	sor.u32 s3, s0;
	s1 =	sshll.u32 s1, $0x11  }
0xba: {  	s0 =	sor.u32 s1, s0  }
0xbb: {  	s0 =	sadd.s32 $0x8F2B, s0  }
0xbc: {  	[sflag:s0] =	ssyncadd.remote.s32 $0x1  }
0xbd: {  	_ =	sfence.sel $0xFFFF  }
0xbe: {  	[dreg:$0x0] =	wrdreg $0xFFFFFFFF;
	(pc) =	sbr.abs _section_cstart, $3  }
0xbf: {  	[dreg:$0x1] =	wrdreg $0xFFFFFFFF  }
0xc0: {  	_ =	task.clear_ibuf [dreg:s6], $0x2FFFF;
	_ =	strace $0x9FFFFFFF  }
0xc1: {  	(tm) =	ssettm $0x7FFFFFFF  }
tec
execute0_lowered:
.L_overlay_start_1:
0x0: {  	(tag) =	ssettag $0x1  }
0x1: {  	s1 =	srdreg.scid  }
0x2: {  	s0 =	stileid.u32;
	s2 =	rddreg [dreg:$0x0];
	s3 =	simm.s32 $0x0  }
0x3: {  	s12 =	simm.s32 $0x8000;
	s13 =	simm.s32 $0x10000;
	s14 =	simm.s32 $0x5  }
0x4: {  	s5 =	sand.u32 $0x1, s1;
	s4 =	sshll.u32 s0, $0x1;
	s1 =	rddreg [dreg:$0x1]  }
0x5: {  	s15 =	simm.s32 $0x0;
	[smem:$0x7FF] =	sst s3;
	s6 =	sor.u32 s5, s4  }
0x6: {  	_ =	strace $0x80000047;
	s8 =	ssub.s32 $0x2, s5;
	s7 =	smul.u32 $0x4800, s6  }
0x7: {  	s4 =	sadd.s32 $0x200000, s2;
	s6 =	sshll.u32 s6, $0x4;
	s9 =	sshrl.u32 s8, $0x1  }
0x8: {  	vm12 =	vmmov $0xff;
	v0 =	vimm.s32 $0x0;
	s10 =	sadd.s32 s6, s2;
	s11 =	ssub.s32 s8, s9;
	s5 =	sadd.s32 $0x170000, s7  }
0x9: {  	v0 =	vsel vm12, $0xFFFFFFFF, v0;
	s8 =	sadd.s32 $0x400400, s10;
	s9 =	sadd.s32 $0x400200, s10;
	s10 =	sadd.s32 $0x400000, s10  }
0xa: {  	[tilespmem:$0x1FFF0] =	vst v0;
	s11 =	smax.u32 s11, $0x1;
	s6 =	sadd.s32 s2, s5;
	s7 =	sadd.s32 s4, s5  }
.LBB2_1:
0xb: {  	v10 =	vimm.f32 $0.0e+00  }
0xc: {  	[tilespmem:s3], [sflag:$0x1] =	stream.linear.gather [hbm4b:s6+s3], $0x4000, $0x38;
	v5 =	vimm.f32 $1.000000000e+09;
	v13 =	vimm.f32 $0.0e+00;
	v8 =	vimm.f32 $0.0e+00;
	[tilespmem:$0x10080] =	vst v63  }
0xd: {  	v7 =	vimm.f32 $0.0e+00;
	v9 =	vimm.f32 $0.0e+00;
	v6 =	vimm.f32 $0.0e+00;
	s16 =	simm.s32 $0x0  }
0xe: {  	v4 =	vimm.f32 $0.0e+00;
	v3 =	vimm.f32 $0.0e+00;
	v2 =	vimm.f32 $0.0e+00;
	[tilespmem:s12], [sflag:$0x3] =	stream.linear.gather [hbm4b:s7+s3], $0x4000, $0x38;
	[tilespmem:$0x10080] =	vst v63  }
.LBB2_3:
0xf: {  	s17 =	smov.u32 s16  }
0x10: {  	s18 =	sand.u32 $0x1, s16;
	s16 =	sadd.s32 $0x1, s16;
	p0 =	seq.s32 s17, $0x8  }
0x11: {  	s29 =	sadd.s32 $0x1, s18;
	s17 =	sshll.u32 @!p0 s16, $0xB  }
0x12: {  	s19 =	sxor.u32 @!p0 $0x1, s18;
	s23 =	simm.s32 @!p0 $0x0;
	s17 =	sadd.s32 @!p0 s5, s17  }
0x13: {  	s20 =	sshll.u32 @!p0 s19, $0xE;
	s21 =	sadd.s32 @!p0 $0x1, s19;
	s22 =	sadd.s32 @!p0 s2, s17  }
0x14: {  	[tilespmem:s20], [sflag:s21] =	stream.linear.gather @!p0 [hbm4b:s22+s23], $0x4000, $0x38;
	[tilespmem:$0x10080] =	vst v63  }
0x15: {  	s19 =	sadd.s32 @!p0 $0x3, s19;
	s17 =	sadd.s32 @!p0 s4, s17;
	s20 =	sor.u32 @!p0 $0x8000, s20  }
0x16: {  	[tilespmem:s20], [sflag:s19] =	stream.linear.gather @!p0 [hbm4b:s17+s23], $0x4000, $0x38;
	[tilespmem:$0x10080] =	vst v63  }
0x17: {  	_ =	swait.ge [sflag:s29], $0x4000  }
0x18: {  	[sflag:s29] =	ssyncset.done $0x0  }
0x19: {  	s30 =	sadd.s32 $0x3, s18;
	[sflag:s29] =	ssyncadd.s32 $0xFFFFC000  }
0x1a: {  	_ =	swait.ge [sflag:s30], $0x4000  }
0x1b: {  	s31 =	sshll.u32 s18, $0xE;
	s18 =	simm.s32 $0x0;
	[sflag:s30] =	ssyncset.done $0x0  }
0x1c: {  	s17 =	simm.s32 $0x0;
	[dreg:$0x2] =	wrdreg s31;
	[sflag:s30] =	ssyncadd.s32 $0xFFFFC000  }
.LBB2_4:
0x1d: {  	s19 =	rddreg [dreg:$0x2];
	s20 =	sand.u32 $0x2000, s18  }
0x1e: {  	s29 =	sand.u32 $0x380, s17;
	s19 =	sor.u32 s19, s20  }
0x1f: {  	s19 =	sor.u32 s29, s19  }
0x20: {  	[tilespmem:$0x1FFD0] =	vst v10;
	v10 =	vld [tilespmem:s19+$0x0];
	_ =	sdelay $0x3  }
0x21: {  	s20 =	sor.u32 $0x10, s19  }
0x22: {  	[tilespmem:$0x1FFE0] =	vst v5;
	v11 =	vld [tilespmem:s20+$0x0];
	v5 =	vand.u32 $0x7FFFFFFF, v10  }
0x23: {  	v5 =	vsub.f32 $0.0e+00, v5;
	_ =	sdelay $0x1  }
0x24: {  	v5 =	vmul.f32 $1.442695020e+00, v5;
	_ =	sdelay $0x1  }
0x25: {  	(erf) = vpow2.f32 v5;
	v5 =	vand.u32 $0x7FFFFFFF, v11  }
0x26: {  	v5 =	vsub.f32 $0.0e+00, v5;
	_ =	sdelay $0x1  }
0x27: {  	v5 =	vmul.f32 $1.442695020e+00, v5  }
0x28: {  	s30 =	sor.u32 $0x20, s19  }
0x29: {  	v12 =	vld [tilespmem:s30+$0x0];
	(erf) = vpow2.f32 v5;
	_ =	sdelay $0x3  }
0x2a: {  	v15 =	vpop (erf)  }
0x2b: {  	v14 =	vand.u32 $0x7FFFFFFF, v12;
	v5 =	vmul.f32 $5.186003630e-03, v15  }
0x2c: {  	v14 =	vsub.f32 $0.0e+00, v14  }
0x2d: {  	v5 =	vadd.f32 $-2.921026760e-02, v5  }
0x2e: {  	v14 =	vmul.f32 $1.442695020e+00, v14  }
0x2f: {  	v5 =	vmul.f32 v5, v15;
	v16 =	vpop (erf)  }
0x30: {  	(erf) = vpow2.f32 v14;
	v17 =	vmul.f32 $5.186003630e-03, v16  }
0x31: {  	v5 =	vadd.f32 $7.754038270e-02, v5  }
0x32: {  	s31 =	sor.u32 $0x30, s19;
	v17 =	vadd.f32 $-2.921026760e-02, v17  }
0x33: {  	v18 =	vmul.f32 v5, v15;
	v5 =	vld [tilespmem:s31+$0x0]  }
0x34: {  	v14 =	vmul.f32 v17, v16  }
0x35: {  	v36 =	vadd.f32 $-1.358394180e-01, v18  }
0x36: {  	v14 =	vadd.f32 $7.754038270e-02, v14  }
0x37: {  	v17 =	vmul.f32 v36, v15  }
0x38: {  	v14 =	vmul.f32 v14, v16;
	v37 =	vand.u32 $0x7FFFFFFF, v5  }
0x39: {  	s21 =	sor.u32 $0x40, s19;
	v20 =	vpop (erf);
	v17 =	vadd.f32 $1.905595510e-01, v17;
	v18 =	vsub.f32 $0.0e+00, v37  }
0x3a: {  	v19 =	vld [tilespmem:s21+$0x0];
	v21 =	vmul.f32 $5.186003630e-03, v20;
	v14 =	vadd.f32 $-1.358394180e-01, v14  }
0x3b: {  	v17 =	vmul.f32 v17, v15;
	v18 =	vmul.f32 $1.442695020e+00, v18  }
0x3c: {  	v38 =	vadd.f32 $-2.921026760e-02, v21;
	v14 =	vmul.f32 v14, v16  }
0x3d: {  	v17 =	vadd.f32 $-2.482564900e-01, v17;
	(erf) = vpow2.f32 v18  }
0x3e: {  	v18 =	vmul.f32 v38, v20;
	v14 =	vadd.f32 $1.905595510e-01, v14  }
0x3f: {  	s22 =	sor.u32 $0x50, s19;
	v22 =	vand.u32 $0x7FFFFFFF, v19;
	v17 =	vmul.f32 v17, v15  }
0x40: {  	v22 =	vsub.f32 $0.0e+00, v22;
	v18 =	vadd.f32 $7.754038270e-02, v18;
	v39 =	vmul.f32 v14, v16;
	v14 =	vld [tilespmem:s22+$0x0]  }
0x41: {  	v17 =	vadd.f32 $3.331601020e-01, v17  }
0x42: {  	v22 =	vmul.f32 $1.442695020e+00, v22;
	v18 =	vmul.f32 v18, v20;
	v21 =	vadd.f32 $-2.482564900e-01, v39  }
0x43: {  	v17 =	vmul.f32 v17, v15  }
0x44: {  	(erf) = vpow2.f32 v22;
	v18 =	vadd.f32 $-1.358394180e-01, v18;
	v21 =	vmul.f32 v21, v16  }
0x45: {  	v17 =	vadd.f32 $-4.999925490e-01, v17;
	v40 =	vand.u32 $0x7FFFFFFF, v14  }
0x46: {  	v18 =	vmul.f32 v18, v20;
	v21 =	vadd.f32 $3.331601020e-01, v21;
	v24 =	vpop (erf);
	v22 =	vsub.f32 $0.0e+00, v40  }
0x47: {  	v23 =	vmul.f32 $5.186003630e-03, v24;
	v17 =	vmul.f32 v17, v15  }
0x48: {  	v25 =	vld [tilespmem:s19+$0x8000];
	v18 =	vadd.f32 $1.905595510e-01, v18;
	v21 =	vmul.f32 v21, v16;
	v22 =	vmul.f32 $1.442695020e+00, v22  }
0x49: {  	v23 =	vadd.f32 $-2.921026760e-02, v23;
	v17 =	vadd.f32 $9.999999400e-01, v17  }
0x4a: {  	v18 =	vmul.f32 v18, v20;
	v21 =	vadd.f32 $-4.999925490e-01, v21;
	(erf) = vpow2.f32 v22  }
0x4b: {  	s24 =	sor.u32 $0x8010, s19;
	v23 =	vmul.f32 v23, v24;
	v15 =	vmul.f32 v17, v15  }
0x4c: {  	s23 =	sor.u32 $0x60, s19;
	v44 =	vld [tilespmem:s24+$0x0];
	v42 =	vmax.f32 v10, $0.0e+00;
	v18 =	vadd.f32 $-2.482564900e-01, v18;
	v41 =	vmul.f32 v21, v16  }
0x4d: {  	v10 =	vmul.f32 v25, v10;
	v26 =	vpop (erf);
	v43 =	vadd.f32 $7.754038270e-02, v23;
	v15 =	vadd.f32 v15, v42;
	v23 =	vld [tilespmem:s23+$0x0]  }
0x4e: {  	v45 =	vmul.f32 $5.186003630e-03, v26;
	v18 =	vmul.f32 v18, v20;
	v17 =	vadd.f32 $9.999999400e-01, v41  }
0x4f: {  	vm0 =	vgt.f32 v25, $5.000000000e-01;
	v22 =	vmul.f32 v43, v24;
	v10 =	vsub.f32 v15, v10  }
0x50: {  	v47 =	vadd.f32 $3.331601020e-01, v18;
	v15 =	vmul.f32 v17, v16;
	v16 =	vadd.f32 $-2.921026760e-02, v45  }
0x51: {  	v46 =	vmax.f32 v11, $0.0e+00;
	v11 =	vmul.f32 v44, v11;
	v22 =	vadd.f32 $-1.358394180e-01, v22  }
0x52: {  	v17 =	vmul.f32 v47, v20;
	v49 =	vand.u32 $0x7FFFFFFF, v23;
	v16 =	vmul.f32 v16, v26  }
0x53: {  	s26 =	sor.u32 $0x8020, s19;
	v15 =	vadd.f32 v15, v46;
	v48 =	vmul.f32 v22, v24;
	v27 =	vpop (erf);
	v22 =	vsub.f32 $0.0e+00, v49  }
0x54: {  	v50 =	vld [tilespmem:s26+$0x0];
	v17 =	vadd.f32 $-4.999925490e-01, v17;
	v28 =	vmul.f32 $5.186003630e-03, v27;
	v16 =	vadd.f32 $7.754038270e-02, v16  }
0x55: {  	s25 =	sor.u32 $0x70, s19;
	v15 =	vsub.f32 v15, v11;
	v18 =	vadd.f32 $1.905595510e-01, v48;
	v29 =	vmul.f32 $1.442695020e+00, v22  }
0x56: {  	v11 =	vadd.f32 v10, v2;
	v22 =	vld [tilespmem:s25+$0x0];
	v28 =	vadd.f32 $-2.921026760e-02, v28;
	v2 =	vmul.f32 v16, v26  }
0x57: {  	v54 =	vmax.f32 v12, $0.0e+00;
	v18 =	vmul.f32 v18, v24;
	(erf) = vpow2.f32 v29  }
0x58: {  	v10 =	vadd.f32 v15, v3;
	v3 =	vmul.f32 v17, v20;
	v15 =	vmul.f32 v28, v27  }
0x59: {  	s29 =	sor.u32 $0x8030, s19;
	v12 =	vmul.f32 v50, v12;
	v52 =	vadd.f32 $-1.358394180e-01, v2;
	v51 =	vadd.f32 $-2.482564900e-01, v18  }
0x5a: {  	v63 =	vld [tilespmem:s29+$0x0];
	vm4 =	vgt.f32 v44, $5.000000000e-01;
	v3 =	vadd.f32 $9.999999400e-01, v3;
	v15 =	vadd.f32 $7.754038270e-02, v15  }
0x5b: {  	v18 =	vmul.f32 v52, v26;
	v53 =	vand.u32 $0x7FFFFFFF, v22;
	v17 =	vmul.f32 v51, v24  }
0x5c: {  	v3 =	vmul.f32 v3, v20;
	v25 =	vsub.f32 $0.0e+00, v53;
	v15 =	vmul.f32 v15, v27  }
0x5d: {  	vm5 =	vgt.f32 v50, $5.000000000e-01;
	s31 =	sor.u32 $0x8040, s19;
	v18 =	vadd.f32 $1.905595510e-01, v18;
	v17 =	vadd.f32 $3.331601020e-01, v17  }
0x5e: {  	v38 =	vld [tilespmem:s31+$0x0];
	v3 =	vadd.f32 v3, v54;
	v55 =	vmul.f32 $1.442695020e+00, v25;
	v15 =	vadd.f32 $-1.358394180e-01, v15  }
0x5f: {  	s28 =	sor.u32 $0x400, s19;
	vm6 =	vgt.f32 v63, $5.000000000e-01;
	v18 =	vmul.f32 v18, v26;
	v17 =	vmul.f32 v17, v24  }
0x60: {  	v57 =	vsub.f32 v3, v12;
	v12 =	vld [tilespmem:s28+$0x0];
	v15 =	vmul.f32 v15, v27;
	v56 =	vpop (erf);
	(erf) = vpow2.f32 v55  }
0x61: {  	v35 =	vmax.f32 v5, $0.0e+00;
	v17 =	vadd.f32 $-4.999925490e-01, v17;
	v58 =	vmul.f32 $5.186003630e-03, v56  }
0x62: {  	v5 =	vmul.f32 v63, v5;
	s22 =	sor.u32 $0x8050, s19;
	v18 =	vadd.f32 $-2.482564900e-01, v18;
	v59 =	vadd.f32 $1.905595510e-01, v15  }
0x63: {  	v44 =	vld [tilespmem:s22+$0x0];
	vm7 =	vgt.f32 v38, $5.000000000e-01;
	v17 =	vmul.f32 v17, v24;
	v60 =	vadd.f32 $-2.921026760e-02, v58  }
0x64: {  	v42 =	vmax.f32 v19, $0.0e+00;
	v61 =	vmul.f32 v18, v26;
	v62 =	vmul.f32 v59, v27  }
0x65: {  	v33 =	vand.u32 $0x7FFFFFFF, v12;
	v17 =	vadd.f32 $9.999999400e-01, v17;
	v20 =	vmul.f32 v60, v56  }
0x66: {  	v19 =	vmul.f32 v38, v19;
	v34 =	vsub.f32 $0.0e+00, v33;
	v18 =	vadd.f32 $-2.482564900e-01, v62  }
0x67: {  	v16 =	vadd.f32 $3.331601020e-01, v61;
	v17 =	vmul.f32 v17, v24;
	v20 =	vadd.f32 $7.754038270e-02, v20  }
0x68: {  	s30 =	sor.u32 $0x410, s19;
	vm8 =	vgt.f32 v44, $5.000000000e-01;
	v24 =	vmul.f32 $1.442695020e+00, v34;
	v18 =	vmul.f32 v18, v27  }
0x69: {  	v16 =	vmul.f32 v16, v26;
	v28 =	vadd.f32 v17, v35;
	v20 =	vmul.f32 v20, v56;
	v36 =	vpop (erf);
	v17 =	vld [tilespmem:s30+$0x0]  }
0x6a: {  	s24 =	sor.u32 $0x8060, s19;
	(erf) = vpow2.f32 v24;
	v18 =	vadd.f32 $3.331601020e-01, v18;
	v30 =	vmul.f32 $5.186003630e-03, v36  }
0x6b: {  	v49 =	vmul.f32 v44, v14;
	v51 =	vld [tilespmem:s24+$0x0];
	v16 =	vadd.f32 $-4.999925490e-01, v16;
	v20 =	vadd.f32 $-1.358394180e-01, v20  }
0x6c: {  	v14 =	vmax.f32 v14, $0.0e+00;
	v18 =	vmul.f32 v18, v27;
	v37 =	vadd.f32 $-2.921026760e-02, v30  }
0x6d: {  	s21 =	sor.u32 $0x420, s19;
	v63 =	vmax.f32 v22, $0.0e+00;
	v16 =	vmul.f32 v16, v26;
	v20 =	vmul.f32 v20, v56  }
0x6e: {  	v39 =	vadd.f32 $-4.999925490e-01, v18;
	v40 =	vmul.f32 v37, v36;
	v41 =	vand.u32 $0x7FFFFFFF, v17;
	v18 =	vld [tilespmem:s21+$0x0]  }
0x6f: {  	v54 =	vmax.f32 v23, $0.0e+00;
	v20 =	vadd.f32 $1.905595510e-01, v20;
	v24 =	vsub.f32 $0.0e+00, v41  }
0x70: {  	v23 =	vmul.f32 v51, v23;
	v16 =	vadd.f32 $9.999999400e-01, v16;
	v31 =	vadd.f32 $7.754038270e-02, v40  }
0x71: {  	v15 =	vadd.f32 v57, v4;
	v20 =	vmul.f32 v20, v56;
	v24 =	vmul.f32 $1.442695020e+00, v24  }
0x72: {  	v28 =	vsub.f32 v28, v5;
	v26 =	vmul.f32 v16, v26;
	v43 =	vmul.f32 v31, v36  }
0x73: {  	v45 =	vpop (erf);
	v20 =	vadd.f32 $-2.482564900e-01, v20;
	(erf) = vpow2.f32 v24;
	v32 =	vand.u32 $0x7FFFFFFF, v18  }
0x74: {  	s25 =	sor.u32 $0x440, s19;
	v46 =	vmul.f32 $5.186003630e-03, v45;
	v30 =	vadd.f32 $-1.358394180e-01, v43;
	v48 =	vsub.f32 $0.0e+00, v32  }
0x75: {  	v21 =	vld [tilespmem:s25+$0x0];
	v16 =	vadd.f32 v28, v6;
	v6 =	vmul.f32 v39, v27;
	v20 =	vmul.f32 v20, v56  }
0x76: {  	s26 =	sor.u32 $0x8070, s19;
	v24 =	vadd.f32 $-2.921026760e-02, v46;
	v47 =	vmul.f32 v30, v36;
	v30 =	vmul.f32 $1.442695020e+00, v48  }
0x77: {  	vm9 =	vgt.f32 v51, $5.000000000e-01;
	v59 =	vld [tilespmem:s26+$0x0];
	v26 =	vadd.f32 v26, v42;
	v20 =	vadd.f32 $3.331601020e-01, v20  }
0x78: {  	v6 =	vadd.f32 $9.999999400e-01, v6;
	v24 =	vmul.f32 v24, v45;
	(erf) = vpow2.f32 v30  }
0x79: {  	v19 =	vsub.f32 v26, v19;
	v26 =	vadd.f32 $1.905595510e-01, v47;
	v20 =	vmul.f32 v20, v56  }
0x7a: {  	s23 =	sor.u32 $0x430, s19;
	v58 =	vand.u32 $0x7FFFFFFF, v21;
	v6 =	vmul.f32 v6, v27;
	v24 =	vadd.f32 $7.754038270e-02, v24  }
0x7b: {  	v26 =	vmul.f32 v26, v36;
	v50 =	vadd.f32 $-4.999925490e-01, v20;
	v20 =	vadd.f32 v19, v9;
	v19 =	vld [tilespmem:s23+$0x0]  }
0x7c: {  	vm10 =	vgt.f32 v59, $5.000000000e-01;
	v51 =	vmax.f32 v17, $0.0e+00;
	v24 =	vmul.f32 v24, v45  }
0x7d: {  	v14 =	vadd.f32 v6, v14;
	v26 =	vadd.f32 $-2.482564900e-01, v26;
	v25 =	vpop (erf);
	v9 =	vmul.f32 v50, v56  }
0x7e: {  	v43 =	vmax.f32 v12, $0.0e+00;
	v52 =	vmul.f32 $5.186003630e-03, v25;
	v24 =	vadd.f32 $-1.358394180e-01, v24  }
0x7f: {  	v14 =	vsub.f32 v14, v49;
	v26 =	vmul.f32 v26, v36;
	v9 =	vadd.f32 $9.999999400e-01, v9  }
0x80: {  	v53 =	vadd.f32 $-2.921026760e-02, v52;
	v24 =	vmul.f32 v24, v45;
	v55 =	vand.u32 $0x7FFFFFFF, v19  }
0x81: {  	v26 =	vadd.f32 $3.331601020e-01, v26;
	v9 =	vmul.f32 v9, v56;
	v33 =	vpop (erf);
	v32 =	vsub.f32 $0.0e+00, v55  }
0x82: {  	v28 =	vmul.f32 v53, v25;
	v24 =	vadd.f32 $1.905595510e-01, v24;
	v34 =	vmul.f32 $5.186003630e-03, v33  }
0x83: {  	s28 =	sor.u32 $0x450, s19;
	v30 =	vsub.f32 $0.0e+00, v58;
	v26 =	vmul.f32 v26, v36;
	v56 =	vmul.f32 $1.442695020e+00, v32  }
0x84: {  	v27 =	vld [tilespmem:s28+$0x0];
	v28 =	vadd.f32 $7.754038270e-02, v28;
	v24 =	vmul.f32 v24, v45;
	v57 =	vadd.f32 $-2.921026760e-02, v34  }
0x85: {  	v30 =	vmul.f32 $1.442695020e+00, v30;
	v26 =	vadd.f32 $-4.999925490e-01, v26;
	(erf) = vpow2.f32 v56  }
0x86: {  	v28 =	vmul.f32 v28, v25;
	v24 =	vadd.f32 $-2.482564900e-01, v24;
	v32 =	vmul.f32 v57, v33  }
0x87: {  	v14 =	vadd.f32 v14, v7;
	v26 =	vmul.f32 v26, v36;
	(erf) = vpow2.f32 v30  }
0x88: {  	v28 =	vadd.f32 $-1.358394180e-01, v28;
	v24 =	vmul.f32 v24, v45;
	v62 =	vadd.f32 $7.754038270e-02, v32  }
0x89: {  	v42 =	vand.u32 $0x7FFFFFFF, v27;
	v9 =	vadd.f32 v9, v54;
	v60 =	vadd.f32 $9.999999400e-01, v26  }
0x8a: {  	v61 =	vmul.f32 v28, v25;
	v24 =	vadd.f32 $3.331601020e-01, v24;
	v28 =	vmul.f32 v62, v33  }
0x8b: {  	v9 =	vsub.f32 v9, v23;
	v32 =	vsub.f32 $0.0e+00, v42;
	v23 =	vmul.f32 v60, v36  }
0x8c: {  	v26 =	vadd.f32 $1.905595510e-01, v61;
	v24 =	vmul.f32 v24, v45;
	v37 =	vadd.f32 $-1.358394180e-01, v28  }
0x8d: {  	v36 =	vmul.f32 v59, v22;
	v22 =	vadd.f32 v9, v8;
	v23 =	vadd.f32 v23, v63  }
0x8e: {  	v9 =	vmul.f32 v26, v25;
	v24 =	vadd.f32 $-4.999925490e-01, v24;
	v26 =	vmul.f32 v37, v33;
	v28 =	vpop (erf)  }
0x8f: {  	s29 =	sor.u32 $0x460, s19;
	v44 =	vmul.f32 $1.442695020e+00, v32;
	v23 =	vsub.f32 v23, v36;
	v39 =	vmul.f32 $5.186003630e-03, v28  }
0x90: {  	v9 =	vadd.f32 $-2.482564900e-01, v9;
	v38 =	vmul.f32 v24, v45;
	v24 =	vld [tilespmem:s29+$0x0];
	v35 =	vpop (erf);
	v26 =	vadd.f32 $1.905595510e-01, v26  }
0x91: {  	v13 =	vadd.f32 v23, v13;
	v36 =	vmul.f32 $5.186003630e-03, v35;
	v41 =	vadd.f32 $-2.921026760e-02, v39  }
0x92: {  	v40 =	vmul.f32 v9, v25;
	v23 =	vadd.f32 $9.999999400e-01, v38;
	v26 =	vmul.f32 v26, v33  }
0x93: {  	s30 =	sor.u32 $0x8400, s19;
	(erf) = vpow2.f32 v44;
	v36 =	vadd.f32 $-2.921026760e-02, v36;
	v30 =	vmul.f32 v41, v28  }
0x94: {  	v29 =	vadd.f32 $3.331601020e-01, v40;
	v23 =	vmul.f32 v23, v45;
	v45 =	vld [tilespmem:s30+$0x0];
	v26 =	vadd.f32 $-2.482564900e-01, v26  }
0x95: {  	v46 =	vand.u32 $0x7FFFFFFF, v24;
	v36 =	vmul.f32 v36, v35;
	v30 =	vadd.f32 $7.754038270e-02, v30  }
0x96: {  	s31 =	sor.u32 $0x470, s19;
	v29 =	vmul.f32 v29, v25;
	v31 =	vsub.f32 $0.0e+00, v46;
	v26 =	vmul.f32 v26, v33  }
0x97: {  	v34 =	vadd.f32 v23, v43;
	v23 =	vld [tilespmem:s31+$0x0];
	v49 =	vadd.f32 $7.754038270e-02, v36;
	v30 =	vmul.f32 v30, v28  }
0x98: {  	v29 =	vadd.f32 $-4.999925490e-01, v29;
	v31 =	vmul.f32 $1.442695020e+00, v31;
	v26 =	vadd.f32 $3.331601020e-01, v26  }
0x99: {  	v12 =	vmul.f32 v45, v12;
	v48 =	vadd.f32 $-1.358394180e-01, v30;
	v30 =	vmul.f32 v49, v35  }
0x9a: {  	v38 =	vmax.f32 v18, $0.0e+00;
	v47 =	vmul.f32 v29, v25;
	v26 =	vmul.f32 v26, v33  }
0x9b: {  	(erf) = vpow2.f32 v31;
	v29 =	vmul.f32 v48, v28;
	v30 =	vadd.f32 $-1.358394180e-01, v30  }
0x9c: {  	v12 =	vsub.f32 v34, v12;
	v54 =	vand.u32 $0x7FFFFFFF, v23;
	v26 =	vadd.f32 $-4.999925490e-01, v26  }
0x9d: {  	s21 =	sor.u32 $0x8410, s19;
	v34 =	vpop (erf);
	v50 =	vadd.f32 $9.999999400e-01, v47;
	v29 =	vadd.f32 $1.905595510e-01, v29;
	v30 =	vmul.f32 v30, v35  }
0x9e: {  	s22 =	sor.u32 $0x8420, s19;
	v37 =	vmul.f32 $5.186003630e-03, v34;
	v52 =	vmul.f32 v26, v33;
	v26 =	vadd.f32 v12, v11;
	v11 =	vld [tilespmem:s21+$0x0]  }
0x9f: {  	v36 =	vsub.f32 $0.0e+00, v54;
	v12 =	vld [tilespmem:s22+$0x0];
	v29 =	vmul.f32 v29, v28;
	v30 =	vadd.f32 $1.905595510e-01, v30  }
0xa0: {  	v25 =	vmul.f32 v50, v25;
	v55 =	vadd.f32 $-2.921026760e-02, v37;
	v53 =	vadd.f32 $9.999999400e-01, v52  }
0xa1: {  	v36 =	vmul.f32 $1.442695020e+00, v36;
	v29 =	vadd.f32 $-2.482564900e-01, v29;
	v30 =	vmul.f32 v30, v35  }
0xa2: {  	v63 =	vmax.f32 v19, $0.0e+00;
	v31 =	vmul.f32 v53, v33;
	v33 =	vmul.f32 v55, v34  }
0xa3: {  	v25 =	vadd.f32 v25, v51;
	v29 =	vmul.f32 v29, v28;
	v17 =	vmul.f32 v11, v17  }
0xa4: {  	s23 =	sor.u32 $0x800, s19;
	v18 =	vmul.f32 v12, v18;
	v31 =	vadd.f32 v31, v38;
	v38 =	vpop (erf);
	(erf) = vpow2.f32 v36  }
0xa5: {  	v30 =	vadd.f32 $-2.482564900e-01, v30;
	v56 =	vadd.f32 $3.331601020e-01, v29;
	v57 =	vmul.f32 $5.186003630e-03, v38  }
0xa6: {  	vm1 =	vgt.f32 v45, $5.000000000e-01;
	v33 =	vadd.f32 $7.754038270e-02, v33;
	v29 =	vld [tilespmem:s23+$0x0];
	v17 =	vsub.f32 v25, v17  }
0xa7: {  	v18 =	vsub.f32 v31, v18;
	v37 =	vmul.f32 v56, v28;
	v58 =	vadd.f32 $-2.921026760e-02, v57  }
0xa8: {  	v30 =	vmul.f32 v30, v35;
	v33 =	vmul.f32 v33, v34;
	v25 =	vadd.f32 v17, v10  }
0xa9: {  	v17 =	vadd.f32 v18, v15;
	v10 =	vadd.f32 $-4.999925490e-01, v37;
	v59 =	vmul.f32 v58, v38  }
0xaa: {  	v48 =	vmax.f32 v21, $0.0e+00;
	v15 =	vadd.f32 $3.331601020e-01, v30;
	v61 =	vadd.f32 $-1.358394180e-01, v33  }
0xab: {  	s24 =	sor.u32 $0x810, s19;
	v60 =	vmul.f32 v10, v28;
	v10 =	vand.u32 $0x7FFFFFFF, v29;
	v18 =	vadd.f32 $7.754038270e-02, v59  }
0xac: {  	v57 =	vmax.f32 v27, $0.0e+00;
	v31 =	vmul.f32 v61, v34;
	v62 =	vsub.f32 $0.0e+00, v10;
	v10 =	vld [tilespmem:s24+$0x0]  }
0xad: {  	s25 =	sor.u32 $0x8430, s19;
	v15 =	vmul.f32 v15, v35;
	v30 =	vadd.f32 $9.999999400e-01, v60;
	v42 =	vmul.f32 v18, v38;
	v39 =	vpop (erf)  }
0xae: {  	v43 =	vadd.f32 $1.905595510e-01, v31;
	v18 =	vld [tilespmem:s25+$0x0];
	v32 =	vmul.f32 $1.442695020e+00, v62;
	v44 =	vmul.f32 $5.186003630e-03, v39  }
0xaf: {  	v15 =	vadd.f32 $-4.999925490e-01, v15;
	v28 =	vmul.f32 v30, v28;
	v36 =	vadd.f32 $-1.358394180e-01, v42  }
0xb0: {  	v30 =	vmul.f32 v43, v34;
	(erf) = vpow2.f32 v32;
	v31 =	vadd.f32 $-2.921026760e-02, v44  }
0xb1: {  	v45 =	vand.u32 $0x7FFFFFFF, v10;
	v33 =	vadd.f32 v28, v63;
	v46 =	vmul.f32 v36, v38  }
0xb2: {  	s26 =	sor.u32 $0x820, s19;
	v15 =	vmul.f32 v15, v35;
	v30 =	vadd.f32 $-2.482564900e-01, v30;
	v32 =	vsub.f32 $0.0e+00, v45  }
0xb3: {  	v28 =	vld [tilespmem:s26+$0x0];
	v31 =	vmul.f32 v31, v39;
	v19 =	vmul.f32 v18, v19;
	v36 =	vadd.f32 $1.905595510e-01, v46  }
0xb4: {  	s28 =	sor.u32 $0x8440, s19;
	v15 =	vadd.f32 $9.999999400e-01, v15;
	v30 =	vmul.f32 v30, v34;
	v32 =	vmul.f32 $1.442695020e+00, v32  }
0xb5: {  	v31 =	vadd.f32 $7.754038270e-02, v31;
	v33 =	vsub.f32 v33, v19;
	v19 =	vld [tilespmem:s28+$0x0];
	v36 =	vmul.f32 v36, v38  }
0xb6: {  	v63 =	vmax.f32 v24, $0.0e+00;
	v47 =	vadd.f32 $3.331601020e-01, v30;
	(erf) = vpow2.f32 v32  }
0xb7: {  	s21 =	sor.u32 $0x840, s19;
	v15 =	vmul.f32 v15, v35;
	v31 =	vmul.f32 v31, v39;
	v49 =	vadd.f32 $-2.482564900e-01, v36  }
0xb8: {  	v37 =	vld [tilespmem:s21+$0x0];
	v30 =	vadd.f32 v33, v16;
	v53 =	vand.u32 $0x7FFFFFFF, v28;
	v50 =	vmul.f32 v47, v34  }
0xb9: {  	v35 =	vsub.f32 $0.0e+00, v53;
	v31 =	vadd.f32 $-1.358394180e-01, v31;
	v40 =	vpop (erf);
	v51 =	vmul.f32 v49, v38  }
0xba: {  	v16 =	vadd.f32 $-4.999925490e-01, v50;
	v21 =	vmul.f32 v19, v21;
	v52 =	vmul.f32 $5.186003630e-03, v40  }
0xbb: {  	s29 =	sor.u32 $0x830, s19;
	v15 =	vadd.f32 v15, v48;
	v54 =	vmul.f32 $1.442695020e+00, v35;
	v31 =	vmul.f32 v31, v39  }
0xbc: {  	s22 =	sor.u32 $0x850, s19;
	v35 =	vld [tilespmem:s29+$0x0];
	v32 =	vadd.f32 $3.331601020e-01, v51;
	v16 =	vmul.f32 v16, v34;
	v33 =	vadd.f32 $-2.921026760e-02, v52  }
0xbd: {  	s30 =	sor.u32 $0x8450, s19;
	v36 =	vld [tilespmem:s22+$0x0];
	v15 =	vsub.f32 v15, v21;
	v51 =	vand.u32 $0x7FFFFFFF, v37;
	v31 =	vadd.f32 $1.905595510e-01, v31  }
0xbe: {  	v21 =	vld [tilespmem:s30+$0x0];
	v52 =	vmax.f32 v23, $0.0e+00;
	v32 =	vmul.f32 v32, v38;
	v33 =	vmul.f32 v33, v40  }
0xbf: {  	v16 =	vadd.f32 $9.999999400e-01, v16;
	v15 =	vadd.f32 v15, v20;
	v41 =	vpop (erf);
	(erf) = vpow2.f32 v54  }
0xc0: {  	v31 =	vmul.f32 v31, v39;
	v55 =	vadd.f32 $7.754038270e-02, v33;
	v56 =	vmul.f32 $5.186003630e-03, v41  }
0xc1: {  	v59 =	vand.u32 $0x7FFFFFFF, v35;
	v16 =	vmul.f32 v16, v34;
	v32 =	vadd.f32 $-4.999925490e-01, v32  }
0xc2: {  	v60 =	vsub.f32 $0.0e+00, v59;
	v20 =	vmul.f32 v55, v40;
	v33 =	vadd.f32 $-2.921026760e-02, v56  }
0xc3: {  	v54 =	vand.u32 $0x7FFFFFFF, v36;
	v31 =	vadd.f32 $-2.482564900e-01, v31;
	v27 =	vmul.f32 v21, v27  }
0xc4: {  	v32 =	vmul.f32 v32, v38;
	v20 =	vadd.f32 $-1.358394180e-01, v20;
	v33 =	vmul.f32 v33, v41  }
0xc5: {  	s31 =	sor.u32 $0x8460, s19;
	v16 =	vadd.f32 v16, v57;
	v62 =	vmul.f32 $1.442695020e+00, v60;
	v58 =	vmul.f32 v31, v39  }
0xc6: {  	v31 =	vld [tilespmem:s31+$0x0];
	v32 =	vadd.f32 $9.999999400e-01, v32;
	v20 =	vmul.f32 v20, v40;
	v33 =	vadd.f32 $7.754038270e-02, v33  }
0xc7: {  	v57 =	vmax.f32 v29, $0.0e+00;
	v55 =	vsub.f32 $0.0e+00, v54;
	v34 =	vadd.f32 $3.331601020e-01, v58  }
0xc8: {  	v61 =	vmul.f32 v32, v38;
	v20 =	vadd.f32 $1.905595510e-01, v20;
	v33 =	vmul.f32 v33, v41;
	v42 =	vpop (erf)  }
0xc9: {  	v16 =	vsub.f32 v16, v27;
	(erf) = vpow2.f32 v62;
	v43 =	vmul.f32 $5.186003630e-03, v42  }
0xca: {  	v34 =	vmul.f32 v34, v39;
	v20 =	vmul.f32 v20, v40;
	v33 =	vadd.f32 $-1.358394180e-01, v33  }
0xcb: {  	v27 =	vadd.f32 v61, v63;
	v24 =	vmul.f32 v31, v24;
	v45 =	vadd.f32 $-2.921026760e-02, v43  }
0xcc: {  	v44 =	vadd.f32 $-4.999925490e-01, v34;
	v20 =	vadd.f32 $-2.482564900e-01, v20;
	v33 =	vmul.f32 v33, v41  }
0xcd: {  	v46 =	vsub.f32 v27, v24;
	v24 =	vsub.f32 $0.0e+00, v51;
	v47 =	vmul.f32 v45, v42  }
0xce: {  	v32 =	vmul.f32 v44, v39;
	v20 =	vmul.f32 v20, v40;
	v49 =	vadd.f32 $1.905595510e-01, v33  }
0xcf: {  	v38 =	vmul.f32 $1.442695020e+00, v55;
	v24 =	vmul.f32 $1.442695020e+00, v24;
	v50 =	vadd.f32 $7.754038270e-02, v47  }
0xd0: {  	v48 =	vadd.f32 $9.999999400e-01, v32;
	v20 =	vadd.f32 $3.331601020e-01, v20;
	v33 =	vmul.f32 v49, v41  }
0xd1: {  	s23 =	sor.u32 $0x8470, s19;
	v14 =	vadd.f32 v16, v14;
	(erf) = vpow2.f32 v24;
	v16 =	vmul.f32 v50, v42  }
0xd2: {  	s24 =	sor.u32 $0x8800, s19;
	v32 =	vld [tilespmem:s23+$0x0];
	v27 =	vmul.f32 v48, v39;
	v39 =	vpop (erf);
	v20 =	vmul.f32 v20, v40;
	v33 =	vadd.f32 $-2.482564900e-01, v33  }
0xd3: {  	v24 =	vld [tilespmem:s24+$0x0];
	(erf) = vpow2.f32 v38;
	v53 =	vmul.f32 $5.186003630e-03, v39;
	v16 =	vadd.f32 $-1.358394180e-01, v16  }
0xd4: {  	s28 =	sor.u32 $0x870, s19;
	v22 =	vadd.f32 v46, v22;
	v20 =	vadd.f32 $-4.999925490e-01, v20;
	v33 =	vmul.f32 v33, v41  }
0xd5: {  	v43 =	vmax.f32 v10, $0.0e+00;
	v38 =	vld [tilespmem:s28+$0x0];
	v34 =	vadd.f32 $-2.921026760e-02, v53;
	v16 =	vmul.f32 v16, v42  }
0xd6: {  	v27 =	vadd.f32 v27, v52;
	v20 =	vmul.f32 v20, v40;
	v33 =	vadd.f32 $3.331601020e-01, v33  }
0xd7: {  	v23 =	vmul.f32 v32, v23;
	v34 =	vmul.f32 v34, v39;
	v16 =	vadd.f32 $1.905595510e-01, v16  }
0xd8: {  	s25 =	sor.u32 $0x860, s19;
	v29 =	vmul.f32 v24, v29;
	v20 =	vadd.f32 $9.999999400e-01, v20;
	v33 =	vmul.f32 v33, v41  }
0xd9: {  	v23 =	vsub.f32 v27, v23;
	v56 =	vadd.f32 $7.754038270e-02, v34;
	v34 =	vld [tilespmem:s25+$0x0];
	v16 =	vmul.f32 v16, v42  }
0xda: {  	v53 =	vand.u32 $0x7FFFFFFF, v38;
	v20 =	vmul.f32 v20, v40;
	v33 =	vadd.f32 $-4.999925490e-01, v33  }
0xdb: {  	v27 =	vmul.f32 v56, v39;
	v40 =	vpop (erf);
	v56 =	vmax.f32 v28, $0.0e+00;
	v16 =	vadd.f32 $-2.482564900e-01, v16  }
0xdc: {  	v61 =	vmul.f32 $5.186003630e-03, v40;
	v44 =	vpop (erf);
	v20 =	vadd.f32 v20, v57;
	v58 =	vmul.f32 v33, v41  }
0xdd: {  	v33 =	vadd.f32 v23, v13;
	v59 =	vadd.f32 $-1.358394180e-01, v27;
	v51 =	vmul.f32 $5.186003630e-03, v44  }
0xde: {  	v13 =	vmul.f32 v16, v42;
	v62 =	vand.u32 $0x7FFFFFFF, v34;
	v60 =	vadd.f32 $9.999999400e-01, v58  }
0xdf: {  	s26 =	sor.u32 $0x8810, s19;
	v20 =	vsub.f32 v20, v29;
	v16 =	vmul.f32 v59, v39;
	v29 =	vadd.f32 $-2.921026760e-02, v61  }
0xe0: {  	v23 =	vld [tilespmem:s26+$0x0];
	v63 =	vsub.f32 $0.0e+00, v62;
	v13 =	vadd.f32 $3.331601020e-01, v13;
	v27 =	vmul.f32 v60, v41  }
0xe1: {  	v16 =	vadd.f32 $1.905595510e-01, v16;
	v26 =	vadd.f32 v20, v26;
	v49 =	vmul.f32 v29, v40  }
0xe2: {  	v50 =	vmul.f32 $1.442695020e+00, v63;
	v41 =	vadd.f32 $-2.921026760e-02, v51;
	v13 =	vmul.f32 v13, v42  }
0xe3: {  	s30 =	sor.u32 $0xC00, s19;
	v48 =	vadd.f32 v27, v43;
	v16 =	vmul.f32 v16, v39;
	v27 =	vadd.f32 $7.754038270e-02, v49  }
0xe4: {  	(erf) = vpow2.f32 v50;
	v54 =	vmul.f32 v41, v44;
	v41 =	vld [tilespmem:s30+$0x0];
	v13 =	vadd.f32 $-4.999925490e-01, v13  }
0xe5: {  	s29 =	sor.u32 $0x8820, s19;
	v10 =	vmul.f32 v23, v10;
	v43 =	vsub.f32 $0.0e+00, v53;
	v52 =	vmul.f32 v27, v40  }
0xe6: {  	v16 =	vadd.f32 $-2.482564900e-01, v16;
	v27 =	vld [tilespmem:s29+$0x0];
	v29 =	vadd.f32 $7.754038270e-02, v54;
	v13 =	vmul.f32 v13, v42  }
0xe7: {  	v20 =	vsub.f32 v48, v10;
	v55 =	vmul.f32 $1.442695020e+00, v43;
	v10 =	vadd.f32 $-1.358394180e-01, v52  }
0xe8: {  	v16 =	vmul.f32 v16, v39;
	v29 =	vmul.f32 v29, v44;
	v13 =	vadd.f32 $9.999999400e-01, v13  }
0xe9: {  	(erf) = vpow2.f32 v55;
	v62 =	vand.u32 $0x7FFFFFFF, v41;
	v10 =	vmul.f32 v10, v40  }
0xea: {  	v16 =	vadd.f32 $3.331601020e-01, v16;
	v60 =	vadd.f32 $-1.358394180e-01, v29;
	v13 =	vmul.f32 v13, v42  }
0xeb: {  	v57 =	vmul.f32 v27, v28;
	v42 =	vsub.f32 $0.0e+00, v62;
	v58 =	vadd.f32 $1.905595510e-01, v10  }
0xec: {  	v28 =	vadd.f32 v20, v25;
	v16 =	vmul.f32 v16, v39;
	v25 =	vmul.f32 v60, v44  }
0xed: {  	s21 =	sor.u32 $0xC10, s19;
	v13 =	vadd.f32 v13, v56;
	v45 =	vpop (erf);
	v46 =	vmul.f32 $1.442695020e+00, v42;
	v59 =	vmul.f32 v58, v40  }
0xee: {  	v42 =	vld [tilespmem:s21+$0x0];
	v16 =	vadd.f32 $-4.999925490e-01, v16;
	v61 =	vmul.f32 $5.186003630e-03, v45;
	v25 =	vadd.f32 $1.905595510e-01, v25  }
0xef: {  	vm11 =	vgt.f32 v11, $5.000000000e-01;
	v13 =	vsub.f32 v13, v57;
	v20 =	vadd.f32 $-2.482564900e-01, v59  }
0xf0: {  	v49 =	vmax.f32 v35, $0.0e+00;
	v16 =	vmul.f32 v16, v39;
	v63 =	vadd.f32 $-2.921026760e-02, v61  }
0xf1: {  	s31 =	sor.u32 $0x8830, s19;
	v48 =	vmul.f32 v25, v44;
	v29 =	vadd.f32 v13, v17;
	v20 =	vmul.f32 v20, v40  }
0xf2: {  	v47 =	vpop (erf);
	(erf) = vpow2.f32 v46;
	v11 =	vadd.f32 $9.999999400e-01, v16;
	v16 =	vld [tilespmem:s31+$0x0];
	v13 =	vmul.f32 v63, v45  }
0xf3: {  	v50 =	vmul.f32 $5.186003630e-03, v47;
	v53 =	vand.u32 $0x7FFFFFFF, v42;
	v43 =	vadd.f32 $3.331601020e-01, v20  }
0xf4: {  	v11 =	vmul.f32 v11, v39;
	v13 =	vadd.f32 $7.754038270e-02, v13;
	v20 =	vadd.f32 $-2.482564900e-01, v48  }
0xf5: {  	v52 =	vadd.f32 $-2.921026760e-02, v50;
	v39 =	vsub.f32 $0.0e+00, v53;
	v17 =	vmul.f32 v43, v40  }
0xf6: {  	v11 =	vadd.f32 v11, v49;
	v13 =	vmul.f32 v13, v45;
	v20 =	vmul.f32 v20, v44  }
0xf7: {  	s22 =	sor.u32 $0xC20, s19;
	v51 =	vmul.f32 v16, v35;
	v35 =	vmul.f32 v52, v47;
	v17 =	vadd.f32 $-4.999925490e-01, v17  }
0xf8: {  	v39 =	vmul.f32 $1.442695020e+00, v39;
	v43 =	vld [tilespmem:s22+$0x0];
	v13 =	vadd.f32 $-1.358394180e-01, v13;
	v20 =	vadd.f32 $3.331601020e-01, v20  }
0xf9: {  	s23 =	sor.u32 $0x8840, s19;
	v11 =	vsub.f32 v11, v51;
	v35 =	vadd.f32 $7.754038270e-02, v35;
	v17 =	vmul.f32 v17, v40  }
0xfa: {  	vm12 =	vgt.f32 v12, $5.000000000e-01;
	v13 =	vmul.f32 v13, v45;
	v54 =	vmul.f32 v20, v44;
	v20 =	vld [tilespmem:s23+$0x0]  }
0xfb: {  	v46 =	vpop (erf);
	(erf) = vpow2.f32 v39;
	v25 =	vadd.f32 v11, v30;
	v55 =	vmul.f32 v35, v47  }
0xfc: {  	v56 =	vmul.f32 $5.186003630e-03, v46;
	v11 =	vadd.f32 $9.999999400e-01, v17;
	v13 =	vadd.f32 $1.905595510e-01, v13  }
0xfd: {  	v57 =	vmax.f32 v37, $0.0e+00;
	v58 =	vand.u32 $0x7FFFFFFF, v43;
	v30 =	vadd.f32 $-1.358394180e-01, v55  }
0xfe: {  	v35 =	vadd.f32 $-2.921026760e-02, v56;
	v11 =	vmul.f32 v11, v40;
	v13 =	vmul.f32 v13, v45  }
0xff: {  	v17 =	vadd.f32 $-4.999925490e-01, v54;
	v30 =	vmul.f32 v30, v47;
	v37 =	vmul.f32 v20, v37  }
0x100: {  	v35 =	vmul.f32 v35, v46;
	v11 =	vadd.f32 v11, v57;
	v13 =	vadd.f32 $-2.482564900e-01, v13  }
0x101: {  	v39 =	vsub.f32 $0.0e+00, v58;
	v17 =	vmul.f32 v17, v44;
	v30 =	vadd.f32 $1.905595510e-01, v30  }
0x102: {  	v13 =	vmul.f32 v13, v45;
	v37 =	vsub.f32 v11, v37;
	v11 =	vadd.f32 $7.754038270e-02, v35  }
0x103: {  	s24 =	sor.u32 $0x8850, s19;
	v62 =	vmax.f32 v36, $0.0e+00;
	v60 =	vmul.f32 $1.442695020e+00, v39;
	v30 =	vmul.f32 v30, v47  }
0x104: {  	v59 =	vadd.f32 $9.999999400e-01, v17;
	v17 =	vld [tilespmem:s24+$0x0];
	v48 =	vpop (erf);
	v13 =	vadd.f32 $3.331601020e-01, v13;
	v63 =	vmul.f32 v11, v46  }
0x105: {  	(erf) = vpow2.f32 v60;
	v51 =	vmul.f32 $5.186003630e-03, v48;
	v30 =	vadd.f32 $-2.482564900e-01, v30  }
0x106: {  	s25 =	sor.u32 $0xC30, s19;
	v61 =	vmul.f32 v59, v44;
	v13 =	vmul.f32 v13, v45;
	v44 =	vadd.f32 $-1.358394180e-01, v63  }
0x107: {  	v39 =	vld [tilespmem:s25+$0x0];
	v35 =	vadd.f32 v37, v15;
	v49 =	vadd.f32 $-2.921026760e-02, v51;
	v15 =	vmul.f32 v30, v47  }
0x108: {  	s26 =	sor.u32 $0xC40, s19;
	v40 =	vadd.f32 v61, v62;
	v13 =	vadd.f32 $-4.999925490e-01, v13;
	v52 =	vmul.f32 v44, v46  }
0x109: {  	v36 =	vmul.f32 v17, v36;
	v53 =	vmul.f32 v49, v48;
	v44 =	vld [tilespmem:s26+$0x0];
	v12 =	vadd.f32 $3.331601020e-01, v15  }
0x10a: {  	v54 =	vmax.f32 v34, $0.0e+00;
	v13 =	vmul.f32 v13, v45;
	v15 =	vadd.f32 $1.905595510e-01, v52  }
0x10b: {  	v36 =	vsub.f32 v40, v36;
	v37 =	vadd.f32 $7.754038270e-02, v53;
	v12 =	vmul.f32 v12, v47  }
0x10c: {  	v13 =	vadd.f32 $9.999999400e-01, v13;
	v55 =	vmul.f32 v15, v46;
	v15 =	vand.u32 $0x7FFFFFFF, v39  }
0x10d: {  	v52 =	vmax.f32 v38, $0.0e+00;
	v37 =	vmul.f32 v37, v48;
	v56 =	vsub.f32 $0.0e+00, v15  }
0x10e: {  	s28 =	sor.u32 $0x8860, s19;
	v12 =	vadd.f32 $-4.999925490e-01, v12;
	v60 =	vand.u32 $0x7FFFFFFF, v44;
	v13 =	vmul.f32 v13, v45;
	v45 =	vpop (erf)  }
0x10f: {  	v15 =	vld [tilespmem:s28+$0x0];
	v40 =	vadd.f32 $-2.482564900e-01, v55;
	v50 =	vmul.f32 $5.186003630e-03, v45;
	v57 =	vmul.f32 $1.442695020e+00, v56  }
0x110: {  	v12 =	vmul.f32 v12, v47;
	v30 =	vadd.f32 v13, v54;
	v13 =	vadd.f32 $-1.358394180e-01, v37  }
0x111: {  	s29 =	sor.u32 $0x8870, s19;
	v40 =	vmul.f32 v40, v46;
	v37 =	vsub.f32 $0.0e+00, v60;
	v58 =	vadd.f32 $-2.921026760e-02, v50  }
0x112: {  	(erf) = vpow2.f32 v57;
	v12 =	vadd.f32 $9.999999400e-01, v12;
	v59 =	vmul.f32 v13, v48;
	v13 =	vld [tilespmem:s29+$0x0]  }
0x113: {  	v40 =	vadd.f32 $3.331601020e-01, v40;
	v37 =	vmul.f32 $1.442695020e+00, v37;
	v49 =	vmul.f32 v58, v45  }
0x114: {  	s30 =	sor.u32 $0xC50, s19;
	v34 =	vmul.f32 v15, v34;
	v12 =	vmul.f32 v12, v47;
	v50 =	vadd.f32 $1.905595510e-01, v59  }
0x115: {  	v62 =	vmul.f32 v40, v46;
	(erf) = vpow2.f32 v37;
	v40 =	vld [tilespmem:s30+$0x0];
	v61 =	vadd.f32 $7.754038270e-02, v49  }
0x116: {  	v30 =	vsub.f32 v30, v34;
	v53 =	vadd.f32 v12, v52;
	v63 =	vmul.f32 v50, v48  }
0x117: {  	v34 =	vadd.f32 $-4.999925490e-01, v62;
	v47 =	vmul.f32 v61, v45;
	v38 =	vmul.f32 v13, v38  }
0x118: {  	v37 =	vadd.f32 v36, v14;
	v49 =	vadd.f32 $-2.482564900e-01, v63  }
0x119: {  	v34 =	vmul.f32 v34, v46;
	v47 =	vadd.f32 $-1.358394180e-01, v47;
	v14 =	vsub.f32 v53, v38  }
0x11a: {  	s31 =	sor.u32 $0x8C00, s19;
	v38 =	vadd.f32 v30, v22;
	v58 =	vand.u32 $0x7FFFFFFF, v40;
	v54 =	vmul.f32 v49, v48  }
0x11b: {  	v56 =	vadd.f32 $9.999999400e-01, v34;
	v55 =	vmul.f32 v47, v45;
	v30 =	vadd.f32 v14, v33;
	v14 =	vld [tilespmem:s31+$0x0]  }
0x11c: {  	v9 =	vmpcnt.ones.xlane vm10;
	s21 =	sor.u32 $0xC60, s19;
	v59 =	vsub.f32 $0.0e+00, v58;
	v49 =	vpop (erf);
	v22 =	vadd.f32 $3.331601020e-01, v54  }
0x11d: {  	v47 =	vld [tilespmem:s21+$0x0];
	v33 =	vmul.f32 v56, v46;
	v57 =	vmul.f32 $5.186003630e-03, v49;
	v36 =	vadd.f32 $1.905595510e-01, v55  }
0x11e: {  	v60 =	vmax.f32 v41, $0.0e+00;
	v46 =	vmul.f32 $1.442695020e+00, v59;
	v50 =	vpop (erf);
	v22 =	vmul.f32 v22, v48  }
0x11f: {  	v51 =	vmul.f32 $5.186003630e-03, v50;
	v34 =	vadd.f32 $-2.921026760e-02, v57;
	v36 =	vmul.f32 v36, v45  }
0x120: {  	v33 =	vadd.f32 v33, v60;
	(erf) = vpow2.f32 v46;
	v41 =	vmul.f32 v14, v41  }
0x121: {  	v61 =	vadd.f32 $-2.921026760e-02, v51;
	v34 =	vmul.f32 v34, v49;
	v36 =	vadd.f32 $-2.482564900e-01, v36  }
0x122: {  	v22 =	vadd.f32 $-4.999925490e-01, v22;
	v62 =	vand.u32 $0x7FFFFFFF, v47;
	v33 =	vsub.f32 v33, v41  }
0x123: {  	v41 =	vmul.f32 v61, v50;
	v34 =	vadd.f32 $7.754038270e-02, v34;
	v36 =	vmul.f32 v36, v45  }
0x124: {  	vm2 =	vgt.f32 v18, $5.000000000e-01;
	s22 =	sor.u32 $0x8C10, s19;
	v46 =	vsub.f32 $0.0e+00, v62;
	v22 =	vmul.f32 v22, v48  }
0x125: {  	v18 =	vld [tilespmem:s22+$0x0];
	v41 =	vadd.f32 $7.754038270e-02, v41;
	v34 =	vmul.f32 v34, v49;
	v36 =	vadd.f32 $3.331601020e-01, v36  }
0x126: {  	vm3 =	vgt.f32 v19, $5.000000000e-01;
	s23 =	sor.u32 $0xC70, s19;
	v46 =	vmul.f32 $1.442695020e+00, v46;
	v22 =	vadd.f32 $9.999999400e-01, v22  }
0x127: {  	v53 =	vmul.f32 v41, v50;
	v41 =	vld [tilespmem:s23+$0x0];
	v34 =	vadd.f32 $-1.358394180e-01, v34;
	v36 =	vmul.f32 v36, v45  }
0x128: {  	v63 =	vmax.f32 v42, $0.0e+00;
	(erf) = vpow2.f32 v46;
	v22 =	vmul.f32 v22, v48  }
0x129: {  	v48 =	vpop (erf);
	v57 =	vadd.f32 $-1.358394180e-01, v53;
	v34 =	vmul.f32 v34, v49;
	v36 =	vadd.f32 $-4.999925490e-01, v36  }
0x12a: {  	s24 =	sor.u32 $0x8C20, s19;
	v56 =	vmul.f32 v18, v42;
	v33 =	vadd.f32 v33, v26;
	v58 =	vmul.f32 $5.186003630e-03, v48  }
0x12b: {  	v19 =	vld [tilespmem:s24+$0x0];
	v42 =	vmul.f32 v57, v50;
	v55 =	vadd.f32 $1.905595510e-01, v34;
	v36 =	vmul.f32 v36, v45  }
0x12c: {  	v54 =	vadd.f32 v22, v63;
	v26 =	vadd.f32 $-2.921026760e-02, v58;
	v59 =	vand.u32 $0x7FFFFFFF, v41  }
0x12d: {  	v42 =	vadd.f32 $1.905595510e-01, v42;
	v22 =	vmul.f32 v55, v49;
	v36 =	vadd.f32 $9.999999400e-01, v36  }
0x12e: {  	s25 =	sor.u32 $0x1000, s19;
	v61 =	vmax.f32 v43, $0.0e+00;
	v60 =	vsub.f32 $0.0e+00, v59;
	v26 =	vmul.f32 v26, v48  }
0x12f: {  	v62 =	vmul.f32 v42, v50;
	v42 =	vld [tilespmem:s25+$0x0];
	v22 =	vadd.f32 $-2.482564900e-01, v22;
	v36 =	vmul.f32 v36, v45  }
0x130: {  	v43 =	vmul.f32 v19, v43;
	v34 =	vsub.f32 v54, v56;
	v45 =	vmul.f32 $1.442695020e+00, v60  }
0x131: {  	v26 =	vadd.f32 $7.754038270e-02, v26;
	v51 =	vpop (erf);
	v22 =	vmul.f32 v22, v49;
	v46 =	vadd.f32 v36, v61  }
0x132: {  	v53 =	vmul.f32 $5.186003630e-03, v51;
	v52 =	vadd.f32 $-2.482564900e-01, v62;
	(erf) = vpow2.f32 v45  }
0x133: {  	v26 =	vmul.f32 v26, v48;
	v22 =	vadd.f32 $3.331601020e-01, v22;
	v63 =	vsub.f32 v46, v43  }
0x134: {  	v46 =	vmul.f32 v52, v50;
	v52 =	vadd.f32 $-2.921026760e-02, v53;
	v56 =	vand.u32 $0x7FFFFFFF, v42  }
0x135: {  	vm10 =	vgt.f32 v21, $5.000000000e-01;
	s26 =	sor.u32 $0x1010, s19;
	v54 =	vadd.f32 $-1.358394180e-01, v26;
	v57 =	vsub.f32 $0.0e+00, v56  }
0x136: {  	v22 =	vmul.f32 v22, v49;
	v55 =	vadd.f32 $3.331601020e-01, v46;
	v43 =	vmul.f32 v52, v51;
	v46 =	vld [tilespmem:s26+$0x0]  }
0x137: {  	v60 =	vmax.f32 v39, $0.0e+00;
	v36 =	vadd.f32 v34, v28;
	v59 =	vmul.f32 $1.442695020e+00, v57  }
0x138: {  	v53 =	vadd.f32 $-4.999925490e-01, v22;
	v22 =	vmul.f32 v54, v48;
	v58 =	vadd.f32 $7.754038270e-02, v43  }
0x139: {  	v34 =	vadd.f32 v63, v29;
	v26 =	vmul.f32 v55, v50;
	(erf) = vpow2.f32 v59  }
0x13a: {  	v59 =	vmax.f32 v44, $0.0e+00;
	v22 =	vadd.f32 $1.905595510e-01, v22;
	v28 =	vmul.f32 v58, v51  }
0x13b: {  	v21 =	vmul.f32 v53, v49;
	v26 =	vadd.f32 $-4.999925490e-01, v26;
	v52 =	vpop (erf);
	v62 =	vand.u32 $0x7FFFFFFF, v46  }
0x13c: {  	v61 =	vmul.f32 v22, v48;
	v28 =	vadd.f32 $-1.358394180e-01, v28;
	v63 =	vmul.f32 $5.186003630e-03, v52  }
0x13d: {  	s28 =	sor.u32 $0x8C30, s19;
	v21 =	vadd.f32 $9.999999400e-01, v21;
	v29 =	vsub.f32 $0.0e+00, v62;
	v26 =	vmul.f32 v26, v50  }
0x13e: {  	s29 =	sor.u32 $0x8C40, s19;
	v22 =	vld [tilespmem:s28+$0x0];
	v45 =	vadd.f32 $-2.482564900e-01, v61;
	v28 =	vmul.f32 v28, v51;
	v53 =	vadd.f32 $-2.921026760e-02, v63  }
0x13f: {  	v49 =	vmul.f32 v21, v49;
	v21 =	vld [tilespmem:s29+$0x0];
	v29 =	vmul.f32 $1.442695020e+00, v29;
	v26 =	vadd.f32 $9.999999400e-01, v26  }
0x140: {  	v45 =	vmul.f32 v45, v48;
	v28 =	vadd.f32 $1.905595510e-01, v28;
	v56 =	vmul.f32 v53, v52  }
0x141: {  	v43 =	vadd.f32 v49, v60;
	(erf) = vpow2.f32 v29;
	v26 =	vmul.f32 v26, v50  }
0x142: {  	s30 =	sor.u32 $0x1020, s19;
	v58 =	vadd.f32 $3.331601020e-01, v45;
	v28 =	vmul.f32 v28, v51;
	v49 =	vadd.f32 $7.754038270e-02, v56  }
0x143: {  	v57 =	vmul.f32 v22, v39;
	v26 =	vadd.f32 v26, v59;
	v45 =	vld [tilespmem:s30+$0x0]  }
0x144: {  	s31 =	sor.u32 $0x1030, s19;
	v44 =	vmul.f32 v21, v44;
	v39 =	vmul.f32 v58, v48;
	v28 =	vadd.f32 $-2.482564900e-01, v28  }
0x145: {  	v29 =	vsub.f32 v43, v57;
	v43 =	vld [tilespmem:s31+$0x0];
	v60 =	vmul.f32 v49, v52  }
0x146: {  	v26 =	vsub.f32 v26, v44;
	v49 =	vpop (erf);
	v61 =	vadd.f32 $-4.999925490e-01, v39;
	v63 =	vmul.f32 v28, v51  }
0x147: {  	v39 =	vadd.f32 v29, v25;
	v53 =	vadd.f32 $-1.358394180e-01, v60;
	v62 =	vmul.f32 $5.186003630e-03, v49  }
0x148: {  	v35 =	vadd.f32 v26, v35;
	v56 =	vand.u32 $0x7FFFFFFF, v45;
	v25 =	vadd.f32 $3.331601020e-01, v63  }
0x149: {  	v28 =	vmul.f32 v53, v52;
	v59 =	vsub.f32 $0.0e+00, v56;
	v55 =	vadd.f32 $-2.921026760e-02, v62  }
0x14a: {  	v54 =	vmul.f32 v61, v48;
	v61 =	vand.u32 $0x7FFFFFFF, v43;
	v25 =	vmul.f32 v25, v51  }
0x14b: {  	v53 =	vpop (erf);
	v28 =	vadd.f32 $1.905595510e-01, v28;
	v29 =	vmul.f32 $1.442695020e+00, v59;
	v58 =	vmul.f32 v55, v49  }
0x14c: {  	v57 =	vadd.f32 $9.999999400e-01, v54;
	v60 =	vmul.f32 $5.186003630e-03, v53;
	v25 =	vadd.f32 $-4.999925490e-01, v25  }
0x14d: {  	v28 =	vmul.f32 v28, v52;
	(erf) = vpow2.f32 v29;
	v26 =	vadd.f32 $7.754038270e-02, v58  }
0x14e: {  	s21 =	sor.u32 $0x8C50, s19;
	v29 =	vsub.f32 $0.0e+00, v61;
	v48 =	vmul.f32 v57, v48;
	v44 =	vadd.f32 $-2.921026760e-02, v60  }
0x14f: {  	v28 =	vadd.f32 $-2.482564900e-01, v28;
	v62 =	vmul.f32 v25, v51;
	v55 =	vmul.f32 v26, v49;
	v26 =	vld [tilespmem:s21+$0x0]  }
0x150: {  	s22 =	sor.u32 $0x8C60, s19;
	v54 =	vmax.f32 v40, $0.0e+00;
	v29 =	vmul.f32 $1.442695020e+00, v29;
	v44 =	vmul.f32 v44, v53  }
0x151: {  	v25 =	vld [tilespmem:s22+$0x0];
	v28 =	vmul.f32 v28, v52;
	v50 =	vadd.f32 $9.999999400e-01, v62;
	v55 =	vadd.f32 $-1.358394180e-01, v55  }
0x152: {  	v60 =	vmax.f32 v47, $0.0e+00;
	(erf) = vpow2.f32 v29;
	v44 =	vadd.f32 $7.754038270e-02, v44  }
0x153: {  	v28 =	vadd.f32 $3.331601020e-01, v28;
	v58 =	vmul.f32 v50, v51;
	v63 =	vmul.f32 v55, v49  }
0x154: {  	v48 =	vadd.f32 v48, v54;
	v44 =	vmul.f32 v44, v53;
	v57 =	vmul.f32 v26, v40  }
0x155: {  	s23 =	sor.u32 $0x1040, s19;
	v28 =	vmul.f32 v28, v52;
	v40 =	vadd.f32 v58, v60;
	v59 =	vadd.f32 $1.905595510e-01, v63  }
0x156: {  	v47 =	vmul.f32 v25, v47;
	v61 =	vadd.f32 $-1.358394180e-01, v44;
	v44 =	vld [tilespmem:s23+$0x0];
	v51 =	vpop (erf);
	v29 =	vsub.f32 v48, v57  }
0x157: {  	v28 =	vadd.f32 $-4.999925490e-01, v28;
	v63 =	vmul.f32 $5.186003630e-03, v51;
	v50 =	vmul.f32 v59, v49  }
0x158: {  	v47 =	vsub.f32 v40, v47;
	v62 =	vmul.f32 v61, v53;
	v40 =	vadd.f32 v29, v37  }
0x159: {  	v0 =	vmpcnt.ones.xlane vm0;
	v58 =	vadd.f32 $-2.921026760e-02, v63;
	v50 =	vadd.f32 $-2.482564900e-01, v50  }
0x15a: {  	s24 =	sor.u32 $0x1050, s19;
	v28 =	vmul.f32 v28, v52;
	v37 =	vadd.f32 v47, v38;
	v56 =	vadd.f32 $1.905595510e-01, v62  }
0x15b: {  	v48 =	vld [tilespmem:s24+$0x0];
	v59 =	vand.u32 $0x7FFFFFFF, v44;
	v47 =	vmul.f32 v58, v51;
	v57 =	vmul.f32 v50, v49  }
0x15c: {  	s25 =	sor.u32 $0x8C70, s19;
	v54 =	vpop (erf);
	v28 =	vadd.f32 $9.999999400e-01, v28;
	v29 =	vmul.f32 v56, v53;
	v60 =	vsub.f32 $0.0e+00, v59  }
0x15d: {  	v56 =	vmul.f32 $5.186003630e-03, v54;
	v47 =	vadd.f32 $7.754038270e-02, v47;
	v38 =	vadd.f32 $3.331601020e-01, v57  }
0x15e: {  	v52 =	vmul.f32 v28, v52;
	v28 =	vld [tilespmem:s25+$0x0];
	v29 =	vadd.f32 $-2.482564900e-01, v29;
	v50 =	vmul.f32 $1.442695020e+00, v60  }
0x15f: {  	v56 =	vadd.f32 $-2.921026760e-02, v56;
	v47 =	vmul.f32 v47, v51;
	v38 =	vmul.f32 v38, v49  }
0x160: {  	v63 =	vand.u32 $0x7FFFFFFF, v48;
	v29 =	vmul.f32 v29, v53;
	(erf) = vpow2.f32 v50  }
0x161: {  	v62 =	vmul.f32 v56, v54;
	v56 =	vsub.f32 $0.0e+00, v63;
	v47 =	vadd.f32 $-1.358394180e-01, v47  }
0x162: {  	v3 =	vmpcnt.ones.xlane vm4;
	v38 =	vadd.f32 $-4.999925490e-01, v38;
	v29 =	vadd.f32 $3.331601020e-01, v29  }
0x163: {  	s28 =	sor.u32 $0x1060, s19;
	v50 =	vadd.f32 $7.754038270e-02, v62;
	v56 =	vmul.f32 $1.442695020e+00, v56;
	v57 =	vmul.f32 v28, v41  }
0x164: {  	s26 =	sor.u32 $0x9000, s19;
	v61 =	vmax.f32 v41, $0.0e+00;
	v41 =	vld [tilespmem:s28+$0x0];
	v47 =	vmul.f32 v47, v51;
	v38 =	vmul.f32 v38, v49  }
0x165: {  	v52 =	vadd.f32 v52, v61;
	v60 =	vmul.f32 v29, v53;
	v29 =	vld [tilespmem:s26+$0x0];
	v50 =	vmul.f32 v50, v54  }
0x166: {  	(erf) = vpow2.f32 v56;
	v47 =	vadd.f32 $1.905595510e-01, v47;
	v38 =	vadd.f32 $9.999999400e-01, v38  }
0x167: {  	v62 =	vmax.f32 v42, $0.0e+00;
	v61 =	vadd.f32 $-4.999925490e-01, v60;
	v50 =	vadd.f32 $-1.358394180e-01, v50  }
0x168: {  	v52 =	vsub.f32 v52, v57;
	v47 =	vmul.f32 v47, v51;
	v38 =	vmul.f32 v38, v49  }
0x169: {  	s29 =	sor.u32 $0x9010, s19;
	v55 =	vmul.f32 v61, v53;
	v50 =	vmul.f32 v50, v54;
	v61 =	vand.u32 $0x7FFFFFFF, v41  }
0x16a: {  	v63 =	vmul.f32 v29, v42;
	v56 =	vpop (erf);
	v42 =	vadd.f32 v52, v30;
	v30 =	vld [tilespmem:s29+$0x0];
	v47 =	vadd.f32 $-2.482564900e-01, v47  }
0x16b: {  	v38 =	vadd.f32 v38, v62;
	v55 =	vadd.f32 $9.999999400e-01, v55;
	v59 =	vmul.f32 $5.186003630e-03, v56  }
0x16c: {  	v50 =	vadd.f32 $1.905595510e-01, v50;
	v62 =	vmax.f32 v46, $0.0e+00;
	v47 =	vmul.f32 v47, v51  }
0x16d: {  	s30 =	sor.u32 $0x1070, s19;
	v38 =	vsub.f32 v38, v63;
	v60 =	vmul.f32 v55, v53;
	v52 =	vadd.f32 $-2.921026760e-02, v59  }
0x16e: {  	v63 =	vmul.f32 v50, v54;
	v53 =	vsub.f32 $0.0e+00, v61;
	v50 =	vld [tilespmem:s30+$0x0];
	v47 =	vadd.f32 $3.331601020e-01, v47  }
0x16f: {  	v58 =	vpop (erf);
	v49 =	vadd.f32 v60, v62;
	v52 =	vmul.f32 v52, v56;
	v60 =	vmul.f32 v30, v46  }
0x170: {  	v57 =	vadd.f32 $-2.482564900e-01, v63;
	v53 =	vmul.f32 $1.442695020e+00, v53;
	v59 =	vmul.f32 $5.186003630e-03, v58  }
0x171: {  	s31 =	sor.u32 $0x1400, s19;
	v46 =	vadd.f32 v38, v33;
	v47 =	vmul.f32 v47, v51;
	v52 =	vadd.f32 $7.754038270e-02, v52  }
0x172: {  	v61 =	vmul.f32 v57, v54;
	(erf) = vpow2.f32 v53;
	v57 =	vadd.f32 $-2.921026760e-02, v59;
	v53 =	vld [tilespmem:s31+$0x0]  }
0x173: {  	v62 =	vsub.f32 v49, v60;
	v47 =	vadd.f32 $-4.999925490e-01, v47;
	v59 =	vand.u32 $0x7FFFFFFF, v50  }
0x174: {  	v63 =	vmul.f32 v52, v56;
	v33 =	vadd.f32 $3.331601020e-01, v61;
	v52 =	vmul.f32 v57, v58  }
0x175: {  	v60 =	vsub.f32 $0.0e+00, v59;
	v38 =	vadd.f32 v62, v36;
	v61 =	vmul.f32 v47, v51  }
0x176: {  	v49 =	vadd.f32 $-1.358394180e-01, v63;
	v33 =	vmul.f32 v33, v54;
	v63 =	vadd.f32 $7.754038270e-02, v52  }
0x177: {  	v57 =	vmul.f32 $1.442695020e+00, v60;
	v36 =	vadd.f32 $9.999999400e-01, v61;
	v60 =	vand.u32 $0x7FFFFFFF, v53  }
0x178: {  	v62 =	vmul.f32 v49, v56;
	v33 =	vadd.f32 $-4.999925490e-01, v33;
	v49 =	vmul.f32 v63, v58  }
0x179: {  	s21 =	sor.u32 $0x9020, s19;
	(erf) = vpow2.f32 v57;
	v36 =	vmul.f32 v36, v51;
	v51 =	vsub.f32 $0.0e+00, v60  }
0x17a: {  	vm4 =	vgt.f32 v31, $5.000000000e-01;
	v31 =	vld [tilespmem:s21+$0x0];
	v47 =	vadd.f32 $1.905595510e-01, v62;
	v33 =	vmul.f32 v33, v54  }
0x17b: {  	v4 =	vmpcnt.ones.xlane vm5;
	v49 =	vadd.f32 $-1.358394180e-01, v49;
	v55 =	vpop (erf);
	v51 =	vmul.f32 $1.442695020e+00, v51  }
0x17c: {  	v47 =	vmul.f32 v47, v56;
	v61 =	vmul.f32 $5.186003630e-03, v55;
	v62 =	vadd.f32 $9.999999400e-01, v33  }
0x17d: {  	s22 =	sor.u32 $0x9030, s19;
	v59 =	vmax.f32 v45, $0.0e+00;
	v49 =	vmul.f32 v49, v58;
	(erf) = vpow2.f32 v51  }
0x17e: {  	v33 =	vld [tilespmem:s22+$0x0];
	v47 =	vadd.f32 $-2.482564900e-01, v47;
	v52 =	vadd.f32 $-2.921026760e-02, v61;
	v54 =	vmul.f32 v62, v54  }
0x17f: {  	v45 =	vmul.f32 v31, v45;
	v36 =	vadd.f32 v36, v59;
	v59 =	vadd.f32 $1.905595510e-01, v49  }
0x180: {  	s23 =	sor.u32 $0x1410, s19;
	v60 =	vmax.f32 v43, $0.0e+00;
	v63 =	vmul.f32 v47, v56;
	v52 =	vmul.f32 v52, v55  }
0x181: {  	v36 =	vsub.f32 v36, v45;
	v45 =	vadd.f32 v54, v60;
	v61 =	vmul.f32 v59, v58;
	v47 =	vld [tilespmem:s23+$0x0]  }
0x182: {  	vm5 =	vgt.f32 v32, $5.000000000e-01;
	v62 =	vadd.f32 $3.331601020e-01, v63;
	v63 =	vadd.f32 $7.754038270e-02, v52;
	v54 =	vpop (erf)  }
0x183: {  	v60 =	vmul.f32 v33, v43;
	v49 =	vadd.f32 $-2.482564900e-01, v61;
	v61 =	vmul.f32 $5.186003630e-03, v54  }
0x184: {  	v43 =	vadd.f32 v36, v34;
	v32 =	vmul.f32 v62, v56;
	v62 =	vmul.f32 v63, v55  }
0x185: {  	s24 =	sor.u32 $0x1420, s19;
	v63 =	vsub.f32 v45, v60;
	v59 =	vmul.f32 v49, v58;
	v60 =	vadd.f32 $-2.921026760e-02, v61  }
0x186: {  	v52 =	vld [tilespmem:s24+$0x0];
	v61 =	vand.u32 $0x7FFFFFFF, v47;
	v32 =	vadd.f32 $-4.999925490e-01, v32;
	v34 =	vadd.f32 $-1.358394180e-01, v62  }
0x187: {  	v45 =	vadd.f32 $3.331601020e-01, v59;
	v51 =	vsub.f32 $0.0e+00, v61;
	v57 =	vpop (erf);
	v49 =	vmul.f32 v60, v54  }
0x188: {  	v39 =	vadd.f32 v63, v39;
	v60 =	vmul.f32 $5.186003630e-03, v57;
	v34 =	vmul.f32 v34, v55  }
0x189: {  	v32 =	vmul.f32 v32, v56;
	v59 =	vmul.f32 $1.442695020e+00, v51;
	v63 =	vadd.f32 $7.754038270e-02, v49  }
0x18a: {  	v62 =	vmul.f32 v45, v58;
	v51 =	vadd.f32 $-2.921026760e-02, v60;
	v34 =	vadd.f32 $1.905595510e-01, v34  }
0x18b: {  	v60 =	vand.u32 $0x7FFFFFFF, v52;
	(erf) = vpow2.f32 v59;
	v45 =	vmul.f32 v63, v54  }
0x18c: {  	v32 =	vadd.f32 $9.999999400e-01, v32;
	v36 =	vadd.f32 $-4.999925490e-01, v62;
	v34 =	vmul.f32 v34, v55  }
0x18d: {  	s25 =	sor.u32 $0x9040, s19;
	v62 =	vmax.f32 v44, $0.0e+00;
	v51 =	vmul.f32 v51, v57;
	v45 =	vadd.f32 $-1.358394180e-01, v45  }
0x18e: {  	v61 =	vmul.f32 v32, v56;
	v36 =	vmul.f32 v36, v58;
	v32 =	vld [tilespmem:s25+$0x0];
	v63 =	vadd.f32 $-2.482564900e-01, v34  }
0x18f: {  	s26 =	sor.u32 $0x9050, s19;
	v59 =	vsub.f32 $0.0e+00, v60;
	v51 =	vadd.f32 $7.754038270e-02, v51;
	v45 =	vmul.f32 v45, v54  }
0x190: {  	v60 =	vmax.f32 v48, $0.0e+00;
	v36 =	vadd.f32 $9.999999400e-01, v36;
	v34 =	vld [tilespmem:s26+$0x0];
	v56 =	vmul.f32 v63, v55  }
0x191: {  	v49 =	vadd.f32 v61, v62;
	v51 =	vmul.f32 v51, v57;
	v45 =	vadd.f32 $1.905595510e-01, v45  }
0x192: {  	v36 =	vmul.f32 v36, v58;
	v58 =	vmul.f32 $1.442695020e+00, v59;
	v56 =	vadd.f32 $3.331601020e-01, v56  }
0x193: {  	v44 =	vmul.f32 v32, v44;
	v59 =	vadd.f32 $-1.358394180e-01, v51;
	v45 =	vmul.f32 v45, v54  }
0x194: {  	v36 =	vadd.f32 v36, v60;
	v60 =	vpop (erf);
	(erf) = vpow2.f32 v58;
	v56 =	vmul.f32 v56, v55  }
0x195: {  	s28 =	sor.u32 $0x1430, s19;
	v48 =	vmul.f32 v34, v48;
	v61 =	vmul.f32 $5.186003630e-03, v60;
	v45 =	vadd.f32 $-2.482564900e-01, v45  }
0x196: {  	v51 =	vld [tilespmem:s28+$0x0];
	v44 =	vsub.f32 v49, v44;
	v63 =	vmul.f32 v59, v57;
	v62 =	vadd.f32 $-4.999925490e-01, v56  }
0x197: {  	s30 =	sor.u32 $0x9060, s19;
	v36 =	vsub.f32 v36, v48;
	v58 =	vadd.f32 $-2.921026760e-02, v61;
	v45 =	vmul.f32 v45, v54  }
0x198: {  	v44 =	vadd.f32 v44, v35;
	v35 =	vld [tilespmem:s30+$0x0];
	v59 =	vmul.f32 v62, v55;
	v62 =	vadd.f32 $1.905595510e-01, v63  }
0x199: {  	v5 =	vmpcnt.ones.xlane vm6;
	s29 =	sor.u32 $0x1440, s19;
	v61 =	vmul.f32 v58, v60;
	v63 =	vadd.f32 $3.331601020e-01, v45  }
0x19a: {  	v49 =	vld [tilespmem:s29+$0x0];
	v40 =	vadd.f32 v36, v40;
	v48 =	vadd.f32 $9.999999400e-01, v59;
	v56 =	vmul.f32 v62, v57  }
0x19b: {  	v62 =	vand.u32 $0x7FFFFFFF, v51;
	v45 =	vadd.f32 $7.754038270e-02, v61;
	v36 =	vmul.f32 v63, v54  }
0x19c: {  	v63 =	vsub.f32 $0.0e+00, v62;
	v48 =	vmul.f32 v48, v55;
	v62 =	vadd.f32 $-2.482564900e-01, v56  }
0x19d: {  	v61 =	vmax.f32 v41, $0.0e+00;
	v41 =	vmul.f32 v35, v41;
	v45 =	vmul.f32 v45, v60  }
0x19e: {  	v58 =	vmul.f32 $1.442695020e+00, v63;
	v56 =	vpop (erf);
	v48 =	vadd.f32 v48, v61;
	v55 =	vmul.f32 v62, v57  }
0x19f: {  	v45 =	vadd.f32 $-1.358394180e-01, v45;
	v61 =	vand.u32 $0x7FFFFFFF, v49;
	v63 =	vmul.f32 $5.186003630e-03, v56  }
0x1a0: {  	v36 =	vadd.f32 $-4.999925490e-01, v36;
	(erf) = vpow2.f32 v58;
	v59 =	vsub.f32 $0.0e+00, v61  }
0x1a1: {  	v55 =	vadd.f32 $3.331601020e-01, v55;
	v45 =	vmul.f32 v45, v60;
	v58 =	vadd.f32 $-2.921026760e-02, v63  }
0x1a2: {  	v36 =	vmul.f32 v36, v54;
	v59 =	vmul.f32 $1.442695020e+00, v59  }
0x1a3: {  	v55 =	vmul.f32 v55, v57;
	v45 =	vadd.f32 $1.905595510e-01, v45;
	v58 =	vmul.f32 v58, v56  }
0x1a4: {  	s21 =	sor.u32 $0x1450, s19;
	v41 =	vsub.f32 v48, v41;
	v61 =	vadd.f32 $9.999999400e-01, v36;
	(erf) = vpow2.f32 v59  }
0x1a5: {  	v48 =	vld [tilespmem:s21+$0x0];
	v55 =	vadd.f32 $-4.999925490e-01, v55;
	v62 =	vmul.f32 v45, v60;
	v58 =	vadd.f32 $7.754038270e-02, v58  }
0x1a6: {  	v63 =	vmax.f32 v50, $0.0e+00;
	v41 =	vadd.f32 v41, v37;
	v54 =	vmul.f32 v61, v54  }
0x1a7: {  	s31 =	sor.u32 $0x9070, s19;
	v55 =	vmul.f32 v55, v57;
	v37 =	vadd.f32 $-2.482564900e-01, v62;
	v58 =	vmul.f32 v58, v56  }
0x1a8: {  	v6 =	vmpcnt.ones.xlane vm7;
	v7 =	vmpcnt.ones.xlane vm8;
	v36 =	vld [tilespmem:s31+$0x0];
	v45 =	vadd.f32 v54, v63  }
0x1a9: {  	v54 =	vadd.f32 $9.999999400e-01, v55;
	v37 =	vmul.f32 v37, v60;
	v55 =	vadd.f32 $-1.358394180e-01, v58  }
0x1aa: {  	vm6 =	vgt.f32 v24, $5.000000000e-01;
	vm7 =	vgt.f32 v23, $5.000000000e-01;
	s22 =	sor.u32 $0x9400, s19;
	v61 =	vand.u32 $0x7FFFFFFF, v48  }
0x1ab: {  	v24 =	vld [tilespmem:s22+$0x0];
	v62 =	vmax.f32 v53, $0.0e+00;
	v37 =	vadd.f32 $3.331601020e-01, v37;
	v58 =	vpop (erf);
	v55 =	vmul.f32 v55, v56  }
0x1ac: {  	v61 =	vsub.f32 $0.0e+00, v61;
	v54 =	vmul.f32 v54, v57;
	v59 =	vmul.f32 $5.186003630e-03, v58  }
0x1ad: {  	v50 =	vmul.f32 v36, v50;
	v37 =	vmul.f32 v37, v60;
	v55 =	vadd.f32 $1.905595510e-01, v55  }
0x1ae: {  	v57 =	vadd.f32 $-2.921026760e-02, v59;
	v59 =	vmul.f32 $1.442695020e+00, v61;
	v61 =	vadd.f32 v54, v62;
	v62 =	vpop (erf)  }
0x1af: {  	s23 =	sor.u32 $0x1460, s19;
	v45 =	vsub.f32 v45, v50;
	v50 =	vmul.f32 v55, v56;
	v63 =	vmul.f32 $5.186003630e-03, v62  }
0x1b0: {  	v53 =	vmul.f32 v24, v53;
	v54 =	vld [tilespmem:s23+$0x0];
	v23 =	vadd.f32 $-4.999925490e-01, v37;
	v57 =	vmul.f32 v57, v58  }
0x1b1: {  	(erf) = vpow2.f32 v59;
	v59 =	vadd.f32 $-2.482564900e-01, v50;
	v63 =	vadd.f32 $-2.921026760e-02, v63  }
0x1b2: {  	vm8 =	vgt.f32 v27, $5.000000000e-01;
	v53 =	vsub.f32 v61, v53;
	v61 =	vadd.f32 $7.754038270e-02, v57  }
0x1b3: {  	v45 =	vadd.f32 v45, v42;
	v37 =	vmul.f32 v59, v56;
	v57 =	vmul.f32 v63, v62  }
0x1b4: {  	v23 =	vmul.f32 v23, v60;
	v42 =	vadd.f32 v53, v46;
	v61 =	vmul.f32 v61, v58  }
0x1b5: {  	v59 =	vand.u32 $0x7FFFFFFF, v54;
	v27 =	vadd.f32 $3.331601020e-01, v37;
	v50 =	vadd.f32 $7.754038270e-02, v57  }
0x1b6: {  	v8 =	vmpcnt.ones.xlane vm9;
	v46 =	vadd.f32 $-1.358394180e-01, v61;
	v61 =	vsub.f32 $0.0e+00, v59  }
0x1b7: {  	v10 =	vmpcnt.ones.xlane vm1;
	s24 =	sor.u32 $0x1470, s19;
	v63 =	vadd.f32 $9.999999400e-01, v23;
	v27 =	vmul.f32 v27, v56  }
0x1b8: {  	s25 =	sor.u32 $0x9410, s19;
	v59 =	vld [tilespmem:s24+$0x0];
	v50 =	vmul.f32 v50, v62;
	v37 =	vmul.f32 $1.442695020e+00, v61  }
0x1b9: {  	vm9 =	vgt.f32 v16, $5.000000000e-01;
	v23 =	vld [tilespmem:s25+$0x0];
	v53 =	vmul.f32 v63, v60;
	v46 =	vmul.f32 v46, v58  }
0x1ba: {  	v60 =	vpop (erf);
	v27 =	vadd.f32 $-4.999925490e-01, v27;
	v50 =	vadd.f32 $-1.358394180e-01, v50;
	(erf) = vpow2.f32 v37  }
0x1bb: {  	v55 =	vmax.f32 v47, $0.0e+00;
	v46 =	vadd.f32 $1.905595510e-01, v46;
	v61 =	vmul.f32 $5.186003630e-03, v60  }
0x1bc: {  	v37 =	vadd.f32 v53, v55;
	v27 =	vmul.f32 v27, v56;
	v50 =	vmul.f32 v50, v62  }
0x1bd: {  	v46 =	vmul.f32 v46, v58;
	v63 =	vadd.f32 $-2.921026760e-02, v61;
	v61 =	vand.u32 $0x7FFFFFFF, v59  }
0x1be: {  	v47 =	vmul.f32 v23, v47;
	v55 =	vsub.f32 $0.0e+00, v61;
	v61 =	vadd.f32 $1.905595510e-01, v50  }
0x1bf: {  	s26 =	sor.u32 $0x9420, s19;
	v57 =	vadd.f32 $9.999999400e-01, v27;
	v46 =	vadd.f32 $-2.482564900e-01, v46;
	v53 =	vmul.f32 v63, v60  }
0x1c0: {  	s28 =	sor.u32 $0x1800, s19;
	v37 =	vsub.f32 v37, v47;
	v27 =	vld [tilespmem:s26+$0x0];
	v55 =	vmul.f32 $1.442695020e+00, v55;
	v63 =	vmul.f32 v61, v62  }
0x1c1: {  	v50 =	vld [tilespmem:s28+$0x0];
	v47 =	vmul.f32 v57, v56;
	v46 =	vmul.f32 v46, v58;
	v53 =	vadd.f32 $7.754038270e-02, v53  }
0x1c2: {  	(erf) = vpow2.f32 v55;
	v55 =	vmax.f32 v52, $0.0e+00;
	v57 =	vadd.f32 $-2.482564900e-01, v63  }
0x1c3: {  	v56 =	vadd.f32 $3.331601020e-01, v46;
	v46 =	vadd.f32 v37, v38;
	v38 =	vmul.f32 v53, v60;
	v61 =	vpop (erf)  }
0x1c4: {  	vm14 =	vgt.f32 v18, $5.000000000e-01;
	s29 =	sor.u32 $0x1810, s19;
	v37 =	vadd.f32 v47, v55;
	v63 =	vmul.f32 $5.186003630e-03, v61  }
0x1c5: {  	v52 =	vmul.f32 v27, v52;
	v55 =	vld [tilespmem:s29+$0x0];
	v53 =	vmul.f32 v57, v62;
	v38 =	vadd.f32 $-1.358394180e-01, v38  }
0x1c6: {  	v47 =	vmul.f32 v56, v58;
	v56 =	vand.u32 $0x7FFFFFFF, v50;
	v63 =	vadd.f32 $-2.921026760e-02, v63  }
0x1c7: {  	v37 =	vsub.f32 v37, v52;
	v56 =	vsub.f32 $0.0e+00, v56;
	v38 =	vmul.f32 v38, v60  }
0x1c8: {  	v52 =	vadd.f32 $3.331601020e-01, v53;
	v47 =	vadd.f32 $-4.999925490e-01, v47;
	v63 =	vmul.f32 v63, v61  }
0x1c9: {  	v43 =	vadd.f32 v37, v43;
	v56 =	vmul.f32 $1.442695020e+00, v56;
	v38 =	vadd.f32 $1.905595510e-01, v38  }
0x1ca: {  	[tilespmem:$0x1FF90] =	vst v0;
	s30 =	sor.u32 $0x9430, s19;
	v52 =	vmul.f32 v52, v62;
	v0 =	vand.u32 $0x7FFFFFFF, v55;
	v47 =	vmul.f32 v47, v58  }
0x1cb: {  	v37 =	vld [tilespmem:s30+$0x0];
	v0 =	vsub.f32 $0.0e+00, v0;
	v38 =	vmul.f32 v38, v60;
	v53 =	vadd.f32 $7.754038270e-02, v63  }
0x1cc: {  	(erf) = vpow2.f32 v56;
	v52 =	vadd.f32 $-4.999925490e-01, v52;
	v47 =	vadd.f32 $9.999999400e-01, v47;
	v63 =	vpop (erf)  }
0x1cd: {  	v38 =	vadd.f32 $-2.482564900e-01, v38;
	v53 =	vmul.f32 v53, v61;
	v57 =	vmul.f32 $5.186003630e-03, v63  }
0x1ce: {  	v56 =	vmax.f32 v51, $0.0e+00;
	v52 =	vmul.f32 v52, v62;
	v47 =	vmul.f32 v47, v58  }
0x1cf: {  	v58 =	vmul.f32 v38, v60;
	v38 =	vadd.f32 $-1.358394180e-01, v53;
	v57 =	vadd.f32 $-2.921026760e-02, v57  }
0x1d0: {  	v0 =	vmul.f32 $1.442695020e+00, v0;
	v51 =	vmul.f32 v37, v51;
	v47 =	vadd.f32 v47, v56  }
0x1d1: {  	v52 =	vadd.f32 $9.999999400e-01, v52;
	v56 =	vmul.f32 v38, v61;
	v53 =	vmul.f32 v57, v63  }
0x1d2: {  	vm0 =	vgt.f32 v20, $5.000000000e-01;
	s31 =	sor.u32 $0x9440, s19;
	(erf) = vpow2.f32 v0;
	v0 =	vsub.f32 v47, v51  }
0x1d3: {  	v38 =	vld [tilespmem:s31+$0x0];
	v51 =	vmul.f32 v52, v62;
	v52 =	vadd.f32 $1.905595510e-01, v56;
	v53 =	vadd.f32 $7.754038270e-02, v53  }
0x1d4: {  	v11 =	vmpcnt.ones.xlane vm11;
	vm15 =	vgt.f32 v17, $5.000000000e-01;
	v57 =	vadd.f32 $3.331601020e-01, v58  }
0x1d5: {  	v62 =	vmax.f32 v49, $0.0e+00;
	v47 =	vpop (erf);
	v52 =	vmul.f32 v52, v61;
	v53 =	vmul.f32 v53, v63  }
0x1d6: {  	v51 =	vadd.f32 v51, v62;
	v57 =	vmul.f32 v57, v60;
	v56 =	vmul.f32 $5.186003630e-03, v47  }
0x1d7: {  	v12 =	vmpcnt.ones.xlane vm12;
	v52 =	vadd.f32 $-2.482564900e-01, v52;
	v62 =	vadd.f32 $-1.358394180e-01, v53  }
0x1d8: {  	s21 =	sor.u32 $0x1820, s19;
	v16 =	vadd.f32 $-4.999925490e-01, v57;
	v49 =	vmul.f32 v38, v49;
	v56 =	vadd.f32 $-2.921026760e-02, v56  }
0x1d9: {  	vm1 =	vgt.f32 v15, $5.000000000e-01;
	v57 =	vld [tilespmem:s21+$0x0];
	v58 =	vmul.f32 v62, v63;
	v62 =	vmul.f32 v52, v61  }
0x1da: {  	v53 =	vadd.f32 v0, v39;
	v0 =	vmul.f32 v16, v60;
	v56 =	vmul.f32 v56, v47  }
0x1db: {  	vm12 =	vgt.f32 v14, $5.000000000e-01;
	vm13 =	vgt.f32 v26, $5.000000000e-01;
	v39 =	vsub.f32 v51, v49  }
0x1dc: {  	vm11 =	vgt.f32 v28, $5.000000000e-01;
	v0 =	vadd.f32 $9.999999400e-01, v0;
	v51 =	vadd.f32 $7.754038270e-02, v56  }
0x1dd: {  	s22 =	sor.u32 $0x1830, s19;
	v52 =	vmax.f32 v48, $0.0e+00;
	v16 =	vadd.f32 $1.905595510e-01, v58;
	v49 =	vadd.f32 $3.331601020e-01, v62;
	v62 =	vpop (erf)  }
0x1de: {  	s23 =	sor.u32 $0x9450, s19;
	v56 =	vld [tilespmem:s22+$0x0];
	v1 =	vand.u32 $0x7FFFFFFF, v57;
	v51 =	vmul.f32 v51, v47;
	v58 =	vmul.f32 $5.186003630e-03, v62  }
0x1df: {  	v20 =	vld [tilespmem:s23+$0x0];
	v0 =	vmul.f32 v0, v60;
	v1 =	vsub.f32 $0.0e+00, v1;
	v16 =	vmul.f32 v16, v63  }
0x1e0: {  	v49 =	vmul.f32 v49, v61;
	v51 =	vadd.f32 $-1.358394180e-01, v51;
	v58 =	vadd.f32 $-2.921026760e-02, v58  }
0x1e1: {  	v0 =	vadd.f32 v0, v52;
	v1 =	vmul.f32 $1.442695020e+00, v1;
	v16 =	vadd.f32 $-2.482564900e-01, v16  }
0x1e2: {  	v49 =	vadd.f32 $-4.999925490e-01, v49;
	v51 =	vmul.f32 v51, v47;
	v58 =	vmul.f32 v58, v62  }
0x1e3: {  	(erf) = vpow2.f32 v1;
	v1 =	vand.u32 $0x7FFFFFFF, v56;
	v16 =	vmul.f32 v16, v63  }
0x1e4: {  	v48 =	vmul.f32 v20, v48;
	v1 =	vsub.f32 $0.0e+00, v1;
	v52 =	vadd.f32 $7.754038270e-02, v58  }
0x1e5: {  	v49 =	vmul.f32 v49, v61;
	v16 =	vadd.f32 $3.331601020e-01, v16;
	v58 =	vadd.f32 $1.905595510e-01, v51  }
0x1e6: {  	v0 =	vsub.f32 v0, v48;
	v1 =	vmul.f32 $1.442695020e+00, v1;
	v60 =	vmul.f32 v52, v62  }
0x1e7: {  	s24 =	sor.u32 $0x9460, s19;
	v49 =	vadd.f32 $9.999999400e-01, v49;
	v16 =	vmul.f32 v16, v63;
	v52 =	vmul.f32 v58, v47  }
0x1e8: {  	s25 =	sor.u32 $0x1840, s19;
	v51 =	vadd.f32 v39, v44;
	v39 =	vld [tilespmem:s24+$0x0];
	(erf) = vpow2.f32 v1;
	v44 =	vadd.f32 $-1.358394180e-01, v60  }
0x1e9: {  	v28 =	vmpcnt.ones.xlane vm0;
	v1 =	vadd.f32 $-4.999925490e-01, v16;
	v58 =	vadd.f32 $-2.482564900e-01, v52;
	v60 =	vld [tilespmem:s25+$0x0]  }
0x1ea: {  	v52 =	vadd.f32 v0, v40;
	v0 =	vmul.f32 v49, v61;
	v48 =	vmul.f32 v44, v62  }
0x1eb: {  	vm0 =	vgt.f32 v32, $5.000000000e-01;
	v49 =	vmax.f32 v54, $0.0e+00;
	v16 =	vmul.f32 v58, v47  }
0x1ec: {  	v61 =	vpop (erf);
	v1 =	vmul.f32 v1, v63;
	v2 =	vadd.f32 v0, v49;
	v17 =	vadd.f32 $1.905595510e-01, v48  }
0x1ed: {  	v44 =	vmul.f32 v39, v54;
	v16 =	vadd.f32 $3.331601020e-01, v16;
	v48 =	vmul.f32 $5.186003630e-03, v61  }
0x1ee: {  	s26 =	sor.u32 $0x9470, s19;
	v1 =	vadd.f32 $9.999999400e-01, v1;
	v58 =	vand.u32 $0x7FFFFFFF, v60;
	v17 =	vmul.f32 v17, v62  }
0x1ef: {  	s28 =	sor.u32 $0x1850, s19;
	v40 =	vld [tilespmem:s26+$0x0];
	v16 =	vmul.f32 v16, v47;
	v48 =	vadd.f32 $-2.921026760e-02, v48;
	v54 =	vsub.f32 $0.0e+00, v58  }
0x1f0: {  	v49 =	vmax.f32 v59, $0.0e+00;
	v1 =	vmul.f32 v1, v63;
	v58 =	vld [tilespmem:s28+$0x0];
	v17 =	vadd.f32 $-2.482564900e-01, v17  }
0x1f1: {  	v63 =	vpop (erf);
	v16 =	vadd.f32 $-4.999925490e-01, v16;
	v48 =	vmul.f32 v48, v61;
	v54 =	vmul.f32 $1.442695020e+00, v54  }
0x1f2: {  	v1 =	vadd.f32 v1, v49;
	v49 =	vmul.f32 $5.186003630e-03, v63;
	v17 =	vmul.f32 v17, v62  }
0x1f3: {  	v0 =	vmul.f32 v16, v47;
	v16 =	vadd.f32 $7.754038270e-02, v48;
	(erf) = vpow2.f32 v54  }
0x1f4: {  	v32 =	vmpcnt.ones.xlane vm12;
	v48 =	vadd.f32 $3.331601020e-01, v17;
	v17 =	vadd.f32 $-2.921026760e-02, v49  }
0x1f5: {  	v2 =	vsub.f32 v2, v44;
	v59 =	vmul.f32 v40, v59;
	v49 =	vand.u32 $0x7FFFFFFF, v58  }
0x1f6: {  	v54 =	vmul.f32 v16, v61;
	v49 =	vsub.f32 $0.0e+00, v49;
	v44 =	vmul.f32 v17, v63  }
0x1f7: {  	vm12 =	vgt.f32 v36, $5.000000000e-01;
	v1 =	vsub.f32 v1, v59;
	v48 =	vmul.f32 v48, v62  }
0x1f8: {  	v15 =	vadd.f32 $-1.358394180e-01, v54;
	v49 =	vmul.f32 $1.442695020e+00, v49;
	v44 =	vadd.f32 $7.754038270e-02, v44  }
0x1f9: {  	s29 =	sor.u32 $0x1860, s19;
	v16 =	vmpcnt.ones.xlane vm2;
	v0 =	vadd.f32 $9.999999400e-01, v0;
	v59 =	vadd.f32 $-4.999925490e-01, v48  }
0x1fa: {  	v54 =	vld [tilespmem:s29+$0x0];
	(erf) = vpow2.f32 v49;
	v49 =	vadd.f32 v2, v41;
	v2 =	vmul.f32 v15, v61  }
0x1fb: {  	vm2 =	vgt.f32 v13, $5.000000000e-01;
	v0 =	vmul.f32 v0, v47;
	v15 =	vmul.f32 v44, v63  }
0x1fc: {  	v48 =	vadd.f32 v1, v45;
	v1 =	vmul.f32 v59, v62;
	v2 =	vadd.f32 $1.905595510e-01, v2;
	v44 =	vpop (erf)  }
0x1fd: {  	v59 =	vmax.f32 v50, $0.0e+00;
	v15 =	vadd.f32 $-1.358394180e-01, v15;
	v41 =	vmul.f32 $5.186003630e-03, v44  }
0x1fe: {  	s30 =	sor.u32 $0x9800, s19;
	v0 =	vadd.f32 v0, v59;
	v1 =	vadd.f32 $9.999999400e-01, v1;
	v2 =	vmul.f32 v2, v61  }
0x1ff: {  	v45 =	vld [tilespmem:s30+$0x0];
	v59 =	vand.u32 $0x7FFFFFFF, v54;
	v15 =	vmul.f32 v15, v63;
	v13 =	vadd.f32 $-2.921026760e-02, v41  }
0x200: {  	s31 =	sor.u32 $0x9810, s19;
	v1 =	vmul.f32 v1, v62;
	v62 =	vmax.f32 v55, $0.0e+00;
	v2 =	vadd.f32 $-2.482564900e-01, v2  }
0x201: {  	v47 =	vld [tilespmem:s31+$0x0];
	v41 =	vsub.f32 $0.0e+00, v59;
	v15 =	vadd.f32 $1.905595510e-01, v15;
	v13 =	vmul.f32 v13, v44  }
0x202: {  	v26 =	vmax.f32 v58, $0.0e+00;
	v1 =	vadd.f32 v1, v62;
	v2 =	vmul.f32 v2, v61  }
0x203: {  	v41 =	vmul.f32 $1.442695020e+00, v41;
	v15 =	vmul.f32 v15, v63;
	v62 =	vpop (erf);
	v13 =	vadd.f32 $7.754038270e-02, v13  }
0x204: {  	v50 =	vmul.f32 v45, v50;
	v59 =	vmul.f32 $5.186003630e-03, v62;
	v2 =	vadd.f32 $3.331601020e-01, v2  }
0x205: {  	(erf) = vpow2.f32 v41;
	v15 =	vadd.f32 $-2.482564900e-01, v15;
	v13 =	vmul.f32 v13, v44  }
0x206: {  	v55 =	vmul.f32 v47, v55;
	v41 =	vadd.f32 $-2.921026760e-02, v59;
	v2 =	vmul.f32 v2, v61  }
0x207: {  	s21 =	sor.u32 $0x1870, s19;
	v0 =	vsub.f32 v0, v50;
	v15 =	vmul.f32 v15, v63;
	v50 =	vadd.f32 $-1.358394180e-01, v13  }
0x208: {  	v17 =	vmpcnt.ones.xlane vm3;
	v59 =	vmul.f32 v41, v62;
	v2 =	vadd.f32 $-4.999925490e-01, v2;
	v13 =	vld [tilespmem:s21+$0x0]  }
0x209: {  	v1 =	vsub.f32 v1, v55;
	v14 =	vadd.f32 $3.331601020e-01, v15;
	v15 =	vmul.f32 v50, v44  }
0x20a: {  	v0 =	vadd.f32 v0, v42;
	v55 =	vadd.f32 $7.754038270e-02, v59;
	v2 =	vmul.f32 v2, v61  }
0x20b: {  	s22 =	sor.u32 $0x9820, s19;
	v42 =	vadd.f32 v1, v46;
	v14 =	vmul.f32 v14, v63;
	v1 =	vadd.f32 $1.905595510e-01, v15  }
0x20c: {  	v50 =	vmax.f32 v57, $0.0e+00;
	v15 =	vmul.f32 v55, v62;
	v55 =	vld [tilespmem:s22+$0x0];
	v2 =	vadd.f32 $9.999999400e-01, v2  }
0x20d: {  	v14 =	vadd.f32 $-4.999925490e-01, v14;
	v59 =	vand.u32 $0x7FFFFFFF, v13;
	v1 =	vmul.f32 v1, v44  }
0x20e: {  	v15 =	vadd.f32 $-1.358394180e-01, v15;
	v2 =	vmul.f32 v2, v61;
	v18 =	vsub.f32 $0.0e+00, v59;
	v61 =	vpop (erf)  }
0x20f: {  	v14 =	vmul.f32 v14, v63;
	v59 =	vmul.f32 $5.186003630e-03, v61;
	v1 =	vadd.f32 $-2.482564900e-01, v1  }
0x210: {  	v15 =	vmul.f32 v15, v62;
	v2 =	vadd.f32 v2, v50;
	v18 =	vmul.f32 $1.442695020e+00, v18  }
0x211: {  	s23 =	sor.u32 $0x1C00, s19;
	v50 =	vmul.f32 v55, v57;
	v46 =	vadd.f32 $-2.921026760e-02, v59;
	v1 =	vmul.f32 v1, v44  }
0x212: {  	s24 =	sor.u32 $0x9830, s19;
	v14 =	vadd.f32 $9.999999400e-01, v14;
	v59 =	vld [tilespmem:s23+$0x0];
	v15 =	vadd.f32 $1.905595510e-01, v15;
	(erf) = vpow2.f32 v18  }
0x213: {  	v57 =	vld [tilespmem:s24+$0x0];
	v2 =	vsub.f32 v2, v50;
	v50 =	vmul.f32 v46, v61;
	v1 =	vadd.f32 $3.331601020e-01, v1  }
0x214: {  	vm3 =	vgt.f32 v19, $5.000000000e-01;
	v14 =	vmul.f32 v14, v63;
	v15 =	vmul.f32 v15, v62  }
0x215: {  	v63 =	vmax.f32 v56, $0.0e+00;
	v18 =	vadd.f32 $7.754038270e-02, v50;
	v1 =	vmul.f32 v1, v44  }
0x216: {  	v41 =	vmpcnt.ones.xlane vm10;
	v14 =	vadd.f32 v14, v63;
	v15 =	vadd.f32 $-2.482564900e-01, v15  }
0x217: {  	v50 =	vand.u32 $0x7FFFFFFF, v59;
	v18 =	vmul.f32 v18, v61;
	v1 =	vadd.f32 $-4.999925490e-01, v1  }
0x218: {  	v63 =	vmul.f32 v57, v56;
	v19 =	vsub.f32 $0.0e+00, v50;
	v15 =	vmul.f32 v15, v62  }
0x219: {  	v46 =	vmpcnt.ones.xlane vm4;
	v18 =	vadd.f32 $-1.358394180e-01, v18;
	v1 =	vmul.f32 v1, v44  }
0x21a: {  	vm4 =	vgt.f32 v22, $5.000000000e-01;
	v19 =	vmul.f32 $1.442695020e+00, v19;
	v15 =	vadd.f32 $3.331601020e-01, v15  }
0x21b: {  	s25 =	sor.u32 $0x1C10, s19;
	v22 =	vadd.f32 v2, v43;
	v2 =	vmul.f32 v18, v61;
	v1 =	vadd.f32 $9.999999400e-01, v1  }
0x21c: {  	v56 =	vld [tilespmem:s25+$0x0];
	v14 =	vsub.f32 v14, v63;
	v63 =	vpop (erf);
	(erf) = vpow2.f32 v19;
	v15 =	vmul.f32 v15, v62  }
0x21d: {  	s26 =	sor.u32 $0x9840, s19;
	vm10 =	vgt.f32 v25, $5.000000000e-01;
	v1 =	vmul.f32 v1, v44;
	v44 =	vmul.f32 $5.186003630e-03, v63  }
0x21e: {  	v25 =	vmpcnt.ones.xlane vm8;
	v14 =	vadd.f32 v14, v53;
	v53 =	vld [tilespmem:s26+$0x0];
	v2 =	vadd.f32 $1.905595510e-01, v2  }
0x21f: {  	v43 =	vmax.f32 v60, $0.0e+00;
	v15 =	vadd.f32 $-4.999925490e-01, v15;
	v18 =	vadd.f32 $-2.921026760e-02, v44  }
0x220: {  	vm8 =	vgt.f32 v31, $5.000000000e-01;
	v2 =	vmul.f32 v2, v61;
	v1 =	vadd.f32 v1, v43  }
0x221: {  	v15 =	vmul.f32 v15, v62;
	v44 =	vand.u32 $0x7FFFFFFF, v56;
	v18 =	vmul.f32 v18, v63  }
0x222: {  	v31 =	vmpcnt.ones.xlane vm1;
	v19 =	vsub.f32 $0.0e+00, v44;
	v2 =	vadd.f32 $-2.482564900e-01, v2  }
0x223: {  	v60 =	vmul.f32 v53, v60;
	v15 =	vadd.f32 $9.999999400e-01, v15;
	v18 =	vadd.f32 $7.754038270e-02, v18  }
0x224: {  	vm1 =	vgt.f32 v33, $5.000000000e-01;
	v19 =	vmul.f32 $1.442695020e+00, v19;
	v2 =	vmul.f32 v2, v61  }
0x225: {  	s28 =	sor.u32 $0x9850, s19;
	v1 =	vsub.f32 v1, v60;
	v15 =	vmul.f32 v15, v62;
	v44 =	vpop (erf);
	v18 =	vmul.f32 v18, v63  }
0x226: {  	v60 =	vld [tilespmem:s28+$0x0];
	(erf) = vpow2.f32 v19;
	v2 =	vadd.f32 $3.331601020e-01, v2;
	v62 =	vmul.f32 $5.186003630e-03, v44  }
0x227: {  	v33 =	vmpcnt.ones.xlane vm2;
	vm2 =	vgt.f32 v35, $5.000000000e-01;
	v18 =	vadd.f32 $-1.358394180e-01, v18  }
0x228: {  	v35 =	vmpcnt.ones.xlane vm4;
	v2 =	vmul.f32 v2, v61;
	v19 =	vadd.f32 $-2.921026760e-02, v62  }
0x229: {  	vm4 =	vgt.f32 v40, $5.000000000e-01;
	v40 =	vmpcnt.ones.xlane vm1;
	v18 =	vmul.f32 v18, v63  }
0x22a: {  	v50 =	vmpcnt.ones.xlane vm5;
	v2 =	vadd.f32 $-4.999925490e-01, v2;
	v19 =	vmul.f32 v19, v44  }
0x22b: {  	v15 =	vadd.f32 v15, v26;
	v58 =	vmul.f32 v60, v58;
	v18 =	vadd.f32 $1.905595510e-01, v18  }
0x22c: {  	vm5 =	vgt.f32 v21, $5.000000000e-01;
	v2 =	vmul.f32 v2, v61;
	v19 =	vadd.f32 $7.754038270e-02, v19  }
0x22d: {  	v21 =	vmpcnt.ones.xlane vm6;
	v58 =	vsub.f32 v15, v58;
	v15 =	vadd.f32 v1, v51  }
0x22e: {  	v1 =	vadd.f32 $9.999999400e-01, v2;
	v2 =	vmul.f32 v19, v44;
	v62 =	vmul.f32 v18, v63  }
0x22f: {  	s29 =	sor.u32 $0x1C20, s19;
	vm6 =	vgt.f32 v30, $5.000000000e-01;
	v43 =	vmpcnt.ones.xlane vm7;
	vm7 =	vgt.f32 v29, $5.000000000e-01;
	v18 =	vpop (erf)  }
0x230: {  	v30 =	vld [tilespmem:s29+$0x0];
	v2 =	vadd.f32 $-1.358394180e-01, v2;
	v19 =	vadd.f32 $-2.482564900e-01, v62;
	v62 =	vmul.f32 $5.186003630e-03, v18  }
0x231: {  	v29 =	vmpcnt.ones.xlane vm15;
	vm15 =	vgt.f32 v27, $5.000000000e-01;
	v27 =	vmpcnt.ones.xlane vm5  }
0x232: {  	vm5 =	vgt.f32 v37, $5.000000000e-01;
	v2 =	vmul.f32 v2, v44;
	v51 =	vadd.f32 $-2.921026760e-02, v62  }
0x233: {  	v37 =	vmpcnt.ones.xlane vm11;
	v58 =	vadd.f32 v58, v52;
	v19 =	vmul.f32 v19, v63  }
0x234: {  	v1 =	vmul.f32 v1, v61;
	v2 =	vadd.f32 $1.905595510e-01, v2;
	v51 =	vmul.f32 v51, v18  }
0x235: {  	v61 =	vmax.f32 v54, $0.0e+00;
	v62 =	vand.u32 $0x7FFFFFFF, v30;
	v19 =	vadd.f32 $3.331601020e-01, v19  }
0x236: {  	s30 =	sor.u32 $0x9860, s19;
	v52 =	vsub.f32 $0.0e+00, v62;
	v2 =	vmul.f32 v2, v44;
	v51 =	vadd.f32 $7.754038270e-02, v51  }
0x237: {  	vm11 =	vgt.f32 v57, $5.000000000e-01;
	v1 =	vadd.f32 v1, v61;
	v61 =	vld [tilespmem:s30+$0x0];
	v19 =	vmul.f32 v19, v63  }
0x238: {  	v52 =	vmul.f32 $1.442695020e+00, v52;
	v2 =	vadd.f32 $-2.482564900e-01, v2;
	v51 =	vmul.f32 v51, v18  }
0x239: {  	v26 =	vmpcnt.ones.xlane vm9;
	vm9 =	vgt.f32 v34, $5.000000000e-01;
	v19 =	vadd.f32 $-4.999925490e-01, v19  }
0x23a: {  	(erf) = vpow2.f32 v52;
	v2 =	vmul.f32 v2, v44;
	v52 =	vadd.f32 $-1.358394180e-01, v51  }
0x23b: {  	v34 =	vmpcnt.ones.xlane vm14;
	vm14 =	vgt.f32 v24, $5.000000000e-01;
	v19 =	vmul.f32 v19, v63  }
0x23c: {  	v2 =	vadd.f32 $3.331601020e-01, v2;
	v51 =	vmul.f32 v61, v54;
	v62 =	vmul.f32 v52, v18  }
0x23d: {  	s31 =	sor.u32 $0x9870, s19;
	v24 =	vmpcnt.ones.xlane vm3;
	vm3 =	vgt.f32 v23, $5.000000000e-01;
	v19 =	vadd.f32 $9.999999400e-01, v19  }
0x23e: {  	v54 =	vld [tilespmem:s31+$0x0];
	v2 =	vmul.f32 v2, v44;
	v1 =	vsub.f32 v1, v51;
	v36 =	vadd.f32 $1.905595510e-01, v62  }
0x23f: {  	s21 =	sor.u32 $0x1C30, s19;
	v51 =	vmpcnt.ones.xlane vm13;
	vm13 =	vgt.f32 v38, $5.000000000e-01;
	v19 =	vmul.f32 v19, v63  }
0x240: {  	v23 =	vld [tilespmem:s21+$0x0];
	v62 =	vmax.f32 v13, $0.0e+00;
	v2 =	vadd.f32 $-4.999925490e-01, v2;
	v36 =	vmul.f32 v36, v18  }
0x241: {  	v63 =	vimm.s32 $0x0;
	v52 =	vadd.f32 v19, v62;
	v62 =	vimm.s32 $0x0  }
0x242: {  	v2 =	vmul.f32 v2, v44;
	v19 =	vadd.f32 $-2.482564900e-01, v36;
	v36 =	vsel vm13, $0xFFFFFFFF, v63  }
0x243: {  	v13 =	vmul.f32 v54, v13;
	[tilespmem:$0x1FFA0] =	vst v36;
	v36 =	vmpcnt.ones.xlane vm10;
	vm10 =	vgt.f32 v20, $5.000000000e-01  }
0x244: {  	v63 =	vmul.f32 v19, v18;
	v19 =	vadd.f32 v1, v49;
	v1 =	vadd.f32 $9.999999400e-01, v2  }
0x245: {  	v20 =	vsel vm10, $0xFFFFFFFF, v62;
	v2 =	vsub.f32 v52, v13;
	v62 =	vpop (erf);
	v13 =	vand.u32 $0x7FFFFFFF, v23  }
0x246: {  	[tilespmem:$0x1FFB0] =	vst v20;
	v49 =	vmul.f32 $5.186003630e-03, v62;
	v20 =	vadd.f32 $3.331601020e-01, v63;
	v1 =	vmul.f32 v1, v44  }
0x247: {  	v52 =	vsub.f32 $0.0e+00, v13;
	v13 =	vadd.f32 v2, v48;
	v2 =	vmax.f32 v59, $0.0e+00  }
0x248: {  	v20 =	vmul.f32 v20, v18;
	v1 =	vadd.f32 v1, v2;
	v2 =	vadd.f32 $-2.921026760e-02, v49  }
0x249: {  	vm13 =	vgt.f32 v39, $5.000000000e-01;
	vm10 =	vgt.f32 v54, $5.000000000e-01;
	v44 =	vmul.f32 $1.442695020e+00, v52  }
0x24a: {  	s23 =	sor.u32 $0x1C40, s19;
	v54 =	vmpcnt.ones.xlane vm11;
	v52 =	vadd.f32 $-4.999925490e-01, v20;
	v2 =	vmul.f32 v2, v62  }
0x24b: {  	s22 =	sor.u32 $0x9C00, s19;
	v48 =	vmpcnt.ones.xlane vm6;
	vm6 =	vgt.f32 v45, $5.000000000e-01;
	(erf) = vpow2.f32 v44;
	v20 =	vld [tilespmem:s23+$0x0]  }
0x24c: {  	v63 =	vld [tilespmem:s22+$0x0];
	v49 =	vimm.s32 $0x0;
	v39 =	vmul.f32 v52, v18;
	v2 =	vadd.f32 $7.754038270e-02, v2  }
0x24d: {  	v45 =	vmpcnt.ones.xlane vm8;
	vm8 =	vgt.f32 v55, $5.000000000e-01;
	v38 =	vsel vm13, $0xFFFFFFFF, v49  }
0x24e: {  	[tilespmem:$0x1FFC0] =	vst v38;
	v38 =	vmpcnt.ones.xlane vm7;
	v52 =	vadd.f32 $9.999999400e-01, v39;
	v2 =	vmul.f32 v2, v62  }
0x24f: {  	vm7 =	vgt.f32 v47, $5.000000000e-01;
	v47 =	vmpcnt.ones.xlane vm9;
	vm9 =	vgt.f32 v61, $5.000000000e-01  }
0x250: {  	v55 =	vand.u32 $0x7FFFFFFF, v20;
	v18 =	vmul.f32 v52, v18;
	v2 =	vadd.f32 $-1.358394180e-01, v2  }
0x251: {  	v61 =	vld [tilespmem:$0x1FFF0];
	v49 =	vmul.f32 v63, v59;
	v59 =	vmax.f32 v56, $0.0e+00;
	v44 =	vsub.f32 $0.0e+00, v55  }
0x252: {  	s24 =	sor.u32 $0x9C10, s19;
	vm13 =	vgt.f32 v53, $5.000000000e-01;
	v18 =	vadd.f32 v18, v59;
	v2 =	vmul.f32 v2, v62;
	v59 =	vld [tilespmem:$0x1FF90]  }
0x253: {  	v53 =	vmpcnt.ones.xlane vm7;
	v1 =	vsub.f32 v1, v49;
	v55 =	vld [tilespmem:s24+$0x0];
	v44 =	vmul.f32 $1.442695020e+00, v44  }
0x254: {  	v49 =	vmpcnt.ones.xlane vm12;
	v39 =	vmpcnt.ones.xlane vm0;
	v57 =	vpop (erf);
	v2 =	vadd.f32 $1.905595510e-01, v2  }
0x255: {  	s25 =	sor.u32 $0x1C50, s19;
	vm1 =	vgt.f32 v60, $5.000000000e-01;
	v60 =	vmul.f32 $5.186003630e-03, v57;
	(erf) = vpow2.f32 v44  }
0x256: {  	s29 =	sor.u32 $0x9C30, s19;
	s26 =	sor.u32 $0x1C58, s19;
	s28 =	sor.u32 $0x9C20, s19;
	vm12 =	vnez.u8 v61;
	v52 =	vmpcnt.ones.xlane vm2;
	v61 =	vmul.f32 v2, v62  }
0x257: {  	s30 =	sor.u32 $0x9C40, s19;
	s31 =	sor.u32 $0x9C50, s19;
	s19 =	sor.u32 $0x9C58, s19;
	v2 =	vadd.f32 v1, v0;
	v0 =	vadd.f32 $-2.921026760e-02, v60;
	v3 =	vadd.s32 v59, v3  }
0x258: {  	vm0 =	vgt.f32 v55, $5.000000000e-01;
	v59 =	vld [tilespmem:s19+$0x0];
	v3 =	vadd.s32 v4, v3;
	v4 =	vmul.f32 v55, v56  }
0x259: {  	v0 =	vmul.f32 v0, v57;
	v55 =	vmpcnt.ones.xlane vm13;
	v1 =	vadd.s32 v5, v3;
	v5 =	vld [tilespmem:s25+$0x0]  }
0x25a: {  	v3 =	vsub.f32 v18, v4;
	v1 =	vadd.s32 v6, v1;
	v4 =	vadd.f32 $-2.482564900e-01, v61  }
0x25b: {  	v0 =	vadd.f32 $7.754038270e-02, v0;
	v1 =	vadd.s32 v7, v1;
	v7 =	vmpcnt.ones.xlane vm14  }
0x25c: {  	vm14 =	vgt.f32 v63, $5.000000000e-01;
	v1 =	vadd.s32 v8, v1;
	v4 =	vmul.f32 v4, v62  }
0x25d: {  	v3 =	vadd.f32 v3, v42;
	v0 =	vmul.f32 v0, v57;
	v42 =	vld [tilespmem:s29+$0x0];
	v61 =	vsel vm12, $0x0, v59  }
0x25e: {  	v1 =	vadd.s32 v9, v1;
	v8 =	vpop (erf);
	v4 =	vadd.f32 $3.331601020e-01, v4;
	v6 =	vand.u32 $0x7FFFFFFF, v5  }
0x25f: {  	v9 =	vld [tilespmem:s26+$0x0];
	v1 =	vadd.s32 v10, v1;
	v10 =	vmul.f32 $5.186003630e-03, v8;
	v0 =	vadd.f32 $-1.358394180e-01, v0  }
0x260: {  	v6 =	vsub.f32 $0.0e+00, v6;
	v1 =	vadd.s32 v11, v1;
	v4 =	vmul.f32 v4, v62  }
0x261: {  	v1 =	vadd.s32 v12, v1;
	v10 =	vadd.f32 $-2.921026760e-02, v10;
	v0 =	vmul.f32 v0, v57  }
0x262: {  	v1 =	vadd.s32 v16, v1;
	v6 =	vmul.f32 $1.442695020e+00, v6;
	v44 =	vmul.f32 v42, v23  }
0x263: {  	vm2 =	vgt.f32 v42, $5.000000000e-01;
	v1 =	vadd.s32 v17, v1;
	v4 =	vadd.f32 $-4.999925490e-01, v4  }
0x264: {  	v10 =	vmul.f32 v10, v8;
	(erf) = vpow2.f32 v6;
	v6 =	vsel vm12, $0xF149F2CA, v9  }
0x265: {  	v0 =	vadd.f32 $1.905595510e-01, v0;
	v1 =	vadd.s32 v41, v1;
	v9 =	vand.u32 $0x7FFFFFFF, v6  }
0x266: {  	v11 =	vld [tilespmem:s28+$0x0];
	v1 =	vadd.s32 v46, v1;
	v10 =	vadd.f32 $7.754038270e-02, v10;
	v9 =	vsub.f32 $0.0e+00, v9  }
0x267: {  	v60 =	vmpcnt.ones.xlane vm2;
	v4 =	vmul.f32 v4, v62;
	v1 =	vadd.s32 v50, v1  }
0x268: {  	v1 =	vadd.s32 v21, v1;
	v10 =	vmul.f32 v10, v8;
	v9 =	vmul.f32 $1.442695020e+00, v9  }
0x269: {  	v0 =	vmul.f32 v0, v57;
	v4 =	vadd.f32 $9.999999400e-01, v4;
	v1 =	vadd.s32 v43, v1  }
0x26a: {  	v1 =	vadd.s32 v25, v1;
	(erf) = vpow2.f32 v9;
	v9 =	vadd.f32 $-1.358394180e-01, v10  }
0x26b: {  	v12 =	vmul.f32 v11, v30;
	v4 =	vmul.f32 v4, v62;
	v1 =	vadd.s32 v26, v1  }
0x26c: {  	v10 =	vmax.f32 v30, $0.0e+00;
	v1 =	vadd.s32 v28, v1;
	v9 =	vmul.f32 v9, v8  }
0x26d: {  	v46 =	vmpcnt.ones.xlane vm5;
	v4 =	vadd.f32 v4, v10;
	v1 =	vadd.s32 v29, v1  }
0x26e: {  	v63 =	vmul.f32 v61, v6;
	v1 =	vadd.s32 v31, v1;
	v9 =	vadd.f32 $1.905595510e-01, v9  }
0x26f: {  	v0 =	vadd.f32 $-2.482564900e-01, v0;
	v4 =	vsub.f32 v4, v12;
	v12 =	vpop (erf);
	v1 =	vadd.s32 v33, v1  }
0x270: {  	v33 =	vmul.f32 $5.186003630e-03, v12;
	v1 =	vadd.s32 v32, v1;
	v9 =	vmul.f32 v9, v8  }
0x271: {  	v43 =	vmax.f32 v23, $0.0e+00;
	v0 =	vmul.f32 v0, v57;
	v1 =	vadd.s32 v34, v1  }
0x272: {  	v16 =	vadd.f32 $-2.921026760e-02, v33;
	v1 =	vadd.s32 v24, v1;
	v9 =	vadd.f32 $-2.482564900e-01, v9  }
0x273: {  	v34 =	vmpcnt.ones.xlane vm15;
	vm15 =	vgt.f32 v11, $5.000000000e-01;
	v1 =	vadd.s32 v35, v1  }
0x274: {  	v11 =	vmul.f32 v16, v12;
	v35 =	vpop (erf);
	v1 =	vadd.s32 v27, v1;
	v9 =	vmul.f32 v9, v8  }
0x275: {  	v62 =	vmax.f32 v6, $0.0e+00;
	v41 =	vmul.f32 $5.186003630e-03, v35;
	v1 =	vadd.s32 v51, v1  }
0x276: {  	v11 =	vadd.f32 $7.754038270e-02, v11;
	v1 =	vadd.s32 v36, v1;
	v9 =	vadd.f32 $3.331601020e-01, v9  }
0x277: {  	v0 =	vadd.f32 $3.331601020e-01, v0;
	v18 =	vadd.f32 $-2.921026760e-02, v41;
	v1 =	vadd.s32 v37, v1  }
0x278: {  	v11 =	vmul.f32 v11, v12;
	v1 =	vadd.s32 v38, v1;
	v9 =	vmul.f32 v9, v8  }
0x279: {  	v0 =	vmul.f32 v0, v57;
	v18 =	vmul.f32 v18, v35;
	v1 =	vadd.s32 v48, v1  }
0x27a: {  	v11 =	vadd.f32 $-1.358394180e-01, v11;
	v1 =	vadd.s32 v45, v1;
	v9 =	vadd.f32 $-4.999925490e-01, v9  }
0x27b: {  	v0 =	vadd.f32 $-4.999925490e-01, v0;
	v18 =	vadd.f32 $7.754038270e-02, v18;
	v1 =	vadd.s32 v40, v1  }
0x27c: {  	v50 =	vld [tilespmem:$0x1FFB0];
	v11 =	vmul.f32 v11, v12;
	v1 =	vadd.s32 v39, v1;
	v9 =	vmul.f32 v9, v8  }
0x27d: {  	v0 =	vmul.f32 v0, v57;
	v18 =	vmul.f32 v18, v35;
	v1 =	vadd.s32 v47, v1  }
0x27e: {  	v11 =	vadd.f32 $1.905595510e-01, v11;
	v1 =	vadd.s32 v52, v1;
	v9 =	vadd.f32 $9.999999400e-01, v9  }
0x27f: {  	v0 =	vadd.f32 $9.999999400e-01, v0;
	v18 =	vadd.f32 $-1.358394180e-01, v18;
	v1 =	vadd.s32 v49, v1  }
0x280: {  	v1 =	vadd.s32 v7, v1;
	v7 =	vld [tilespmem:$0x1FFA0];
	v8 =	vmul.f32 v9, v8;
	v9 =	vmul.f32 v11, v12  }
0x281: {  	v10 =	vmpcnt.ones.xlane vm3;
	vm5 =	vnez.u8 v50;
	v18 =	vmul.f32 v18, v35  }
0x282: {  	v51 =	vld [tilespmem:$0x1FFC0];
	v0 =	vmul.f32 v0, v57;
	v11 =	vmax.f32 v20, $0.0e+00;
	v9 =	vadd.f32 $-2.482564900e-01, v9  }
0x283: {  	v17 =	vmpcnt.ones.xlane vm5;
	v8 =	vadd.f32 v8, v11;
	v11 =	vadd.f32 $1.905595510e-01, v18  }
0x284: {  	v57 =	vmpcnt.ones.xlane vm9;
	v0 =	vadd.f32 v0, v43;
	v9 =	vmul.f32 v9, v12  }
0x285: {  	v1 =	vadd.s32 v10, v1;
	vm3 =	vnez.u8 v7;
	v11 =	vmul.f32 v11, v35  }
0x286: {  	v48 =	vld [tilespmem:s30+$0x0];
	v1 =	vadd.s32 v34, v1;
	v7 =	vmpcnt.ones.xlane vm3;
	v9 =	vadd.f32 $3.331601020e-01, v9  }
0x287: {  	vm5 =	vnez.u8 v51;
	v1 =	vadd.s32 v46, v1;
	v11 =	vadd.f32 $-2.482564900e-01, v11  }
0x288: {  	v18 =	vmpcnt.ones.xlane vm5;
	v1 =	vadd.s32 v7, v1;
	v9 =	vmul.f32 v9, v12  }
0x289: {  	v7 =	vmpcnt.ones.xlane vm4;
	v1 =	vadd.s32 v17, v1;
	v11 =	vmul.f32 v11, v35  }
0x28a: {  	v52 =	vmpcnt.ones.xlane vm6;
	v1 =	vadd.s32 v18, v1;
	v9 =	vadd.f32 $-4.999925490e-01, v9  }
0x28b: {  	v10 =	vmul.f32 v48, v20;
	v1 =	vadd.s32 v7, v1;
	v11 =	vadd.f32 $3.331601020e-01, v11  }
0x28c: {  	v7 =	vmpcnt.ones.xlane vm8;
	v1 =	vadd.s32 v52, v1;
	v9 =	vmul.f32 v9, v12  }
0x28d: {  	v8 =	vsub.f32 v8, v10;
	v1 =	vadd.s32 v53, v1;
	v11 =	vmul.f32 v11, v35  }
0x28e: {  	vm3 =	vgt.f32 v48, $5.000000000e-01;
	v1 =	vadd.s32 v7, v1;
	v9 =	vadd.f32 $9.999999400e-01, v9  }
0x28f: {  	v56 =	vld [tilespmem:s31+$0x0];
	v7 =	vmpcnt.ones.xlane vm1;
	v1 =	vadd.s32 v54, v1;
	v11 =	vadd.f32 $-4.999925490e-01, v11  }
0x290: {  	v1 =	vadd.s32 v55, v1;
	v9 =	vmul.f32 v9, v12;
	v12 =	vmpcnt.ones.xlane vm10  }
0x291: {  	v1 =	vadd.s32 v7, v1;
	v7 =	vmax.f32 v5, $0.0e+00;
	v11 =	vmul.f32 v11, v35  }
0x292: {  	v1 =	vadd.s32 v57, v1;
	v7 =	vadd.f32 v9, v7;
	v9 =	vmpcnt.ones.xlane vm14  }
0x293: {  	v1 =	vadd.s32 v12, v1;
	v12 =	vmpcnt.ones.xlane vm0;
	v11 =	vadd.f32 $9.999999400e-01, v11  }
0x294: {  	v5 =	vmul.f32 v56, v5;
	v1 =	vadd.s32 v9, v1;
	v9 =	vmpcnt.ones.xlane vm15  }
0x295: {  	vm14 =	vgt.f32 v56, $5.000000000e-01;
	v11 =	vmul.f32 v11, v35;
	v1 =	vadd.s32 v12, v1  }
0x296: {  	v5 =	vsub.f32 v7, v5;
	v12 =	vmpcnt.ones.xlane vm3;
	v1 =	vadd.s32 v9, v1  }
0x297: {  	v10 =	vld [tilespmem:$0x1FFD0];
	vm15 =	vgt.f32 v61, $5.000000000e-01;
	v9 =	vmpcnt.ones.xlane vm14;
	v1 =	vadd.s32 v60, v1  }
0x298: {  	p0 =	seq.s32 s18, $0x3C00;
	v7 =	vadd.f32 v5, v58;
	v5 =	vld [tilespmem:$0x1FFE0];
	v1 =	vadd.s32 v12, v1;
	v12 =	vmpcnt.ones.xlane vm15  }
.Ltmp0:
0x299: {  	v0 =	vsub.f32 v0, v44;
	v11 =	vadd.f32 v11, v62;
	v1 =	vadd.s32 v9, v1;
	(pc) =	sbr.rel @!p0 .LBB2_4-.Ltmp0, $4  }
0x29a: {  	v1 =	vadd.s32 v12, v1  }
0x29b: {  	v6 =	vadd.f32 v0, v14;
	v0 =	vsub.f32 v11, v63;
	v1 =	vcvt.s32.f32 v1  }
0x29c: {  	v4 =	vadd.f32 v4, v22;
	v9 =	vadd.f32 v8, v15  }
0x29d: {  	s17 =	sadd.s32 $0x80, s17;
	s18 =	sadd.s32 $0x400, s18;
	v8 =	vadd.f32 v0, v19;
	v10 =	vadd.f32 v1, v10;
	v5 =	vmin.f32 v5, v1  }
0x29e: {  	p0 =	seq.s32 s16, $0x9  }
.Ltmp1:
0x29f: {  	_ = 	snop;
	(pc) =	sbr.rel @!p0 .LBB2_3-.Ltmp1, $1  }
0x2a0: {  	_ =	sdelay $0x3  }
0x2a1: {  	v0 =	vadd.f32 v3, v2;
	v1 =	vadd.f32 v6, v4  }
0x2a2: {  	v61 =	vadd.f32 v7, v9;
	v62 =	vadd.f32 v13, v8;
	_ =	sdelay $0x1  }
0x2a3: {  	v0 =	vadd.f32 v1, v0;
	v63 =	vadd.f32 v62, v61;
	_ =	sdelay $0x1  }
0x2a4: {  	v0 =	vadd.f32 v63, v0;
	_ =	sdelay $0x1  }
0x2a5: {  	[tilespmem:$0x10000] =	vst v0  }
0x2a6: {  	[hbm4b:s8+s3] =	stream.linear.scatter [tilespmem:s13], [sflag:$0x5], $0x80, $0x38;
	[tilespmem:$0x10080] =	vst v63  }
0x2a7: {  	_ =	swait.ge [sflag:s14], $0x80  }
0x2a8: {  	[sflag:s14] =	ssyncset.done $0x0  }
0x2a9: {  	[sflag:s14] =	ssyncadd.s32 $0xFFFFFF80  }
0x2aa: {  	[tilespmem:$0x10000] =	vst v10  }
0x2ab: {  	[hbm4b:s9+s3] =	stream.linear.scatter [tilespmem:s13], [sflag:$0x5], $0x80, $0x38;
	[tilespmem:$0x10080] =	vst v63  }
0x2ac: {  	_ =	swait.ge [sflag:s14], $0x80  }
0x2ad: {  	s15 =	sadd.s32 $0x1, s15;
	[sflag:s14] =	ssyncset.done $0x0  }
0x2ae: {  	p0 =	sne.s32 s15, s11;
	[sflag:s14] =	ssyncadd.s32 $0xFFFFFF80  }
.Ltmp2:
0x2af: {  	[tilespmem:$0x10000] =	vst v5;
	(pc) =	sbr.rel @p0 .LBB2_1-.Ltmp2, $4  }
0x2b0: {  	[hbm4b:s10+s3] =	stream.linear.scatter [tilespmem:s13], [sflag:$0x5], $0x80, $0x38;
	[tilespmem:$0x10080] =	vst v63  }
0x2b1: {  	_ =	swait.ge [sflag:s14], $0x80  }
0x2b2: {  	[sflag:s14] =	ssyncset.done $0x0  }
0x2b3: {  	[sflag:s14] =	ssyncadd.s32 $0xFFFFFF80  }
0x2b4: {  	_ =	sfence.sel $0x180000  }
0x2b5: {  	[bflag:$0x0] =	sbarrier.arrive $0xFFFF  }
0x2b6: {  	p0 =	sne.s32 s0, $0x0;
	_ =	strace $0x90000047  }
0x2b7: {  	s0 =	sadd.s32 @!p0 $0x100000, s1;
	[bflag:$0x2] =	sbarrier.arrive $0xFFFF  }
0x2b8: {  	[sflag:s0] =	ssyncadd.tile.s32 @!p0 $0x1;
	_ =	shalt  }
.Lfunc_end2:
_tile_overlayer_lowered:
.L_overlay_start_2:
0x2b9: {  	(tag) =	ssettag $0x2  }
0x2ba: {  	s0 =	rddreg [dreg:$0x0];
	s2 =	stileid.u32  }
0x2bb: {  	s1 =	rddreg [dreg:$0x1];
	p0 =	sne.s32 s2, $0x0  }
0x2bc: {  	s3 =	rddreg [dreg:$0x2];
	[bflag:$0x3] =	sbarrier.arrive $0xFFFF;
	s2 =	simm.s32 @!p0 $0x1C05  }
0x2bd: {  	[timem:s3], [sflag:s2] =	dma.local @!p0 [hbm:s0], s1  }
0x2be: {  	s0 =	simm.s32 @!p0 $0x5  }
0x2bf: {  	_ =	swait.ge @!p0 [sflag:s0], s1  }
0x2c0: {  	s1 =	ssub.s32 @!p0 $0x0, s1;
	[sflag:s0] =	ssyncset.done @!p0 $0x0  }
0x2c1: {  	[sflag:s0] =	ssyncadd.s32 @!p0 s1  }
0x2c2: {  	[bflag:$0x3] =	sbarrier.arrive $0xFFFF  }
0x2c3: {  	_ =	shalt  }

</sc_bundles>
